<compile_context>
chip_gen: v7x
topology: tpu7x:2x2x1
jax: 0.10.2.dev20260603
libtpu: 0.0.44.dev20260713+nightly
codegen_flags: <defaults>
</compile_context>

<pallas_src>
import dataclasses
import functools

import jax
import jax.numpy as jnp
from jax import lax
from jax.experimental import pallas as pl
from jax.experimental.pallas import tpu as pltpu
from jax.experimental.pallas import tpu_sc as plsc

N = 10000
E = 320000
D = 128
R = 8

NC = 2
NS = 16
NW = NC * NS
LANES = 16

WROWS = 80
ROWS = NW * WROWS
EP = ROWS * 128
GB = 16
NGROUPS = WROWS // GB

SEGP = 81920
CROWS = SEGP // 128
CNT_PART = CROWS // NS
NP = 10112
ACC_PART = NP // NS
OH = 32

_mesh = plsc.VectorSubcoreMesh(core_axis_name="c", subcore_axis_name="s",
                               num_cores=NC, num_subcores=NS)

_sc_params = pltpu.CompilerParams()
if "needs_layout_passes" in pltpu.CompilerParams.__dataclass_fields__:
    _sc_params = dataclasses.replace(_sc_params, needs_layout_passes=False)


def _y_body(x_ref, w_ref, y_ref):
    y_ref[...] = jnp.dot(x_ref[...], w_ref[0],
                         preferred_element_type=jnp.float32)


def _build_y(x, weight):
    bn = 1000
    return pl.pallas_call(
        _y_body,
        grid=(R, N // bn),
        in_specs=[
            pl.BlockSpec((bn, D), lambda r, i: (i, 0)),
            pl.BlockSpec((1, D, D), lambda r, i: (r, 0, 0)),
        ],
        out_specs=pl.BlockSpec((bn, D), lambda r, i: (r * (N // bn) + i, 0)),
        out_shape=jax.ShapeDtypeStruct((R * N, D), jnp.float32),
    )(x, weight)


def _count_body(dst_hbm, et_hbm, cnt_hbm, cnt_sh, dstv, etv, rowv, grpv,
                lanev, onehot):
    cidx = lax.axis_index("c")
    sid = lax.axis_index("s")
    wid = sid * NC + cidx
    it = lax.iota(jnp.int32, LANES)

    @pl.loop(0, OH)
    def _z(i):
        rk = onehot.at[i]
        for l in range(8):
            rk[pl.ds(l * LANES, LANES)] = jnp.zeros((LANES,), jnp.float32)

    zbase = sid * CNT_PART
    pltpu.sync_copy(onehot, cnt_sh.at[pl.ds(zbase, OH)])
    pltpu.sync_copy(onehot.at[pl.ds(0, CNT_PART - OH)],
                    cnt_sh.at[pl.ds(zbase + OH, CNT_PART - OH)])

    plsc.subcore_barrier()

    @pl.loop(0, NGROUPS)
    def _grp(g):
        rb = wid * WROWS + g * GB
        pltpu.sync_copy(dst_hbm.at[pl.ds(rb, GB)], dstv)
        pltpu.sync_copy(et_hbm.at[pl.ds(rb, GB)], etv)

        @pl.loop(0, GB)
        def _idx(j):
            rd, re = dstv.at[j], etv.at[j]
            rg, rl = grpv.at[j], lanev.at[j]
            for l in range(8):
                sl = pl.ds(l * LANES, LANES)
                seg16 = rd[sl] * R + re[sl]
                rowv.at[j * 4 + l // 2][pl.ds((l % 2) * LANES, LANES)] = (
                    jax.lax.shift_right_logical(seg16, 7))
                rg[sl] = jax.lax.bitwise_and(
                    jax.lax.shift_right_logical(seg16, 4), 7)
                rl[sl] = jax.lax.bitwise_and(seg16, 15)

        @pl.loop(0, GB * 4)
        def _sub(q):
            j = lax.div(q, 4)
            base = lax.rem(q, 4) * OH
            rg, rl = grpv.at[j], lanev.at[j]
            gvec = [rg[pl.ds(base, LANES)], rg[pl.ds(base + LANES, LANES)]]
            lvec = [rl[pl.ds(base, LANES)], rl[pl.ds(base + LANES, LANES)]]
            gs = []
            for i in range(OH):
                gi = gvec[i // LANES][i % LANES]
                li = lvec[i // LANES][i % LANES]
                gs.append(gi)
                onehot.at[i][pl.ds(gi * LANES, LANES)] = jnp.where(
                    it == li, 1.0, 0.0).astype(jnp.float32)
            pltpu.sync_copy(onehot, cnt_sh.at[rowv.at[q]], add=True)
            for i in range(OH):
                onehot.at[i][pl.ds(gs[i] * LANES, LANES)] = jnp.zeros(
                    (LANES,), jnp.float32)

    plsc.subcore_barrier()
    pltpu.sync_copy(cnt_sh.at[pl.ds(sid * CNT_PART, CNT_PART)],
                    cnt_hbm.at[cidx, pl.ds(sid * CNT_PART, CNT_PART)])


def _count_edges(dst2d, et2d):
    k = pl.kernel(
        _count_body,
        out_type=jax.ShapeDtypeStruct((NC, CROWS, 128), jnp.float32),
        mesh=_mesh,
        scratch_types=[
            pltpu.VMEM_SHARED((CROWS, 128), jnp.float32),
            pltpu.VMEM((GB, 128), jnp.int32),
            pltpu.VMEM((GB, 128), jnp.int32),
            pltpu.VMEM((GB * 4, OH), jnp.int32),
            pltpu.VMEM((GB, 128), jnp.int32),
            pltpu.VMEM((GB, 128), jnp.int32),
            pltpu.VMEM((OH, 128), jnp.float32),
        ],
        compiler_params=_sc_params,
    )
    return k(dst2d, et2d)


def _scale_body(cnt_ref, scale_ref):
    c = cnt_ref[0] + cnt_ref[1]
    scale_ref[...] = 1.0 / jnp.clip(c, 1.0, None)


def _build_scale(cnt):
    b = 8
    return pl.pallas_call(
        _scale_body,
        grid=(CROWS // b,),
        in_specs=[pl.BlockSpec((NC, b, 128), lambda i: (0, i, 0))],
        out_specs=pl.BlockSpec((b, 128), lambda i: (i, 0)),
        out_shape=jax.ShapeDtypeStruct((CROWS, 128), jnp.float32),
    )(cnt)


def _bcast_lane(v, i):
    idx = jnp.full((LANES,), i, jnp.int32)
    return lax.gather(
        v, idx[:, None],
        lax.GatherDimensionNumbers(offset_dims=(), collapsed_slice_dims=(0,),
                                   start_index_map=(0,)),
        slice_sizes=(1,), mode=lax.GatherScatterMode.PROMISE_IN_BOUNDS)


def _agg_body(src_hbm, et_hbm, dst_hbm, y_hbm, scale_hbm, out_hbm,
              acc_sh, scale_sh, rows, srows, srcv, etv, dstv, gidxv,
              srowv, colv):
    cidx = lax.axis_index("c")
    sid = lax.axis_index("s")
    wid = sid * NC + cidx
    it = lax.iota(jnp.int32, LANES)

    @pl.loop(0, 128)
    def _z(i):
        rk = rows.at[i]
        for l in range(8):
            rk[pl.ds(l * LANES, LANES)] = jnp.zeros((LANES,), jnp.float32)

    abase = sid * ACC_PART

    @pl.loop(0, ACC_PART // 128)
    def _za(i):
        pltpu.sync_copy(rows, acc_sh.at[pl.ds(abase + i * 128, 128)])

    pltpu.sync_copy(rows.at[pl.ds(0, ACC_PART % 128)],
                    acc_sh.at[pl.ds(abase + (ACC_PART // 128) * 128,
                                    ACC_PART % 128)])

    pltpu.sync_copy(scale_hbm.at[pl.ds(sid * CNT_PART, CNT_PART)],
                    scale_sh.at[pl.ds(sid * CNT_PART, CNT_PART)])

    plsc.subcore_barrier()

    @pl.loop(0, NGROUPS)
    def _grp(g):
        rb = wid * WROWS + g * GB
        pltpu.sync_copy(src_hbm.at[pl.ds(rb, GB)], srcv)
        pltpu.sync_copy(et_hbm.at[pl.ds(rb, GB)], etv)
        pltpu.sync_copy(dst_hbm.at[pl.ds(rb, GB)], dstv)

        @pl.loop(0, GB)
        def _idx(j):
            rsrc, ret, rdst = srcv.at[j], etv.at[j], dstv.at[j]
            rgi, rsr, rco = gidxv.at[j], srowv.at[j], colv.at[j]
            for l in range(8):
                sl = pl.ds(l * LANES, LANES)
                et16 = ret[sl]
                rgi[sl] = et16 * N + rsrc[sl]
                seg16 = rdst[sl] * R + et16
                rsr[sl] = jax.lax.shift_right_logical(seg16, 7)
                rco[sl] = jax.lax.bitwise_and(seg16, 127)

        @pl.loop(0, GB)
        def _pay(j):
            pltpu.sync_copy(y_hbm.at[gidxv.at[j]], rows)
            pltpu.sync_copy(scale_sh.at[srowv.at[j]], srows)
            rco = colv.at[j]

            @pl.loop(0, 8)
            def _sub(s):
                cv = rco[pl.ds(s * LANES, LANES)]
                sv = plsc.load_gather(srows, [s * LANES + it, cv])

                @pl.loop(0, LANES)
                def _edge(i):
                    b = _bcast_lane(sv, i)
                    rk = rows.at[s * LANES + i]
                    for l in range(8):
                        sl = pl.ds(l * LANES, LANES)
                        rk[sl] = rk[sl] * b

            pltpu.sync_copy(rows, acc_sh.at[dstv.at[j]], add=True)

    plsc.subcore_barrier()
    pltpu.sync_copy(acc_sh.at[pl.ds(sid * ACC_PART, ACC_PART)],
                    out_hbm.at[cidx, pl.ds(sid * ACC_PART, ACC_PART)])


def _aggregate(src2d, et2d, dst2d, y, scale):
    k = pl.kernel(
        _agg_body,
        out_type=jax.ShapeDtypeStruct((NC, NP, D), jnp.float32),
        mesh=_mesh,
        scratch_types=[
            pltpu.VMEM_SHARED((NP, D), jnp.float32),
            pltpu.VMEM_SHARED((CROWS, 128), jnp.float32),
            pltpu.VMEM((128, D), jnp.float32),
            pltpu.VMEM((128, 128), jnp.float32),
            pltpu.VMEM((GB, 128), jnp.int32),
            pltpu.VMEM((GB, 128), jnp.int32),
            pltpu.VMEM((GB, 128), jnp.int32),
            pltpu.VMEM((GB, 128), jnp.int32),
            pltpu.VMEM((GB, 128), jnp.int32),
            pltpu.VMEM((GB, 128), jnp.int32),
        ],
        compiler_params=_sc_params,
    )
    return k(src2d, et2d, dst2d, y, scale)


def _final_body(acc_ref, x_ref, root_ref, bias_ref, out_ref):
    out_ref[...] = (acc_ref[0] + acc_ref[1]
                    + jnp.dot(x_ref[...], root_ref[...],
                              preferred_element_type=jnp.float32)
                    + bias_ref[...])


def _finalize(acc, x, root, bias):
    b = 1000
    return pl.pallas_call(
        _final_body,
        grid=(N // b,),
        in_specs=[
            pl.BlockSpec((NC, b, D), lambda i: (0, i, 0)),
            pl.BlockSpec((b, D), lambda i: (i, 0)),
            pl.BlockSpec((D, D), lambda i: (0, 0)),
            pl.BlockSpec((1, D), lambda i: (0, 0)),
        ],
        out_specs=pl.BlockSpec((b, D), lambda i: (i, 0)),
        out_shape=jax.ShapeDtypeStruct((N, D), jnp.float32),
    )(acc[:, :N], x, root, bias.reshape(1, D))


def kernel(x, edge_index, edge_type, weight, root, bias):
    src = edge_index[0].astype(jnp.int32)
    dst = edge_index[1].astype(jnp.int32)
    et = edge_type.astype(jnp.int32)

    npad = EP - E
    src2d = jnp.concatenate(
        [src, jnp.zeros((npad,), jnp.int32)]).reshape(ROWS, 128)
    dst2d = jnp.concatenate(
        [dst, jnp.full((npad,), N, jnp.int32)]).reshape(ROWS, 128)
    et2d = jnp.concatenate(
        [et, jnp.zeros((npad,), jnp.int32)]).reshape(ROWS, 128)

    y = _build_y(x, weight)
    cnt = _count_edges(dst2d, et2d)
    scale = _build_scale(cnt)
    acc = _aggregate(src2d, et2d, dst2d, y, scale)
    return _finalize(acc, x, root, bias)

# --- scband reference (transcript-rebuilt; emitter-appended) ---
"""Pipeline reference for scband-decoder-41601053229078 (READ-ONLY COPY).

The authoritative reference and input builder live on the scoring server;
editing this copy changes nothing except your own understanding.
"""

import jax, jax.numpy as jnp
import numpy as np

N = 10000
E = 320000
D_IN = 128
D_OUT = 128
R = 8

def _glorot(key, shape):
    fan_in, fan_out = shape[-2], shape[-1]
    s = float(np.sqrt(6.0 / (fan_in + fan_out)))
    return jax.random.uniform(key, shape, jnp.float32, minval=-s, maxval=s)

def setup_inputs(seed: int = 0) -> dict:
    key = jax.random.key(seed)
    k1, k2, k3, k4, k5 = jax.random.split(key, 5)
    x = jax.random.normal(k1, (N, D_IN), jnp.float32)
    edge_index = jax.random.randint(k2, (2, E), 0, N, dtype=jnp.int64)
    edge_type = jax.random.randint(k3, (E,), 0, R, dtype=jnp.int64)
    weight = _glorot(k4, (R, D_IN, D_OUT))   # per-relation weight Theta_r
    root = _glorot(k5, (D_IN, D_OUT))        # Theta_root
    bias = jnp.zeros((D_OUT,), jnp.float32)
    return {"x": x, "edge_index": edge_index, "edge_type": edge_type,
            "weight": weight, "root": root, "bias": bias}

def reference(x, edge_index, edge_type, weight, root, bias):
    # RGCNConv forward (no bases/blocks): per-relation mean aggregation of
    # source features over incoming edges, transformed by Theta_r, plus
    # root transform and bias.
    src = edge_index[0]
    dst = edge_index[1]
    # combined segment id encodes (dst node, relation) pairs -> static shapes
    seg = dst * R + edge_type
    msgs = jnp.take(x, src, axis=0)                       # gather [E, D_IN]
    sums = jax.ops.segment_sum(msgs, seg, num_segments=N * R)
    cnt = jax.ops.segment_sum(jnp.ones((E,), x.dtype), seg, num_segments=N * R)
    mean = sums / jnp.clip(cnt, 1.0, None)[:, None]       # per-(node,rel) mean
    agg = mean.reshape(N, R, D_IN)
    out = jnp.einsum('nrd,rde->ne', agg, weight)          # sum_r Theta_r * mean_r
    out = out + x @ root + bias
    return out

if __name__ == "__main__":
    import jax
    _d = setup_inputs()
    print(jax.jit(kernel)(*tuple(_d.values())))

</pallas_src>

<mosaic_0001>
#map = affine_map<(d0, d1) -> (0, 0)>
#map1 = affine_map<(d0, d1) -> (0, 0, 0)>
module attributes {stable_mosaic.version = 14 : i64} {
  func.func @_agg_body(%arg0: i32, %arg1: i32, %arg2: memref<2560x128xi32, #tpu.memory_space<hbm>>, %arg3: memref<2560x128xi32, #tpu.memory_space<hbm>>, %arg4: memref<2560x128xi32, #tpu.memory_space<hbm>>, %arg5: memref<80000x128xf32, #tpu.memory_space<hbm>>, %arg6: memref<640x128xf32, #tpu.memory_space<hbm>>, %arg7: memref<2x10112x128xf32, #tpu.memory_space<hbm>>, %arg8: memref<10112x128xf32, #tpu.memory_space<vmem_shared>>, %arg9: memref<640x128xf32, #tpu.memory_space<vmem_shared>>, %arg10: memref<128x128xf32, #tpu.memory_space<vmem>>, %arg11: memref<128x128xf32, #tpu.memory_space<vmem>>, %arg12: memref<16x128xi32, #tpu.memory_space<vmem>>, %arg13: memref<16x128xi32, #tpu.memory_space<vmem>>, %arg14: memref<16x128xi32, #tpu.memory_space<vmem>>, %arg15: memref<16x128xi32, #tpu.memory_space<vmem>>, %arg16: memref<16x128xi32, #tpu.memory_space<vmem>>, %arg17: memref<16x128xi32, #tpu.memory_space<vmem>>) attributes {dimension_semantics = [#tpu.dimension_semantics<core_parallel>, #tpu.dimension_semantics<subcore_parallel>], iteration_bounds = array<i64: 2, 16>, scalar_prefetch = 0 : i64, scratch_operands = 10 : i64, tpu.core_type = #tpu.core_type<sc_vector_subcore>, window_params = [{transform_indices = #map}, {transform_indices = #map}, {transform_indices = #map}, {transform_indices = #map}, {transform_indices = #map}, {transform_indices = #map1}]} {
    %mul3A = arith.constant 2 : i32
    %mul3A_0 = arith.muli %arg1, %mul3A : i32
    %add3A = arith.addi %mul3A_0, %arg0 : i32
    %iota3A = tpu.iota {dimensions = array<i32: 0>} : vector<16xi32>
    %scan3A = arith.constant 0 : i32
    %scan3A_1 = arith.constant 128 : i32
    %scan3A_2 = arith.addi %scan3A, %scan3A_1 : i32
    %scan3A_3 = arith.constant 1 : i32
    scf.for %scan3A_28 = %scan3A to %scan3A_2 step %scan3A_3  : i32 {
      %mul3A_29 = arith.constant 1 : i32
      %mul3A_30 = arith.muli %scan3A_28, %mul3A_29 : i32
      %add3A_31 = arith.constant 0 : i32
      %add3A_32 = arith.addi %add3A_31, %mul3A_30 : i32
      %broadcast_in_dim3A = arith.constant 0.000000e+00 : f32
      %broadcast_in_dim3A_33 = vector.broadcast %broadcast_in_dim3A : f32 to vector<16xf32>
      %swap3A = arith.constant 0 : i32
      %swap3A_34 = tpu.memref_slice %arg10[%add3A_32, %swap3A] : memref<128x128xf32, #tpu.memory_space<vmem>> -> memref<1x128xf32, #tpu.memory_space<vmem>>
      %swap3A_35 = tpu.memref_squeeze %swap3A_34 : memref<1x128xf32, #tpu.memory_space<vmem>> -> memref<128xf32, #tpu.memory_space<vmem>>
      %swap3A_36 = arith.constant 0 : index
      %swap3A_37 = tpu.vector_load %swap3A_35[%swap3A_36] {strides = array<i32>} : memref<128xf32, #tpu.memory_space<vmem>>, vector<16xf32>,
      tpu.vector_store %swap3A_35[%swap3A_36], %broadcast_in_dim3A_33 {strides = array<i32>} : memref<128xf32, #tpu.memory_space<vmem>>, vector<16xf32>,
      %broadcast_in_dim3A_38 = arith.constant 0.000000e+00 : f32
      %broadcast_in_dim3A_39 = vector.broadcast %broadcast_in_dim3A_38 : f32 to vector<16xf32>
      %swap3A_40 = arith.constant 0 : i32
      %swap3A_41 = tpu.memref_slice %arg10[%add3A_32, %swap3A_40] : memref<128x128xf32, #tpu.memory_space<vmem>> -> memref<1x128xf32, #tpu.memory_space<vmem>>
      %swap3A_42 = tpu.memref_squeeze %swap3A_41 : memref<1x128xf32, #tpu.memory_space<vmem>> -> memref<128xf32, #tpu.memory_space<vmem>>
      %swap3A_43 = arith.constant 16 : index
      %swap3A_44 = tpu.vector_load %swap3A_42[%swap3A_43] {strides = array<i32>} : memref<128xf32, #tpu.memory_space<vmem>>, vector<16xf32>,
      tpu.vector_store %swap3A_42[%swap3A_43], %broadcast_in_dim3A_39 {strides = array<i32>} : memref<128xf32, #tpu.memory_space<vmem>>, vector<16xf32>,
      %broadcast_in_dim3A_45 = arith.constant 0.000000e+00 : f32
      %broadcast_in_dim3A_46 = vector.broadcast %broadcast_in_dim3A_45 : f32 to vector<16xf32>
      %swap3A_47 = arith.constant 0 : i32
      %swap3A_48 = tpu.memref_slice %arg10[%add3A_32, %swap3A_47] : memref<128x128xf32, #tpu.memory_space<vmem>> -> memref<1x128xf32, #tpu.memory_space<vmem>>
      %swap3A_49 = tpu.memref_squeeze %swap3A_48 : memref<1x128xf32, #tpu.memory_space<vmem>> -> memref<128xf32, #tpu.memory_space<vmem>>
      %swap3A_50 = arith.constant 32 : index
      %swap3A_51 = tpu.vector_load %swap3A_49[%swap3A_50] {strides = array<i32>} : memref<128xf32, #tpu.memory_space<vmem>>, vector<16xf32>,
      tpu.vector_store %swap3A_49[%swap3A_50], %broadcast_in_dim3A_46 {strides = array<i32>} : memref<128xf32, #tpu.memory_space<vmem>>, vector<16xf32>,
      %broadcast_in_dim3A_52 = arith.constant 0.000000e+00 : f32
      %broadcast_in_dim3A_53 = vector.broadcast %broadcast_in_dim3A_52 : f32 to vector<16xf32>
      %swap3A_54 = arith.constant 0 : i32
      %swap3A_55 = tpu.memref_slice %arg10[%add3A_32, %swap3A_54] : memref<128x128xf32, #tpu.memory_space<vmem>> -> memref<1x128xf32, #tpu.memory_space<vmem>>
      %swap3A_56 = tpu.memref_squeeze %swap3A_55 : memref<1x128xf32, #tpu.memory_space<vmem>> -> memref<128xf32, #tpu.memory_space<vmem>>
      %swap3A_57 = arith.constant 48 : index
      %swap3A_58 = tpu.vector_load %swap3A_56[%swap3A_57] {strides = array<i32>} : memref<128xf32, #tpu.memory_space<vmem>>, vector<16xf32>,
      tpu.vector_store %swap3A_56[%swap3A_57], %broadcast_in_dim3A_53 {strides = array<i32>} : memref<128xf32, #tpu.memory_space<vmem>>, vector<16xf32>,
      %broadcast_in_dim3A_59 = arith.constant 0.000000e+00 : f32
      %broadcast_in_dim3A_60 = vector.broadcast %broadcast_in_dim3A_59 : f32 to vector<16xf32>
      %swap3A_61 = arith.constant 0 : i32
      %swap3A_62 = tpu.memref_slice %arg10[%add3A_32, %swap3A_61] : memref<128x128xf32, #tpu.memory_space<vmem>> -> memref<1x128xf32, #tpu.memory_space<vmem>>
      %swap3A_63 = tpu.memref_squeeze %swap3A_62 : memref<1x128xf32, #tpu.memory_space<vmem>> -> memref<128xf32, #tpu.memory_space<vmem>>
      %swap3A_64 = arith.constant 64 : index
      %swap3A_65 = tpu.vector_load %swap3A_63[%swap3A_64] {strides = array<i32>} : memref<128xf32, #tpu.memory_space<vmem>>, vector<16xf32>,
      tpu.vector_store %swap3A_63[%swap3A_64], %broadcast_in_dim3A_60 {strides = array<i32>} : memref<128xf32, #tpu.memory_space<vmem>>, vector<16xf32>,
      %broadcast_in_dim3A_66 = arith.constant 0.000000e+00 : f32
      %broadcast_in_dim3A_67 = vector.broadcast %broadcast_in_dim3A_66 : f32 to vector<16xf32>
      %swap3A_68 = arith.constant 0 : i32
      %swap3A_69 = tpu.memref_slice %arg10[%add3A_32, %swap3A_68] : memref<128x128xf32, #tpu.memory_space<vmem>> -> memref<1x128xf32, #tpu.memory_space<vmem>>
      %swap3A_70 = tpu.memref_squeeze %swap3A_69 : memref<1x128xf32, #tpu.memory_space<vmem>> -> memref<128xf32, #tpu.memory_space<vmem>>
      %swap3A_71 = arith.constant 80 : index
      %swap3A_72 = tpu.vector_load %swap3A_70[%swap3A_71] {strides = array<i32>} : memref<128xf32, #tpu.memory_space<vmem>>, vector<16xf32>,
      tpu.vector_store %swap3A_70[%swap3A_71], %broadcast_in_dim3A_67 {strides = array<i32>} : memref<128xf32, #tpu.memory_space<vmem>>, vector<16xf32>,
      %broadcast_in_dim3A_73 = arith.constant 0.000000e+00 : f32
      %broadcast_in_dim3A_74 = vector.broadcast %broadcast_in_dim3A_73 : f32 to vector<16xf32>
      %swap3A_75 = arith.constant 0 : i32
      %swap3A_76 = tpu.memref_slice %arg10[%add3A_32, %swap3A_75] : memref<128x128xf32, #tpu.memory_space<vmem>> -> memref<1x128xf32, #tpu.memory_space<vmem>>
      %swap3A_77 = tpu.memref_squeeze %swap3A_76 : memref<1x128xf32, #tpu.memory_space<vmem>> -> memref<128xf32, #tpu.memory_space<vmem>>
      %swap3A_78 = arith.constant 96 : index
      %swap3A_79 = tpu.vector_load %swap3A_77[%swap3A_78] {strides = array<i32>} : memref<128xf32, #tpu.memory_space<vmem>>, vector<16xf32>,
      tpu.vector_store %swap3A_77[%swap3A_78], %broadcast_in_dim3A_74 {strides = array<i32>} : memref<128xf32, #tpu.memory_space<vmem>>, vector<16xf32>,
      %broadcast_in_dim3A_80 = arith.constant 0.000000e+00 : f32
      %broadcast_in_dim3A_81 = vector.broadcast %broadcast_in_dim3A_80 : f32 to vector<16xf32>
      %swap3A_82 = arith.constant 0 : i32
      %swap3A_83 = tpu.memref_slice %arg10[%add3A_32, %swap3A_82] : memref<128x128xf32, #tpu.memory_space<vmem>> -> memref<1x128xf32, #tpu.memory_space<vmem>>
      %swap3A_84 = tpu.memref_squeeze %swap3A_83 : memref<1x128xf32, #tpu.memory_space<vmem>> -> memref<128xf32, #tpu.memory_space<vmem>>
      %swap3A_85 = arith.constant 112 : index
      %swap3A_86 = tpu.vector_load %swap3A_84[%swap3A_85] {strides = array<i32>} : memref<128xf32, #tpu.memory_space<vmem>>, vector<16xf32>,
      tpu.vector_store %swap3A_84[%swap3A_85], %broadcast_in_dim3A_81 {strides = array<i32>} : memref<128xf32, #tpu.memory_space<vmem>>, vector<16xf32>,
    }
    %scan3A_4 = arith.constant 128 : i32
    %mul3A_5 = arith.constant 632 : i32
    %mul3A_6 = arith.muli %arg1, %mul3A_5 : i32
    %scan3A_7 = arith.constant 0 : i32
    %scan3A_8 = arith.constant 4 : i32
    %scan3A_9 = arith.addi %scan3A_7, %scan3A_8 : i32
    %scan3A_10 = arith.constant 1 : i32
    scf.for %scan3A_28 = %scan3A_7 to %scan3A_9 step %scan3A_10  : i32 {
      %mul3A_29 = arith.constant 1 : i32
      %mul3A_30 = arith.muli %scan3A_28, %mul3A_29 : i32
      %add3A_31 = arith.constant 0 : i32
      %add3A_32 = arith.addi %add3A_31, %mul3A_30 : i32
      %mul3A_33 = arith.constant 128 : i32
      %mul3A_34 = arith.muli %add3A_32, %mul3A_33 : i32
      %add3A_35 = arith.addi %mul3A_6, %mul3A_34 : i32
      "tpu.region"() ({
        %run_scoped3A = tpu.sem_alloc : memref<!tpu.dma_semaphore, #tpu.memory_space<semaphore_mem>>
        %dma_start3A = arith.constant 0 : i32
        %dma_start3A_36 = tpu.memref_slice %arg8[%add3A_35, %dma_start3A] : memref<10112x128xf32, #tpu.memory_space<vmem_shared>> -> memref<128x128xf32, #tpu.memory_space<vmem_shared>>
        %dma_start3A_37 = arith.constant 0 : i32
        %dma_start3A_38 = tpu.memref_slice %arg8[%add3A_35, %dma_start3A_37] : memref<10112x128xf32, #tpu.memory_space<vmem_shared>> -> memref<128x128xf32, #tpu.memory_space<vmem_shared>>
        tpu.enqueue_dma source(%arg10 : memref<128x128xf32, #tpu.memory_space<vmem>>) target(%dma_start3A_38 : memref<128x128xf32, #tpu.memory_space<vmem_shared>>) target_semaphore(%run_scoped3A : memref<!tpu.dma_semaphore, #tpu.memory_space<semaphore_mem>>)
        %dma_wait3A = arith.constant 0 : i32
        %dma_wait3A_39 = tpu.memref_slice %arg8[%add3A_35, %dma_wait3A] : memref<10112x128xf32, #tpu.memory_space<vmem_shared>> -> memref<128x128xf32, #tpu.memory_space<vmem_shared>>
        %dma_wait3A_40 = arith.constant 0 : i32
        %dma_wait3A_41 = tpu.memref_slice %arg8[%add3A_35, %dma_wait3A_40] : memref<10112x128xf32, #tpu.memory_space<vmem_shared>> -> memref<128x128xf32, #tpu.memory_space<vmem_shared>>
        tpu.wait_dma2 semaphore(%run_scoped3A : memref<!tpu.dma_semaphore, #tpu.memory_space<semaphore_mem>>) src(%arg10 : memref<128x128xf32, #tpu.memory_space<vmem>>) dst(%dma_wait3A_41 : memref<128x128xf32, #tpu.memory_space<vmem_shared>>)
        tpu.yield
      }) : () -> ()
    }
    %scan3A_11 = arith.constant 4 : i32
    %add3A_12 = arith.constant 512 : i32
    %add3A_13 = arith.addi %mul3A_6, %add3A_12 : i32
    "tpu.region"() ({
      %run_scoped3A = tpu.sem_alloc : memref<!tpu.dma_semaphore, #tpu.memory_space<semaphore_mem>>
      %dma_start3A = arith.constant 0 : i32
      %dma_start3A_28 = arith.constant 0 : i32
      %dma_start3A_29 = tpu.memref_slice %arg10[%dma_start3A, %dma_start3A_28] : memref<128x128xf32, #tpu.memory_space<vmem>> -> memref<120x128xf32, #tpu.memory_space<vmem>>
      %dma_start3A_30 = arith.constant 0 : i32
      %dma_start3A_31 = tpu.memref_slice %arg8[%add3A_13, %dma_start3A_30] : memref<10112x128xf32, #tpu.memory_space<vmem_shared>> -> memref<120x128xf32, #tpu.memory_space<vmem_shared>>
      %dma_start3A_32 = arith.constant 0 : i32
      %dma_start3A_33 = tpu.memref_slice %arg8[%add3A_13, %dma_start3A_32] : memref<10112x128xf32, #tpu.memory_space<vmem_shared>> -> memref<120x128xf32, #tpu.memory_space<vmem_shared>>
      %dma_start3A_34 = arith.constant 0 : i32
      %dma_start3A_35 = arith.constant 0 : i32
      %dma_start3A_36 = tpu.memref_slice %arg10[%dma_start3A_34, %dma_start3A_35] : memref<128x128xf32, #tpu.memory_space<vmem>> -> memref<120x128xf32, #tpu.memory_space<vmem>>
      tpu.enqueue_dma source(%dma_start3A_36 : memref<120x128xf32, #tpu.memory_space<vmem>>) target(%dma_start3A_33 : memref<120x128xf32, #tpu.memory_space<vmem_shared>>) target_semaphore(%run_scoped3A : memref<!tpu.dma_semaphore, #tpu.memory_space<semaphore_mem>>)
      %dma_wait3A = arith.constant 0 : i32
      %dma_wait3A_37 = arith.constant 0 : i32
      %dma_wait3A_38 = tpu.memref_slice %arg10[%dma_wait3A, %dma_wait3A_37] : memref<128x128xf32, #tpu.memory_space<vmem>> -> memref<120x128xf32, #tpu.memory_space<vmem>>
      %dma_wait3A_39 = arith.constant 0 : i32
      %dma_wait3A_40 = tpu.memref_slice %arg8[%add3A_13, %dma_wait3A_39] : memref<10112x128xf32, #tpu.memory_space<vmem_shared>> -> memref<120x128xf32, #tpu.memory_space<vmem_shared>>
      %dma_wait3A_41 = arith.constant 0 : i32
      %dma_wait3A_42 = tpu.memref_slice %arg8[%add3A_13, %dma_wait3A_41] : memref<10112x128xf32, #tpu.memory_space<vmem_shared>> -> memref<120x128xf32, #tpu.memory_space<vmem_shared>>
      %dma_wait3A_43 = arith.constant 0 : i32
      %dma_wait3A_44 = arith.constant 0 : i32
      %dma_wait3A_45 = tpu.memref_slice %arg10[%dma_wait3A_43, %dma_wait3A_44] : memref<128x128xf32, #tpu.memory_space<vmem>> -> memref<120x128xf32, #tpu.memory_space<vmem>>
      tpu.wait_dma2 semaphore(%run_scoped3A : memref<!tpu.dma_semaphore, #tpu.memory_space<semaphore_mem>>) src(%dma_wait3A_45 : memref<120x128xf32, #tpu.memory_space<vmem>>) dst(%dma_wait3A_42 : memref<120x128xf32, #tpu.memory_space<vmem_shared>>)
      tpu.yield
    }) : () -> ()
    %mul3A_14 = arith.constant 40 : i32
    %mul3A_15 = arith.muli %arg1, %mul3A_14 : i32
    %mul3A_16 = arith.constant 40 : i32
    %mul3A_17 = arith.muli %arg1, %mul3A_16 : i32
    "tpu.region"() ({
      %run_scoped3A = tpu.sem_alloc : memref<!tpu.dma_semaphore, #tpu.memory_space<semaphore_mem>>
      %dma_start3A = arith.constant 0 : i32
      %dma_start3A_28 = tpu.memref_slice %arg9[%mul3A_17, %dma_start3A] : memref<640x128xf32, #tpu.memory_space<vmem_shared>> -> memref<40x128xf32, #tpu.memory_space<vmem_shared>>
      %dma_start3A_29 = arith.constant 0 : i32
      %dma_start3A_30 = tpu.memref_slice %arg6[%mul3A_15, %dma_start3A_29] : memref<640x128xf32, #tpu.memory_space<hbm>> -> memref<40x128xf32, #tpu.memory_space<hbm>>
      tpu.enqueue_dma source(%dma_start3A_30 : memref<40x128xf32, #tpu.memory_space<hbm>>) target(%dma_start3A_28 : memref<40x128xf32, #tpu.memory_space<vmem_shared>>) target_semaphore(%run_scoped3A : memref<!tpu.dma_semaphore, #tpu.memory_space<semaphore_mem>>)
      %dma_wait3A = arith.constant 0 : i32
      %dma_wait3A_31 = tpu.memref_slice %arg9[%mul3A_17, %dma_wait3A] : memref<640x128xf32, #tpu.memory_space<vmem_shared>> -> memref<40x128xf32, #tpu.memory_space<vmem_shared>>
      %dma_wait3A_32 = arith.constant 0 : i32
      %dma_wait3A_33 = tpu.memref_slice %arg6[%mul3A_15, %dma_wait3A_32] : memref<640x128xf32, #tpu.memory_space<hbm>> -> memref<40x128xf32, #tpu.memory_space<hbm>>
      tpu.wait_dma2 semaphore(%run_scoped3A : memref<!tpu.dma_semaphore, #tpu.memory_space<semaphore_mem>>) src(%dma_wait3A_33 : memref<40x128xf32, #tpu.memory_space<hbm>>) dst(%dma_wait3A_31 : memref<40x128xf32, #tpu.memory_space<vmem_shared>>)
      tpu.yield
    }) : () -> ()
    %barrier3A = arith.constant 0 : index
    tpu.barrier barrier_id(%barrier3A)
    %scan3A_18 = arith.constant 0 : i32
    %scan3A_19 = arith.constant 5 : i32
    %scan3A_20 = arith.addi %scan3A_18, %scan3A_19 : i32
    %scan3A_21 = arith.constant 1 : i32
    scf.for %scan3A_28 = %scan3A_18 to %scan3A_20 step %scan3A_21  : i32 {
      %mul3A_29 = arith.constant 1 : i32
      %mul3A_30 = arith.muli %scan3A_28, %mul3A_29 : i32
      %add3A_31 = arith.constant 0 : i32
      %add3A_32 = arith.addi %add3A_31, %mul3A_30 : i32
      %mul3A_33 = arith.constant 80 : i32
      %mul3A_34 = arith.muli %add3A, %mul3A_33 : i32
      %mul3A_35 = arith.constant 16 : i32
      %mul3A_36 = arith.muli %add3A_32, %mul3A_35 : i32
      %add3A_37 = arith.addi %mul3A_34, %mul3A_36 : i32
      "tpu.region"() ({
        %run_scoped3A = tpu.sem_alloc : memref<!tpu.dma_semaphore, #tpu.memory_space<semaphore_mem>>
        %dma_start3A = arith.constant 0 : i32
        %dma_start3A_48 = tpu.memref_slice %arg2[%add3A_37, %dma_start3A] : memref<2560x128xi32, #tpu.memory_space<hbm>> -> memref<16x128xi32, #tpu.memory_space<hbm>>
        %dma_start3A_49 = arith.constant 0 : i32
        %dma_start3A_50 = tpu.memref_slice %arg2[%add3A_37, %dma_start3A_49] : memref<2560x128xi32, #tpu.memory_space<hbm>> -> memref<16x128xi32, #tpu.memory_space<hbm>>
        tpu.enqueue_dma source(%dma_start3A_50 : memref<16x128xi32, #tpu.memory_space<hbm>>) target(%arg12 : memref<16x128xi32, #tpu.memory_space<vmem>>) target_semaphore(%run_scoped3A : memref<!tpu.dma_semaphore, #tpu.memory_space<semaphore_mem>>)
        %dma_wait3A = arith.constant 0 : i32
        %dma_wait3A_51 = tpu.memref_slice %arg2[%add3A_37, %dma_wait3A] : memref<2560x128xi32, #tpu.memory_space<hbm>> -> memref<16x128xi32, #tpu.memory_space<hbm>>
        %dma_wait3A_52 = arith.constant 0 : i32
        %dma_wait3A_53 = tpu.memref_slice %arg2[%add3A_37, %dma_wait3A_52] : memref<2560x128xi32, #tpu.memory_space<hbm>> -> memref<16x128xi32, #tpu.memory_space<hbm>>
        tpu.wait_dma2 semaphore(%run_scoped3A : memref<!tpu.dma_semaphore, #tpu.memory_space<semaphore_mem>>) src(%dma_wait3A_53 : memref<16x128xi32, #tpu.memory_space<hbm>>) dst(%arg12 : memref<16x128xi32, #tpu.memory_space<vmem>>)
        tpu.yield
      }) : () -> ()
      "tpu.region"() ({
        %run_scoped3A = tpu.sem_alloc : memref<!tpu.dma_semaphore, #tpu.memory_space<semaphore_mem>>
        %dma_start3A = arith.constant 0 : i32
        %dma_start3A_48 = tpu.memref_slice %arg3[%add3A_37, %dma_start3A] : memref<2560x128xi32, #tpu.memory_space<hbm>> -> memref<16x128xi32, #tpu.memory_space<hbm>>
        %dma_start3A_49 = arith.constant 0 : i32
        %dma_start3A_50 = tpu.memref_slice %arg3[%add3A_37, %dma_start3A_49] : memref<2560x128xi32, #tpu.memory_space<hbm>> -> memref<16x128xi32, #tpu.memory_space<hbm>>
        tpu.enqueue_dma source(%dma_start3A_50 : memref<16x128xi32, #tpu.memory_space<hbm>>) target(%arg13 : memref<16x128xi32, #tpu.memory_space<vmem>>) target_semaphore(%run_scoped3A : memref<!tpu.dma_semaphore, #tpu.memory_space<semaphore_mem>>)
        %dma_wait3A = arith.constant 0 : i32
        %dma_wait3A_51 = tpu.memref_slice %arg3[%add3A_37, %dma_wait3A] : memref<2560x128xi32, #tpu.memory_space<hbm>> -> memref<16x128xi32, #tpu.memory_space<hbm>>
        %dma_wait3A_52 = arith.constant 0 : i32
        %dma_wait3A_53 = tpu.memref_slice %arg3[%add3A_37, %dma_wait3A_52] : memref<2560x128xi32, #tpu.memory_space<hbm>> -> memref<16x128xi32, #tpu.memory_space<hbm>>
        tpu.wait_dma2 semaphore(%run_scoped3A : memref<!tpu.dma_semaphore, #tpu.memory_space<semaphore_mem>>) src(%dma_wait3A_53 : memref<16x128xi32, #tpu.memory_space<hbm>>) dst(%arg13 : memref<16x128xi32, #tpu.memory_space<vmem>>)
        tpu.yield
      }) : () -> ()
      "tpu.region"() ({
        %run_scoped3A = tpu.sem_alloc : memref<!tpu.dma_semaphore, #tpu.memory_space<semaphore_mem>>
        %dma_start3A = arith.constant 0 : i32
        %dma_start3A_48 = tpu.memref_slice %arg4[%add3A_37, %dma_start3A] : memref<2560x128xi32, #tpu.memory_space<hbm>> -> memref<16x128xi32, #tpu.memory_space<hbm>>
        %dma_start3A_49 = arith.constant 0 : i32
        %dma_start3A_50 = tpu.memref_slice %arg4[%add3A_37, %dma_start3A_49] : memref<2560x128xi32, #tpu.memory_space<hbm>> -> memref<16x128xi32, #tpu.memory_space<hbm>>
        tpu.enqueue_dma source(%dma_start3A_50 : memref<16x128xi32, #tpu.memory_space<hbm>>) target(%arg14 : memref<16x128xi32, #tpu.memory_space<vmem>>) target_semaphore(%run_scoped3A : memref<!tpu.dma_semaphore, #tpu.memory_space<semaphore_mem>>)
        %dma_wait3A = arith.constant 0 : i32
        %dma_wait3A_51 = tpu.memref_slice %arg4[%add3A_37, %dma_wait3A] : memref<2560x128xi32, #tpu.memory_space<hbm>> -> memref<16x128xi32, #tpu.memory_space<hbm>>
        %dma_wait3A_52 = arith.constant 0 : i32
        %dma_wait3A_53 = tpu.memref_slice %arg4[%add3A_37, %dma_wait3A_52] : memref<2560x128xi32, #tpu.memory_space<hbm>> -> memref<16x128xi32, #tpu.memory_space<hbm>>
        tpu.wait_dma2 semaphore(%run_scoped3A : memref<!tpu.dma_semaphore, #tpu.memory_space<semaphore_mem>>) src(%dma_wait3A_53 : memref<16x128xi32, #tpu.memory_space<hbm>>) dst(%arg14 : memref<16x128xi32, #tpu.memory_space<vmem>>)
        tpu.yield
      }) : () -> ()
      %scan3A_38 = arith.constant 0 : i32
      %scan3A_39 = arith.constant 16 : i32
      %scan3A_40 = arith.addi %scan3A_38, %scan3A_39 : i32
      %scan3A_41 = arith.constant 1 : i32
      scf.for %scan3A_48 = %scan3A_38 to %scan3A_40 step %scan3A_41  : i32 {
        %mul3A_49 = arith.constant 1 : i32
        %mul3A_50 = arith.muli %scan3A_48, %mul3A_49 : i32
        %add3A_51 = arith.constant 0 : i32
        %add3A_52 = arith.addi %add3A_51, %mul3A_50 : i32
        %get3A = arith.constant 0 : i32
        %get3A_53 = tpu.memref_slice %arg13[%add3A_52, %get3A] : memref<16x128xi32, #tpu.memory_space<vmem>> -> memref<1x128xi32, #tpu.memory_space<vmem>>
        %get3A_54 = tpu.memref_squeeze %get3A_53 : memref<1x128xi32, #tpu.memory_space<vmem>> -> memref<128xi32, #tpu.memory_space<vmem>>
        %get3A_55 = arith.constant 0 : index
        %get3A_56 = tpu.vector_load %get3A_54[%get3A_55] {strides = array<i32>} : memref<128xi32, #tpu.memory_space<vmem>>, vector<16xi32>,
        %mul3A_57 = arith.constant 10000 : i32
        %mul3A_58 = vector.broadcast %mul3A_57 : i32 to vector<16xi32>
        %mul3A_59 = arith.muli %get3A_56, %mul3A_58 : vector<16xi32>
        %get3A_60 = arith.constant 0 : i32
        %get3A_61 = tpu.memref_slice %arg12[%add3A_52, %get3A_60] : memref<16x128xi32, #tpu.memory_space<vmem>> -> memref<1x128xi32, #tpu.memory_space<vmem>>
        %get3A_62 = tpu.memref_squeeze %get3A_61 : memref<1x128xi32, #tpu.memory_space<vmem>> -> memref<128xi32, #tpu.memory_space<vmem>>
        %get3A_63 = arith.constant 0 : index
        %get3A_64 = tpu.vector_load %get3A_62[%get3A_63] {strides = array<i32>} : memref<128xi32, #tpu.memory_space<vmem>>, vector<16xi32>,
        %add3A_65 = arith.addi %mul3A_59, %get3A_64 : vector<16xi32>
        %swap3A = arith.constant 0 : i32
        %swap3A_66 = tpu.memref_slice %arg15[%add3A_52, %swap3A] : memref<16x128xi32, #tpu.memory_space<vmem>> -> memref<1x128xi32, #tpu.memory_space<vmem>>
        %swap3A_67 = tpu.memref_squeeze %swap3A_66 : memref<1x128xi32, #tpu.memory_space<vmem>> -> memref<128xi32, #tpu.memory_space<vmem>>
        %swap3A_68 = arith.constant 0 : index
        %swap3A_69 = tpu.vector_load %swap3A_67[%swap3A_68] {strides = array<i32>} : memref<128xi32, #tpu.memory_space<vmem>>, vector<16xi32>,
        tpu.vector_store %swap3A_67[%swap3A_68], %add3A_65 {strides = array<i32>} : memref<128xi32, #tpu.memory_space<vmem>>, vector<16xi32>,
        %get3A_70 = arith.constant 0 : i32
        %get3A_71 = tpu.memref_slice %arg14[%add3A_52, %get3A_70] : memref<16x128xi32, #tpu.memory_space<vmem>> -> memref<1x128xi32, #tpu.memory_space<vmem>>
        %get3A_72 = tpu.memref_squeeze %get3A_71 : memref<1x128xi32, #tpu.memory_space<vmem>> -> memref<128xi32, #tpu.memory_space<vmem>>
        %get3A_73 = arith.constant 0 : index
        %get3A_74 = tpu.vector_load %get3A_72[%get3A_73] {strides = array<i32>} : memref<128xi32, #tpu.memory_space<vmem>>, vector<16xi32>,
        %mul3A_75 = arith.constant 8 : i32
        %mul3A_76 = vector.broadcast %mul3A_75 : i32 to vector<16xi32>
        %mul3A_77 = arith.muli %get3A_74, %mul3A_76 : vector<16xi32>
        %add3A_78 = arith.addi %mul3A_77, %get3A_56 : vector<16xi32>
        %shift_right_logical3A = arith.constant 7 : i32
        %shift_right_logical3A_79 = vector.broadcast %shift_right_logical3A : i32 to vector<16xi32>
        %shift_right_logical3A_80 = arith.shrui %add3A_78, %shift_right_logical3A_79 : vector<16xi32>
        %swap3A_81 = arith.constant 0 : i32
        %swap3A_82 = tpu.memref_slice %arg16[%add3A_52, %swap3A_81] : memref<16x128xi32, #tpu.memory_space<vmem>> -> memref<1x128xi32, #tpu.memory_space<vmem>>
        %swap3A_83 = tpu.memref_squeeze %swap3A_82 : memref<1x128xi32, #tpu.memory_space<vmem>> -> memref<128xi32, #tpu.memory_space<vmem>>
        %swap3A_84 = arith.constant 0 : index
        %swap3A_85 = tpu.vector_load %swap3A_83[%swap3A_84] {strides = array<i32>} : memref<128xi32, #tpu.memory_space<vmem>>, vector<16xi32>,
        tpu.vector_store %swap3A_83[%swap3A_84], %shift_right_logical3A_80 {strides = array<i32>} : memref<128xi32, #tpu.memory_space<vmem>>, vector<16xi32>,
        %and3A = arith.constant 127 : i32
        %and3A_86 = vector.broadcast %and3A : i32 to vector<16xi32>
        %and3A_87 = arith.andi %add3A_78, %and3A_86 : vector<16xi32>
        %swap3A_88 = arith.constant 0 : i32
        %swap3A_89 = tpu.memref_slice %arg17[%add3A_52, %swap3A_88] : memref<16x128xi32, #tpu.memory_space<vmem>> -> memref<1x128xi32, #tpu.memory_space<vmem>>
        %swap3A_90 = tpu.memref_squeeze %swap3A_89 : memref<1x128xi32, #tpu.memory_space<vmem>> -> memref<128xi32, #tpu.memory_space<vmem>>
        %swap3A_91 = arith.constant 0 : index
        %swap3A_92 = tpu.vector_load %swap3A_90[%swap3A_91] {strides = array<i32>} : memref<128xi32, #tpu.memory_space<vmem>>, vector<16xi32>,
        tpu.vector_store %swap3A_90[%swap3A_91], %and3A_87 {strides = array<i32>} : memref<128xi32, #tpu.memory_space<vmem>>, vector<16xi32>,
        %get3A_93 = arith.constant 0 : i32
        %get3A_94 = tpu.memref_slice %arg13[%add3A_52, %get3A_93] : memref<16x128xi32, #tpu.memory_space<vmem>> -> memref<1x128xi32, #tpu.memory_space<vmem>>
        %get3A_95 = tpu.memref_squeeze %get3A_94 : memref<1x128xi32, #tpu.memory_space<vmem>> -> memref<128xi32, #tpu.memory_space<vmem>>
        %get3A_96 = arith.constant 16 : index
        %get3A_97 = tpu.vector_load %get3A_95[%get3A_96] {strides = array<i32>} : memref<128xi32, #tpu.memory_space<vmem>>, vector<16xi32>,
        %mul3A_98 = arith.constant 10000 : i32
        %mul3A_99 = vector.broadcast %mul3A_98 : i32 to vector<16xi32>
        %mul3A_100 = arith.muli %get3A_97, %mul3A_99 : vector<16xi32>
        %get3A_101 = arith.constant 0 : i32
        %get3A_102 = tpu.memref_slice %arg12[%add3A_52, %get3A_101] : memref<16x128xi32, #tpu.memory_space<vmem>> -> memref<1x128xi32, #tpu.memory_space<vmem>>
        %get3A_103 = tpu.memref_squeeze %get3A_102 : memref<1x128xi32, #tpu.memory_space<vmem>> -> memref<128xi32, #tpu.memory_space<vmem>>
        %get3A_104 = arith.constant 16 : index
        %get3A_105 = tpu.vector_load %get3A_103[%get3A_104] {strides = array<i32>} : memref<128xi32, #tpu.memory_space<vmem>>, vector<16xi32>,
        %add3A_106 = arith.addi %mul3A_100, %get3A_105 : vector<16xi32>
        %swap3A_107 = arith.constant 0 : i32
        %swap3A_108 = tpu.memref_slice %arg15[%add3A_52, %swap3A_107] : memref<16x128xi32, #tpu.memory_space<vmem>> -> memref<1x128xi32, #tpu.memory_space<vmem>>
        %swap3A_109 = tpu.memref_squeeze %swap3A_108 : memref<1x128xi32, #tpu.memory_space<vmem>> -> memref<128xi32, #tpu.memory_space<vmem>>
        %swap3A_110 = arith.constant 16 : index
        %swap3A_111 = tpu.vector_load %swap3A_109[%swap3A_110] {strides = array<i32>} : memref<128xi32, #tpu.memory_space<vmem>>, vector<16xi32>,
        tpu.vector_store %swap3A_109[%swap3A_110], %add3A_106 {strides = array<i32>} : memref<128xi32, #tpu.memory_space<vmem>>, vector<16xi32>,
        %get3A_112 = arith.constant 0 : i32
        %get3A_113 = tpu.memref_slice %arg14[%add3A_52, %get3A_112] : memref<16x128xi32, #tpu.memory_space<vmem>> -> memref<1x128xi32, #tpu.memory_space<vmem>>
        %get3A_114 = tpu.memref_squeeze %get3A_113 : memref<1x128xi32, #tpu.memory_space<vmem>> -> memref<128xi32, #tpu.memory_space<vmem>>
        %get3A_115 = arith.constant 16 : index
        %get3A_116 = tpu.vector_load %get3A_114[%get3A_115] {strides = array<i32>} : memref<128xi32, #tpu.memory_space<vmem>>, vector<16xi32>,
        %mul3A_117 = arith.constant 8 : i32
        %mul3A_118 = vector.broadcast %mul3A_117 : i32 to vector<16xi32>
        %mul3A_119 = arith.muli %get3A_116, %mul3A_118 : vector<16xi32>
        %add3A_120 = arith.addi %mul3A_119, %get3A_97 : vector<16xi32>
        %shift_right_logical3A_121 = arith.constant 7 : i32
        %shift_right_logical3A_122 = vector.broadcast %shift_right_logical3A_121 : i32 to vector<16xi32>
        %shift_right_logical3A_123 = arith.shrui %add3A_120, %shift_right_logical3A_122 : vector<16xi32>
        %swap3A_124 = arith.constant 0 : i32
        %swap3A_125 = tpu.memref_slice %arg16[%add3A_52, %swap3A_124] : memref<16x128xi32, #tpu.memory_space<vmem>> -> memref<1x128xi32, #tpu.memory_space<vmem>>
        %swap3A_126 = tpu.memref_squeeze %swap3A_125 : memref<1x128xi32, #tpu.memory_space<vmem>> -> memref<128xi32, #tpu.memory_space<vmem>>
        %swap3A_127 = arith.constant 16 : index
        %swap3A_128 = tpu.vector_load %swap3A_126[%swap3A_127] {strides = array<i32>} : memref<128xi32, #tpu.memory_space<vmem>>, vector<16xi32>,
        tpu.vector_store %swap3A_126[%swap3A_127], %shift_right_logical3A_123 {strides = array<i32>} : memref<128xi32, #tpu.memory_space<vmem>>, vector<16xi32>,
        %and3A_129 = arith.constant 127 : i32
        %and3A_130 = vector.broadcast %and3A_129 : i32 to vector<16xi32>
        %and3A_131 = arith.andi %add3A_120, %and3A_130 : vector<16xi32>
        %swap3A_132 = arith.constant 0 : i32
        %swap3A_133 = tpu.memref_slice %arg17[%add3A_52, %swap3A_132] : memref<16x128xi32, #tpu.memory_space<vmem>> -> memref<1x128xi32, #tpu.memory_space<vmem>>
        %swap3A_134 = tpu.memref_squeeze %swap3A_133 : memref<1x128xi32, #tpu.memory_space<vmem>> -> memref<128xi32, #tpu.memory_space<vmem>>
        %swap3A_135 = arith.constant 16 : index
        %swap3A_136 = tpu.vector_load %swap3A_134[%swap3A_135] {strides = array<i32>} : memref<128xi32, #tpu.memory_space<vmem>>, vector<16xi32>,
        tpu.vector_store %swap3A_134[%swap3A_135], %and3A_131 {strides = array<i32>} : memref<128xi32, #tpu.memory_space<vmem>>, vector<16xi32>,
        %get3A_137 = arith.constant 0 : i32
        %get3A_138 = tpu.memref_slice %arg13[%add3A_52, %get3A_137] : memref<16x128xi32, #tpu.memory_space<vmem>> -> memref<1x128xi32, #tpu.memory_space<vmem>>
        %get3A_139 = tpu.memref_squeeze %get3A_138 : memref<1x128xi32, #tpu.memory_space<vmem>> -> memref<128xi32, #tpu.memory_space<vmem>>
        %get3A_140 = arith.constant 32 : index
        %get3A_141 = tpu.vector_load %get3A_139[%get3A_140] {strides = array<i32>} : memref<128xi32, #tpu.memory_space<vmem>>, vector<16xi32>,
        %mul3A_142 = arith.constant 10000 : i32
        %mul3A_143 = vector.broadcast %mul3A_142 : i32 to vector<16xi32>
        %mul3A_144 = arith.muli %get3A_141, %mul3A_143 : vector<16xi32>
        %get3A_145 = arith.constant 0 : i32
        %get3A_146 = tpu.memref_slice %arg12[%add3A_52, %get3A_145] : memref<16x128xi32, #tpu.memory_space<vmem>> -> memref<1x128xi32, #tpu.memory_space<vmem>>
        %get3A_147 = tpu.memref_squeeze %get3A_146 : memref<1x128xi32, #tpu.memory_space<vmem>> -> memref<128xi32, #tpu.memory_space<vmem>>
        %get3A_148 = arith.constant 32 : index
        %get3A_149 = tpu.vector_load %get3A_147[%get3A_148] {strides = array<i32>} : memref<128xi32, #tpu.memory_space<vmem>>, vector<16xi32>,
        %add3A_150 = arith.addi %mul3A_144, %get3A_149 : vector<16xi32>
        %swap3A_151 = arith.constant 0 : i32
        %swap3A_152 = tpu.memref_slice %arg15[%add3A_52, %swap3A_151] : memref<16x128xi32, #tpu.memory_space<vmem>> -> memref<1x128xi32, #tpu.memory_space<vmem>>
        %swap3A_153 = tpu.memref_squeeze %swap3A_152 : memref<1x128xi32, #tpu.memory_space<vmem>> -> memref<128xi32, #tpu.memory_space<vmem>>
        %swap3A_154 = arith.constant 32 : index
        %swap3A_155 = tpu.vector_load %swap3A_153[%swap3A_154] {strides = array<i32>} : memref<128xi32, #tpu.memory_space<vmem>>, vector<16xi32>,
        tpu.vector_store %swap3A_153[%swap3A_154], %add3A_150 {strides = array<i32>} : memref<128xi32, #tpu.memory_space<vmem>>, vector<16xi32>,
        %get3A_156 = arith.constant 0 : i32
        %get3A_157 = tpu.memref_slice %arg14[%add3A_52, %get3A_156] : memref<16x128xi32, #tpu.memory_space<vmem>> -> memref<1x128xi32, #tpu.memory_space<vmem>>
        %get3A_158 = tpu.memref_squeeze %get3A_157 : memref<1x128xi32, #tpu.memory_space<vmem>> -> memref<128xi32, #tpu.memory_space<vmem>>
        %get3A_159 = arith.constant 32 : index
        %get3A_160 = tpu.vector_load %get3A_158[%get3A_159] {strides = array<i32>} : memref<128xi32, #tpu.memory_space<vmem>>, vector<16xi32>,
        %mul3A_161 = arith.constant 8 : i32
        %mul3A_162 = vector.broadcast %mul3A_161 : i32 to vector<16xi32>
        %mul3A_163 = arith.muli %get3A_160, %mul3A_162 : vector<16xi32>
        %add3A_164 = arith.addi %mul3A_163, %get3A_141 : vector<16xi32>
        %shift_right_logical3A_165 = arith.constant 7 : i32
        %shift_right_logical3A_166 = vector.broadcast %shift_right_logical3A_165 : i32 to vector<16xi32>
        %shift_right_logical3A_167 = arith.shrui %add3A_164, %shift_right_logical3A_166 : vector<16xi32>
        %swap3A_168 = arith.constant 0 : i32
        %swap3A_169 = tpu.memref_slice %arg16[%add3A_52, %swap3A_168] : memref<16x128xi32, #tpu.memory_space<vmem>> -> memref<1x128xi32, #tpu.memory_space<vmem>>
        %swap3A_170 = tpu.memref_squeeze %swap3A_169 : memref<1x128xi32, #tpu.memory_space<vmem>> -> memref<128xi32, #tpu.memory_space<vmem>>
        %swap3A_171 = arith.constant 32 : index
        %swap3A_172 = tpu.vector_load %swap3A_170[%swap3A_171] {strides = array<i32>} : memref<128xi32, #tpu.memory_space<vmem>>, vector<16xi32>,
        tpu.vector_store %swap3A_170[%swap3A_171], %shift_right_logical3A_167 {strides = array<i32>} : memref<128xi32, #tpu.memory_space<vmem>>, vector<16xi32>,
        %and3A_173 = arith.constant 127 : i32
        %and3A_174 = vector.broadcast %and3A_173 : i32 to vector<16xi32>
        %and3A_175 = arith.andi %add3A_164, %and3A_174 : vector<16xi32>
        %swap3A_176 = arith.constant 0 : i32
        %swap3A_177 = tpu.memref_slice %arg17[%add3A_52, %swap3A_176] : memref<16x128xi32, #tpu.memory_space<vmem>> -> memref<1x128xi32, #tpu.memory_space<vmem>>
        %swap3A_178 = tpu.memref_squeeze %swap3A_177 : memref<1x128xi32, #tpu.memory_space<vmem>> -> memref<128xi32, #tpu.memory_space<vmem>>
        %swap3A_179 = arith.constant 32 : index
        %swap3A_180 = tpu.vector_load %swap3A_178[%swap3A_179] {strides = array<i32>} : memref<128xi32, #tpu.memory_space<vmem>>, vector<16xi32>,
        tpu.vector_store %swap3A_178[%swap3A_179], %and3A_175 {strides = array<i32>} : memref<128xi32, #tpu.memory_space<vmem>>, vector<16xi32>,
        %get3A_181 = arith.constant 0 : i32
        %get3A_182 = tpu.memref_slice %arg13[%add3A_52, %get3A_181] : memref<16x128xi32, #tpu.memory_space<vmem>> -> memref<1x128xi32, #tpu.memory_space<vmem>>
        %get3A_183 = tpu.memref_squeeze %get3A_182 : memref<1x128xi32, #tpu.memory_space<vmem>> -> memref<128xi32, #tpu.memory_space<vmem>>
        %get3A_184 = arith.constant 48 : index
        %get3A_185 = tpu.vector_load %get3A_183[%get3A_184] {strides = array<i32>} : memref<128xi32, #tpu.memory_space<vmem>>, vector<16xi32>,
        %mul3A_186 = arith.constant 10000 : i32
        %mul3A_187 = vector.broadcast %mul3A_186 : i32 to vector<16xi32>
        %mul3A_188 = arith.muli %get3A_185, %mul3A_187 : vector<16xi32>
        %get3A_189 = arith.constant 0 : i32
        %get3A_190 = tpu.memref_slice %arg12[%add3A_52, %get3A_189] : memref<16x128xi32, #tpu.memory_space<vmem>> -> memref<1x128xi32, #tpu.memory_space<vmem>>
        %get3A_191 = tpu.memref_squeeze %get3A_190 : memref<1x128xi32, #tpu.memory_space<vmem>> -> memref<128xi32, #tpu.memory_space<vmem>>
        %get3A_192 = arith.constant 48 : index
        %get3A_193 = tpu.vector_load %get3A_191[%get3A_192] {strides = array<i32>} : memref<128xi32, #tpu.memory_space<vmem>>, vector<16xi32>,
        %add3A_194 = arith.addi %mul3A_188, %get3A_193 : vector<16xi32>
        %swap3A_195 = arith.constant 0 : i32
        %swap3A_196 = tpu.memref_slice %arg15[%add3A_52, %swap3A_195] : memref<16x128xi32, #tpu.memory_space<vmem>> -> memref<1x128xi32, #tpu.memory_space<vmem>>
        %swap3A_197 = tpu.memref_squeeze %swap3A_196 : memref<1x128xi32, #tpu.memory_space<vmem>> -> memref<128xi32, #tpu.memory_space<vmem>>
        %swap3A_198 = arith.constant 48 : index
        %swap3A_199 = tpu.vector_load %swap3A_197[%swap3A_198] {strides = array<i32>} : memref<128xi32, #tpu.memory_space<vmem>>, vector<16xi32>,
        tpu.vector_store %swap3A_197[%swap3A_198], %add3A_194 {strides = array<i32>} : memref<128xi32, #tpu.memory_space<vmem>>, vector<16xi32>,
        %get3A_200 = arith.constant 0 : i32
        %get3A_201 = tpu.memref_slice %arg14[%add3A_52, %get3A_200] : memref<16x128xi32, #tpu.memory_space<vmem>> -> memref<1x128xi32, #tpu.memory_space<vmem>>
        %get3A_202 = tpu.memref_squeeze %get3A_201 : memref<1x128xi32, #tpu.memory_space<vmem>> -> memref<128xi32, #tpu.memory_space<vmem>>
        %get3A_203 = arith.constant 48 : index
        %get3A_204 = tpu.vector_load %get3A_202[%get3A_203] {strides = array<i32>} : memref<128xi32, #tpu.memory_space<vmem>>, vector<16xi32>,
        %mul3A_205 = arith.constant 8 : i32
        %mul3A_206 = vector.broadcast %mul3A_205 : i32 to vector<16xi32>
        %mul3A_207 = arith.muli %get3A_204, %mul3A_206 : vector<16xi32>
        %add3A_208 = arith.addi %mul3A_207, %get3A_185 : vector<16xi32>
        %shift_right_logical3A_209 = arith.constant 7 : i32
        %shift_right_logical3A_210 = vector.broadcast %shift_right_logical3A_209 : i32 to vector<16xi32>
        %shift_right_logical3A_211 = arith.shrui %add3A_208, %shift_right_logical3A_210 : vector<16xi32>
        %swap3A_212 = arith.constant 0 : i32
        %swap3A_213 = tpu.memref_slice %arg16[%add3A_52, %swap3A_212] : memref<16x128xi32, #tpu.memory_space<vmem>> -> memref<1x128xi32, #tpu.memory_space<vmem>>
        %swap3A_214 = tpu.memref_squeeze %swap3A_213 : memref<1x128xi32, #tpu.memory_space<vmem>> -> memref<128xi32, #tpu.memory_space<vmem>>
        %swap3A_215 = arith.constant 48 : index
        %swap3A_216 = tpu.vector_load %swap3A_214[%swap3A_215] {strides = array<i32>} : memref<128xi32, #tpu.memory_space<vmem>>, vector<16xi32>,
        tpu.vector_store %swap3A_214[%swap3A_215], %shift_right_logical3A_211 {strides = array<i32>} : memref<128xi32, #tpu.memory_space<vmem>>, vector<16xi32>,
        %and3A_217 = arith.constant 127 : i32
        %and3A_218 = vector.broadcast %and3A_217 : i32 to vector<16xi32>
        %and3A_219 = arith.andi %add3A_208, %and3A_218 : vector<16xi32>
        %swap3A_220 = arith.constant 0 : i32
        %swap3A_221 = tpu.memref_slice %arg17[%add3A_52, %swap3A_220] : memref<16x128xi32, #tpu.memory_space<vmem>> -> memref<1x128xi32, #tpu.memory_space<vmem>>
        %swap3A_222 = tpu.memref_squeeze %swap3A_221 : memref<1x128xi32, #tpu.memory_space<vmem>> -> memref<128xi32, #tpu.memory_space<vmem>>
        %swap3A_223 = arith.constant 48 : index
        %swap3A_224 = tpu.vector_load %swap3A_222[%swap3A_223] {strides = array<i32>} : memref<128xi32, #tpu.memory_space<vmem>>, vector<16xi32>,
        tpu.vector_store %swap3A_222[%swap3A_223], %and3A_219 {strides = array<i32>} : memref<128xi32, #tpu.memory_space<vmem>>, vector<16xi32>,
        %get3A_225 = arith.constant 0 : i32
        %get3A_226 = tpu.memref_slice %arg13[%add3A_52, %get3A_225] : memref<16x128xi32, #tpu.memory_space<vmem>> -> memref<1x128xi32, #tpu.memory_space<vmem>>
        %get3A_227 = tpu.memref_squeeze %get3A_226 : memref<1x128xi32, #tpu.memory_space<vmem>> -> memref<128xi32, #tpu.memory_space<vmem>>
        %get3A_228 = arith.constant 64 : index
        %get3A_229 = tpu.vector_load %get3A_227[%get3A_228] {strides = array<i32>} : memref<128xi32, #tpu.memory_space<vmem>>, vector<16xi32>,
        %mul3A_230 = arith.constant 10000 : i32
        %mul3A_231 = vector.broadcast %mul3A_230 : i32 to vector<16xi32>
        %mul3A_232 = arith.muli %get3A_229, %mul3A_231 : vector<16xi32>
        %get3A_233 = arith.constant 0 : i32
        %get3A_234 = tpu.memref_slice %arg12[%add3A_52, %get3A_233] : memref<16x128xi32, #tpu.memory_space<vmem>> -> memref<1x128xi32, #tpu.memory_space<vmem>>
        %get3A_235 = tpu.memref_squeeze %get3A_234 : memref<1x128xi32, #tpu.memory_space<vmem>> -> memref<128xi32, #tpu.memory_space<vmem>>
        %get3A_236 = arith.constant 64 : index
        %get3A_237 = tpu.vector_load %get3A_235[%get3A_236] {strides = array<i32>} : memref<128xi32, #tpu.memory_space<vmem>>, vector<16xi32>,
        %add3A_238 = arith.addi %mul3A_232, %get3A_237 : vector<16xi32>
        %swap3A_239 = arith.constant 0 : i32
        %swap3A_240 = tpu.memref_slice %arg15[%add3A_52, %swap3A_239] : memref<16x128xi32, #tpu.memory_space<vmem>> -> memref<1x128xi32, #tpu.memory_space<vmem>>
        %swap3A_241 = tpu.memref_squeeze %swap3A_240 : memref<1x128xi32, #tpu.memory_space<vmem>> -> memref<128xi32, #tpu.memory_space<vmem>>
        %swap3A_242 = arith.constant 64 : index
        %swap3A_243 = tpu.vector_load %swap3A_241[%swap3A_242] {strides = array<i32>} : memref<128xi32, #tpu.memory_space<vmem>>, vector<16xi32>,
        tpu.vector_store %swap3A_241[%swap3A_242], %add3A_238 {strides = array<i32>} : memref<128xi32, #tpu.memory_space<vmem>>, vector<16xi32>,
        %get3A_244 = arith.constant 0 : i32
        %get3A_245 = tpu.memref_slice %arg14[%add3A_52, %get3A_244] : memref<16x128xi32, #tpu.memory_space<vmem>> -> memref<1x128xi32, #tpu.memory_space<vmem>>
        %get3A_246 = tpu.memref_squeeze %get3A_245 : memref<1x128xi32, #tpu.memory_space<vmem>> -> memref<128xi32, #tpu.memory_space<vmem>>
        %get3A_247 = arith.constant 64 : index
        %get3A_248 = tpu.vector_load %get3A_246[%get3A_247] {strides = array<i32>} : memref<128xi32, #tpu.memory_space<vmem>>, vector<16xi32>,
        %mul3A_249 = arith.constant 8 : i32
        %mul3A_250 = vector.broadcast %mul3A_249 : i32 to vector<16xi32>
        %mul3A_251 = arith.muli %get3A_248, %mul3A_250 : vector<16xi32>
        %add3A_252 = arith.addi %mul3A_251, %get3A_229 : vector<16xi32>
        %shift_right_logical3A_253 = arith.constant 7 : i32
        %shift_right_logical3A_254 = vector.broadcast %shift_right_logical3A_253 : i32 to vector<16xi32>
        %shift_right_logical3A_255 = arith.shrui %add3A_252, %shift_right_logical3A_254 : vector<16xi32>
        %swap3A_256 = arith.constant 0 : i32
        %swap3A_257 = tpu.memref_slice %arg16[%add3A_52, %swap3A_256] : memref<16x128xi32, #tpu.memory_space<vmem>> -> memref<1x128xi32, #tpu.memory_space<vmem>>
        %swap3A_258 = tpu.memref_squeeze %swap3A_257 : memref<1x128xi32, #tpu.memory_space<vmem>> -> memref<128xi32, #tpu.memory_space<vmem>>
        %swap3A_259 = arith.constant 64 : index
        %swap3A_260 = tpu.vector_load %swap3A_258[%swap3A_259] {strides = array<i32>} : memref<128xi32, #tpu.memory_space<vmem>>, vector<16xi32>,
        tpu.vector_store %swap3A_258[%swap3A_259], %shift_right_logical3A_255 {strides = array<i32>} : memref<128xi32, #tpu.memory_space<vmem>>, vector<16xi32>,
        %and3A_261 = arith.constant 127 : i32
        %and3A_262 = vector.broadcast %and3A_261 : i32 to vector<16xi32>
        %and3A_263 = arith.andi %add3A_252, %and3A_262 : vector<16xi32>
        %swap3A_264 = arith.constant 0 : i32
        %swap3A_265 = tpu.memref_slice %arg17[%add3A_52, %swap3A_264] : memref<16x128xi32, #tpu.memory_space<vmem>> -> memref<1x128xi32, #tpu.memory_space<vmem>>
        %swap3A_266 = tpu.memref_squeeze %swap3A_265 : memref<1x128xi32, #tpu.memory_space<vmem>> -> memref<128xi32, #tpu.memory_space<vmem>>
        %swap3A_267 = arith.constant 64 : index
        %swap3A_268 = tpu.vector_load %swap3A_266[%swap3A_267] {strides = array<i32>} : memref<128xi32, #tpu.memory_space<vmem>>, vector<16xi32>,
        tpu.vector_store %swap3A_266[%swap3A_267], %and3A_263 {strides = array<i32>} : memref<128xi32, #tpu.memory_space<vmem>>, vector<16xi32>,
        %get3A_269 = arith.constant 0 : i32
        %get3A_270 = tpu.memref_slice %arg13[%add3A_52, %get3A_269] : memref<16x128xi32, #tpu.memory_space<vmem>> -> memref<1x128xi32, #tpu.memory_space<vmem>>
        %get3A_271 = tpu.memref_squeeze %get3A_270 : memref<1x128xi32, #tpu.memory_space<vmem>> -> memref<128xi32, #tpu.memory_space<vmem>>
        %get3A_272 = arith.constant 80 : index
        %get3A_273 = tpu.vector_load %get3A_271[%get3A_272] {strides = array<i32>} : memref<128xi32, #tpu.memory_space<vmem>>, vector<16xi32>,
        %mul3A_274 = arith.constant 10000 : i32
        %mul3A_275 = vector.broadcast %mul3A_274 : i32 to vector<16xi32>
        %mul3A_276 = arith.muli %get3A_273, %mul3A_275 : vector<16xi32>
        %get3A_277 = arith.constant 0 : i32
        %get3A_278 = tpu.memref_slice %arg12[%add3A_52, %get3A_277] : memref<16x128xi32, #tpu.memory_space<vmem>> -> memref<1x128xi32, #tpu.memory_space<vmem>>
        %get3A_279 = tpu.memref_squeeze %get3A_278 : memref<1x128xi32, #tpu.memory_space<vmem>> -> memref<128xi32, #tpu.memory_space<vmem>>
        %get3A_280 = arith.constant 80 : index
        %get3A_281 = tpu.vector_load %get3A_279[%get3A_280] {strides = array<i32>} : memref<128xi32, #tpu.memory_space<vmem>>, vector<16xi32>,
        %add3A_282 = arith.addi %mul3A_276, %get3A_281 : vector<16xi32>
        %swap3A_283 = arith.constant 0 : i32
        %swap3A_284 = tpu.memref_slice %arg15[%add3A_52, %swap3A_283] : memref<16x128xi32, #tpu.memory_space<vmem>> -> memref<1x128xi32, #tpu.memory_space<vmem>>
        %swap3A_285 = tpu.memref_squeeze %swap3A_284 : memref<1x128xi32, #tpu.memory_space<vmem>> -> memref<128xi32, #tpu.memory_space<vmem>>
        %swap3A_286 = arith.constant 80 : index
        %swap3A_287 = tpu.vector_load %swap3A_285[%swap3A_286] {strides = array<i32>} : memref<128xi32, #tpu.memory_space<vmem>>, vector<16xi32>,
        tpu.vector_store %swap3A_285[%swap3A_286], %add3A_282 {strides = array<i32>} : memref<128xi32, #tpu.memory_space<vmem>>, vector<16xi32>,
        %get3A_288 = arith.constant 0 : i32
        %get3A_289 = tpu.memref_slice %arg14[%add3A_52, %get3A_288] : memref<16x128xi32, #tpu.memory_space<vmem>> -> memref<1x128xi32, #tpu.memory_space<vmem>>
        %get3A_290 = tpu.memref_squeeze %get3A_289 : memref<1x128xi32, #tpu.memory_space<vmem>> -> memref<128xi32, #tpu.memory_space<vmem>>
        %get3A_291 = arith.constant 80 : index
        %get3A_292 = tpu.vector_load %get3A_290[%get3A_291] {strides = array<i32>} : memref<128xi32, #tpu.memory_space<vmem>>, vector<16xi32>,
        %mul3A_293 = arith.constant 8 : i32
        %mul3A_294 = vector.broadcast %mul3A_293 : i32 to vector<16xi32>
        %mul3A_295 = arith.muli %get3A_292, %mul3A_294 : vector<16xi32>
        %add3A_296 = arith.addi %mul3A_295, %get3A_273 : vector<16xi32>
        %shift_right_logical3A_297 = arith.constant 7 : i32
        %shift_right_logical3A_298 = vector.broadcast %shift_right_logical3A_297 : i32 to vector<16xi32>
        %shift_right_logical3A_299 = arith.shrui %add3A_296, %shift_right_logical3A_298 : vector<16xi32>
        %swap3A_300 = arith.constant 0 : i32
        %swap3A_301 = tpu.memref_slice %arg16[%add3A_52, %swap3A_300] : memref<16x128xi32, #tpu.memory_space<vmem>> -> memref<1x128xi32, #tpu.memory_space<vmem>>
        %swap3A_302 = tpu.memref_squeeze %swap3A_301 : memref<1x128xi32, #tpu.memory_space<vmem>> -> memref<128xi32, #tpu.memory_space<vmem>>
        %swap3A_303 = arith.constant 80 : index
        %swap3A_304 = tpu.vector_load %swap3A_302[%swap3A_303] {strides = array<i32>} : memref<128xi32, #tpu.memory_space<vmem>>, vector<16xi32>,
        tpu.vector_store %swap3A_302[%swap3A_303], %shift_right_logical3A_299 {strides = array<i32>} : memref<128xi32, #tpu.memory_space<vmem>>, vector<16xi32>,
        %and3A_305 = arith.constant 127 : i32
        %and3A_306 = vector.broadcast %and3A_305 : i32 to vector<16xi32>
        %and3A_307 = arith.andi %add3A_296, %and3A_306 : vector<16xi32>
        %swap3A_308 = arith.constant 0 : i32
        %swap3A_309 = tpu.memref_slice %arg17[%add3A_52, %swap3A_308] : memref<16x128xi32, #tpu.memory_space<vmem>> -> memref<1x128xi32, #tpu.memory_space<vmem>>
        %swap3A_310 = tpu.memref_squeeze %swap3A_309 : memref<1x128xi32, #tpu.memory_space<vmem>> -> memref<128xi32, #tpu.memory_space<vmem>>
        %swap3A_311 = arith.constant 80 : index
        %swap3A_312 = tpu.vector_load %swap3A_310[%swap3A_311] {strides = array<i32>} : memref<128xi32, #tpu.memory_space<vmem>>, vector<16xi32>,
        tpu.vector_store %swap3A_310[%swap3A_311], %and3A_307 {strides = array<i32>} : memref<128xi32, #tpu.memory_space<vmem>>, vector<16xi32>,
        %get3A_313 = arith.constant 0 : i32
        %get3A_314 = tpu.memref_slice %arg13[%add3A_52, %get3A_313] : memref<16x128xi32, #tpu.memory_space<vmem>> -> memref<1x128xi32, #tpu.memory_space<vmem>>
        %get3A_315 = tpu.memref_squeeze %get3A_314 : memref<1x128xi32, #tpu.memory_space<vmem>> -> memref<128xi32, #tpu.memory_space<vmem>>
        %get3A_316 = arith.constant 96 : index
        %get3A_317 = tpu.vector_load %get3A_315[%get3A_316] {strides = array<i32>} : memref<128xi32, #tpu.memory_space<vmem>>, vector<16xi32>,
        %mul3A_318 = arith.constant 10000 : i32
        %mul3A_319 = vector.broadcast %mul3A_318 : i32 to vector<16xi32>
        %mul3A_320 = arith.muli %get3A_317, %mul3A_319 : vector<16xi32>
        %get3A_321 = arith.constant 0 : i32
        %get3A_322 = tpu.memref_slice %arg12[%add3A_52, %get3A_321] : memref<16x128xi32, #tpu.memory_space<vmem>> -> memref<1x128xi32, #tpu.memory_space<vmem>>
        %get3A_323 = tpu.memref_squeeze %get3A_322 : memref<1x128xi32, #tpu.memory_space<vmem>> -> memref<128xi32, #tpu.memory_space<vmem>>
        %get3A_324 = arith.constant 96 : index
        %get3A_325 = tpu.vector_load %get3A_323[%get3A_324] {strides = array<i32>} : memref<128xi32, #tpu.memory_space<vmem>>, vector<16xi32>,
        %add3A_326 = arith.addi %mul3A_320, %get3A_325 : vector<16xi32>
        %swap3A_327 = arith.constant 0 : i32
        %swap3A_328 = tpu.memref_slice %arg15[%add3A_52, %swap3A_327] : memref<16x128xi32, #tpu.memory_space<vmem>> -> memref<1x128xi32, #tpu.memory_space<vmem>>
        %swap3A_329 = tpu.memref_squeeze %swap3A_328 : memref<1x128xi32, #tpu.memory_space<vmem>> -> memref<128xi32, #tpu.memory_space<vmem>>
        %swap3A_330 = arith.constant 96 : index
        %swap3A_331 = tpu.vector_load %swap3A_329[%swap3A_330] {strides = array<i32>} : memref<128xi32, #tpu.memory_space<vmem>>, vector<16xi32>,
        tpu.vector_store %swap3A_329[%swap3A_330], %add3A_326 {strides = array<i32>} : memref<128xi32, #tpu.memory_space<vmem>>, vector<16xi32>,
        %get3A_332 = arith.constant 0 : i32
        %get3A_333 = tpu.memref_slice %arg14[%add3A_52, %get3A_332] : memref<16x128xi32, #tpu.memory_space<vmem>> -> memref<1x128xi32, #tpu.memory_space<vmem>>
        %get3A_334 = tpu.memref_squeeze %get3A_333 : memref<1x128xi32, #tpu.memory_space<vmem>> -> memref<128xi32, #tpu.memory_space<vmem>>
        %get3A_335 = arith.constant 96 : index
        %get3A_336 = tpu.vector_load %get3A_334[%get3A_335] {strides = array<i32>} : memref<128xi32, #tpu.memory_space<vmem>>, vector<16xi32>,
        %mul3A_337 = arith.constant 8 : i32
        %mul3A_338 = vector.broadcast %mul3A_337 : i32 to vector<16xi32>
        %mul3A_339 = arith.muli %get3A_336, %mul3A_338 : vector<16xi32>
        %add3A_340 = arith.addi %mul3A_339, %get3A_317 : vector<16xi32>
        %shift_right_logical3A_341 = arith.constant 7 : i32
        %shift_right_logical3A_342 = vector.broadcast %shift_right_logical3A_341 : i32 to vector<16xi32>
        %shift_right_logical3A_343 = arith.shrui %add3A_340, %shift_right_logical3A_342 : vector<16xi32>
        %swap3A_344 = arith.constant 0 : i32
        %swap3A_345 = tpu.memref_slice %arg16[%add3A_52, %swap3A_344] : memref<16x128xi32, #tpu.memory_space<vmem>> -> memref<1x128xi32, #tpu.memory_space<vmem>>
        %swap3A_346 = tpu.memref_squeeze %swap3A_345 : memref<1x128xi32, #tpu.memory_space<vmem>> -> memref<128xi32, #tpu.memory_space<vmem>>
        %swap3A_347 = arith.constant 96 : index
        %swap3A_348 = tpu.vector_load %swap3A_346[%swap3A_347] {strides = array<i32>} : memref<128xi32, #tpu.memory_space<vmem>>, vector<16xi32>,
        tpu.vector_store %swap3A_346[%swap3A_347], %shift_right_logical3A_343 {strides = array<i32>} : memref<128xi32, #tpu.memory_space<vmem>>, vector<16xi32>,
        %and3A_349 = arith.constant 127 : i32
        %and3A_350 = vector.broadcast %and3A_349 : i32 to vector<16xi32>
        %and3A_351 = arith.andi %add3A_340, %and3A_350 : vector<16xi32>
        %swap3A_352 = arith.constant 0 : i32
        %swap3A_353 = tpu.memref_slice %arg17[%add3A_52, %swap3A_352] : memref<16x128xi32, #tpu.memory_space<vmem>> -> memref<1x128xi32, #tpu.memory_space<vmem>>
        %swap3A_354 = tpu.memref_squeeze %swap3A_353 : memref<1x128xi32, #tpu.memory_space<vmem>> -> memref<128xi32, #tpu.memory_space<vmem>>
        %swap3A_355 = arith.constant 96 : index
        %swap3A_356 = tpu.vector_load %swap3A_354[%swap3A_355] {strides = array<i32>} : memref<128xi32, #tpu.memory_space<vmem>>, vector<16xi32>,
        tpu.vector_store %swap3A_354[%swap3A_355], %and3A_351 {strides = array<i32>} : memref<128xi32, #tpu.memory_space<vmem>>, vector<16xi32>,
        %get3A_357 = arith.constant 0 : i32
        %get3A_358 = tpu.memref_slice %arg13[%add3A_52, %get3A_357] : memref<16x128xi32, #tpu.memory_space<vmem>> -> memref<1x128xi32, #tpu.memory_space<vmem>>
        %get3A_359 = tpu.memref_squeeze %get3A_358 : memref<1x128xi32, #tpu.memory_space<vmem>> -> memref<128xi32, #tpu.memory_space<vmem>>
        %get3A_360 = arith.constant 112 : index
        %get3A_361 = tpu.vector_load %get3A_359[%get3A_360] {strides = array<i32>} : memref<128xi32, #tpu.memory_space<vmem>>, vector<16xi32>,
        %mul3A_362 = arith.constant 10000 : i32
        %mul3A_363 = vector.broadcast %mul3A_362 : i32 to vector<16xi32>
        %mul3A_364 = arith.muli %get3A_361, %mul3A_363 : vector<16xi32>
        %get3A_365 = arith.constant 0 : i32
        %get3A_366 = tpu.memref_slice %arg12[%add3A_52, %get3A_365] : memref<16x128xi32, #tpu.memory_space<vmem>> -> memref<1x128xi32, #tpu.memory_space<vmem>>
        %get3A_367 = tpu.memref_squeeze %get3A_366 : memref<1x128xi32, #tpu.memory_space<vmem>> -> memref<128xi32, #tpu.memory_space<vmem>>
        %get3A_368 = arith.constant 112 : index
        %get3A_369 = tpu.vector_load %get3A_367[%get3A_368] {strides = array<i32>} : memref<128xi32, #tpu.memory_space<vmem>>, vector<16xi32>,
        %add3A_370 = arith.addi %mul3A_364, %get3A_369 : vector<16xi32>
        %swap3A_371 = arith.constant 0 : i32
        %swap3A_372 = tpu.memref_slice %arg15[%add3A_52, %swap3A_371] : memref<16x128xi32, #tpu.memory_space<vmem>> -> memref<1x128xi32, #tpu.memory_space<vmem>>
        %swap3A_373 = tpu.memref_squeeze %swap3A_372 : memref<1x128xi32, #tpu.memory_space<vmem>> -> memref<128xi32, #tpu.memory_space<vmem>>
        %swap3A_374 = arith.constant 112 : index
        %swap3A_375 = tpu.vector_load %swap3A_373[%swap3A_374] {strides = array<i32>} : memref<128xi32, #tpu.memory_space<vmem>>, vector<16xi32>,
        tpu.vector_store %swap3A_373[%swap3A_374], %add3A_370 {strides = array<i32>} : memref<128xi32, #tpu.memory_space<vmem>>, vector<16xi32>,
        %get3A_376 = arith.constant 0 : i32
        %get3A_377 = tpu.memref_slice %arg14[%add3A_52, %get3A_376] : memref<16x128xi32, #tpu.memory_space<vmem>> -> memref<1x128xi32, #tpu.memory_space<vmem>>
        %get3A_378 = tpu.memref_squeeze %get3A_377 : memref<1x128xi32, #tpu.memory_space<vmem>> -> memref<128xi32, #tpu.memory_space<vmem>>
        %get3A_379 = arith.constant 112 : index
        %get3A_380 = tpu.vector_load %get3A_378[%get3A_379] {strides = array<i32>} : memref<128xi32, #tpu.memory_space<vmem>>, vector<16xi32>,
        %mul3A_381 = arith.constant 8 : i32
        %mul3A_382 = vector.broadcast %mul3A_381 : i32 to vector<16xi32>
        %mul3A_383 = arith.muli %get3A_380, %mul3A_382 : vector<16xi32>
        %add3A_384 = arith.addi %mul3A_383, %get3A_361 : vector<16xi32>
        %shift_right_logical3A_385 = arith.constant 7 : i32
        %shift_right_logical3A_386 = vector.broadcast %shift_right_logical3A_385 : i32 to vector<16xi32>
        %shift_right_logical3A_387 = arith.shrui %add3A_384, %shift_right_logical3A_386 : vector<16xi32>
        %swap3A_388 = arith.constant 0 : i32
        %swap3A_389 = tpu.memref_slice %arg16[%add3A_52, %swap3A_388] : memref<16x128xi32, #tpu.memory_space<vmem>> -> memref<1x128xi32, #tpu.memory_space<vmem>>
        %swap3A_390 = tpu.memref_squeeze %swap3A_389 : memref<1x128xi32, #tpu.memory_space<vmem>> -> memref<128xi32, #tpu.memory_space<vmem>>
        %swap3A_391 = arith.constant 112 : index
        %swap3A_392 = tpu.vector_load %swap3A_390[%swap3A_391] {strides = array<i32>} : memref<128xi32, #tpu.memory_space<vmem>>, vector<16xi32>,
        tpu.vector_store %swap3A_390[%swap3A_391], %shift_right_logical3A_387 {strides = array<i32>} : memref<128xi32, #tpu.memory_space<vmem>>, vector<16xi32>,
        %and3A_393 = arith.constant 127 : i32
        %and3A_394 = vector.broadcast %and3A_393 : i32 to vector<16xi32>
        %and3A_395 = arith.andi %add3A_384, %and3A_394 : vector<16xi32>
        %swap3A_396 = arith.constant 0 : i32
        %swap3A_397 = tpu.memref_slice %arg17[%add3A_52, %swap3A_396] : memref<16x128xi32, #tpu.memory_space<vmem>> -> memref<1x128xi32, #tpu.memory_space<vmem>>
        %swap3A_398 = tpu.memref_squeeze %swap3A_397 : memref<1x128xi32, #tpu.memory_space<vmem>> -> memref<128xi32, #tpu.memory_space<vmem>>
        %swap3A_399 = arith.constant 112 : index
        %swap3A_400 = tpu.vector_load %swap3A_398[%swap3A_399] {strides = array<i32>} : memref<128xi32, #tpu.memory_space<vmem>>, vector<16xi32>,
        tpu.vector_store %swap3A_398[%swap3A_399], %and3A_395 {strides = array<i32>} : memref<128xi32, #tpu.memory_space<vmem>>, vector<16xi32>,
      }
      %scan3A_42 = arith.constant 16 : i32
      %scan3A_43 = arith.constant 0 : i32
      %scan3A_44 = arith.constant 16 : i32
      %scan3A_45 = arith.addi %scan3A_43, %scan3A_44 : i32
      %scan3A_46 = arith.constant 1 : i32
      scf.for %scan3A_48 = %scan3A_43 to %scan3A_45 step %scan3A_46  : i32 {
        %mul3A_49 = arith.constant 1 : i32
        %mul3A_50 = arith.muli %scan3A_48, %mul3A_49 : i32
        %add3A_51 = arith.constant 0 : i32
        %add3A_52 = arith.addi %add3A_51, %mul3A_50 : i32
        "tpu.region"() ({
          %run_scoped3A = tpu.sem_alloc : memref<!tpu.dma_semaphore, #tpu.memory_space<semaphore_mem>>
          %dma_start3A = arith.constant 0 : i32
          %dma_start3A_58 = tpu.memref_slice %arg15[%add3A_52, %dma_start3A] : memref<16x128xi32, #tpu.memory_space<vmem>> -> memref<1x128xi32, #tpu.memory_space<vmem>>
          %dma_start3A_59 = tpu.memref_squeeze %dma_start3A_58 : memref<1x128xi32, #tpu.memory_space<vmem>> -> memref<128xi32, #tpu.memory_space<vmem>>
          %dma_start3A_60 = arith.constant 0 : i32
          %dma_start3A_61 = arith.constant 0 : i32
          %dma_start3A_62 = tpu.memref_slice %arg5[%dma_start3A_60, %dma_start3A_61] : memref<80000x128xf32, #tpu.memory_space<hbm>> -> memref<80000x128xf32, #tpu.memory_space<hbm>>
          tpu.enqueue_indirect_dma source(%dma_start3A_62 : memref<80000x128xf32, #tpu.memory_space<hbm>>) target(%arg10 : memref<128x128xf32, #tpu.memory_space<vmem>>) offsets(%dma_start3A_59 : memref<128xi32, #tpu.memory_space<vmem>>) semaphore(%run_scoped3A : memref<!tpu.dma_semaphore, #tpu.memory_space<semaphore_mem>>)
          %dma_wait3A = arith.constant 0 : i32
          %dma_wait3A_63 = tpu.memref_slice %arg15[%add3A_52, %dma_wait3A] : memref<16x128xi32, #tpu.memory_space<vmem>> -> memref<1x128xi32, #tpu.memory_space<vmem>>
          %dma_wait3A_64 = tpu.memref_squeeze %dma_wait3A_63 : memref<1x128xi32, #tpu.memory_space<vmem>> -> memref<128xi32, #tpu.memory_space<vmem>>
          %dma_wait3A_65 = arith.constant 0 : i32
          %dma_wait3A_66 = arith.constant 0 : i32
          %dma_wait3A_67 = tpu.memref_slice %arg5[%dma_wait3A_65, %dma_wait3A_66] : memref<80000x128xf32, #tpu.memory_space<hbm>> -> memref<80000x128xf32, #tpu.memory_space<hbm>>
          tpu.wait_indirect_dma semaphore(%run_scoped3A : memref<!tpu.dma_semaphore, #tpu.memory_space<semaphore_mem>>) src(%dma_wait3A_67 : memref<80000x128xf32, #tpu.memory_space<hbm>>) dst(%arg10 : memref<128x128xf32, #tpu.memory_space<vmem>>)
          tpu.yield
        }) : () -> ()
        "tpu.region"() ({
          %run_scoped3A = tpu.sem_alloc : memref<!tpu.dma_semaphore, #tpu.memory_space<semaphore_mem>>
          %dma_start3A = arith.constant 0 : i32
          %dma_start3A_58 = tpu.memref_slice %arg16[%add3A_52, %dma_start3A] : memref<16x128xi32, #tpu.memory_space<vmem>> -> memref<1x128xi32, #tpu.memory_space<vmem>>
          %dma_start3A_59 = tpu.memref_squeeze %dma_start3A_58 : memref<1x128xi32, #tpu.memory_space<vmem>> -> memref<128xi32, #tpu.memory_space<vmem>>
          %dma_start3A_60 = arith.constant 0 : i32
          %dma_start3A_61 = arith.constant 0 : i32
          %dma_start3A_62 = tpu.memref_slice %arg9[%dma_start3A_60, %dma_start3A_61] : memref<640x128xf32, #tpu.memory_space<vmem_shared>> -> memref<640x128xf32, #tpu.memory_space<vmem_shared>>
          tpu.enqueue_indirect_dma source(%dma_start3A_62 : memref<640x128xf32, #tpu.memory_space<vmem_shared>>) target(%arg11 : memref<128x128xf32, #tpu.memory_space<vmem>>) offsets(%dma_start3A_59 : memref<128xi32, #tpu.memory_space<vmem>>) semaphore(%run_scoped3A : memref<!tpu.dma_semaphore, #tpu.memory_space<semaphore_mem>>)
          %dma_wait3A = arith.constant 0 : i32
          %dma_wait3A_63 = tpu.memref_slice %arg16[%add3A_52, %dma_wait3A] : memref<16x128xi32, #tpu.memory_space<vmem>> -> memref<1x128xi32, #tpu.memory_space<vmem>>
          %dma_wait3A_64 = tpu.memref_squeeze %dma_wait3A_63 : memref<1x128xi32, #tpu.memory_space<vmem>> -> memref<128xi32, #tpu.memory_space<vmem>>
          %dma_wait3A_65 = arith.constant 0 : i32
          %dma_wait3A_66 = arith.constant 0 : i32
          %dma_wait3A_67 = tpu.memref_slice %arg9[%dma_wait3A_65, %dma_wait3A_66] : memref<640x128xf32, #tpu.memory_space<vmem_shared>> -> memref<640x128xf32, #tpu.memory_space<vmem_shared>>
          tpu.wait_indirect_dma semaphore(%run_scoped3A : memref<!tpu.dma_semaphore, #tpu.memory_space<semaphore_mem>>) src(%dma_wait3A_67 : memref<640x128xf32, #tpu.memory_space<vmem_shared>>) dst(%arg11 : memref<128x128xf32, #tpu.memory_space<vmem>>)
          tpu.yield
        }) : () -> ()
        %scan3A_53 = arith.constant 0 : i32
        %scan3A_54 = arith.constant 8 : i32
        %scan3A_55 = arith.addi %scan3A_53, %scan3A_54 : i32
        %scan3A_56 = arith.constant 1 : i32
        scf.for %scan3A_58 = %scan3A_53 to %scan3A_55 step %scan3A_56  : i32 {
          %mul3A_59 = arith.constant 1 : i32
          %mul3A_60 = arith.muli %scan3A_58, %mul3A_59 : i32
          %add3A_61 = arith.constant 0 : i32
          %add3A_62 = arith.addi %add3A_61, %mul3A_60 : i32
          %mul3A_63 = arith.constant 16 : i32
          %mul3A_64 = arith.muli %add3A_62, %mul3A_63 : i32
          %get3A = arith.constant 0 : i32
          %get3A_65 = tpu.memref_slice %arg17[%add3A_52, %get3A] : memref<16x128xi32, #tpu.memory_space<vmem>> -> memref<1x128xi32, #tpu.memory_space<vmem>>
          %get3A_66 = tpu.memref_squeeze %get3A_65 : memref<1x128xi32, #tpu.memory_space<vmem>> -> memref<128xi32, #tpu.memory_space<vmem>>
          %get3A_67 = arith.index_cast %mul3A_64 : i32 to index
          %get3A_68 = tpu.vector_load %get3A_66[%get3A_67] {strides = array<i32>} : memref<128xi32, #tpu.memory_space<vmem>>, vector<16xi32>,
          %mul3A_69 = arith.constant 16 : i32
          %mul3A_70 = arith.muli %add3A_62, %mul3A_69 : i32
          %add3A_71 = vector.broadcast %mul3A_70 : i32 to vector<16xi32>
          %add3A_72 = arith.addi %add3A_71, %iota3A : vector<16xi32>
          %gather3A = tpu.vector_load_idx %arg11[%add3A_72, %get3A_68] : memref<128x128xf32, #tpu.memory_space<vmem>>[vector<16xi32>, vector<16xi32>], vector<16xf32>,
          %scan3A_73 = arith.constant 0 : i32
          %scan3A_74 = arith.constant 16 : i32
          %scan3A_75 = arith.addi %scan3A_73, %scan3A_74 : i32
          %scan3A_76 = arith.constant 1 : i32
          scf.for %scan3A_78 = %scan3A_73 to %scan3A_75 step %scan3A_76  : i32 {
            %mul3A_79 = arith.constant 1 : i32
            %mul3A_80 = arith.muli %scan3A_78, %mul3A_79 : i32
            %add3A_81 = arith.constant 0 : i32
            %add3A_82 = arith.addi %add3A_81, %mul3A_80 : i32
            %broadcast_in_dim3A = vector.broadcast %add3A_82 : i32 to vector<16xi32>
            %broadcast_in_dim3A_83 = vector.shape_cast %broadcast_in_dim3A : vector<16xi32> to vector<16x1xi32>
            %gather3A_84 = vector.shape_cast %broadcast_in_dim3A_83 : vector<16x1xi32> to vector<16xi32>
            %gather3A_85 = tpu.dynamic_gather %gather3A[%gather3A_84] in [0] : vector<16xf32>, vector<16xi32> -> vector<16xf32>
            %mul3A_86 = arith.constant 16 : i32
            %mul3A_87 = arith.muli %add3A_62, %mul3A_86 : i32
            %add3A_88 = arith.addi %mul3A_87, %add3A_82 : i32
            %get3A_89 = arith.constant 0 : i32
            %get3A_90 = tpu.memref_slice %arg10[%add3A_88, %get3A_89] : memref<128x128xf32, #tpu.memory_space<vmem>> -> memref<1x128xf32, #tpu.memory_space<vmem>>
            %get3A_91 = tpu.memref_squeeze %get3A_90 : memref<1x128xf32, #tpu.memory_space<vmem>> -> memref<128xf32, #tpu.memory_space<vmem>>
            %get3A_92 = arith.constant 0 : index
            %get3A_93 = tpu.vector_load %get3A_91[%get3A_92] {strides = array<i32>} : memref<128xf32, #tpu.memory_space<vmem>>, vector<16xf32>,
            %mul3A_94 = arith.mulf %get3A_93, %gather3A_85 : vector<16xf32>
            %swap3A = arith.constant 0 : i32
            %swap3A_95 = tpu.memref_slice %arg10[%add3A_88, %swap3A] : memref<128x128xf32, #tpu.memory_space<vmem>> -> memref<1x128xf32, #tpu.memory_space<vmem>>
            %swap3A_96 = tpu.memref_squeeze %swap3A_95 : memref<1x128xf32, #tpu.memory_space<vmem>> -> memref<128xf32, #tpu.memory_space<vmem>>
            %swap3A_97 = arith.constant 0 : index
            %swap3A_98 = tpu.vector_load %swap3A_96[%swap3A_97] {strides = array<i32>} : memref<128xf32, #tpu.memory_space<vmem>>, vector<16xf32>,
            tpu.vector_store %swap3A_96[%swap3A_97], %mul3A_94 {strides = array<i32>} : memref<128xf32, #tpu.memory_space<vmem>>, vector<16xf32>,
            %get3A_99 = arith.constant 0 : i32
            %get3A_100 = tpu.memref_slice %arg10[%add3A_88, %get3A_99] : memref<128x128xf32, #tpu.memory_space<vmem>> -> memref<1x128xf32, #tpu.memory_space<vmem>>
            %get3A_101 = tpu.memref_squeeze %get3A_100 : memref<1x128xf32, #tpu.memory_space<vmem>> -> memref<128xf32, #tpu.memory_space<vmem>>
            %get3A_102 = arith.constant 16 : index
            %get3A_103 = tpu.vector_load %get3A_101[%get3A_102] {strides = array<i32>} : memref<128xf32, #tpu.memory_space<vmem>>, vector<16xf32>,
            %mul3A_104 = arith.mulf %get3A_103, %gather3A_85 : vector<16xf32>
            %swap3A_105 = arith.constant 0 : i32
            %swap3A_106 = tpu.memref_slice %arg10[%add3A_88, %swap3A_105] : memref<128x128xf32, #tpu.memory_space<vmem>> -> memref<1x128xf32, #tpu.memory_space<vmem>>
            %swap3A_107 = tpu.memref_squeeze %swap3A_106 : memref<1x128xf32, #tpu.memory_space<vmem>> -> memref<128xf32, #tpu.memory_space<vmem>>
            %swap3A_108 = arith.constant 16 : index
            %swap3A_109 = tpu.vector_load %swap3A_107[%swap3A_108] {strides = array<i32>} : memref<128xf32, #tpu.memory_space<vmem>>, vector<16xf32>,
            tpu.vector_store %swap3A_107[%swap3A_108], %mul3A_104 {strides = array<i32>} : memref<128xf32, #tpu.memory_space<vmem>>, vector<16xf32>,
            %get3A_110 = arith.constant 0 : i32
            %get3A_111 = tpu.memref_slice %arg10[%add3A_88, %get3A_110] : memref<128x128xf32, #tpu.memory_space<vmem>> -> memref<1x128xf32, #tpu.memory_space<vmem>>
            %get3A_112 = tpu.memref_squeeze %get3A_111 : memref<1x128xf32, #tpu.memory_space<vmem>> -> memref<128xf32, #tpu.memory_space<vmem>>
            %get3A_113 = arith.constant 32 : index
            %get3A_114 = tpu.vector_load %get3A_112[%get3A_113] {strides = array<i32>} : memref<128xf32, #tpu.memory_space<vmem>>, vector<16xf32>,
            %mul3A_115 = arith.mulf %get3A_114, %gather3A_85 : vector<16xf32>
            %swap3A_116 = arith.constant 0 : i32
            %swap3A_117 = tpu.memref_slice %arg10[%add3A_88, %swap3A_116] : memref<128x128xf32, #tpu.memory_space<vmem>> -> memref<1x128xf32, #tpu.memory_space<vmem>>
            %swap3A_118 = tpu.memref_squeeze %swap3A_117 : memref<1x128xf32, #tpu.memory_space<vmem>> -> memref<128xf32, #tpu.memory_space<vmem>>
            %swap3A_119 = arith.constant 32 : index
            %swap3A_120 = tpu.vector_load %swap3A_118[%swap3A_119] {strides = array<i32>} : memref<128xf32, #tpu.memory_space<vmem>>, vector<16xf32>,
            tpu.vector_store %swap3A_118[%swap3A_119], %mul3A_115 {strides = array<i32>} : memref<128xf32, #tpu.memory_space<vmem>>, vector<16xf32>,
            %get3A_121 = arith.constant 0 : i32
            %get3A_122 = tpu.memref_slice %arg10[%add3A_88, %get3A_121] : memref<128x128xf32, #tpu.memory_space<vmem>> -> memref<1x128xf32, #tpu.memory_space<vmem>>
            %get3A_123 = tpu.memref_squeeze %get3A_122 : memref<1x128xf32, #tpu.memory_space<vmem>> -> memref<128xf32, #tpu.memory_space<vmem>>
            %get3A_124 = arith.constant 48 : index
            %get3A_125 = tpu.vector_load %get3A_123[%get3A_124] {strides = array<i32>} : memref<128xf32, #tpu.memory_space<vmem>>, vector<16xf32>,
            %mul3A_126 = arith.mulf %get3A_125, %gather3A_85 : vector<16xf32>
            %swap3A_127 = arith.constant 0 : i32
            %swap3A_128 = tpu.memref_slice %arg10[%add3A_88, %swap3A_127] : memref<128x128xf32, #tpu.memory_space<vmem>> -> memref<1x128xf32, #tpu.memory_space<vmem>>
            %swap3A_129 = tpu.memref_squeeze %swap3A_128 : memref<1x128xf32, #tpu.memory_space<vmem>> -> memref<128xf32, #tpu.memory_space<vmem>>
            %swap3A_130 = arith.constant 48 : index
            %swap3A_131 = tpu.vector_load %swap3A_129[%swap3A_130] {strides = array<i32>} : memref<128xf32, #tpu.memory_space<vmem>>, vector<16xf32>,
            tpu.vector_store %swap3A_129[%swap3A_130], %mul3A_126 {strides = array<i32>} : memref<128xf32, #tpu.memory_space<vmem>>, vector<16xf32>,
            %get3A_132 = arith.constant 0 : i32
            %get3A_133 = tpu.memref_slice %arg10[%add3A_88, %get3A_132] : memref<128x128xf32, #tpu.memory_space<vmem>> -> memref<1x128xf32, #tpu.memory_space<vmem>>
            %get3A_134 = tpu.memref_squeeze %get3A_133 : memref<1x128xf32, #tpu.memory_space<vmem>> -> memref<128xf32, #tpu.memory_space<vmem>>
            %get3A_135 = arith.constant 64 : index
            %get3A_136 = tpu.vector_load %get3A_134[%get3A_135] {strides = array<i32>} : memref<128xf32, #tpu.memory_space<vmem>>, vector<16xf32>,
            %mul3A_137 = arith.mulf %get3A_136, %gather3A_85 : vector<16xf32>
            %swap3A_138 = arith.constant 0 : i32
            %swap3A_139 = tpu.memref_slice %arg10[%add3A_88, %swap3A_138] : memref<128x128xf32, #tpu.memory_space<vmem>> -> memref<1x128xf32, #tpu.memory_space<vmem>>
            %swap3A_140 = tpu.memref_squeeze %swap3A_139 : memref<1x128xf32, #tpu.memory_space<vmem>> -> memref<128xf32, #tpu.memory_space<vmem>>
            %swap3A_141 = arith.constant 64 : index
            %swap3A_142 = tpu.vector_load %swap3A_140[%swap3A_141] {strides = array<i32>} : memref<128xf32, #tpu.memory_space<vmem>>, vector<16xf32>,
            tpu.vector_store %swap3A_140[%swap3A_141], %mul3A_137 {strides = array<i32>} : memref<128xf32, #tpu.memory_space<vmem>>, vector<16xf32>,
            %get3A_143 = arith.constant 0 : i32
            %get3A_144 = tpu.memref_slice %arg10[%add3A_88, %get3A_143] : memref<128x128xf32, #tpu.memory_space<vmem>> -> memref<1x128xf32, #tpu.memory_space<vmem>>
            %get3A_145 = tpu.memref_squeeze %get3A_144 : memref<1x128xf32, #tpu.memory_space<vmem>> -> memref<128xf32, #tpu.memory_space<vmem>>
            %get3A_146 = arith.constant 80 : index
            %get3A_147 = tpu.vector_load %get3A_145[%get3A_146] {strides = array<i32>} : memref<128xf32, #tpu.memory_space<vmem>>, vector<16xf32>,
            %mul3A_148 = arith.mulf %get3A_147, %gather3A_85 : vector<16xf32>
            %swap3A_149 = arith.constant 0 : i32
            %swap3A_150 = tpu.memref_slice %arg10[%add3A_88, %swap3A_149] : memref<128x128xf32, #tpu.memory_space<vmem>> -> memref<1x128xf32, #tpu.memory_space<vmem>>
            %swap3A_151 = tpu.memref_squeeze %swap3A_150 : memref<1x128xf32, #tpu.memory_space<vmem>> -> memref<128xf32, #tpu.memory_space<vmem>>
            %swap3A_152 = arith.constant 80 : index
            %swap3A_153 = tpu.vector_load %swap3A_151[%swap3A_152] {strides = array<i32>} : memref<128xf32, #tpu.memory_space<vmem>>, vector<16xf32>,
            tpu.vector_store %swap3A_151[%swap3A_152], %mul3A_148 {strides = array<i32>} : memref<128xf32, #tpu.memory_space<vmem>>, vector<16xf32>,
            %get3A_154 = arith.constant 0 : i32
            %get3A_155 = tpu.memref_slice %arg10[%add3A_88, %get3A_154] : memref<128x128xf32, #tpu.memory_space<vmem>> -> memref<1x128xf32, #tpu.memory_space<vmem>>
            %get3A_156 = tpu.memref_squeeze %get3A_155 : memref<1x128xf32, #tpu.memory_space<vmem>> -> memref<128xf32, #tpu.memory_space<vmem>>
            %get3A_157 = arith.constant 96 : index
            %get3A_158 = tpu.vector_load %get3A_156[%get3A_157] {strides = array<i32>} : memref<128xf32, #tpu.memory_space<vmem>>, vector<16xf32>,
            %mul3A_159 = arith.mulf %get3A_158, %gather3A_85 : vector<16xf32>
            %swap3A_160 = arith.constant 0 : i32
            %swap3A_161 = tpu.memref_slice %arg10[%add3A_88, %swap3A_160] : memref<128x128xf32, #tpu.memory_space<vmem>> -> memref<1x128xf32, #tpu.memory_space<vmem>>
            %swap3A_162 = tpu.memref_squeeze %swap3A_161 : memref<1x128xf32, #tpu.memory_space<vmem>> -> memref<128xf32, #tpu.memory_space<vmem>>
            %swap3A_163 = arith.constant 96 : index
            %swap3A_164 = tpu.vector_load %swap3A_162[%swap3A_163] {strides = array<i32>} : memref<128xf32, #tpu.memory_space<vmem>>, vector<16xf32>,
            tpu.vector_store %swap3A_162[%swap3A_163], %mul3A_159 {strides = array<i32>} : memref<128xf32, #tpu.memory_space<vmem>>, vector<16xf32>,
            %get3A_165 = arith.constant 0 : i32
            %get3A_166 = tpu.memref_slice %arg10[%add3A_88, %get3A_165] : memref<128x128xf32, #tpu.memory_space<vmem>> -> memref<1x128xf32, #tpu.memory_space<vmem>>
            %get3A_167 = tpu.memref_squeeze %get3A_166 : memref<1x128xf32, #tpu.memory_space<vmem>> -> memref<128xf32, #tpu.memory_space<vmem>>
            %get3A_168 = arith.constant 112 : index
            %get3A_169 = tpu.vector_load %get3A_167[%get3A_168] {strides = array<i32>} : memref<128xf32, #tpu.memory_space<vmem>>, vector<16xf32>,
            %mul3A_170 = arith.mulf %get3A_169, %gather3A_85 : vector<16xf32>
            %swap3A_171 = arith.constant 0 : i32
            %swap3A_172 = tpu.memref_slice %arg10[%add3A_88, %swap3A_171] : memref<128x128xf32, #tpu.memory_space<vmem>> -> memref<1x128xf32, #tpu.memory_space<vmem>>
            %swap3A_173 = tpu.memref_squeeze %swap3A_172 : memref<1x128xf32, #tpu.memory_space<vmem>> -> memref<128xf32, #tpu.memory_space<vmem>>
            %swap3A_174 = arith.constant 112 : index
            %swap3A_175 = tpu.vector_load %swap3A_173[%swap3A_174] {strides = array<i32>} : memref<128xf32, #tpu.memory_space<vmem>>, vector<16xf32>,
            tpu.vector_store %swap3A_173[%swap3A_174], %mul3A_170 {strides = array<i32>} : memref<128xf32, #tpu.memory_space<vmem>>, vector<16xf32>,
          }
          %scan3A_77 = arith.constant 16 : i32
        }
        %scan3A_57 = arith.constant 8 : i32
        "tpu.region"() ({
          %run_scoped3A = tpu.sem_alloc : memref<!tpu.dma_semaphore, #tpu.memory_space<semaphore_mem>>
          %dma_start3A = arith.constant 0 : i32
          %dma_start3A_58 = tpu.memref_slice %arg14[%add3A_52, %dma_start3A] : memref<16x128xi32, #tpu.memory_space<vmem>> -> memref<1x128xi32, #tpu.memory_space<vmem>>
          %dma_start3A_59 = tpu.memref_squeeze %dma_start3A_58 : memref<1x128xi32, #tpu.memory_space<vmem>> -> memref<128xi32, #tpu.memory_space<vmem>>
          %dma_start3A_60 = arith.constant 0 : i32
          %dma_start3A_61 = arith.constant 0 : i32
          %dma_start3A_62 = tpu.memref_slice %arg8[%dma_start3A_60, %dma_start3A_61] : memref<10112x128xf32, #tpu.memory_space<vmem_shared>> -> memref<10112x128xf32, #tpu.memory_space<vmem_shared>>
          tpu.enqueue_indirect_dma source(%arg10 : memref<128x128xf32, #tpu.memory_space<vmem>>) target(%dma_start3A_62 : memref<10112x128xf32, #tpu.memory_space<vmem_shared>>) offsets(%dma_start3A_59 : memref<128xi32, #tpu.memory_space<vmem>>) semaphore(%run_scoped3A : memref<!tpu.dma_semaphore, #tpu.memory_space<semaphore_mem>>) {add = true}
          %dma_wait3A = arith.constant 0 : i32
          %dma_wait3A_63 = tpu.memref_slice %arg14[%add3A_52, %dma_wait3A] : memref<16x128xi32, #tpu.memory_space<vmem>> -> memref<1x128xi32, #tpu.memory_space<vmem>>
          %dma_wait3A_64 = tpu.memref_squeeze %dma_wait3A_63 : memref<1x128xi32, #tpu.memory_space<vmem>> -> memref<128xi32, #tpu.memory_space<vmem>>
          %dma_wait3A_65 = arith.constant 0 : i32
          %dma_wait3A_66 = arith.constant 0 : i32
          %dma_wait3A_67 = tpu.memref_slice %arg8[%dma_wait3A_65, %dma_wait3A_66] : memref<10112x128xf32, #tpu.memory_space<vmem_shared>> -> memref<10112x128xf32, #tpu.memory_space<vmem_shared>>
          tpu.wait_indirect_dma semaphore(%run_scoped3A : memref<!tpu.dma_semaphore, #tpu.memory_space<semaphore_mem>>) src(%arg10 : memref<128x128xf32, #tpu.memory_space<vmem>>) dst(%dma_wait3A_67 : memref<10112x128xf32, #tpu.memory_space<vmem_shared>>)
          tpu.yield
        }) : () -> ()
      }
      %scan3A_47 = arith.constant 16 : i32
    }
    %scan3A_22 = arith.constant 5 : i32
    %barrier3A_23 = arith.constant 0 : index
    tpu.barrier barrier_id(%barrier3A_23)
    %mul3A_24 = arith.constant 632 : i32
    %mul3A_25 = arith.muli %arg1, %mul3A_24 : i32
    %mul3A_26 = arith.constant 632 : i32
    %mul3A_27 = arith.muli %arg1, %mul3A_26 : i32
    "tpu.region"() ({
      %run_scoped3A = tpu.sem_alloc : memref<!tpu.dma_semaphore, #tpu.memory_space<semaphore_mem>>
      %dma_start3A = arith.constant 0 : i32
      %dma_start3A_28 = tpu.memref_slice %arg7[%arg0, %mul3A_27, %dma_start3A] : memref<2x10112x128xf32, #tpu.memory_space<hbm>> -> memref<1x632x128xf32, #tpu.memory_space<hbm>>
      %dma_start3A_29 = tpu.memref_squeeze %dma_start3A_28 : memref<1x632x128xf32, #tpu.memory_space<hbm>> -> memref<632x128xf32, #tpu.memory_space<hbm>>
      %dma_start3A_30 = arith.constant 0 : i32
      %dma_start3A_31 = tpu.memref_slice %arg8[%mul3A_25, %dma_start3A_30] : memref<10112x128xf32, #tpu.memory_space<vmem_shared>> -> memref<632x128xf32, #tpu.memory_space<vmem_shared>>
      tpu.enqueue_dma source(%dma_start3A_31 : memref<632x128xf32, #tpu.memory_space<vmem_shared>>) target(%dma_start3A_29 : memref<632x128xf32, #tpu.memory_space<hbm>>) target_semaphore(%run_scoped3A : memref<!tpu.dma_semaphore, #tpu.memory_space<semaphore_mem>>)
      %dma_wait3A = arith.constant 0 : i32
      %dma_wait3A_32 = tpu.memref_slice %arg7[%arg0, %mul3A_27, %dma_wait3A] : memref<2x10112x128xf32, #tpu.memory_space<hbm>> -> memref<1x632x128xf32, #tpu.memory_space<hbm>>
      %dma_wait3A_33 = tpu.memref_squeeze %dma_wait3A_32 : memref<1x632x128xf32, #tpu.memory_space<hbm>> -> memref<632x128xf32, #tpu.memory_space<hbm>>
      %dma_wait3A_34 = arith.constant 0 : i32
      %dma_wait3A_35 = tpu.memref_slice %arg8[%mul3A_25, %dma_wait3A_34] : memref<10112x128xf32, #tpu.memory_space<vmem_shared>> -> memref<632x128xf32, #tpu.memory_space<vmem_shared>>
      tpu.wait_dma2 semaphore(%run_scoped3A : memref<!tpu.dma_semaphore, #tpu.memory_space<semaphore_mem>>) src(%dma_wait3A_35 : memref<632x128xf32, #tpu.memory_space<vmem_shared>>) dst(%dma_wait3A_33 : memref<632x128xf32, #tpu.memory_space<hbm>>)
      tpu.yield
    }) : () -> ()
    return
  }
}

#map = affine_map<(d0, d1) -> (0, 0)>
#map1 = affine_map<(d0, d1) -> (0, 0, 0)>
module attributes {stable_mosaic.version = 14 : i64} {
  func.func @_count_body(%arg0: i32, %arg1: i32, %arg2: memref<2560x128xi32, #tpu.memory_space<hbm>>, %arg3: memref<2560x128xi32, #tpu.memory_space<hbm>>, %arg4: memref<2x640x128xf32, #tpu.memory_space<hbm>>, %arg5: memref<640x128xf32, #tpu.memory_space<vmem_shared>>, %arg6: memref<16x128xi32, #tpu.memory_space<vmem>>, %arg7: memref<16x128xi32, #tpu.memory_space<vmem>>, %arg8: memref<64x32xi32, #tpu.memory_space<vmem>>, %arg9: memref<16x128xi32, #tpu.memory_space<vmem>>, %arg10: memref<16x128xi32, #tpu.memory_space<vmem>>, %arg11: memref<32x128xf32, #tpu.memory_space<vmem>>) attributes {dimension_semantics = [#tpu.dimension_semantics<core_parallel>, #tpu.dimension_semantics<subcore_parallel>], iteration_bounds = array<i64: 2, 16>, scalar_prefetch = 0 : i64, scratch_operands = 7 : i64, tpu.core_type = #tpu.core_type<sc_vector_subcore>, window_params = [{transform_indices = #map}, {transform_indices = #map}, {transform_indices = #map1}]} {
    %mul3A = arith.constant 2 : i32
    %mul3A_0 = arith.muli %arg1, %mul3A : i32
    %add3A = arith.addi %mul3A_0, %arg0 : i32
    %iota3A = tpu.iota {dimensions = array<i32: 0>} : vector<16xi32>
    %scan3A = arith.constant 0 : i32
    %scan3A_1 = arith.constant 32 : i32
    %scan3A_2 = arith.addi %scan3A, %scan3A_1 : i32
    %scan3A_3 = arith.constant 1 : i32
    scf.for %scan3A_19 = %scan3A to %scan3A_2 step %scan3A_3  : i32 {
      %mul3A_20 = arith.constant 1 : i32
      %mul3A_21 = arith.muli %scan3A_19, %mul3A_20 : i32
      %add3A_22 = arith.constant 0 : i32
      %add3A_23 = arith.addi %add3A_22, %mul3A_21 : i32
      %broadcast_in_dim3A = arith.constant 0.000000e+00 : f32
      %broadcast_in_dim3A_24 = vector.broadcast %broadcast_in_dim3A : f32 to vector<16xf32>
      %swap3A = arith.constant 0 : i32
      %swap3A_25 = tpu.memref_slice %arg11[%add3A_23, %swap3A] : memref<32x128xf32, #tpu.memory_space<vmem>> -> memref<1x128xf32, #tpu.memory_space<vmem>>
      %swap3A_26 = tpu.memref_squeeze %swap3A_25 : memref<1x128xf32, #tpu.memory_space<vmem>> -> memref<128xf32, #tpu.memory_space<vmem>>
      %swap3A_27 = arith.constant 0 : index
      %swap3A_28 = tpu.vector_load %swap3A_26[%swap3A_27] {strides = array<i32>} : memref<128xf32, #tpu.memory_space<vmem>>, vector<16xf32>,
      tpu.vector_store %swap3A_26[%swap3A_27], %broadcast_in_dim3A_24 {strides = array<i32>} : memref<128xf32, #tpu.memory_space<vmem>>, vector<16xf32>,
      %broadcast_in_dim3A_29 = arith.constant 0.000000e+00 : f32
      %broadcast_in_dim3A_30 = vector.broadcast %broadcast_in_dim3A_29 : f32 to vector<16xf32>
      %swap3A_31 = arith.constant 0 : i32
      %swap3A_32 = tpu.memref_slice %arg11[%add3A_23, %swap3A_31] : memref<32x128xf32, #tpu.memory_space<vmem>> -> memref<1x128xf32, #tpu.memory_space<vmem>>
      %swap3A_33 = tpu.memref_squeeze %swap3A_32 : memref<1x128xf32, #tpu.memory_space<vmem>> -> memref<128xf32, #tpu.memory_space<vmem>>
      %swap3A_34 = arith.constant 16 : index
      %swap3A_35 = tpu.vector_load %swap3A_33[%swap3A_34] {strides = array<i32>} : memref<128xf32, #tpu.memory_space<vmem>>, vector<16xf32>,
      tpu.vector_store %swap3A_33[%swap3A_34], %broadcast_in_dim3A_30 {strides = array<i32>} : memref<128xf32, #tpu.memory_space<vmem>>, vector<16xf32>,
      %broadcast_in_dim3A_36 = arith.constant 0.000000e+00 : f32
      %broadcast_in_dim3A_37 = vector.broadcast %broadcast_in_dim3A_36 : f32 to vector<16xf32>
      %swap3A_38 = arith.constant 0 : i32
      %swap3A_39 = tpu.memref_slice %arg11[%add3A_23, %swap3A_38] : memref<32x128xf32, #tpu.memory_space<vmem>> -> memref<1x128xf32, #tpu.memory_space<vmem>>
      %swap3A_40 = tpu.memref_squeeze %swap3A_39 : memref<1x128xf32, #tpu.memory_space<vmem>> -> memref<128xf32, #tpu.memory_space<vmem>>
      %swap3A_41 = arith.constant 32 : index
      %swap3A_42 = tpu.vector_load %swap3A_40[%swap3A_41] {strides = array<i32>} : memref<128xf32, #tpu.memory_space<vmem>>, vector<16xf32>,
      tpu.vector_store %swap3A_40[%swap3A_41], %broadcast_in_dim3A_37 {strides = array<i32>} : memref<128xf32, #tpu.memory_space<vmem>>, vector<16xf32>,
      %broadcast_in_dim3A_43 = arith.constant 0.000000e+00 : f32
      %broadcast_in_dim3A_44 = vector.broadcast %broadcast_in_dim3A_43 : f32 to vector<16xf32>
      %swap3A_45 = arith.constant 0 : i32
      %swap3A_46 = tpu.memref_slice %arg11[%add3A_23, %swap3A_45] : memref<32x128xf32, #tpu.memory_space<vmem>> -> memref<1x128xf32, #tpu.memory_space<vmem>>
      %swap3A_47 = tpu.memref_squeeze %swap3A_46 : memref<1x128xf32, #tpu.memory_space<vmem>> -> memref<128xf32, #tpu.memory_space<vmem>>
      %swap3A_48 = arith.constant 48 : index
      %swap3A_49 = tpu.vector_load %swap3A_47[%swap3A_48] {strides = array<i32>} : memref<128xf32, #tpu.memory_space<vmem>>, vector<16xf32>,
      tpu.vector_store %swap3A_47[%swap3A_48], %broadcast_in_dim3A_44 {strides = array<i32>} : memref<128xf32, #tpu.memory_space<vmem>>, vector<16xf32>,
      %broadcast_in_dim3A_50 = arith.constant 0.000000e+00 : f32
      %broadcast_in_dim3A_51 = vector.broadcast %broadcast_in_dim3A_50 : f32 to vector<16xf32>
      %swap3A_52 = arith.constant 0 : i32
      %swap3A_53 = tpu.memref_slice %arg11[%add3A_23, %swap3A_52] : memref<32x128xf32, #tpu.memory_space<vmem>> -> memref<1x128xf32, #tpu.memory_space<vmem>>
      %swap3A_54 = tpu.memref_squeeze %swap3A_53 : memref<1x128xf32, #tpu.memory_space<vmem>> -> memref<128xf32, #tpu.memory_space<vmem>>
      %swap3A_55 = arith.constant 64 : index
      %swap3A_56 = tpu.vector_load %swap3A_54[%swap3A_55] {strides = array<i32>} : memref<128xf32, #tpu.memory_space<vmem>>, vector<16xf32>,
      tpu.vector_store %swap3A_54[%swap3A_55], %broadcast_in_dim3A_51 {strides = array<i32>} : memref<128xf32, #tpu.memory_space<vmem>>, vector<16xf32>,
      %broadcast_in_dim3A_57 = arith.constant 0.000000e+00 : f32
      %broadcast_in_dim3A_58 = vector.broadcast %broadcast_in_dim3A_57 : f32 to vector<16xf32>
      %swap3A_59 = arith.constant 0 : i32
      %swap3A_60 = tpu.memref_slice %arg11[%add3A_23, %swap3A_59] : memref<32x128xf32, #tpu.memory_space<vmem>> -> memref<1x128xf32, #tpu.memory_space<vmem>>
      %swap3A_61 = tpu.memref_squeeze %swap3A_60 : memref<1x128xf32, #tpu.memory_space<vmem>> -> memref<128xf32, #tpu.memory_space<vmem>>
      %swap3A_62 = arith.constant 80 : index
      %swap3A_63 = tpu.vector_load %swap3A_61[%swap3A_62] {strides = array<i32>} : memref<128xf32, #tpu.memory_space<vmem>>, vector<16xf32>,
      tpu.vector_store %swap3A_61[%swap3A_62], %broadcast_in_dim3A_58 {strides = array<i32>} : memref<128xf32, #tpu.memory_space<vmem>>, vector<16xf32>,
      %broadcast_in_dim3A_64 = arith.constant 0.000000e+00 : f32
      %broadcast_in_dim3A_65 = vector.broadcast %broadcast_in_dim3A_64 : f32 to vector<16xf32>
      %swap3A_66 = arith.constant 0 : i32
      %swap3A_67 = tpu.memref_slice %arg11[%add3A_23, %swap3A_66] : memref<32x128xf32, #tpu.memory_space<vmem>> -> memref<1x128xf32, #tpu.memory_space<vmem>>
      %swap3A_68 = tpu.memref_squeeze %swap3A_67 : memref<1x128xf32, #tpu.memory_space<vmem>> -> memref<128xf32, #tpu.memory_space<vmem>>
      %swap3A_69 = arith.constant 96 : index
      %swap3A_70 = tpu.vector_load %swap3A_68[%swap3A_69] {strides = array<i32>} : memref<128xf32, #tpu.memory_space<vmem>>, vector<16xf32>,
      tpu.vector_store %swap3A_68[%swap3A_69], %broadcast_in_dim3A_65 {strides = array<i32>} : memref<128xf32, #tpu.memory_space<vmem>>, vector<16xf32>,
      %broadcast_in_dim3A_71 = arith.constant 0.000000e+00 : f32
      %broadcast_in_dim3A_72 = vector.broadcast %broadcast_in_dim3A_71 : f32 to vector<16xf32>
      %swap3A_73 = arith.constant 0 : i32
      %swap3A_74 = tpu.memref_slice %arg11[%add3A_23, %swap3A_73] : memref<32x128xf32, #tpu.memory_space<vmem>> -> memref<1x128xf32, #tpu.memory_space<vmem>>
      %swap3A_75 = tpu.memref_squeeze %swap3A_74 : memref<1x128xf32, #tpu.memory_space<vmem>> -> memref<128xf32, #tpu.memory_space<vmem>>
      %swap3A_76 = arith.constant 112 : index
      %swap3A_77 = tpu.vector_load %swap3A_75[%swap3A_76] {strides = array<i32>} : memref<128xf32, #tpu.memory_space<vmem>>, vector<16xf32>,
      tpu.vector_store %swap3A_75[%swap3A_76], %broadcast_in_dim3A_72 {strides = array<i32>} : memref<128xf32, #tpu.memory_space<vmem>>, vector<16xf32>,
    }
    %scan3A_4 = arith.constant 32 : i32
    %mul3A_5 = arith.constant 40 : i32
    %mul3A_6 = arith.muli %arg1, %mul3A_5 : i32
    "tpu.region"() ({
      %run_scoped3A = tpu.sem_alloc : memref<!tpu.dma_semaphore, #tpu.memory_space<semaphore_mem>>
      %dma_start3A = arith.constant 0 : i32
      %dma_start3A_19 = tpu.memref_slice %arg5[%mul3A_6, %dma_start3A] : memref<640x128xf32, #tpu.memory_space<vmem_shared>> -> memref<32x128xf32, #tpu.memory_space<vmem_shared>>
      %dma_start3A_20 = arith.constant 0 : i32
      %dma_start3A_21 = tpu.memref_slice %arg5[%mul3A_6, %dma_start3A_20] : memref<640x128xf32, #tpu.memory_space<vmem_shared>> -> memref<32x128xf32, #tpu.memory_space<vmem_shared>>
      tpu.enqueue_dma source(%arg11 : memref<32x128xf32, #tpu.memory_space<vmem>>) target(%dma_start3A_21 : memref<32x128xf32, #tpu.memory_space<vmem_shared>>) target_semaphore(%run_scoped3A : memref<!tpu.dma_semaphore, #tpu.memory_space<semaphore_mem>>)
      %dma_wait3A = arith.constant 0 : i32
      %dma_wait3A_22 = tpu.memref_slice %arg5[%mul3A_6, %dma_wait3A] : memref<640x128xf32, #tpu.memory_space<vmem_shared>> -> memref<32x128xf32, #tpu.memory_space<vmem_shared>>
      %dma_wait3A_23 = arith.constant 0 : i32
      %dma_wait3A_24 = tpu.memref_slice %arg5[%mul3A_6, %dma_wait3A_23] : memref<640x128xf32, #tpu.memory_space<vmem_shared>> -> memref<32x128xf32, #tpu.memory_space<vmem_shared>>
      tpu.wait_dma2 semaphore(%run_scoped3A : memref<!tpu.dma_semaphore, #tpu.memory_space<semaphore_mem>>) src(%arg11 : memref<32x128xf32, #tpu.memory_space<vmem>>) dst(%dma_wait3A_24 : memref<32x128xf32, #tpu.memory_space<vmem_shared>>)
      tpu.yield
    }) : () -> ()
    %add3A_7 = arith.constant 32 : i32
    %add3A_8 = arith.addi %mul3A_6, %add3A_7 : i32
    "tpu.region"() ({
      %run_scoped3A = tpu.sem_alloc : memref<!tpu.dma_semaphore, #tpu.memory_space<semaphore_mem>>
      %dma_start3A = arith.constant 0 : i32
      %dma_start3A_19 = arith.constant 0 : i32
      %dma_start3A_20 = tpu.memref_slice %arg11[%dma_start3A, %dma_start3A_19] : memref<32x128xf32, #tpu.memory_space<vmem>> -> memref<8x128xf32, #tpu.memory_space<vmem>>
      %dma_start3A_21 = arith.constant 0 : i32
      %dma_start3A_22 = tpu.memref_slice %arg5[%add3A_8, %dma_start3A_21] : memref<640x128xf32, #tpu.memory_space<vmem_shared>> -> memref<8x128xf32, #tpu.memory_space<vmem_shared>>
      %dma_start3A_23 = arith.constant 0 : i32
      %dma_start3A_24 = tpu.memref_slice %arg5[%add3A_8, %dma_start3A_23] : memref<640x128xf32, #tpu.memory_space<vmem_shared>> -> memref<8x128xf32, #tpu.memory_space<vmem_shared>>
      %dma_start3A_25 = arith.constant 0 : i32
      %dma_start3A_26 = arith.constant 0 : i32
      %dma_start3A_27 = tpu.memref_slice %arg11[%dma_start3A_25, %dma_start3A_26] : memref<32x128xf32, #tpu.memory_space<vmem>> -> memref<8x128xf32, #tpu.memory_space<vmem>>
      tpu.enqueue_dma source(%dma_start3A_27 : memref<8x128xf32, #tpu.memory_space<vmem>>) target(%dma_start3A_24 : memref<8x128xf32, #tpu.memory_space<vmem_shared>>) target_semaphore(%run_scoped3A : memref<!tpu.dma_semaphore, #tpu.memory_space<semaphore_mem>>)
      %dma_wait3A = arith.constant 0 : i32
      %dma_wait3A_28 = arith.constant 0 : i32
      %dma_wait3A_29 = tpu.memref_slice %arg11[%dma_wait3A, %dma_wait3A_28] : memref<32x128xf32, #tpu.memory_space<vmem>> -> memref<8x128xf32, #tpu.memory_space<vmem>>
      %dma_wait3A_30 = arith.constant 0 : i32
      %dma_wait3A_31 = tpu.memref_slice %arg5[%add3A_8, %dma_wait3A_30] : memref<640x128xf32, #tpu.memory_space<vmem_shared>> -> memref<8x128xf32, #tpu.memory_space<vmem_shared>>
      %dma_wait3A_32 = arith.constant 0 : i32
      %dma_wait3A_33 = tpu.memref_slice %arg5[%add3A_8, %dma_wait3A_32] : memref<640x128xf32, #tpu.memory_space<vmem_shared>> -> memref<8x128xf32, #tpu.memory_space<vmem_shared>>
      %dma_wait3A_34 = arith.constant 0 : i32
      %dma_wait3A_35 = arith.constant 0 : i32
      %dma_wait3A_36 = tpu.memref_slice %arg11[%dma_wait3A_34, %dma_wait3A_35] : memref<32x128xf32, #tpu.memory_space<vmem>> -> memref<8x128xf32, #tpu.memory_space<vmem>>
      tpu.wait_dma2 semaphore(%run_scoped3A : memref<!tpu.dma_semaphore, #tpu.memory_space<semaphore_mem>>) src(%dma_wait3A_36 : memref<8x128xf32, #tpu.memory_space<vmem>>) dst(%dma_wait3A_33 : memref<8x128xf32, #tpu.memory_space<vmem_shared>>)
      tpu.yield
    }) : () -> ()
    %barrier3A = arith.constant 0 : index
    tpu.barrier barrier_id(%barrier3A)
    %scan3A_9 = arith.constant 0 : i32
    %scan3A_10 = arith.constant 5 : i32
    %scan3A_11 = arith.addi %scan3A_9, %scan3A_10 : i32
    %scan3A_12 = arith.constant 1 : i32
    scf.for %scan3A_19 = %scan3A_9 to %scan3A_11 step %scan3A_12  : i32 {
      %mul3A_20 = arith.constant 1 : i32
      %mul3A_21 = arith.muli %scan3A_19, %mul3A_20 : i32
      %add3A_22 = arith.constant 0 : i32
      %add3A_23 = arith.addi %add3A_22, %mul3A_21 : i32
      %mul3A_24 = arith.constant 80 : i32
      %mul3A_25 = arith.muli %add3A, %mul3A_24 : i32
      %mul3A_26 = arith.constant 16 : i32
      %mul3A_27 = arith.muli %add3A_23, %mul3A_26 : i32
      %add3A_28 = arith.addi %mul3A_25, %mul3A_27 : i32
      "tpu.region"() ({
        %run_scoped3A = tpu.sem_alloc : memref<!tpu.dma_semaphore, #tpu.memory_space<semaphore_mem>>
        %dma_start3A = arith.constant 0 : i32
        %dma_start3A_39 = tpu.memref_slice %arg2[%add3A_28, %dma_start3A] : memref<2560x128xi32, #tpu.memory_space<hbm>> -> memref<16x128xi32, #tpu.memory_space<hbm>>
        %dma_start3A_40 = arith.constant 0 : i32
        %dma_start3A_41 = tpu.memref_slice %arg2[%add3A_28, %dma_start3A_40] : memref<2560x128xi32, #tpu.memory_space<hbm>> -> memref<16x128xi32, #tpu.memory_space<hbm>>
        tpu.enqueue_dma source(%dma_start3A_41 : memref<16x128xi32, #tpu.memory_space<hbm>>) target(%arg6 : memref<16x128xi32, #tpu.memory_space<vmem>>) target_semaphore(%run_scoped3A : memref<!tpu.dma_semaphore, #tpu.memory_space<semaphore_mem>>)
        %dma_wait3A = arith.constant 0 : i32
        %dma_wait3A_42 = tpu.memref_slice %arg2[%add3A_28, %dma_wait3A] : memref<2560x128xi32, #tpu.memory_space<hbm>> -> memref<16x128xi32, #tpu.memory_space<hbm>>
        %dma_wait3A_43 = arith.constant 0 : i32
        %dma_wait3A_44 = tpu.memref_slice %arg2[%add3A_28, %dma_wait3A_43] : memref<2560x128xi32, #tpu.memory_space<hbm>> -> memref<16x128xi32, #tpu.memory_space<hbm>>
        tpu.wait_dma2 semaphore(%run_scoped3A : memref<!tpu.dma_semaphore, #tpu.memory_space<semaphore_mem>>) src(%dma_wait3A_44 : memref<16x128xi32, #tpu.memory_space<hbm>>) dst(%arg6 : memref<16x128xi32, #tpu.memory_space<vmem>>)
        tpu.yield
      }) : () -> ()
      "tpu.region"() ({
        %run_scoped3A = tpu.sem_alloc : memref<!tpu.dma_semaphore, #tpu.memory_space<semaphore_mem>>
        %dma_start3A = arith.constant 0 : i32
        %dma_start3A_39 = tpu.memref_slice %arg3[%add3A_28, %dma_start3A] : memref<2560x128xi32, #tpu.memory_space<hbm>> -> memref<16x128xi32, #tpu.memory_space<hbm>>
        %dma_start3A_40 = arith.constant 0 : i32
        %dma_start3A_41 = tpu.memref_slice %arg3[%add3A_28, %dma_start3A_40] : memref<2560x128xi32, #tpu.memory_space<hbm>> -> memref<16x128xi32, #tpu.memory_space<hbm>>
        tpu.enqueue_dma source(%dma_start3A_41 : memref<16x128xi32, #tpu.memory_space<hbm>>) target(%arg7 : memref<16x128xi32, #tpu.memory_space<vmem>>) target_semaphore(%run_scoped3A : memref<!tpu.dma_semaphore, #tpu.memory_space<semaphore_mem>>)
        %dma_wait3A = arith.constant 0 : i32
        %dma_wait3A_42 = tpu.memref_slice %arg3[%add3A_28, %dma_wait3A] : memref<2560x128xi32, #tpu.memory_space<hbm>> -> memref<16x128xi32, #tpu.memory_space<hbm>>
        %dma_wait3A_43 = arith.constant 0 : i32
        %dma_wait3A_44 = tpu.memref_slice %arg3[%add3A_28, %dma_wait3A_43] : memref<2560x128xi32, #tpu.memory_space<hbm>> -> memref<16x128xi32, #tpu.memory_space<hbm>>
        tpu.wait_dma2 semaphore(%run_scoped3A : memref<!tpu.dma_semaphore, #tpu.memory_space<semaphore_mem>>) src(%dma_wait3A_44 : memref<16x128xi32, #tpu.memory_space<hbm>>) dst(%arg7 : memref<16x128xi32, #tpu.memory_space<vmem>>)
        tpu.yield
      }) : () -> ()
      %scan3A_29 = arith.constant 0 : i32
      %scan3A_30 = arith.constant 16 : i32
      %scan3A_31 = arith.addi %scan3A_29, %scan3A_30 : i32
      %scan3A_32 = arith.constant 1 : i32
      scf.for %scan3A_39 = %scan3A_29 to %scan3A_31 step %scan3A_32  : i32 {
        %mul3A_40 = arith.constant 1 : i32
        %mul3A_41 = arith.muli %scan3A_39, %mul3A_40 : i32
        %add3A_42 = arith.constant 0 : i32
        %add3A_43 = arith.addi %add3A_42, %mul3A_41 : i32
        %get3A = arith.constant 0 : i32
        %get3A_44 = tpu.memref_slice %arg6[%add3A_43, %get3A] : memref<16x128xi32, #tpu.memory_space<vmem>> -> memref<1x128xi32, #tpu.memory_space<vmem>>
        %get3A_45 = tpu.memref_squeeze %get3A_44 : memref<1x128xi32, #tpu.memory_space<vmem>> -> memref<128xi32, #tpu.memory_space<vmem>>
        %get3A_46 = arith.constant 0 : index
        %get3A_47 = tpu.vector_load %get3A_45[%get3A_46] {strides = array<i32>} : memref<128xi32, #tpu.memory_space<vmem>>, vector<16xi32>,
        %mul3A_48 = arith.constant 8 : i32
        %mul3A_49 = vector.broadcast %mul3A_48 : i32 to vector<16xi32>
        %mul3A_50 = arith.muli %get3A_47, %mul3A_49 : vector<16xi32>
        %get3A_51 = arith.constant 0 : i32
        %get3A_52 = tpu.memref_slice %arg7[%add3A_43, %get3A_51] : memref<16x128xi32, #tpu.memory_space<vmem>> -> memref<1x128xi32, #tpu.memory_space<vmem>>
        %get3A_53 = tpu.memref_squeeze %get3A_52 : memref<1x128xi32, #tpu.memory_space<vmem>> -> memref<128xi32, #tpu.memory_space<vmem>>
        %get3A_54 = arith.constant 0 : index
        %get3A_55 = tpu.vector_load %get3A_53[%get3A_54] {strides = array<i32>} : memref<128xi32, #tpu.memory_space<vmem>>, vector<16xi32>,
        %add3A_56 = arith.addi %mul3A_50, %get3A_55 : vector<16xi32>
        %shift_right_logical3A = arith.constant 7 : i32
        %shift_right_logical3A_57 = vector.broadcast %shift_right_logical3A : i32 to vector<16xi32>
        %shift_right_logical3A_58 = arith.shrui %add3A_56, %shift_right_logical3A_57 : vector<16xi32>
        %mul3A_59 = arith.constant 4 : i32
        %mul3A_60 = arith.muli %add3A_43, %mul3A_59 : i32
        %add3A_61 = arith.constant 0 : i32
        %add3A_62 = arith.addi %mul3A_60, %add3A_61 : i32
        %swap3A = arith.constant 0 : i32
        %swap3A_63 = tpu.memref_slice %arg8[%add3A_62, %swap3A] : memref<64x32xi32, #tpu.memory_space<vmem>> -> memref<1x32xi32, #tpu.memory_space<vmem>>
        %swap3A_64 = tpu.memref_squeeze %swap3A_63 : memref<1x32xi32, #tpu.memory_space<vmem>> -> memref<32xi32, #tpu.memory_space<vmem>>
        %swap3A_65 = arith.constant 0 : index
        %swap3A_66 = tpu.vector_load %swap3A_64[%swap3A_65] {strides = array<i32>} : memref<32xi32, #tpu.memory_space<vmem>>, vector<16xi32>,
        tpu.vector_store %swap3A_64[%swap3A_65], %shift_right_logical3A_58 {strides = array<i32>} : memref<32xi32, #tpu.memory_space<vmem>>, vector<16xi32>,
        %shift_right_logical3A_67 = arith.constant 4 : i32
        %shift_right_logical3A_68 = vector.broadcast %shift_right_logical3A_67 : i32 to vector<16xi32>
        %shift_right_logical3A_69 = arith.shrui %add3A_56, %shift_right_logical3A_68 : vector<16xi32>
        %and3A = arith.constant 7 : i32
        %and3A_70 = vector.broadcast %and3A : i32 to vector<16xi32>
        %and3A_71 = arith.andi %shift_right_logical3A_69, %and3A_70 : vector<16xi32>
        %swap3A_72 = arith.constant 0 : i32
        %swap3A_73 = tpu.memref_slice %arg9[%add3A_43, %swap3A_72] : memref<16x128xi32, #tpu.memory_space<vmem>> -> memref<1x128xi32, #tpu.memory_space<vmem>>
        %swap3A_74 = tpu.memref_squeeze %swap3A_73 : memref<1x128xi32, #tpu.memory_space<vmem>> -> memref<128xi32, #tpu.memory_space<vmem>>
        %swap3A_75 = arith.constant 0 : index
        %swap3A_76 = tpu.vector_load %swap3A_74[%swap3A_75] {strides = array<i32>} : memref<128xi32, #tpu.memory_space<vmem>>, vector<16xi32>,
        tpu.vector_store %swap3A_74[%swap3A_75], %and3A_71 {strides = array<i32>} : memref<128xi32, #tpu.memory_space<vmem>>, vector<16xi32>,
        %and3A_77 = arith.constant 15 : i32
        %and3A_78 = vector.broadcast %and3A_77 : i32 to vector<16xi32>
        %and3A_79 = arith.andi %add3A_56, %and3A_78 : vector<16xi32>
        %swap3A_80 = arith.constant 0 : i32
        %swap3A_81 = tpu.memref_slice %arg10[%add3A_43, %swap3A_80] : memref<16x128xi32, #tpu.memory_space<vmem>> -> memref<1x128xi32, #tpu.memory_space<vmem>>
        %swap3A_82 = tpu.memref_squeeze %swap3A_81 : memref<1x128xi32, #tpu.memory_space<vmem>> -> memref<128xi32, #tpu.memory_space<vmem>>
        %swap3A_83 = arith.constant 0 : index
        %swap3A_84 = tpu.vector_load %swap3A_82[%swap3A_83] {strides = array<i32>} : memref<128xi32, #tpu.memory_space<vmem>>, vector<16xi32>,
        tpu.vector_store %swap3A_82[%swap3A_83], %and3A_79 {strides = array<i32>} : memref<128xi32, #tpu.memory_space<vmem>>, vector<16xi32>,
        %get3A_85 = arith.constant 0 : i32
        %get3A_86 = tpu.memref_slice %arg6[%add3A_43, %get3A_85] : memref<16x128xi32, #tpu.memory_space<vmem>> -> memref<1x128xi32, #tpu.memory_space<vmem>>
        %get3A_87 = tpu.memref_squeeze %get3A_86 : memref<1x128xi32, #tpu.memory_space<vmem>> -> memref<128xi32, #tpu.memory_space<vmem>>
        %get3A_88 = arith.constant 16 : index
        %get3A_89 = tpu.vector_load %get3A_87[%get3A_88] {strides = array<i32>} : memref<128xi32, #tpu.memory_space<vmem>>, vector<16xi32>,
        %mul3A_90 = arith.constant 8 : i32
        %mul3A_91 = vector.broadcast %mul3A_90 : i32 to vector<16xi32>
        %mul3A_92 = arith.muli %get3A_89, %mul3A_91 : vector<16xi32>
        %get3A_93 = arith.constant 0 : i32
        %get3A_94 = tpu.memref_slice %arg7[%add3A_43, %get3A_93] : memref<16x128xi32, #tpu.memory_space<vmem>> -> memref<1x128xi32, #tpu.memory_space<vmem>>
        %get3A_95 = tpu.memref_squeeze %get3A_94 : memref<1x128xi32, #tpu.memory_space<vmem>> -> memref<128xi32, #tpu.memory_space<vmem>>
        %get3A_96 = arith.constant 16 : index
        %get3A_97 = tpu.vector_load %get3A_95[%get3A_96] {strides = array<i32>} : memref<128xi32, #tpu.memory_space<vmem>>, vector<16xi32>,
        %add3A_98 = arith.addi %mul3A_92, %get3A_97 : vector<16xi32>
        %shift_right_logical3A_99 = arith.constant 7 : i32
        %shift_right_logical3A_100 = vector.broadcast %shift_right_logical3A_99 : i32 to vector<16xi32>
        %shift_right_logical3A_101 = arith.shrui %add3A_98, %shift_right_logical3A_100 : vector<16xi32>
        %mul3A_102 = arith.constant 4 : i32
        %mul3A_103 = arith.muli %add3A_43, %mul3A_102 : i32
        %add3A_104 = arith.constant 0 : i32
        %add3A_105 = arith.addi %mul3A_103, %add3A_104 : i32
        %swap3A_106 = arith.constant 0 : i32
        %swap3A_107 = tpu.memref_slice %arg8[%add3A_105, %swap3A_106] : memref<64x32xi32, #tpu.memory_space<vmem>> -> memref<1x32xi32, #tpu.memory_space<vmem>>
        %swap3A_108 = tpu.memref_squeeze %swap3A_107 : memref<1x32xi32, #tpu.memory_space<vmem>> -> memref<32xi32, #tpu.memory_space<vmem>>
        %swap3A_109 = arith.constant 16 : index
        %swap3A_110 = tpu.vector_load %swap3A_108[%swap3A_109] {strides = array<i32>} : memref<32xi32, #tpu.memory_space<vmem>>, vector<16xi32>,
        tpu.vector_store %swap3A_108[%swap3A_109], %shift_right_logical3A_101 {strides = array<i32>} : memref<32xi32, #tpu.memory_space<vmem>>, vector<16xi32>,
        %shift_right_logical3A_111 = arith.constant 4 : i32
        %shift_right_logical3A_112 = vector.broadcast %shift_right_logical3A_111 : i32 to vector<16xi32>
        %shift_right_logical3A_113 = arith.shrui %add3A_98, %shift_right_logical3A_112 : vector<16xi32>
        %and3A_114 = arith.constant 7 : i32
        %and3A_115 = vector.broadcast %and3A_114 : i32 to vector<16xi32>
        %and3A_116 = arith.andi %shift_right_logical3A_113, %and3A_115 : vector<16xi32>
        %swap3A_117 = arith.constant 0 : i32
        %swap3A_118 = tpu.memref_slice %arg9[%add3A_43, %swap3A_117] : memref<16x128xi32, #tpu.memory_space<vmem>> -> memref<1x128xi32, #tpu.memory_space<vmem>>
        %swap3A_119 = tpu.memref_squeeze %swap3A_118 : memref<1x128xi32, #tpu.memory_space<vmem>> -> memref<128xi32, #tpu.memory_space<vmem>>
        %swap3A_120 = arith.constant 16 : index
        %swap3A_121 = tpu.vector_load %swap3A_119[%swap3A_120] {strides = array<i32>} : memref<128xi32, #tpu.memory_space<vmem>>, vector<16xi32>,
        tpu.vector_store %swap3A_119[%swap3A_120], %and3A_116 {strides = array<i32>} : memref<128xi32, #tpu.memory_space<vmem>>, vector<16xi32>,
        %and3A_122 = arith.constant 15 : i32
        %and3A_123 = vector.broadcast %and3A_122 : i32 to vector<16xi32>
        %and3A_124 = arith.andi %add3A_98, %and3A_123 : vector<16xi32>
        %swap3A_125 = arith.constant 0 : i32
        %swap3A_126 = tpu.memref_slice %arg10[%add3A_43, %swap3A_125] : memref<16x128xi32, #tpu.memory_space<vmem>> -> memref<1x128xi32, #tpu.memory_space<vmem>>
        %swap3A_127 = tpu.memref_squeeze %swap3A_126 : memref<1x128xi32, #tpu.memory_space<vmem>> -> memref<128xi32, #tpu.memory_space<vmem>>
        %swap3A_128 = arith.constant 16 : index
        %swap3A_129 = tpu.vector_load %swap3A_127[%swap3A_128] {strides = array<i32>} : memref<128xi32, #tpu.memory_space<vmem>>, vector<16xi32>,
        tpu.vector_store %swap3A_127[%swap3A_128], %and3A_124 {strides = array<i32>} : memref<128xi32, #tpu.memory_space<vmem>>, vector<16xi32>,
        %get3A_130 = arith.constant 0 : i32
        %get3A_131 = tpu.memref_slice %arg6[%add3A_43, %get3A_130] : memref<16x128xi32, #tpu.memory_space<vmem>> -> memref<1x128xi32, #tpu.memory_space<vmem>>
        %get3A_132 = tpu.memref_squeeze %get3A_131 : memref<1x128xi32, #tpu.memory_space<vmem>> -> memref<128xi32, #tpu.memory_space<vmem>>
        %get3A_133 = arith.constant 32 : index
        %get3A_134 = tpu.vector_load %get3A_132[%get3A_133] {strides = array<i32>} : memref<128xi32, #tpu.memory_space<vmem>>, vector<16xi32>,
        %mul3A_135 = arith.constant 8 : i32
        %mul3A_136 = vector.broadcast %mul3A_135 : i32 to vector<16xi32>
        %mul3A_137 = arith.muli %get3A_134, %mul3A_136 : vector<16xi32>
        %get3A_138 = arith.constant 0 : i32
        %get3A_139 = tpu.memref_slice %arg7[%add3A_43, %get3A_138] : memref<16x128xi32, #tpu.memory_space<vmem>> -> memref<1x128xi32, #tpu.memory_space<vmem>>
        %get3A_140 = tpu.memref_squeeze %get3A_139 : memref<1x128xi32, #tpu.memory_space<vmem>> -> memref<128xi32, #tpu.memory_space<vmem>>
        %get3A_141 = arith.constant 32 : index
        %get3A_142 = tpu.vector_load %get3A_140[%get3A_141] {strides = array<i32>} : memref<128xi32, #tpu.memory_space<vmem>>, vector<16xi32>,
        %add3A_143 = arith.addi %mul3A_137, %get3A_142 : vector<16xi32>
        %shift_right_logical3A_144 = arith.constant 7 : i32
        %shift_right_logical3A_145 = vector.broadcast %shift_right_logical3A_144 : i32 to vector<16xi32>
        %shift_right_logical3A_146 = arith.shrui %add3A_143, %shift_right_logical3A_145 : vector<16xi32>
        %mul3A_147 = arith.constant 4 : i32
        %mul3A_148 = arith.muli %add3A_43, %mul3A_147 : i32
        %add3A_149 = arith.constant 1 : i32
        %add3A_150 = arith.addi %mul3A_148, %add3A_149 : i32
        %swap3A_151 = arith.constant 0 : i32
        %swap3A_152 = tpu.memref_slice %arg8[%add3A_150, %swap3A_151] : memref<64x32xi32, #tpu.memory_space<vmem>> -> memref<1x32xi32, #tpu.memory_space<vmem>>
        %swap3A_153 = tpu.memref_squeeze %swap3A_152 : memref<1x32xi32, #tpu.memory_space<vmem>> -> memref<32xi32, #tpu.memory_space<vmem>>
        %swap3A_154 = arith.constant 0 : index
        %swap3A_155 = tpu.vector_load %swap3A_153[%swap3A_154] {strides = array<i32>} : memref<32xi32, #tpu.memory_space<vmem>>, vector<16xi32>,
        tpu.vector_store %swap3A_153[%swap3A_154], %shift_right_logical3A_146 {strides = array<i32>} : memref<32xi32, #tpu.memory_space<vmem>>, vector<16xi32>,
        %shift_right_logical3A_156 = arith.constant 4 : i32
        %shift_right_logical3A_157 = vector.broadcast %shift_right_logical3A_156 : i32 to vector<16xi32>
        %shift_right_logical3A_158 = arith.shrui %add3A_143, %shift_right_logical3A_157 : vector<16xi32>
        %and3A_159 = arith.constant 7 : i32
        %and3A_160 = vector.broadcast %and3A_159 : i32 to vector<16xi32>
        %and3A_161 = arith.andi %shift_right_logical3A_158, %and3A_160 : vector<16xi32>
        %swap3A_162 = arith.constant 0 : i32
        %swap3A_163 = tpu.memref_slice %arg9[%add3A_43, %swap3A_162] : memref<16x128xi32, #tpu.memory_space<vmem>> -> memref<1x128xi32, #tpu.memory_space<vmem>>
        %swap3A_164 = tpu.memref_squeeze %swap3A_163 : memref<1x128xi32, #tpu.memory_space<vmem>> -> memref<128xi32, #tpu.memory_space<vmem>>
        %swap3A_165 = arith.constant 32 : index
        %swap3A_166 = tpu.vector_load %swap3A_164[%swap3A_165] {strides = array<i32>} : memref<128xi32, #tpu.memory_space<vmem>>, vector<16xi32>,
        tpu.vector_store %swap3A_164[%swap3A_165], %and3A_161 {strides = array<i32>} : memref<128xi32, #tpu.memory_space<vmem>>, vector<16xi32>,
        %and3A_167 = arith.constant 15 : i32
        %and3A_168 = vector.broadcast %and3A_167 : i32 to vector<16xi32>
        %and3A_169 = arith.andi %add3A_143, %and3A_168 : vector<16xi32>
        %swap3A_170 = arith.constant 0 : i32
        %swap3A_171 = tpu.memref_slice %arg10[%add3A_43, %swap3A_170] : memref<16x128xi32, #tpu.memory_space<vmem>> -> memref<1x128xi32, #tpu.memory_space<vmem>>
        %swap3A_172 = tpu.memref_squeeze %swap3A_171 : memref<1x128xi32, #tpu.memory_space<vmem>> -> memref<128xi32, #tpu.memory_space<vmem>>
        %swap3A_173 = arith.constant 32 : index
        %swap3A_174 = tpu.vector_load %swap3A_172[%swap3A_173] {strides = array<i32>} : memref<128xi32, #tpu.memory_space<vmem>>, vector<16xi32>,
        tpu.vector_store %swap3A_172[%swap3A_173], %and3A_169 {strides = array<i32>} : memref<128xi32, #tpu.memory_space<vmem>>, vector<16xi32>,
        %get3A_175 = arith.constant 0 : i32
        %get3A_176 = tpu.memref_slice %arg6[%add3A_43, %get3A_175] : memref<16x128xi32, #tpu.memory_space<vmem>> -> memref<1x128xi32, #tpu.memory_space<vmem>>
        %get3A_177 = tpu.memref_squeeze %get3A_176 : memref<1x128xi32, #tpu.memory_space<vmem>> -> memref<128xi32, #tpu.memory_space<vmem>>
        %get3A_178 = arith.constant 48 : index
        %get3A_179 = tpu.vector_load %get3A_177[%get3A_178] {strides = array<i32>} : memref<128xi32, #tpu.memory_space<vmem>>, vector<16xi32>,
        %mul3A_180 = arith.constant 8 : i32
        %mul3A_181 = vector.broadcast %mul3A_180 : i32 to vector<16xi32>
        %mul3A_182 = arith.muli %get3A_179, %mul3A_181 : vector<16xi32>
        %get3A_183 = arith.constant 0 : i32
        %get3A_184 = tpu.memref_slice %arg7[%add3A_43, %get3A_183] : memref<16x128xi32, #tpu.memory_space<vmem>> -> memref<1x128xi32, #tpu.memory_space<vmem>>
        %get3A_185 = tpu.memref_squeeze %get3A_184 : memref<1x128xi32, #tpu.memory_space<vmem>> -> memref<128xi32, #tpu.memory_space<vmem>>
        %get3A_186 = arith.constant 48 : index
        %get3A_187 = tpu.vector_load %get3A_185[%get3A_186] {strides = array<i32>} : memref<128xi32, #tpu.memory_space<vmem>>, vector<16xi32>,
        %add3A_188 = arith.addi %mul3A_182, %get3A_187 : vector<16xi32>
        %shift_right_logical3A_189 = arith.constant 7 : i32
        %shift_right_logical3A_190 = vector.broadcast %shift_right_logical3A_189 : i32 to vector<16xi32>
        %shift_right_logical3A_191 = arith.shrui %add3A_188, %shift_right_logical3A_190 : vector<16xi32>
        %mul3A_192 = arith.constant 4 : i32
        %mul3A_193 = arith.muli %add3A_43, %mul3A_192 : i32
        %add3A_194 = arith.constant 1 : i32
        %add3A_195 = arith.addi %mul3A_193, %add3A_194 : i32
        %swap3A_196 = arith.constant 0 : i32
        %swap3A_197 = tpu.memref_slice %arg8[%add3A_195, %swap3A_196] : memref<64x32xi32, #tpu.memory_space<vmem>> -> memref<1x32xi32, #tpu.memory_space<vmem>>
        %swap3A_198 = tpu.memref_squeeze %swap3A_197 : memref<1x32xi32, #tpu.memory_space<vmem>> -> memref<32xi32, #tpu.memory_space<vmem>>
        %swap3A_199 = arith.constant 16 : index
        %swap3A_200 = tpu.vector_load %swap3A_198[%swap3A_199] {strides = array<i32>} : memref<32xi32, #tpu.memory_space<vmem>>, vector<16xi32>,
        tpu.vector_store %swap3A_198[%swap3A_199], %shift_right_logical3A_191 {strides = array<i32>} : memref<32xi32, #tpu.memory_space<vmem>>, vector<16xi32>,
        %shift_right_logical3A_201 = arith.constant 4 : i32
        %shift_right_logical3A_202 = vector.broadcast %shift_right_logical3A_201 : i32 to vector<16xi32>
        %shift_right_logical3A_203 = arith.shrui %add3A_188, %shift_right_logical3A_202 : vector<16xi32>
        %and3A_204 = arith.constant 7 : i32
        %and3A_205 = vector.broadcast %and3A_204 : i32 to vector<16xi32>
        %and3A_206 = arith.andi %shift_right_logical3A_203, %and3A_205 : vector<16xi32>
        %swap3A_207 = arith.constant 0 : i32
        %swap3A_208 = tpu.memref_slice %arg9[%add3A_43, %swap3A_207] : memref<16x128xi32, #tpu.memory_space<vmem>> -> memref<1x128xi32, #tpu.memory_space<vmem>>
        %swap3A_209 = tpu.memref_squeeze %swap3A_208 : memref<1x128xi32, #tpu.memory_space<vmem>> -> memref<128xi32, #tpu.memory_space<vmem>>
        %swap3A_210 = arith.constant 48 : index
        %swap3A_211 = tpu.vector_load %swap3A_209[%swap3A_210] {strides = array<i32>} : memref<128xi32, #tpu.memory_space<vmem>>, vector<16xi32>,
        tpu.vector_store %swap3A_209[%swap3A_210], %and3A_206 {strides = array<i32>} : memref<128xi32, #tpu.memory_space<vmem>>, vector<16xi32>,
        %and3A_212 = arith.constant 15 : i32
        %and3A_213 = vector.broadcast %and3A_212 : i32 to vector<16xi32>
        %and3A_214 = arith.andi %add3A_188, %and3A_213 : vector<16xi32>
        %swap3A_215 = arith.constant 0 : i32
        %swap3A_216 = tpu.memref_slice %arg10[%add3A_43, %swap3A_215] : memref<16x128xi32, #tpu.memory_space<vmem>> -> memref<1x128xi32, #tpu.memory_space<vmem>>
        %swap3A_217 = tpu.memref_squeeze %swap3A_216 : memref<1x128xi32, #tpu.memory_space<vmem>> -> memref<128xi32, #tpu.memory_space<vmem>>
        %swap3A_218 = arith.constant 48 : index
        %swap3A_219 = tpu.vector_load %swap3A_217[%swap3A_218] {strides = array<i32>} : memref<128xi32, #tpu.memory_space<vmem>>, vector<16xi32>,
        tpu.vector_store %swap3A_217[%swap3A_218], %and3A_214 {strides = array<i32>} : memref<128xi32, #tpu.memory_space<vmem>>, vector<16xi32>,
        %get3A_220 = arith.constant 0 : i32
        %get3A_221 = tpu.memref_slice %arg6[%add3A_43, %get3A_220] : memref<16x128xi32, #tpu.memory_space<vmem>> -> memref<1x128xi32, #tpu.memory_space<vmem>>
        %get3A_222 = tpu.memref_squeeze %get3A_221 : memref<1x128xi32, #tpu.memory_space<vmem>> -> memref<128xi32, #tpu.memory_space<vmem>>
        %get3A_223 = arith.constant 64 : index
        %get3A_224 = tpu.vector_load %get3A_222[%get3A_223] {strides = array<i32>} : memref<128xi32, #tpu.memory_space<vmem>>, vector<16xi32>,
        %mul3A_225 = arith.constant 8 : i32
        %mul3A_226 = vector.broadcast %mul3A_225 : i32 to vector<16xi32>
        %mul3A_227 = arith.muli %get3A_224, %mul3A_226 : vector<16xi32>
        %get3A_228 = arith.constant 0 : i32
        %get3A_229 = tpu.memref_slice %arg7[%add3A_43, %get3A_228] : memref<16x128xi32, #tpu.memory_space<vmem>> -> memref<1x128xi32, #tpu.memory_space<vmem>>
        %get3A_230 = tpu.memref_squeeze %get3A_229 : memref<1x128xi32, #tpu.memory_space<vmem>> -> memref<128xi32, #tpu.memory_space<vmem>>
        %get3A_231 = arith.constant 64 : index
        %get3A_232 = tpu.vector_load %get3A_230[%get3A_231] {strides = array<i32>} : memref<128xi32, #tpu.memory_space<vmem>>, vector<16xi32>,
        %add3A_233 = arith.addi %mul3A_227, %get3A_232 : vector<16xi32>
        %shift_right_logical3A_234 = arith.constant 7 : i32
        %shift_right_logical3A_235 = vector.broadcast %shift_right_logical3A_234 : i32 to vector<16xi32>
        %shift_right_logical3A_236 = arith.shrui %add3A_233, %shift_right_logical3A_235 : vector<16xi32>
        %mul3A_237 = arith.constant 4 : i32
        %mul3A_238 = arith.muli %add3A_43, %mul3A_237 : i32
        %add3A_239 = arith.constant 2 : i32
        %add3A_240 = arith.addi %mul3A_238, %add3A_239 : i32
        %swap3A_241 = arith.constant 0 : i32
        %swap3A_242 = tpu.memref_slice %arg8[%add3A_240, %swap3A_241] : memref<64x32xi32, #tpu.memory_space<vmem>> -> memref<1x32xi32, #tpu.memory_space<vmem>>
        %swap3A_243 = tpu.memref_squeeze %swap3A_242 : memref<1x32xi32, #tpu.memory_space<vmem>> -> memref<32xi32, #tpu.memory_space<vmem>>
        %swap3A_244 = arith.constant 0 : index
        %swap3A_245 = tpu.vector_load %swap3A_243[%swap3A_244] {strides = array<i32>} : memref<32xi32, #tpu.memory_space<vmem>>, vector<16xi32>,
        tpu.vector_store %swap3A_243[%swap3A_244], %shift_right_logical3A_236 {strides = array<i32>} : memref<32xi32, #tpu.memory_space<vmem>>, vector<16xi32>,
        %shift_right_logical3A_246 = arith.constant 4 : i32
        %shift_right_logical3A_247 = vector.broadcast %shift_right_logical3A_246 : i32 to vector<16xi32>
        %shift_right_logical3A_248 = arith.shrui %add3A_233, %shift_right_logical3A_247 : vector<16xi32>
        %and3A_249 = arith.constant 7 : i32
        %and3A_250 = vector.broadcast %and3A_249 : i32 to vector<16xi32>
        %and3A_251 = arith.andi %shift_right_logical3A_248, %and3A_250 : vector<16xi32>
        %swap3A_252 = arith.constant 0 : i32
        %swap3A_253 = tpu.memref_slice %arg9[%add3A_43, %swap3A_252] : memref<16x128xi32, #tpu.memory_space<vmem>> -> memref<1x128xi32, #tpu.memory_space<vmem>>
        %swap3A_254 = tpu.memref_squeeze %swap3A_253 : memref<1x128xi32, #tpu.memory_space<vmem>> -> memref<128xi32, #tpu.memory_space<vmem>>
        %swap3A_255 = arith.constant 64 : index
        %swap3A_256 = tpu.vector_load %swap3A_254[%swap3A_255] {strides = array<i32>} : memref<128xi32, #tpu.memory_space<vmem>>, vector<16xi32>,
        tpu.vector_store %swap3A_254[%swap3A_255], %and3A_251 {strides = array<i32>} : memref<128xi32, #tpu.memory_space<vmem>>, vector<16xi32>,
        %and3A_257 = arith.constant 15 : i32
        %and3A_258 = vector.broadcast %and3A_257 : i32 to vector<16xi32>
        %and3A_259 = arith.andi %add3A_233, %and3A_258 : vector<16xi32>
        %swap3A_260 = arith.constant 0 : i32
        %swap3A_261 = tpu.memref_slice %arg10[%add3A_43, %swap3A_260] : memref<16x128xi32, #tpu.memory_space<vmem>> -> memref<1x128xi32, #tpu.memory_space<vmem>>
        %swap3A_262 = tpu.memref_squeeze %swap3A_261 : memref<1x128xi32, #tpu.memory_space<vmem>> -> memref<128xi32, #tpu.memory_space<vmem>>
        %swap3A_263 = arith.constant 64 : index
        %swap3A_264 = tpu.vector_load %swap3A_262[%swap3A_263] {strides = array<i32>} : memref<128xi32, #tpu.memory_space<vmem>>, vector<16xi32>,
        tpu.vector_store %swap3A_262[%swap3A_263], %and3A_259 {strides = array<i32>} : memref<128xi32, #tpu.memory_space<vmem>>, vector<16xi32>,
        %get3A_265 = arith.constant 0 : i32
        %get3A_266 = tpu.memref_slice %arg6[%add3A_43, %get3A_265] : memref<16x128xi32, #tpu.memory_space<vmem>> -> memref<1x128xi32, #tpu.memory_space<vmem>>
        %get3A_267 = tpu.memref_squeeze %get3A_266 : memref<1x128xi32, #tpu.memory_space<vmem>> -> memref<128xi32, #tpu.memory_space<vmem>>
        %get3A_268 = arith.constant 80 : index
        %get3A_269 = tpu.vector_load %get3A_267[%get3A_268] {strides = array<i32>} : memref<128xi32, #tpu.memory_space<vmem>>, vector<16xi32>,
        %mul3A_270 = arith.constant 8 : i32
        %mul3A_271 = vector.broadcast %mul3A_270 : i32 to vector<16xi32>
        %mul3A_272 = arith.muli %get3A_269, %mul3A_271 : vector<16xi32>
        %get3A_273 = arith.constant 0 : i32
        %get3A_274 = tpu.memref_slice %arg7[%add3A_43, %get3A_273] : memref<16x128xi32, #tpu.memory_space<vmem>> -> memref<1x128xi32, #tpu.memory_space<vmem>>
        %get3A_275 = tpu.memref_squeeze %get3A_274 : memref<1x128xi32, #tpu.memory_space<vmem>> -> memref<128xi32, #tpu.memory_space<vmem>>
        %get3A_276 = arith.constant 80 : index
        %get3A_277 = tpu.vector_load %get3A_275[%get3A_276] {strides = array<i32>} : memref<128xi32, #tpu.memory_space<vmem>>, vector<16xi32>,
        %add3A_278 = arith.addi %mul3A_272, %get3A_277 : vector<16xi32>
        %shift_right_logical3A_279 = arith.constant 7 : i32
        %shift_right_logical3A_280 = vector.broadcast %shift_right_logical3A_279 : i32 to vector<16xi32>
        %shift_right_logical3A_281 = arith.shrui %add3A_278, %shift_right_logical3A_280 : vector<16xi32>
        %mul3A_282 = arith.constant 4 : i32
        %mul3A_283 = arith.muli %add3A_43, %mul3A_282 : i32
        %add3A_284 = arith.constant 2 : i32
        %add3A_285 = arith.addi %mul3A_283, %add3A_284 : i32
        %swap3A_286 = arith.constant 0 : i32
        %swap3A_287 = tpu.memref_slice %arg8[%add3A_285, %swap3A_286] : memref<64x32xi32, #tpu.memory_space<vmem>> -> memref<1x32xi32, #tpu.memory_space<vmem>>
        %swap3A_288 = tpu.memref_squeeze %swap3A_287 : memref<1x32xi32, #tpu.memory_space<vmem>> -> memref<32xi32, #tpu.memory_space<vmem>>
        %swap3A_289 = arith.constant 16 : index
        %swap3A_290 = tpu.vector_load %swap3A_288[%swap3A_289] {strides = array<i32>} : memref<32xi32, #tpu.memory_space<vmem>>, vector<16xi32>,
        tpu.vector_store %swap3A_288[%swap3A_289], %shift_right_logical3A_281 {strides = array<i32>} : memref<32xi32, #tpu.memory_space<vmem>>, vector<16xi32>,
        %shift_right_logical3A_291 = arith.constant 4 : i32
        %shift_right_logical3A_292 = vector.broadcast %shift_right_logical3A_291 : i32 to vector<16xi32>
        %shift_right_logical3A_293 = arith.shrui %add3A_278, %shift_right_logical3A_292 : vector<16xi32>
        %and3A_294 = arith.constant 7 : i32
        %and3A_295 = vector.broadcast %and3A_294 : i32 to vector<16xi32>
        %and3A_296 = arith.andi %shift_right_logical3A_293, %and3A_295 : vector<16xi32>
        %swap3A_297 = arith.constant 0 : i32
        %swap3A_298 = tpu.memref_slice %arg9[%add3A_43, %swap3A_297] : memref<16x128xi32, #tpu.memory_space<vmem>> -> memref<1x128xi32, #tpu.memory_space<vmem>>
        %swap3A_299 = tpu.memref_squeeze %swap3A_298 : memref<1x128xi32, #tpu.memory_space<vmem>> -> memref<128xi32, #tpu.memory_space<vmem>>
        %swap3A_300 = arith.constant 80 : index
        %swap3A_301 = tpu.vector_load %swap3A_299[%swap3A_300] {strides = array<i32>} : memref<128xi32, #tpu.memory_space<vmem>>, vector<16xi32>,
        tpu.vector_store %swap3A_299[%swap3A_300], %and3A_296 {strides = array<i32>} : memref<128xi32, #tpu.memory_space<vmem>>, vector<16xi32>,
        %and3A_302 = arith.constant 15 : i32
        %and3A_303 = vector.broadcast %and3A_302 : i32 to vector<16xi32>
        %and3A_304 = arith.andi %add3A_278, %and3A_303 : vector<16xi32>
        %swap3A_305 = arith.constant 0 : i32
        %swap3A_306 = tpu.memref_slice %arg10[%add3A_43, %swap3A_305] : memref<16x128xi32, #tpu.memory_space<vmem>> -> memref<1x128xi32, #tpu.memory_space<vmem>>
        %swap3A_307 = tpu.memref_squeeze %swap3A_306 : memref<1x128xi32, #tpu.memory_space<vmem>> -> memref<128xi32, #tpu.memory_space<vmem>>
        %swap3A_308 = arith.constant 80 : index
        %swap3A_309 = tpu.vector_load %swap3A_307[%swap3A_308] {strides = array<i32>} : memref<128xi32, #tpu.memory_space<vmem>>, vector<16xi32>,
        tpu.vector_store %swap3A_307[%swap3A_308], %and3A_304 {strides = array<i32>} : memref<128xi32, #tpu.memory_space<vmem>>, vector<16xi32>,
        %get3A_310 = arith.constant 0 : i32
        %get3A_311 = tpu.memref_slice %arg6[%add3A_43, %get3A_310] : memref<16x128xi32, #tpu.memory_space<vmem>> -> memref<1x128xi32, #tpu.memory_space<vmem>>
        %get3A_312 = tpu.memref_squeeze %get3A_311 : memref<1x128xi32, #tpu.memory_space<vmem>> -> memref<128xi32, #tpu.memory_space<vmem>>
        %get3A_313 = arith.constant 96 : index
        %get3A_314 = tpu.vector_load %get3A_312[%get3A_313] {strides = array<i32>} : memref<128xi32, #tpu.memory_space<vmem>>, vector<16xi32>,
        %mul3A_315 = arith.constant 8 : i32
        %mul3A_316 = vector.broadcast %mul3A_315 : i32 to vector<16xi32>
        %mul3A_317 = arith.muli %get3A_314, %mul3A_316 : vector<16xi32>
        %get3A_318 = arith.constant 0 : i32
        %get3A_319 = tpu.memref_slice %arg7[%add3A_43, %get3A_318] : memref<16x128xi32, #tpu.memory_space<vmem>> -> memref<1x128xi32, #tpu.memory_space<vmem>>
        %get3A_320 = tpu.memref_squeeze %get3A_319 : memref<1x128xi32, #tpu.memory_space<vmem>> -> memref<128xi32, #tpu.memory_space<vmem>>
        %get3A_321 = arith.constant 96 : index
        %get3A_322 = tpu.vector_load %get3A_320[%get3A_321] {strides = array<i32>} : memref<128xi32, #tpu.memory_space<vmem>>, vector<16xi32>,
        %add3A_323 = arith.addi %mul3A_317, %get3A_322 : vector<16xi32>
        %shift_right_logical3A_324 = arith.constant 7 : i32
        %shift_right_logical3A_325 = vector.broadcast %shift_right_logical3A_324 : i32 to vector<16xi32>
        %shift_right_logical3A_326 = arith.shrui %add3A_323, %shift_right_logical3A_325 : vector<16xi32>
        %mul3A_327 = arith.constant 4 : i32
        %mul3A_328 = arith.muli %add3A_43, %mul3A_327 : i32
        %add3A_329 = arith.constant 3 : i32
        %add3A_330 = arith.addi %mul3A_328, %add3A_329 : i32
        %swap3A_331 = arith.constant 0 : i32
        %swap3A_332 = tpu.memref_slice %arg8[%add3A_330, %swap3A_331] : memref<64x32xi32, #tpu.memory_space<vmem>> -> memref<1x32xi32, #tpu.memory_space<vmem>>
        %swap3A_333 = tpu.memref_squeeze %swap3A_332 : memref<1x32xi32, #tpu.memory_space<vmem>> -> memref<32xi32, #tpu.memory_space<vmem>>
        %swap3A_334 = arith.constant 0 : index
        %swap3A_335 = tpu.vector_load %swap3A_333[%swap3A_334] {strides = array<i32>} : memref<32xi32, #tpu.memory_space<vmem>>, vector<16xi32>,
        tpu.vector_store %swap3A_333[%swap3A_334], %shift_right_logical3A_326 {strides = array<i32>} : memref<32xi32, #tpu.memory_space<vmem>>, vector<16xi32>,
        %shift_right_logical3A_336 = arith.constant 4 : i32
        %shift_right_logical3A_337 = vector.broadcast %shift_right_logical3A_336 : i32 to vector<16xi32>
        %shift_right_logical3A_338 = arith.shrui %add3A_323, %shift_right_logical3A_337 : vector<16xi32>
        %and3A_339 = arith.constant 7 : i32
        %and3A_340 = vector.broadcast %and3A_339 : i32 to vector<16xi32>
        %and3A_341 = arith.andi %shift_right_logical3A_338, %and3A_340 : vector<16xi32>
        %swap3A_342 = arith.constant 0 : i32
        %swap3A_343 = tpu.memref_slice %arg9[%add3A_43, %swap3A_342] : memref<16x128xi32, #tpu.memory_space<vmem>> -> memref<1x128xi32, #tpu.memory_space<vmem>>
        %swap3A_344 = tpu.memref_squeeze %swap3A_343 : memref<1x128xi32, #tpu.memory_space<vmem>> -> memref<128xi32, #tpu.memory_space<vmem>>
        %swap3A_345 = arith.constant 96 : index
        %swap3A_346 = tpu.vector_load %swap3A_344[%swap3A_345] {strides = array<i32>} : memref<128xi32, #tpu.memory_space<vmem>>, vector<16xi32>,
        tpu.vector_store %swap3A_344[%swap3A_345], %and3A_341 {strides = array<i32>} : memref<128xi32, #tpu.memory_space<vmem>>, vector<16xi32>,
        %and3A_347 = arith.constant 15 : i32
        %and3A_348 = vector.broadcast %and3A_347 : i32 to vector<16xi32>
        %and3A_349 = arith.andi %add3A_323, %and3A_348 : vector<16xi32>
        %swap3A_350 = arith.constant 0 : i32
        %swap3A_351 = tpu.memref_slice %arg10[%add3A_43, %swap3A_350] : memref<16x128xi32, #tpu.memory_space<vmem>> -> memref<1x128xi32, #tpu.memory_space<vmem>>
        %swap3A_352 = tpu.memref_squeeze %swap3A_351 : memref<1x128xi32, #tpu.memory_space<vmem>> -> memref<128xi32, #tpu.memory_space<vmem>>
        %swap3A_353 = arith.constant 96 : index
        %swap3A_354 = tpu.vector_load %swap3A_352[%swap3A_353] {strides = array<i32>} : memref<128xi32, #tpu.memory_space<vmem>>, vector<16xi32>,
        tpu.vector_store %swap3A_352[%swap3A_353], %and3A_349 {strides = array<i32>} : memref<128xi32, #tpu.memory_space<vmem>>, vector<16xi32>,
        %get3A_355 = arith.constant 0 : i32
        %get3A_356 = tpu.memref_slice %arg6[%add3A_43, %get3A_355] : memref<16x128xi32, #tpu.memory_space<vmem>> -> memref<1x128xi32, #tpu.memory_space<vmem>>
        %get3A_357 = tpu.memref_squeeze %get3A_356 : memref<1x128xi32, #tpu.memory_space<vmem>> -> memref<128xi32, #tpu.memory_space<vmem>>
        %get3A_358 = arith.constant 112 : index
        %get3A_359 = tpu.vector_load %get3A_357[%get3A_358] {strides = array<i32>} : memref<128xi32, #tpu.memory_space<vmem>>, vector<16xi32>,
        %mul3A_360 = arith.constant 8 : i32
        %mul3A_361 = vector.broadcast %mul3A_360 : i32 to vector<16xi32>
        %mul3A_362 = arith.muli %get3A_359, %mul3A_361 : vector<16xi32>
        %get3A_363 = arith.constant 0 : i32
        %get3A_364 = tpu.memref_slice %arg7[%add3A_43, %get3A_363] : memref<16x128xi32, #tpu.memory_space<vmem>> -> memref<1x128xi32, #tpu.memory_space<vmem>>
        %get3A_365 = tpu.memref_squeeze %get3A_364 : memref<1x128xi32, #tpu.memory_space<vmem>> -> memref<128xi32, #tpu.memory_space<vmem>>
        %get3A_366 = arith.constant 112 : index
        %get3A_367 = tpu.vector_load %get3A_365[%get3A_366] {strides = array<i32>} : memref<128xi32, #tpu.memory_space<vmem>>, vector<16xi32>,
        %add3A_368 = arith.addi %mul3A_362, %get3A_367 : vector<16xi32>
        %shift_right_logical3A_369 = arith.constant 7 : i32
        %shift_right_logical3A_370 = vector.broadcast %shift_right_logical3A_369 : i32 to vector<16xi32>
        %shift_right_logical3A_371 = arith.shrui %add3A_368, %shift_right_logical3A_370 : vector<16xi32>
        %mul3A_372 = arith.constant 4 : i32
        %mul3A_373 = arith.muli %add3A_43, %mul3A_372 : i32
        %add3A_374 = arith.constant 3 : i32
        %add3A_375 = arith.addi %mul3A_373, %add3A_374 : i32
        %swap3A_376 = arith.constant 0 : i32
        %swap3A_377 = tpu.memref_slice %arg8[%add3A_375, %swap3A_376] : memref<64x32xi32, #tpu.memory_space<vmem>> -> memref<1x32xi32, #tpu.memory_space<vmem>>
        %swap3A_378 = tpu.memref_squeeze %swap3A_377 : memref<1x32xi32, #tpu.memory_space<vmem>> -> memref<32xi32, #tpu.memory_space<vmem>>
        %swap3A_379 = arith.constant 16 : index
        %swap3A_380 = tpu.vector_load %swap3A_378[%swap3A_379] {strides = array<i32>} : memref<32xi32, #tpu.memory_space<vmem>>, vector<16xi32>,
        tpu.vector_store %swap3A_378[%swap3A_379], %shift_right_logical3A_371 {strides = array<i32>} : memref<32xi32, #tpu.memory_space<vmem>>, vector<16xi32>,
        %shift_right_logical3A_381 = arith.constant 4 : i32
        %shift_right_logical3A_382 = vector.broadcast %shift_right_logical3A_381 : i32 to vector<16xi32>
        %shift_right_logical3A_383 = arith.shrui %add3A_368, %shift_right_logical3A_382 : vector<16xi32>
        %and3A_384 = arith.constant 7 : i32
        %and3A_385 = vector.broadcast %and3A_384 : i32 to vector<16xi32>
        %and3A_386 = arith.andi %shift_right_logical3A_383, %and3A_385 : vector<16xi32>
        %swap3A_387 = arith.constant 0 : i32
        %swap3A_388 = tpu.memref_slice %arg9[%add3A_43, %swap3A_387] : memref<16x128xi32, #tpu.memory_space<vmem>> -> memref<1x128xi32, #tpu.memory_space<vmem>>
        %swap3A_389 = tpu.memref_squeeze %swap3A_388 : memref<1x128xi32, #tpu.memory_space<vmem>> -> memref<128xi32, #tpu.memory_space<vmem>>
        %swap3A_390 = arith.constant 112 : index
        %swap3A_391 = tpu.vector_load %swap3A_389[%swap3A_390] {strides = array<i32>} : memref<128xi32, #tpu.memory_space<vmem>>, vector<16xi32>,
        tpu.vector_store %swap3A_389[%swap3A_390], %and3A_386 {strides = array<i32>} : memref<128xi32, #tpu.memory_space<vmem>>, vector<16xi32>,
        %and3A_392 = arith.constant 15 : i32
        %and3A_393 = vector.broadcast %and3A_392 : i32 to vector<16xi32>
        %and3A_394 = arith.andi %add3A_368, %and3A_393 : vector<16xi32>
        %swap3A_395 = arith.constant 0 : i32
        %swap3A_396 = tpu.memref_slice %arg10[%add3A_43, %swap3A_395] : memref<16x128xi32, #tpu.memory_space<vmem>> -> memref<1x128xi32, #tpu.memory_space<vmem>>
        %swap3A_397 = tpu.memref_squeeze %swap3A_396 : memref<1x128xi32, #tpu.memory_space<vmem>> -> memref<128xi32, #tpu.memory_space<vmem>>
        %swap3A_398 = arith.constant 112 : index
        %swap3A_399 = tpu.vector_load %swap3A_397[%swap3A_398] {strides = array<i32>} : memref<128xi32, #tpu.memory_space<vmem>>, vector<16xi32>,
        tpu.vector_store %swap3A_397[%swap3A_398], %and3A_394 {strides = array<i32>} : memref<128xi32, #tpu.memory_space<vmem>>, vector<16xi32>,
      }
      %scan3A_33 = arith.constant 16 : i32
      %scan3A_34 = arith.constant 0 : i32
      %scan3A_35 = arith.constant 64 : i32
      %scan3A_36 = arith.addi %scan3A_34, %scan3A_35 : i32
      %scan3A_37 = arith.constant 1 : i32
      scf.for %scan3A_39 = %scan3A_34 to %scan3A_36 step %scan3A_37  : i32 {
        %mul3A_40 = arith.constant 1 : i32
        %mul3A_41 = arith.muli %scan3A_39, %mul3A_40 : i32
        %add3A_42 = arith.constant 0 : i32
        %add3A_43 = arith.addi %add3A_42, %mul3A_41 : i32
        %div3A = arith.constant 4 : i32
        %div3A_44 = arith.divsi %add3A_43, %div3A : i32
        %rem3A = arith.constant 4 : i32
        %rem3A_45 = arith.remsi %add3A_43, %rem3A : i32
        %mul3A_46 = arith.constant 32 : i32
        %mul3A_47 = arith.muli %rem3A_45, %mul3A_46 : i32
        %get3A = arith.constant 0 : i32
        %get3A_48 = tpu.memref_slice %arg9[%div3A_44, %get3A] : memref<16x128xi32, #tpu.memory_space<vmem>> -> memref<1x128xi32, #tpu.memory_space<vmem>>
        %get3A_49 = tpu.memref_squeeze %get3A_48 : memref<1x128xi32, #tpu.memory_space<vmem>> -> memref<128xi32, #tpu.memory_space<vmem>>
        %get3A_50 = arith.index_cast %mul3A_47 : i32 to index
        %get3A_51 = tpu.vector_load %get3A_49[%get3A_50] {strides = array<i32>} : memref<128xi32, #tpu.memory_space<vmem>>, vector<16xi32>,
        %add3A_52 = arith.constant 16 : i32
        %add3A_53 = arith.addi %mul3A_47, %add3A_52 : i32
        %get3A_54 = arith.constant 0 : i32
        %get3A_55 = tpu.memref_slice %arg9[%div3A_44, %get3A_54] : memref<16x128xi32, #tpu.memory_space<vmem>> -> memref<1x128xi32, #tpu.memory_space<vmem>>
        %get3A_56 = tpu.memref_squeeze %get3A_55 : memref<1x128xi32, #tpu.memory_space<vmem>> -> memref<128xi32, #tpu.memory_space<vmem>>
        %get3A_57 = arith.index_cast %add3A_53 : i32 to index
        %get3A_58 = tpu.vector_load %get3A_56[%get3A_57] {strides = array<i32>} : memref<128xi32, #tpu.memory_space<vmem>>, vector<16xi32>,
        %get3A_59 = arith.constant 0 : i32
        %get3A_60 = tpu.memref_slice %arg10[%div3A_44, %get3A_59] : memref<16x128xi32, #tpu.memory_space<vmem>> -> memref<1x128xi32, #tpu.memory_space<vmem>>
        %get3A_61 = tpu.memref_squeeze %get3A_60 : memref<1x128xi32, #tpu.memory_space<vmem>> -> memref<128xi32, #tpu.memory_space<vmem>>
        %get3A_62 = arith.index_cast %mul3A_47 : i32 to index
        %get3A_63 = tpu.vector_load %get3A_61[%get3A_62] {strides = array<i32>} : memref<128xi32, #tpu.memory_space<vmem>>, vector<16xi32>,
        %add3A_64 = arith.constant 16 : i32
        %add3A_65 = arith.addi %mul3A_47, %add3A_64 : i32
        %get3A_66 = arith.constant 0 : i32
        %get3A_67 = tpu.memref_slice %arg10[%div3A_44, %get3A_66] : memref<16x128xi32, #tpu.memory_space<vmem>> -> memref<1x128xi32, #tpu.memory_space<vmem>>
        %get3A_68 = tpu.memref_squeeze %get3A_67 : memref<1x128xi32, #tpu.memory_space<vmem>> -> memref<128xi32, #tpu.memory_space<vmem>>
        %get3A_69 = arith.index_cast %add3A_65 : i32 to index
        %get3A_70 = tpu.vector_load %get3A_68[%get3A_69] {strides = array<i32>} : memref<128xi32, #tpu.memory_space<vmem>>, vector<16xi32>,
        %slice3A = vector.extract_strided_slice %get3A_51 {offsets = [0], sizes = [1], strides = [1]} : vector<16xi32> to vector<1xi32>
        %squeeze3A = vector.extract %slice3A[0] : i32 from vector<1xi32>
        %slice3A_71 = vector.extract_strided_slice %get3A_63 {offsets = [0], sizes = [1], strides = [1]} : vector<16xi32> to vector<1xi32>
        %squeeze3A_72 = vector.extract %slice3A_71[0] : i32 from vector<1xi32>
        %eq3A = vector.broadcast %squeeze3A_72 : i32 to vector<16xi32>
        %eq3A_73 = arith.cmpi eq, %iota3A, %eq3A : vector<16xi32>
        %jit3A = arith.constant 1.000000e+00 : f32
        %jit3A_74 = arith.constant 0.000000e+00 : f32
        %broadcast_in_dim3A = vector.broadcast %jit3A : f32 to vector<16xf32>
        %broadcast_in_dim3A_75 = vector.broadcast %jit3A_74 : f32 to vector<16xf32>
        %select_n3A = arith.select %eq3A_73, %broadcast_in_dim3A, %broadcast_in_dim3A_75 : vector<16xi1>, vector<16xf32>
        %mul3A_76 = arith.constant 16 : i32
        %mul3A_77 = arith.muli %squeeze3A, %mul3A_76 : i32
        %swap3A = arith.constant 0 : i32
        %swap3A_78 = arith.constant 0 : i32
        %swap3A_79 = tpu.memref_slice %arg11[%swap3A, %swap3A_78] : memref<32x128xf32, #tpu.memory_space<vmem>> -> memref<1x128xf32, #tpu.memory_space<vmem>>
        %swap3A_80 = tpu.memref_squeeze %swap3A_79 : memref<1x128xf32, #tpu.memory_space<vmem>> -> memref<128xf32, #tpu.memory_space<vmem>>
        %swap3A_81 = arith.index_cast %mul3A_77 : i32 to index
        %swap3A_82 = tpu.vector_load %swap3A_80[%swap3A_81] {strides = array<i32>} : memref<128xf32, #tpu.memory_space<vmem>>, vector<16xf32>,
        tpu.vector_store %swap3A_80[%swap3A_81], %select_n3A {strides = array<i32>} : memref<128xf32, #tpu.memory_space<vmem>>, vector<16xf32>,
        %slice3A_83 = vector.extract_strided_slice %get3A_51 {offsets = [1], sizes = [1], strides = [1]} : vector<16xi32> to vector<1xi32>
        %squeeze3A_84 = vector.extract %slice3A_83[0] : i32 from vector<1xi32>
        %slice3A_85 = vector.extract_strided_slice %get3A_63 {offsets = [1], sizes = [1], strides = [1]} : vector<16xi32> to vector<1xi32>
        %squeeze3A_86 = vector.extract %slice3A_85[0] : i32 from vector<1xi32>
        %eq3A_87 = vector.broadcast %squeeze3A_86 : i32 to vector<16xi32>
        %eq3A_88 = arith.cmpi eq, %iota3A, %eq3A_87 : vector<16xi32>
        %jit3A_89 = arith.constant 1.000000e+00 : f32
        %jit3A_90 = arith.constant 0.000000e+00 : f32
        %broadcast_in_dim3A_91 = vector.broadcast %jit3A_89 : f32 to vector<16xf32>
        %broadcast_in_dim3A_92 = vector.broadcast %jit3A_90 : f32 to vector<16xf32>
        %select_n3A_93 = arith.select %eq3A_88, %broadcast_in_dim3A_91, %broadcast_in_dim3A_92 : vector<16xi1>, vector<16xf32>
        %mul3A_94 = arith.constant 16 : i32
        %mul3A_95 = arith.muli %squeeze3A_84, %mul3A_94 : i32
        %swap3A_96 = arith.constant 1 : i32
        %swap3A_97 = arith.constant 0 : i32
        %swap3A_98 = tpu.memref_slice %arg11[%swap3A_96, %swap3A_97] : memref<32x128xf32, #tpu.memory_space<vmem>> -> memref<1x128xf32, #tpu.memory_space<vmem>>
        %swap3A_99 = tpu.memref_squeeze %swap3A_98 : memref<1x128xf32, #tpu.memory_space<vmem>> -> memref<128xf32, #tpu.memory_space<vmem>>
        %swap3A_100 = arith.index_cast %mul3A_95 : i32 to index
        %swap3A_101 = tpu.vector_load %swap3A_99[%swap3A_100] {strides = array<i32>} : memref<128xf32, #tpu.memory_space<vmem>>, vector<16xf32>,
        tpu.vector_store %swap3A_99[%swap3A_100], %select_n3A_93 {strides = array<i32>} : memref<128xf32, #tpu.memory_space<vmem>>, vector<16xf32>,
        %slice3A_102 = vector.extract_strided_slice %get3A_51 {offsets = [2], sizes = [1], strides = [1]} : vector<16xi32> to vector<1xi32>
        %squeeze3A_103 = vector.extract %slice3A_102[0] : i32 from vector<1xi32>
        %slice3A_104 = vector.extract_strided_slice %get3A_63 {offsets = [2], sizes = [1], strides = [1]} : vector<16xi32> to vector<1xi32>
        %squeeze3A_105 = vector.extract %slice3A_104[0] : i32 from vector<1xi32>
        %eq3A_106 = vector.broadcast %squeeze3A_105 : i32 to vector<16xi32>
        %eq3A_107 = arith.cmpi eq, %iota3A, %eq3A_106 : vector<16xi32>
        %jit3A_108 = arith.constant 1.000000e+00 : f32
        %jit3A_109 = arith.constant 0.000000e+00 : f32
        %broadcast_in_dim3A_110 = vector.broadcast %jit3A_108 : f32 to vector<16xf32>
        %broadcast_in_dim3A_111 = vector.broadcast %jit3A_109 : f32 to vector<16xf32>
        %select_n3A_112 = arith.select %eq3A_107, %broadcast_in_dim3A_110, %broadcast_in_dim3A_111 : vector<16xi1>, vector<16xf32>
        %mul3A_113 = arith.constant 16 : i32
        %mul3A_114 = arith.muli %squeeze3A_103, %mul3A_113 : i32
        %swap3A_115 = arith.constant 2 : i32
        %swap3A_116 = arith.constant 0 : i32
        %swap3A_117 = tpu.memref_slice %arg11[%swap3A_115, %swap3A_116] : memref<32x128xf32, #tpu.memory_space<vmem>> -> memref<1x128xf32, #tpu.memory_space<vmem>>
        %swap3A_118 = tpu.memref_squeeze %swap3A_117 : memref<1x128xf32, #tpu.memory_space<vmem>> -> memref<128xf32, #tpu.memory_space<vmem>>
        %swap3A_119 = arith.index_cast %mul3A_114 : i32 to index
        %swap3A_120 = tpu.vector_load %swap3A_118[%swap3A_119] {strides = array<i32>} : memref<128xf32, #tpu.memory_space<vmem>>, vector<16xf32>,
        tpu.vector_store %swap3A_118[%swap3A_119], %select_n3A_112 {strides = array<i32>} : memref<128xf32, #tpu.memory_space<vmem>>, vector<16xf32>,
        %slice3A_121 = vector.extract_strided_slice %get3A_51 {offsets = [3], sizes = [1], strides = [1]} : vector<16xi32> to vector<1xi32>
        %squeeze3A_122 = vector.extract %slice3A_121[0] : i32 from vector<1xi32>
        %slice3A_123 = vector.extract_strided_slice %get3A_63 {offsets = [3], sizes = [1], strides = [1]} : vector<16xi32> to vector<1xi32>
        %squeeze3A_124 = vector.extract %slice3A_123[0] : i32 from vector<1xi32>
        %eq3A_125 = vector.broadcast %squeeze3A_124 : i32 to vector<16xi32>
        %eq3A_126 = arith.cmpi eq, %iota3A, %eq3A_125 : vector<16xi32>
        %jit3A_127 = arith.constant 1.000000e+00 : f32
        %jit3A_128 = arith.constant 0.000000e+00 : f32
        %broadcast_in_dim3A_129 = vector.broadcast %jit3A_127 : f32 to vector<16xf32>
        %broadcast_in_dim3A_130 = vector.broadcast %jit3A_128 : f32 to vector<16xf32>
        %select_n3A_131 = arith.select %eq3A_126, %broadcast_in_dim3A_129, %broadcast_in_dim3A_130 : vector<16xi1>, vector<16xf32>
        %mul3A_132 = arith.constant 16 : i32
        %mul3A_133 = arith.muli %squeeze3A_122, %mul3A_132 : i32
        %swap3A_134 = arith.constant 3 : i32
        %swap3A_135 = arith.constant 0 : i32
        %swap3A_136 = tpu.memref_slice %arg11[%swap3A_134, %swap3A_135] : memref<32x128xf32, #tpu.memory_space<vmem>> -> memref<1x128xf32, #tpu.memory_space<vmem>>
        %swap3A_137 = tpu.memref_squeeze %swap3A_136 : memref<1x128xf32, #tpu.memory_space<vmem>> -> memref<128xf32, #tpu.memory_space<vmem>>
        %swap3A_138 = arith.index_cast %mul3A_133 : i32 to index
        %swap3A_139 = tpu.vector_load %swap3A_137[%swap3A_138] {strides = array<i32>} : memref<128xf32, #tpu.memory_space<vmem>>, vector<16xf32>,
        tpu.vector_store %swap3A_137[%swap3A_138], %select_n3A_131 {strides = array<i32>} : memref<128xf32, #tpu.memory_space<vmem>>, vector<16xf32>,
        %slice3A_140 = vector.extract_strided_slice %get3A_51 {offsets = [4], sizes = [1], strides = [1]} : vector<16xi32> to vector<1xi32>
        %squeeze3A_141 = vector.extract %slice3A_140[0] : i32 from vector<1xi32>
        %slice3A_142 = vector.extract_strided_slice %get3A_63 {offsets = [4], sizes = [1], strides = [1]} : vector<16xi32> to vector<1xi32>
        %squeeze3A_143 = vector.extract %slice3A_142[0] : i32 from vector<1xi32>
        %eq3A_144 = vector.broadcast %squeeze3A_143 : i32 to vector<16xi32>
        %eq3A_145 = arith.cmpi eq, %iota3A, %eq3A_144 : vector<16xi32>
        %jit3A_146 = arith.constant 1.000000e+00 : f32
        %jit3A_147 = arith.constant 0.000000e+00 : f32
        %broadcast_in_dim3A_148 = vector.broadcast %jit3A_146 : f32 to vector<16xf32>
        %broadcast_in_dim3A_149 = vector.broadcast %jit3A_147 : f32 to vector<16xf32>
        %select_n3A_150 = arith.select %eq3A_145, %broadcast_in_dim3A_148, %broadcast_in_dim3A_149 : vector<16xi1>, vector<16xf32>
        %mul3A_151 = arith.constant 16 : i32
        %mul3A_152 = arith.muli %squeeze3A_141, %mul3A_151 : i32
        %swap3A_153 = arith.constant 4 : i32
        %swap3A_154 = arith.constant 0 : i32
        %swap3A_155 = tpu.memref_slice %arg11[%swap3A_153, %swap3A_154] : memref<32x128xf32, #tpu.memory_space<vmem>> -> memref<1x128xf32, #tpu.memory_space<vmem>>
        %swap3A_156 = tpu.memref_squeeze %swap3A_155 : memref<1x128xf32, #tpu.memory_space<vmem>> -> memref<128xf32, #tpu.memory_space<vmem>>
        %swap3A_157 = arith.index_cast %mul3A_152 : i32 to index
        %swap3A_158 = tpu.vector_load %swap3A_156[%swap3A_157] {strides = array<i32>} : memref<128xf32, #tpu.memory_space<vmem>>, vector<16xf32>,
        tpu.vector_store %swap3A_156[%swap3A_157], %select_n3A_150 {strides = array<i32>} : memref<128xf32, #tpu.memory_space<vmem>>, vector<16xf32>,
        %slice3A_159 = vector.extract_strided_slice %get3A_51 {offsets = [5], sizes = [1], strides = [1]} : vector<16xi32> to vector<1xi32>
        %squeeze3A_160 = vector.extract %slice3A_159[0] : i32 from vector<1xi32>
        %slice3A_161 = vector.extract_strided_slice %get3A_63 {offsets = [5], sizes = [1], strides = [1]} : vector<16xi32> to vector<1xi32>
        %squeeze3A_162 = vector.extract %slice3A_161[0] : i32 from vector<1xi32>
        %eq3A_163 = vector.broadcast %squeeze3A_162 : i32 to vector<16xi32>
        %eq3A_164 = arith.cmpi eq, %iota3A, %eq3A_163 : vector<16xi32>
        %jit3A_165 = arith.constant 1.000000e+00 : f32
        %jit3A_166 = arith.constant 0.000000e+00 : f32
        %broadcast_in_dim3A_167 = vector.broadcast %jit3A_165 : f32 to vector<16xf32>
        %broadcast_in_dim3A_168 = vector.broadcast %jit3A_166 : f32 to vector<16xf32>
        %select_n3A_169 = arith.select %eq3A_164, %broadcast_in_dim3A_167, %broadcast_in_dim3A_168 : vector<16xi1>, vector<16xf32>
        %mul3A_170 = arith.constant 16 : i32
        %mul3A_171 = arith.muli %squeeze3A_160, %mul3A_170 : i32
        %swap3A_172 = arith.constant 5 : i32
        %swap3A_173 = arith.constant 0 : i32
        %swap3A_174 = tpu.memref_slice %arg11[%swap3A_172, %swap3A_173] : memref<32x128xf32, #tpu.memory_space<vmem>> -> memref<1x128xf32, #tpu.memory_space<vmem>>
        %swap3A_175 = tpu.memref_squeeze %swap3A_174 : memref<1x128xf32, #tpu.memory_space<vmem>> -> memref<128xf32, #tpu.memory_space<vmem>>
        %swap3A_176 = arith.index_cast %mul3A_171 : i32 to index
        %swap3A_177 = tpu.vector_load %swap3A_175[%swap3A_176] {strides = array<i32>} : memref<128xf32, #tpu.memory_space<vmem>>, vector<16xf32>,
        tpu.vector_store %swap3A_175[%swap3A_176], %select_n3A_169 {strides = array<i32>} : memref<128xf32, #tpu.memory_space<vmem>>, vector<16xf32>,
        %slice3A_178 = vector.extract_strided_slice %get3A_51 {offsets = [6], sizes = [1], strides = [1]} : vector<16xi32> to vector<1xi32>
        %squeeze3A_179 = vector.extract %slice3A_178[0] : i32 from vector<1xi32>
        %slice3A_180 = vector.extract_strided_slice %get3A_63 {offsets = [6], sizes = [1], strides = [1]} : vector<16xi32> to vector<1xi32>
        %squeeze3A_181 = vector.extract %slice3A_180[0] : i32 from vector<1xi32>
        %eq3A_182 = vector.broadcast %squeeze3A_181 : i32 to vector<16xi32>
        %eq3A_183 = arith.cmpi eq, %iota3A, %eq3A_182 : vector<16xi32>
        %jit3A_184 = arith.constant 1.000000e+00 : f32
        %jit3A_185 = arith.constant 0.000000e+00 : f32
        %broadcast_in_dim3A_186 = vector.broadcast %jit3A_184 : f32 to vector<16xf32>
        %broadcast_in_dim3A_187 = vector.broadcast %jit3A_185 : f32 to vector<16xf32>
        %select_n3A_188 = arith.select %eq3A_183, %broadcast_in_dim3A_186, %broadcast_in_dim3A_187 : vector<16xi1>, vector<16xf32>
        %mul3A_189 = arith.constant 16 : i32
        %mul3A_190 = arith.muli %squeeze3A_179, %mul3A_189 : i32
        %swap3A_191 = arith.constant 6 : i32
        %swap3A_192 = arith.constant 0 : i32
        %swap3A_193 = tpu.memref_slice %arg11[%swap3A_191, %swap3A_192] : memref<32x128xf32, #tpu.memory_space<vmem>> -> memref<1x128xf32, #tpu.memory_space<vmem>>
        %swap3A_194 = tpu.memref_squeeze %swap3A_193 : memref<1x128xf32, #tpu.memory_space<vmem>> -> memref<128xf32, #tpu.memory_space<vmem>>
        %swap3A_195 = arith.index_cast %mul3A_190 : i32 to index
        %swap3A_196 = tpu.vector_load %swap3A_194[%swap3A_195] {strides = array<i32>} : memref<128xf32, #tpu.memory_space<vmem>>, vector<16xf32>,
        tpu.vector_store %swap3A_194[%swap3A_195], %select_n3A_188 {strides = array<i32>} : memref<128xf32, #tpu.memory_space<vmem>>, vector<16xf32>,
        %slice3A_197 = vector.extract_strided_slice %get3A_51 {offsets = [7], sizes = [1], strides = [1]} : vector<16xi32> to vector<1xi32>
        %squeeze3A_198 = vector.extract %slice3A_197[0] : i32 from vector<1xi32>
        %slice3A_199 = vector.extract_strided_slice %get3A_63 {offsets = [7], sizes = [1], strides = [1]} : vector<16xi32> to vector<1xi32>
        %squeeze3A_200 = vector.extract %slice3A_199[0] : i32 from vector<1xi32>
        %eq3A_201 = vector.broadcast %squeeze3A_200 : i32 to vector<16xi32>
        %eq3A_202 = arith.cmpi eq, %iota3A, %eq3A_201 : vector<16xi32>
        %jit3A_203 = arith.constant 1.000000e+00 : f32
        %jit3A_204 = arith.constant 0.000000e+00 : f32
        %broadcast_in_dim3A_205 = vector.broadcast %jit3A_203 : f32 to vector<16xf32>
        %broadcast_in_dim3A_206 = vector.broadcast %jit3A_204 : f32 to vector<16xf32>
        %select_n3A_207 = arith.select %eq3A_202, %broadcast_in_dim3A_205, %broadcast_in_dim3A_206 : vector<16xi1>, vector<16xf32>
        %mul3A_208 = arith.constant 16 : i32
        %mul3A_209 = arith.muli %squeeze3A_198, %mul3A_208 : i32
        %swap3A_210 = arith.constant 7 : i32
        %swap3A_211 = arith.constant 0 : i32
        %swap3A_212 = tpu.memref_slice %arg11[%swap3A_210, %swap3A_211] : memref<32x128xf32, #tpu.memory_space<vmem>> -> memref<1x128xf32, #tpu.memory_space<vmem>>
        %swap3A_213 = tpu.memref_squeeze %swap3A_212 : memref<1x128xf32, #tpu.memory_space<vmem>> -> memref<128xf32, #tpu.memory_space<vmem>>
        %swap3A_214 = arith.index_cast %mul3A_209 : i32 to index
        %swap3A_215 = tpu.vector_load %swap3A_213[%swap3A_214] {strides = array<i32>} : memref<128xf32, #tpu.memory_space<vmem>>, vector<16xf32>,
        tpu.vector_store %swap3A_213[%swap3A_214], %select_n3A_207 {strides = array<i32>} : memref<128xf32, #tpu.memory_space<vmem>>, vector<16xf32>,
        %slice3A_216 = vector.extract_strided_slice %get3A_51 {offsets = [8], sizes = [1], strides = [1]} : vector<16xi32> to vector<1xi32>
        %squeeze3A_217 = vector.extract %slice3A_216[0] : i32 from vector<1xi32>
        %slice3A_218 = vector.extract_strided_slice %get3A_63 {offsets = [8], sizes = [1], strides = [1]} : vector<16xi32> to vector<1xi32>
        %squeeze3A_219 = vector.extract %slice3A_218[0] : i32 from vector<1xi32>
        %eq3A_220 = vector.broadcast %squeeze3A_219 : i32 to vector<16xi32>
        %eq3A_221 = arith.cmpi eq, %iota3A, %eq3A_220 : vector<16xi32>
        %jit3A_222 = arith.constant 1.000000e+00 : f32
        %jit3A_223 = arith.constant 0.000000e+00 : f32
        %broadcast_in_dim3A_224 = vector.broadcast %jit3A_222 : f32 to vector<16xf32>
        %broadcast_in_dim3A_225 = vector.broadcast %jit3A_223 : f32 to vector<16xf32>
        %select_n3A_226 = arith.select %eq3A_221, %broadcast_in_dim3A_224, %broadcast_in_dim3A_225 : vector<16xi1>, vector<16xf32>
        %mul3A_227 = arith.constant 16 : i32
        %mul3A_228 = arith.muli %squeeze3A_217, %mul3A_227 : i32
        %swap3A_229 = arith.constant 8 : i32
        %swap3A_230 = arith.constant 0 : i32
        %swap3A_231 = tpu.memref_slice %arg11[%swap3A_229, %swap3A_230] : memref<32x128xf32, #tpu.memory_space<vmem>> -> memref<1x128xf32, #tpu.memory_space<vmem>>
        %swap3A_232 = tpu.memref_squeeze %swap3A_231 : memref<1x128xf32, #tpu.memory_space<vmem>> -> memref<128xf32, #tpu.memory_space<vmem>>
        %swap3A_233 = arith.index_cast %mul3A_228 : i32 to index
        %swap3A_234 = tpu.vector_load %swap3A_232[%swap3A_233] {strides = array<i32>} : memref<128xf32, #tpu.memory_space<vmem>>, vector<16xf32>,
        tpu.vector_store %swap3A_232[%swap3A_233], %select_n3A_226 {strides = array<i32>} : memref<128xf32, #tpu.memory_space<vmem>>, vector<16xf32>,
        %slice3A_235 = vector.extract_strided_slice %get3A_51 {offsets = [9], sizes = [1], strides = [1]} : vector<16xi32> to vector<1xi32>
        %squeeze3A_236 = vector.extract %slice3A_235[0] : i32 from vector<1xi32>
        %slice3A_237 = vector.extract_strided_slice %get3A_63 {offsets = [9], sizes = [1], strides = [1]} : vector<16xi32> to vector<1xi32>
        %squeeze3A_238 = vector.extract %slice3A_237[0] : i32 from vector<1xi32>
        %eq3A_239 = vector.broadcast %squeeze3A_238 : i32 to vector<16xi32>
        %eq3A_240 = arith.cmpi eq, %iota3A, %eq3A_239 : vector<16xi32>
        %jit3A_241 = arith.constant 1.000000e+00 : f32
        %jit3A_242 = arith.constant 0.000000e+00 : f32
        %broadcast_in_dim3A_243 = vector.broadcast %jit3A_241 : f32 to vector<16xf32>
        %broadcast_in_dim3A_244 = vector.broadcast %jit3A_242 : f32 to vector<16xf32>
        %select_n3A_245 = arith.select %eq3A_240, %broadcast_in_dim3A_243, %broadcast_in_dim3A_244 : vector<16xi1>, vector<16xf32>
        %mul3A_246 = arith.constant 16 : i32
        %mul3A_247 = arith.muli %squeeze3A_236, %mul3A_246 : i32
        %swap3A_248 = arith.constant 9 : i32
        %swap3A_249 = arith.constant 0 : i32
        %swap3A_250 = tpu.memref_slice %arg11[%swap3A_248, %swap3A_249] : memref<32x128xf32, #tpu.memory_space<vmem>> -> memref<1x128xf32, #tpu.memory_space<vmem>>
        %swap3A_251 = tpu.memref_squeeze %swap3A_250 : memref<1x128xf32, #tpu.memory_space<vmem>> -> memref<128xf32, #tpu.memory_space<vmem>>
        %swap3A_252 = arith.index_cast %mul3A_247 : i32 to index
        %swap3A_253 = tpu.vector_load %swap3A_251[%swap3A_252] {strides = array<i32>} : memref<128xf32, #tpu.memory_space<vmem>>, vector<16xf32>,
        tpu.vector_store %swap3A_251[%swap3A_252], %select_n3A_245 {strides = array<i32>} : memref<128xf32, #tpu.memory_space<vmem>>, vector<16xf32>,
        %slice3A_254 = vector.extract_strided_slice %get3A_51 {offsets = [10], sizes = [1], strides = [1]} : vector<16xi32> to vector<1xi32>
        %squeeze3A_255 = vector.extract %slice3A_254[0] : i32 from vector<1xi32>
        %slice3A_256 = vector.extract_strided_slice %get3A_63 {offsets = [10], sizes = [1], strides = [1]} : vector<16xi32> to vector<1xi32>
        %squeeze3A_257 = vector.extract %slice3A_256[0] : i32 from vector<1xi32>
        %eq3A_258 = vector.broadcast %squeeze3A_257 : i32 to vector<16xi32>
        %eq3A_259 = arith.cmpi eq, %iota3A, %eq3A_258 : vector<16xi32>
        %jit3A_260 = arith.constant 1.000000e+00 : f32
        %jit3A_261 = arith.constant 0.000000e+00 : f32
        %broadcast_in_dim3A_262 = vector.broadcast %jit3A_260 : f32 to vector<16xf32>
        %broadcast_in_dim3A_263 = vector.broadcast %jit3A_261 : f32 to vector<16xf32>
        %select_n3A_264 = arith.select %eq3A_259, %broadcast_in_dim3A_262, %broadcast_in_dim3A_263 : vector<16xi1>, vector<16xf32>
        %mul3A_265 = arith.constant 16 : i32
        %mul3A_266 = arith.muli %squeeze3A_255, %mul3A_265 : i32
        %swap3A_267 = arith.constant 10 : i32
        %swap3A_268 = arith.constant 0 : i32
        %swap3A_269 = tpu.memref_slice %arg11[%swap3A_267, %swap3A_268] : memref<32x128xf32, #tpu.memory_space<vmem>> -> memref<1x128xf32, #tpu.memory_space<vmem>>
        %swap3A_270 = tpu.memref_squeeze %swap3A_269 : memref<1x128xf32, #tpu.memory_space<vmem>> -> memref<128xf32, #tpu.memory_space<vmem>>
        %swap3A_271 = arith.index_cast %mul3A_266 : i32 to index
        %swap3A_272 = tpu.vector_load %swap3A_270[%swap3A_271] {strides = array<i32>} : memref<128xf32, #tpu.memory_space<vmem>>, vector<16xf32>,
        tpu.vector_store %swap3A_270[%swap3A_271], %select_n3A_264 {strides = array<i32>} : memref<128xf32, #tpu.memory_space<vmem>>, vector<16xf32>,
        %slice3A_273 = vector.extract_strided_slice %get3A_51 {offsets = [11], sizes = [1], strides = [1]} : vector<16xi32> to vector<1xi32>
        %squeeze3A_274 = vector.extract %slice3A_273[0] : i32 from vector<1xi32>
        %slice3A_275 = vector.extract_strided_slice %get3A_63 {offsets = [11], sizes = [1], strides = [1]} : vector<16xi32> to vector<1xi32>
        %squeeze3A_276 = vector.extract %slice3A_275[0] : i32 from vector<1xi32>
        %eq3A_277 = vector.broadcast %squeeze3A_276 : i32 to vector<16xi32>
        %eq3A_278 = arith.cmpi eq, %iota3A, %eq3A_277 : vector<16xi32>
        %jit3A_279 = arith.constant 1.000000e+00 : f32
        %jit3A_280 = arith.constant 0.000000e+00 : f32
        %broadcast_in_dim3A_281 = vector.broadcast %jit3A_279 : f32 to vector<16xf32>
        %broadcast_in_dim3A_282 = vector.broadcast %jit3A_280 : f32 to vector<16xf32>
        %select_n3A_283 = arith.select %eq3A_278, %broadcast_in_dim3A_281, %broadcast_in_dim3A_282 : vector<16xi1>, vector<16xf32>
        %mul3A_284 = arith.constant 16 : i32
        %mul3A_285 = arith.muli %squeeze3A_274, %mul3A_284 : i32
        %swap3A_286 = arith.constant 11 : i32
        %swap3A_287 = arith.constant 0 : i32
        %swap3A_288 = tpu.memref_slice %arg11[%swap3A_286, %swap3A_287] : memref<32x128xf32, #tpu.memory_space<vmem>> -> memref<1x128xf32, #tpu.memory_space<vmem>>
        %swap3A_289 = tpu.memref_squeeze %swap3A_288 : memref<1x128xf32, #tpu.memory_space<vmem>> -> memref<128xf32, #tpu.memory_space<vmem>>
        %swap3A_290 = arith.index_cast %mul3A_285 : i32 to index
        %swap3A_291 = tpu.vector_load %swap3A_289[%swap3A_290] {strides = array<i32>} : memref<128xf32, #tpu.memory_space<vmem>>, vector<16xf32>,
        tpu.vector_store %swap3A_289[%swap3A_290], %select_n3A_283 {strides = array<i32>} : memref<128xf32, #tpu.memory_space<vmem>>, vector<16xf32>,
        %slice3A_292 = vector.extract_strided_slice %get3A_51 {offsets = [12], sizes = [1], strides = [1]} : vector<16xi32> to vector<1xi32>
        %squeeze3A_293 = vector.extract %slice3A_292[0] : i32 from vector<1xi32>
        %slice3A_294 = vector.extract_strided_slice %get3A_63 {offsets = [12], sizes = [1], strides = [1]} : vector<16xi32> to vector<1xi32>
        %squeeze3A_295 = vector.extract %slice3A_294[0] : i32 from vector<1xi32>
        %eq3A_296 = vector.broadcast %squeeze3A_295 : i32 to vector<16xi32>
        %eq3A_297 = arith.cmpi eq, %iota3A, %eq3A_296 : vector<16xi32>
        %jit3A_298 = arith.constant 1.000000e+00 : f32
        %jit3A_299 = arith.constant 0.000000e+00 : f32
        %broadcast_in_dim3A_300 = vector.broadcast %jit3A_298 : f32 to vector<16xf32>
        %broadcast_in_dim3A_301 = vector.broadcast %jit3A_299 : f32 to vector<16xf32>
        %select_n3A_302 = arith.select %eq3A_297, %broadcast_in_dim3A_300, %broadcast_in_dim3A_301 : vector<16xi1>, vector<16xf32>
        %mul3A_303 = arith.constant 16 : i32
        %mul3A_304 = arith.muli %squeeze3A_293, %mul3A_303 : i32
        %swap3A_305 = arith.constant 12 : i32
        %swap3A_306 = arith.constant 0 : i32
        %swap3A_307 = tpu.memref_slice %arg11[%swap3A_305, %swap3A_306] : memref<32x128xf32, #tpu.memory_space<vmem>> -> memref<1x128xf32, #tpu.memory_space<vmem>>
        %swap3A_308 = tpu.memref_squeeze %swap3A_307 : memref<1x128xf32, #tpu.memory_space<vmem>> -> memref<128xf32, #tpu.memory_space<vmem>>
        %swap3A_309 = arith.index_cast %mul3A_304 : i32 to index
        %swap3A_310 = tpu.vector_load %swap3A_308[%swap3A_309] {strides = array<i32>} : memref<128xf32, #tpu.memory_space<vmem>>, vector<16xf32>,
        tpu.vector_store %swap3A_308[%swap3A_309], %select_n3A_302 {strides = array<i32>} : memref<128xf32, #tpu.memory_space<vmem>>, vector<16xf32>,
        %slice3A_311 = vector.extract_strided_slice %get3A_51 {offsets = [13], sizes = [1], strides = [1]} : vector<16xi32> to vector<1xi32>
        %squeeze3A_312 = vector.extract %slice3A_311[0] : i32 from vector<1xi32>
        %slice3A_313 = vector.extract_strided_slice %get3A_63 {offsets = [13], sizes = [1], strides = [1]} : vector<16xi32> to vector<1xi32>
        %squeeze3A_314 = vector.extract %slice3A_313[0] : i32 from vector<1xi32>
        %eq3A_315 = vector.broadcast %squeeze3A_314 : i32 to vector<16xi32>
        %eq3A_316 = arith.cmpi eq, %iota3A, %eq3A_315 : vector<16xi32>
        %jit3A_317 = arith.constant 1.000000e+00 : f32
        %jit3A_318 = arith.constant 0.000000e+00 : f32
        %broadcast_in_dim3A_319 = vector.broadcast %jit3A_317 : f32 to vector<16xf32>
        %broadcast_in_dim3A_320 = vector.broadcast %jit3A_318 : f32 to vector<16xf32>
        %select_n3A_321 = arith.select %eq3A_316, %broadcast_in_dim3A_319, %broadcast_in_dim3A_320 : vector<16xi1>, vector<16xf32>
        %mul3A_322 = arith.constant 16 : i32
        %mul3A_323 = arith.muli %squeeze3A_312, %mul3A_322 : i32
        %swap3A_324 = arith.constant 13 : i32
        %swap3A_325 = arith.constant 0 : i32
        %swap3A_326 = tpu.memref_slice %arg11[%swap3A_324, %swap3A_325] : memref<32x128xf32, #tpu.memory_space<vmem>> -> memref<1x128xf32, #tpu.memory_space<vmem>>
        %swap3A_327 = tpu.memref_squeeze %swap3A_326 : memref<1x128xf32, #tpu.memory_space<vmem>> -> memref<128xf32, #tpu.memory_space<vmem>>
        %swap3A_328 = arith.index_cast %mul3A_323 : i32 to index
        %swap3A_329 = tpu.vector_load %swap3A_327[%swap3A_328] {strides = array<i32>} : memref<128xf32, #tpu.memory_space<vmem>>, vector<16xf32>,
        tpu.vector_store %swap3A_327[%swap3A_328], %select_n3A_321 {strides = array<i32>} : memref<128xf32, #tpu.memory_space<vmem>>, vector<16xf32>,
        %slice3A_330 = vector.extract_strided_slice %get3A_51 {offsets = [14], sizes = [1], strides = [1]} : vector<16xi32> to vector<1xi32>
        %squeeze3A_331 = vector.extract %slice3A_330[0] : i32 from vector<1xi32>
        %slice3A_332 = vector.extract_strided_slice %get3A_63 {offsets = [14], sizes = [1], strides = [1]} : vector<16xi32> to vector<1xi32>
        %squeeze3A_333 = vector.extract %slice3A_332[0] : i32 from vector<1xi32>
        %eq3A_334 = vector.broadcast %squeeze3A_333 : i32 to vector<16xi32>
        %eq3A_335 = arith.cmpi eq, %iota3A, %eq3A_334 : vector<16xi32>
        %jit3A_336 = arith.constant 1.000000e+00 : f32
        %jit3A_337 = arith.constant 0.000000e+00 : f32
        %broadcast_in_dim3A_338 = vector.broadcast %jit3A_336 : f32 to vector<16xf32>
        %broadcast_in_dim3A_339 = vector.broadcast %jit3A_337 : f32 to vector<16xf32>
        %select_n3A_340 = arith.select %eq3A_335, %broadcast_in_dim3A_338, %broadcast_in_dim3A_339 : vector<16xi1>, vector<16xf32>
        %mul3A_341 = arith.constant 16 : i32
        %mul3A_342 = arith.muli %squeeze3A_331, %mul3A_341 : i32
        %swap3A_343 = arith.constant 14 : i32
        %swap3A_344 = arith.constant 0 : i32
        %swap3A_345 = tpu.memref_slice %arg11[%swap3A_343, %swap3A_344] : memref<32x128xf32, #tpu.memory_space<vmem>> -> memref<1x128xf32, #tpu.memory_space<vmem>>
        %swap3A_346 = tpu.memref_squeeze %swap3A_345 : memref<1x128xf32, #tpu.memory_space<vmem>> -> memref<128xf32, #tpu.memory_space<vmem>>
        %swap3A_347 = arith.index_cast %mul3A_342 : i32 to index
        %swap3A_348 = tpu.vector_load %swap3A_346[%swap3A_347] {strides = array<i32>} : memref<128xf32, #tpu.memory_space<vmem>>, vector<16xf32>,
        tpu.vector_store %swap3A_346[%swap3A_347], %select_n3A_340 {strides = array<i32>} : memref<128xf32, #tpu.memory_space<vmem>>, vector<16xf32>,
        %slice3A_349 = vector.extract_strided_slice %get3A_51 {offsets = [15], sizes = [1], strides = [1]} : vector<16xi32> to vector<1xi32>
        %squeeze3A_350 = vector.extract %slice3A_349[0] : i32 from vector<1xi32>
        %slice3A_351 = vector.extract_strided_slice %get3A_63 {offsets = [15], sizes = [1], strides = [1]} : vector<16xi32> to vector<1xi32>
        %squeeze3A_352 = vector.extract %slice3A_351[0] : i32 from vector<1xi32>
        %eq3A_353 = vector.broadcast %squeeze3A_352 : i32 to vector<16xi32>
        %eq3A_354 = arith.cmpi eq, %iota3A, %eq3A_353 : vector<16xi32>
        %jit3A_355 = arith.constant 1.000000e+00 : f32
        %jit3A_356 = arith.constant 0.000000e+00 : f32
        %broadcast_in_dim3A_357 = vector.broadcast %jit3A_355 : f32 to vector<16xf32>
        %broadcast_in_dim3A_358 = vector.broadcast %jit3A_356 : f32 to vector<16xf32>
        %select_n3A_359 = arith.select %eq3A_354, %broadcast_in_dim3A_357, %broadcast_in_dim3A_358 : vector<16xi1>, vector<16xf32>
        %mul3A_360 = arith.constant 16 : i32
        %mul3A_361 = arith.muli %squeeze3A_350, %mul3A_360 : i32
        %swap3A_362 = arith.constant 15 : i32
        %swap3A_363 = arith.constant 0 : i32
        %swap3A_364 = tpu.memref_slice %arg11[%swap3A_362, %swap3A_363] : memref<32x128xf32, #tpu.memory_space<vmem>> -> memref<1x128xf32, #tpu.memory_space<vmem>>
        %swap3A_365 = tpu.memref_squeeze %swap3A_364 : memref<1x128xf32, #tpu.memory_space<vmem>> -> memref<128xf32, #tpu.memory_space<vmem>>
        %swap3A_366 = arith.index_cast %mul3A_361 : i32 to index
        %swap3A_367 = tpu.vector_load %swap3A_365[%swap3A_366] {strides = array<i32>} : memref<128xf32, #tpu.memory_space<vmem>>, vector<16xf32>,
        tpu.vector_store %swap3A_365[%swap3A_366], %select_n3A_359 {strides = array<i32>} : memref<128xf32, #tpu.memory_space<vmem>>, vector<16xf32>,
        %slice3A_368 = vector.extract_strided_slice %get3A_58 {offsets = [0], sizes = [1], strides = [1]} : vector<16xi32> to vector<1xi32>
        %squeeze3A_369 = vector.extract %slice3A_368[0] : i32 from vector<1xi32>
        %slice3A_370 = vector.extract_strided_slice %get3A_70 {offsets = [0], sizes = [1], strides = [1]} : vector<16xi32> to vector<1xi32>
        %squeeze3A_371 = vector.extract %slice3A_370[0] : i32 from vector<1xi32>
        %eq3A_372 = vector.broadcast %squeeze3A_371 : i32 to vector<16xi32>
        %eq3A_373 = arith.cmpi eq, %iota3A, %eq3A_372 : vector<16xi32>
        %jit3A_374 = arith.constant 1.000000e+00 : f32
        %jit3A_375 = arith.constant 0.000000e+00 : f32
        %broadcast_in_dim3A_376 = vector.broadcast %jit3A_374 : f32 to vector<16xf32>
        %broadcast_in_dim3A_377 = vector.broadcast %jit3A_375 : f32 to vector<16xf32>
        %select_n3A_378 = arith.select %eq3A_373, %broadcast_in_dim3A_376, %broadcast_in_dim3A_377 : vector<16xi1>, vector<16xf32>
        %mul3A_379 = arith.constant 16 : i32
        %mul3A_380 = arith.muli %squeeze3A_369, %mul3A_379 : i32
        %swap3A_381 = arith.constant 16 : i32
        %swap3A_382 = arith.constant 0 : i32
        %swap3A_383 = tpu.memref_slice %arg11[%swap3A_381, %swap3A_382] : memref<32x128xf32, #tpu.memory_space<vmem>> -> memref<1x128xf32, #tpu.memory_space<vmem>>
        %swap3A_384 = tpu.memref_squeeze %swap3A_383 : memref<1x128xf32, #tpu.memory_space<vmem>> -> memref<128xf32, #tpu.memory_space<vmem>>
        %swap3A_385 = arith.index_cast %mul3A_380 : i32 to index
        %swap3A_386 = tpu.vector_load %swap3A_384[%swap3A_385] {strides = array<i32>} : memref<128xf32, #tpu.memory_space<vmem>>, vector<16xf32>,
        tpu.vector_store %swap3A_384[%swap3A_385], %select_n3A_378 {strides = array<i32>} : memref<128xf32, #tpu.memory_space<vmem>>, vector<16xf32>,
        %slice3A_387 = vector.extract_strided_slice %get3A_58 {offsets = [1], sizes = [1], strides = [1]} : vector<16xi32> to vector<1xi32>
        %squeeze3A_388 = vector.extract %slice3A_387[0] : i32 from vector<1xi32>
        %slice3A_389 = vector.extract_strided_slice %get3A_70 {offsets = [1], sizes = [1], strides = [1]} : vector<16xi32> to vector<1xi32>
        %squeeze3A_390 = vector.extract %slice3A_389[0] : i32 from vector<1xi32>
        %eq3A_391 = vector.broadcast %squeeze3A_390 : i32 to vector<16xi32>
        %eq3A_392 = arith.cmpi eq, %iota3A, %eq3A_391 : vector<16xi32>
        %jit3A_393 = arith.constant 1.000000e+00 : f32
        %jit3A_394 = arith.constant 0.000000e+00 : f32
        %broadcast_in_dim3A_395 = vector.broadcast %jit3A_393 : f32 to vector<16xf32>
        %broadcast_in_dim3A_396 = vector.broadcast %jit3A_394 : f32 to vector<16xf32>
        %select_n3A_397 = arith.select %eq3A_392, %broadcast_in_dim3A_395, %broadcast_in_dim3A_396 : vector<16xi1>, vector<16xf32>
        %mul3A_398 = arith.constant 16 : i32
        %mul3A_399 = arith.muli %squeeze3A_388, %mul3A_398 : i32
        %swap3A_400 = arith.constant 17 : i32
        %swap3A_401 = arith.constant 0 : i32
        %swap3A_402 = tpu.memref_slice %arg11[%swap3A_400, %swap3A_401] : memref<32x128xf32, #tpu.memory_space<vmem>> -> memref<1x128xf32, #tpu.memory_space<vmem>>
        %swap3A_403 = tpu.memref_squeeze %swap3A_402 : memref<1x128xf32, #tpu.memory_space<vmem>> -> memref<128xf32, #tpu.memory_space<vmem>>
        %swap3A_404 = arith.index_cast %mul3A_399 : i32 to index
        %swap3A_405 = tpu.vector_load %swap3A_403[%swap3A_404] {strides = array<i32>} : memref<128xf32, #tpu.memory_space<vmem>>, vector<16xf32>,
        tpu.vector_store %swap3A_403[%swap3A_404], %select_n3A_397 {strides = array<i32>} : memref<128xf32, #tpu.memory_space<vmem>>, vector<16xf32>,
        %slice3A_406 = vector.extract_strided_slice %get3A_58 {offsets = [2], sizes = [1], strides = [1]} : vector<16xi32> to vector<1xi32>
        %squeeze3A_407 = vector.extract %slice3A_406[0] : i32 from vector<1xi32>
        %slice3A_408 = vector.extract_strided_slice %get3A_70 {offsets = [2], sizes = [1], strides = [1]} : vector<16xi32> to vector<1xi32>
        %squeeze3A_409 = vector.extract %slice3A_408[0] : i32 from vector<1xi32>
        %eq3A_410 = vector.broadcast %squeeze3A_409 : i32 to vector<16xi32>
        %eq3A_411 = arith.cmpi eq, %iota3A, %eq3A_410 : vector<16xi32>
        %jit3A_412 = arith.constant 1.000000e+00 : f32
        %jit3A_413 = arith.constant 0.000000e+00 : f32
        %broadcast_in_dim3A_414 = vector.broadcast %jit3A_412 : f32 to vector<16xf32>
        %broadcast_in_dim3A_415 = vector.broadcast %jit3A_413 : f32 to vector<16xf32>
        %select_n3A_416 = arith.select %eq3A_411, %broadcast_in_dim3A_414, %broadcast_in_dim3A_415 : vector<16xi1>, vector<16xf32>
        %mul3A_417 = arith.constant 16 : i32
        %mul3A_418 = arith.muli %squeeze3A_407, %mul3A_417 : i32
        %swap3A_419 = arith.constant 18 : i32
        %swap3A_420 = arith.constant 0 : i32
        %swap3A_421 = tpu.memref_slice %arg11[%swap3A_419, %swap3A_420] : memref<32x128xf32, #tpu.memory_space<vmem>> -> memref<1x128xf32, #tpu.memory_space<vmem>>
        %swap3A_422 = tpu.memref_squeeze %swap3A_421 : memref<1x128xf32, #tpu.memory_space<vmem>> -> memref<128xf32, #tpu.memory_space<vmem>>
        %swap3A_423 = arith.index_cast %mul3A_418 : i32 to index
        %swap3A_424 = tpu.vector_load %swap3A_422[%swap3A_423] {strides = array<i32>} : memref<128xf32, #tpu.memory_space<vmem>>, vector<16xf32>,
        tpu.vector_store %swap3A_422[%swap3A_423], %select_n3A_416 {strides = array<i32>} : memref<128xf32, #tpu.memory_space<vmem>>, vector<16xf32>,
        %slice3A_425 = vector.extract_strided_slice %get3A_58 {offsets = [3], sizes = [1], strides = [1]} : vector<16xi32> to vector<1xi32>
        %squeeze3A_426 = vector.extract %slice3A_425[0] : i32 from vector<1xi32>
        %slice3A_427 = vector.extract_strided_slice %get3A_70 {offsets = [3], sizes = [1], strides = [1]} : vector<16xi32> to vector<1xi32>
        %squeeze3A_428 = vector.extract %slice3A_427[0] : i32 from vector<1xi32>
        %eq3A_429 = vector.broadcast %squeeze3A_428 : i32 to vector<16xi32>
        %eq3A_430 = arith.cmpi eq, %iota3A, %eq3A_429 : vector<16xi32>
        %jit3A_431 = arith.constant 1.000000e+00 : f32
        %jit3A_432 = arith.constant 0.000000e+00 : f32
        %broadcast_in_dim3A_433 = vector.broadcast %jit3A_431 : f32 to vector<16xf32>
        %broadcast_in_dim3A_434 = vector.broadcast %jit3A_432 : f32 to vector<16xf32>
        %select_n3A_435 = arith.select %eq3A_430, %broadcast_in_dim3A_433, %broadcast_in_dim3A_434 : vector<16xi1>, vector<16xf32>
        %mul3A_436 = arith.constant 16 : i32
        %mul3A_437 = arith.muli %squeeze3A_426, %mul3A_436 : i32
        %swap3A_438 = arith.constant 19 : i32
        %swap3A_439 = arith.constant 0 : i32
        %swap3A_440 = tpu.memref_slice %arg11[%swap3A_438, %swap3A_439] : memref<32x128xf32, #tpu.memory_space<vmem>> -> memref<1x128xf32, #tpu.memory_space<vmem>>
        %swap3A_441 = tpu.memref_squeeze %swap3A_440 : memref<1x128xf32, #tpu.memory_space<vmem>> -> memref<128xf32, #tpu.memory_space<vmem>>
        %swap3A_442 = arith.index_cast %mul3A_437 : i32 to index
        %swap3A_443 = tpu.vector_load %swap3A_441[%swap3A_442] {strides = array<i32>} : memref<128xf32, #tpu.memory_space<vmem>>, vector<16xf32>,
        tpu.vector_store %swap3A_441[%swap3A_442], %select_n3A_435 {strides = array<i32>} : memref<128xf32, #tpu.memory_space<vmem>>, vector<16xf32>,
        %slice3A_444 = vector.extract_strided_slice %get3A_58 {offsets = [4], sizes = [1], strides = [1]} : vector<16xi32> to vector<1xi32>
        %squeeze3A_445 = vector.extract %slice3A_444[0] : i32 from vector<1xi32>
        %slice3A_446 = vector.extract_strided_slice %get3A_70 {offsets = [4], sizes = [1], strides = [1]} : vector<16xi32> to vector<1xi32>
        %squeeze3A_447 = vector.extract %slice3A_446[0] : i32 from vector<1xi32>
        %eq3A_448 = vector.broadcast %squeeze3A_447 : i32 to vector<16xi32>
        %eq3A_449 = arith.cmpi eq, %iota3A, %eq3A_448 : vector<16xi32>
        %jit3A_450 = arith.constant 1.000000e+00 : f32
        %jit3A_451 = arith.constant 0.000000e+00 : f32
        %broadcast_in_dim3A_452 = vector.broadcast %jit3A_450 : f32 to vector<16xf32>
        %broadcast_in_dim3A_453 = vector.broadcast %jit3A_451 : f32 to vector<16xf32>
        %select_n3A_454 = arith.select %eq3A_449, %broadcast_in_dim3A_452, %broadcast_in_dim3A_453 : vector<16xi1>, vector<16xf32>
        %mul3A_455 = arith.constant 16 : i32
        %mul3A_456 = arith.muli %squeeze3A_445, %mul3A_455 : i32
        %swap3A_457 = arith.constant 20 : i32
        %swap3A_458 = arith.constant 0 : i32
        %swap3A_459 = tpu.memref_slice %arg11[%swap3A_457, %swap3A_458] : memref<32x128xf32, #tpu.memory_space<vmem>> -> memref<1x128xf32, #tpu.memory_space<vmem>>
        %swap3A_460 = tpu.memref_squeeze %swap3A_459 : memref<1x128xf32, #tpu.memory_space<vmem>> -> memref<128xf32, #tpu.memory_space<vmem>>
        %swap3A_461 = arith.index_cast %mul3A_456 : i32 to index
        %swap3A_462 = tpu.vector_load %swap3A_460[%swap3A_461] {strides = array<i32>} : memref<128xf32, #tpu.memory_space<vmem>>, vector<16xf32>,
        tpu.vector_store %swap3A_460[%swap3A_461], %select_n3A_454 {strides = array<i32>} : memref<128xf32, #tpu.memory_space<vmem>>, vector<16xf32>,
        %slice3A_463 = vector.extract_strided_slice %get3A_58 {offsets = [5], sizes = [1], strides = [1]} : vector<16xi32> to vector<1xi32>
        %squeeze3A_464 = vector.extract %slice3A_463[0] : i32 from vector<1xi32>
        %slice3A_465 = vector.extract_strided_slice %get3A_70 {offsets = [5], sizes = [1], strides = [1]} : vector<16xi32> to vector<1xi32>
        %squeeze3A_466 = vector.extract %slice3A_465[0] : i32 from vector<1xi32>
        %eq3A_467 = vector.broadcast %squeeze3A_466 : i32 to vector<16xi32>
        %eq3A_468 = arith.cmpi eq, %iota3A, %eq3A_467 : vector<16xi32>
        %jit3A_469 = arith.constant 1.000000e+00 : f32
        %jit3A_470 = arith.constant 0.000000e+00 : f32
        %broadcast_in_dim3A_471 = vector.broadcast %jit3A_469 : f32 to vector<16xf32>
        %broadcast_in_dim3A_472 = vector.broadcast %jit3A_470 : f32 to vector<16xf32>
        %select_n3A_473 = arith.select %eq3A_468, %broadcast_in_dim3A_471, %broadcast_in_dim3A_472 : vector<16xi1>, vector<16xf32>
        %mul3A_474 = arith.constant 16 : i32
        %mul3A_475 = arith.muli %squeeze3A_464, %mul3A_474 : i32
        %swap3A_476 = arith.constant 21 : i32
        %swap3A_477 = arith.constant 0 : i32
        %swap3A_478 = tpu.memref_slice %arg11[%swap3A_476, %swap3A_477] : memref<32x128xf32, #tpu.memory_space<vmem>> -> memref<1x128xf32, #tpu.memory_space<vmem>>
        %swap3A_479 = tpu.memref_squeeze %swap3A_478 : memref<1x128xf32, #tpu.memory_space<vmem>> -> memref<128xf32, #tpu.memory_space<vmem>>
        %swap3A_480 = arith.index_cast %mul3A_475 : i32 to index
        %swap3A_481 = tpu.vector_load %swap3A_479[%swap3A_480] {strides = array<i32>} : memref<128xf32, #tpu.memory_space<vmem>>, vector<16xf32>,
        tpu.vector_store %swap3A_479[%swap3A_480], %select_n3A_473 {strides = array<i32>} : memref<128xf32, #tpu.memory_space<vmem>>, vector<16xf32>,
        %slice3A_482 = vector.extract_strided_slice %get3A_58 {offsets = [6], sizes = [1], strides = [1]} : vector<16xi32> to vector<1xi32>
        %squeeze3A_483 = vector.extract %slice3A_482[0] : i32 from vector<1xi32>
        %slice3A_484 = vector.extract_strided_slice %get3A_70 {offsets = [6], sizes = [1], strides = [1]} : vector<16xi32> to vector<1xi32>
        %squeeze3A_485 = vector.extract %slice3A_484[0] : i32 from vector<1xi32>
        %eq3A_486 = vector.broadcast %squeeze3A_485 : i32 to vector<16xi32>
        %eq3A_487 = arith.cmpi eq, %iota3A, %eq3A_486 : vector<16xi32>
        %jit3A_488 = arith.constant 1.000000e+00 : f32
        %jit3A_489 = arith.constant 0.000000e+00 : f32
        %broadcast_in_dim3A_490 = vector.broadcast %jit3A_488 : f32 to vector<16xf32>
        %broadcast_in_dim3A_491 = vector.broadcast %jit3A_489 : f32 to vector<16xf32>
        %select_n3A_492 = arith.select %eq3A_487, %broadcast_in_dim3A_490, %broadcast_in_dim3A_491 : vector<16xi1>, vector<16xf32>
        %mul3A_493 = arith.constant 16 : i32
        %mul3A_494 = arith.muli %squeeze3A_483, %mul3A_493 : i32
        %swap3A_495 = arith.constant 22 : i32
        %swap3A_496 = arith.constant 0 : i32
        %swap3A_497 = tpu.memref_slice %arg11[%swap3A_495, %swap3A_496] : memref<32x128xf32, #tpu.memory_space<vmem>> -> memref<1x128xf32, #tpu.memory_space<vmem>>
        %swap3A_498 = tpu.memref_squeeze %swap3A_497 : memref<1x128xf32, #tpu.memory_space<vmem>> -> memref<128xf32, #tpu.memory_space<vmem>>
        %swap3A_499 = arith.index_cast %mul3A_494 : i32 to index
        %swap3A_500 = tpu.vector_load %swap3A_498[%swap3A_499] {strides = array<i32>} : memref<128xf32, #tpu.memory_space<vmem>>, vector<16xf32>,
        tpu.vector_store %swap3A_498[%swap3A_499], %select_n3A_492 {strides = array<i32>} : memref<128xf32, #tpu.memory_space<vmem>>, vector<16xf32>,
        %slice3A_501 = vector.extract_strided_slice %get3A_58 {offsets = [7], sizes = [1], strides = [1]} : vector<16xi32> to vector<1xi32>
        %squeeze3A_502 = vector.extract %slice3A_501[0] : i32 from vector<1xi32>
        %slice3A_503 = vector.extract_strided_slice %get3A_70 {offsets = [7], sizes = [1], strides = [1]} : vector<16xi32> to vector<1xi32>
        %squeeze3A_504 = vector.extract %slice3A_503[0] : i32 from vector<1xi32>
        %eq3A_505 = vector.broadcast %squeeze3A_504 : i32 to vector<16xi32>
        %eq3A_506 = arith.cmpi eq, %iota3A, %eq3A_505 : vector<16xi32>
        %jit3A_507 = arith.constant 1.000000e+00 : f32
        %jit3A_508 = arith.constant 0.000000e+00 : f32
        %broadcast_in_dim3A_509 = vector.broadcast %jit3A_507 : f32 to vector<16xf32>
        %broadcast_in_dim3A_510 = vector.broadcast %jit3A_508 : f32 to vector<16xf32>
        %select_n3A_511 = arith.select %eq3A_506, %broadcast_in_dim3A_509, %broadcast_in_dim3A_510 : vector<16xi1>, vector<16xf32>
        %mul3A_512 = arith.constant 16 : i32
        %mul3A_513 = arith.muli %squeeze3A_502, %mul3A_512 : i32
        %swap3A_514 = arith.constant 23 : i32
        %swap3A_515 = arith.constant 0 : i32
        %swap3A_516 = tpu.memref_slice %arg11[%swap3A_514, %swap3A_515] : memref<32x128xf32, #tpu.memory_space<vmem>> -> memref<1x128xf32, #tpu.memory_space<vmem>>
        %swap3A_517 = tpu.memref_squeeze %swap3A_516 : memref<1x128xf32, #tpu.memory_space<vmem>> -> memref<128xf32, #tpu.memory_space<vmem>>
        %swap3A_518 = arith.index_cast %mul3A_513 : i32 to index
        %swap3A_519 = tpu.vector_load %swap3A_517[%swap3A_518] {strides = array<i32>} : memref<128xf32, #tpu.memory_space<vmem>>, vector<16xf32>,
        tpu.vector_store %swap3A_517[%swap3A_518], %select_n3A_511 {strides = array<i32>} : memref<128xf32, #tpu.memory_space<vmem>>, vector<16xf32>,
        %slice3A_520 = vector.extract_strided_slice %get3A_58 {offsets = [8], sizes = [1], strides = [1]} : vector<16xi32> to vector<1xi32>
        %squeeze3A_521 = vector.extract %slice3A_520[0] : i32 from vector<1xi32>
        %slice3A_522 = vector.extract_strided_slice %get3A_70 {offsets = [8], sizes = [1], strides = [1]} : vector<16xi32> to vector<1xi32>
        %squeeze3A_523 = vector.extract %slice3A_522[0] : i32 from vector<1xi32>
        %eq3A_524 = vector.broadcast %squeeze3A_523 : i32 to vector<16xi32>
        %eq3A_525 = arith.cmpi eq, %iota3A, %eq3A_524 : vector<16xi32>
        %jit3A_526 = arith.constant 1.000000e+00 : f32
        %jit3A_527 = arith.constant 0.000000e+00 : f32
        %broadcast_in_dim3A_528 = vector.broadcast %jit3A_526 : f32 to vector<16xf32>
        %broadcast_in_dim3A_529 = vector.broadcast %jit3A_527 : f32 to vector<16xf32>
        %select_n3A_530 = arith.select %eq3A_525, %broadcast_in_dim3A_528, %broadcast_in_dim3A_529 : vector<16xi1>, vector<16xf32>
        %mul3A_531 = arith.constant 16 : i32
        %mul3A_532 = arith.muli %squeeze3A_521, %mul3A_531 : i32
        %swap3A_533 = arith.constant 24 : i32
        %swap3A_534 = arith.constant 0 : i32
        %swap3A_535 = tpu.memref_slice %arg11[%swap3A_533, %swap3A_534] : memref<32x128xf32, #tpu.memory_space<vmem>> -> memref<1x128xf32, #tpu.memory_space<vmem>>
        %swap3A_536 = tpu.memref_squeeze %swap3A_535 : memref<1x128xf32, #tpu.memory_space<vmem>> -> memref<128xf32, #tpu.memory_space<vmem>>
        %swap3A_537 = arith.index_cast %mul3A_532 : i32 to index
        %swap3A_538 = tpu.vector_load %swap3A_536[%swap3A_537] {strides = array<i32>} : memref<128xf32, #tpu.memory_space<vmem>>, vector<16xf32>,
        tpu.vector_store %swap3A_536[%swap3A_537], %select_n3A_530 {strides = array<i32>} : memref<128xf32, #tpu.memory_space<vmem>>, vector<16xf32>,
        %slice3A_539 = vector.extract_strided_slice %get3A_58 {offsets = [9], sizes = [1], strides = [1]} : vector<16xi32> to vector<1xi32>
        %squeeze3A_540 = vector.extract %slice3A_539[0] : i32 from vector<1xi32>
        %slice3A_541 = vector.extract_strided_slice %get3A_70 {offsets = [9], sizes = [1], strides = [1]} : vector<16xi32> to vector<1xi32>
        %squeeze3A_542 = vector.extract %slice3A_541[0] : i32 from vector<1xi32>
        %eq3A_543 = vector.broadcast %squeeze3A_542 : i32 to vector<16xi32>
        %eq3A_544 = arith.cmpi eq, %iota3A, %eq3A_543 : vector<16xi32>
        %jit3A_545 = arith.constant 1.000000e+00 : f32
        %jit3A_546 = arith.constant 0.000000e+00 : f32
        %broadcast_in_dim3A_547 = vector.broadcast %jit3A_545 : f32 to vector<16xf32>
        %broadcast_in_dim3A_548 = vector.broadcast %jit3A_546 : f32 to vector<16xf32>
        %select_n3A_549 = arith.select %eq3A_544, %broadcast_in_dim3A_547, %broadcast_in_dim3A_548 : vector<16xi1>, vector<16xf32>
        %mul3A_550 = arith.constant 16 : i32
        %mul3A_551 = arith.muli %squeeze3A_540, %mul3A_550 : i32
        %swap3A_552 = arith.constant 25 : i32
        %swap3A_553 = arith.constant 0 : i32
        %swap3A_554 = tpu.memref_slice %arg11[%swap3A_552, %swap3A_553] : memref<32x128xf32, #tpu.memory_space<vmem>> -> memref<1x128xf32, #tpu.memory_space<vmem>>
        %swap3A_555 = tpu.memref_squeeze %swap3A_554 : memref<1x128xf32, #tpu.memory_space<vmem>> -> memref<128xf32, #tpu.memory_space<vmem>>
        %swap3A_556 = arith.index_cast %mul3A_551 : i32 to index
        %swap3A_557 = tpu.vector_load %swap3A_555[%swap3A_556] {strides = array<i32>} : memref<128xf32, #tpu.memory_space<vmem>>, vector<16xf32>,
        tpu.vector_store %swap3A_555[%swap3A_556], %select_n3A_549 {strides = array<i32>} : memref<128xf32, #tpu.memory_space<vmem>>, vector<16xf32>,
        %slice3A_558 = vector.extract_strided_slice %get3A_58 {offsets = [10], sizes = [1], strides = [1]} : vector<16xi32> to vector<1xi32>
        %squeeze3A_559 = vector.extract %slice3A_558[0] : i32 from vector<1xi32>
        %slice3A_560 = vector.extract_strided_slice %get3A_70 {offsets = [10], sizes = [1], strides = [1]} : vector<16xi32> to vector<1xi32>
        %squeeze3A_561 = vector.extract %slice3A_560[0] : i32 from vector<1xi32>
        %eq3A_562 = vector.broadcast %squeeze3A_561 : i32 to vector<16xi32>
        %eq3A_563 = arith.cmpi eq, %iota3A, %eq3A_562 : vector<16xi32>
        %jit3A_564 = arith.constant 1.000000e+00 : f32
        %jit3A_565 = arith.constant 0.000000e+00 : f32
        %broadcast_in_dim3A_566 = vector.broadcast %jit3A_564 : f32 to vector<16xf32>
        %broadcast_in_dim3A_567 = vector.broadcast %jit3A_565 : f32 to vector<16xf32>
        %select_n3A_568 = arith.select %eq3A_563, %broadcast_in_dim3A_566, %broadcast_in_dim3A_567 : vector<16xi1>, vector<16xf32>
        %mul3A_569 = arith.constant 16 : i32
        %mul3A_570 = arith.muli %squeeze3A_559, %mul3A_569 : i32
        %swap3A_571 = arith.constant 26 : i32
        %swap3A_572 = arith.constant 0 : i32
        %swap3A_573 = tpu.memref_slice %arg11[%swap3A_571, %swap3A_572] : memref<32x128xf32, #tpu.memory_space<vmem>> -> memref<1x128xf32, #tpu.memory_space<vmem>>
        %swap3A_574 = tpu.memref_squeeze %swap3A_573 : memref<1x128xf32, #tpu.memory_space<vmem>> -> memref<128xf32, #tpu.memory_space<vmem>>
        %swap3A_575 = arith.index_cast %mul3A_570 : i32 to index
        %swap3A_576 = tpu.vector_load %swap3A_574[%swap3A_575] {strides = array<i32>} : memref<128xf32, #tpu.memory_space<vmem>>, vector<16xf32>,
        tpu.vector_store %swap3A_574[%swap3A_575], %select_n3A_568 {strides = array<i32>} : memref<128xf32, #tpu.memory_space<vmem>>, vector<16xf32>,
        %slice3A_577 = vector.extract_strided_slice %get3A_58 {offsets = [11], sizes = [1], strides = [1]} : vector<16xi32> to vector<1xi32>
        %squeeze3A_578 = vector.extract %slice3A_577[0] : i32 from vector<1xi32>
        %slice3A_579 = vector.extract_strided_slice %get3A_70 {offsets = [11], sizes = [1], strides = [1]} : vector<16xi32> to vector<1xi32>
        %squeeze3A_580 = vector.extract %slice3A_579[0] : i32 from vector<1xi32>
        %eq3A_581 = vector.broadcast %squeeze3A_580 : i32 to vector<16xi32>
        %eq3A_582 = arith.cmpi eq, %iota3A, %eq3A_581 : vector<16xi32>
        %jit3A_583 = arith.constant 1.000000e+00 : f32
        %jit3A_584 = arith.constant 0.000000e+00 : f32
        %broadcast_in_dim3A_585 = vector.broadcast %jit3A_583 : f32 to vector<16xf32>
        %broadcast_in_dim3A_586 = vector.broadcast %jit3A_584 : f32 to vector<16xf32>
        %select_n3A_587 = arith.select %eq3A_582, %broadcast_in_dim3A_585, %broadcast_in_dim3A_586 : vector<16xi1>, vector<16xf32>
        %mul3A_588 = arith.constant 16 : i32
        %mul3A_589 = arith.muli %squeeze3A_578, %mul3A_588 : i32
        %swap3A_590 = arith.constant 27 : i32
        %swap3A_591 = arith.constant 0 : i32
        %swap3A_592 = tpu.memref_slice %arg11[%swap3A_590, %swap3A_591] : memref<32x128xf32, #tpu.memory_space<vmem>> -> memref<1x128xf32, #tpu.memory_space<vmem>>
        %swap3A_593 = tpu.memref_squeeze %swap3A_592 : memref<1x128xf32, #tpu.memory_space<vmem>> -> memref<128xf32, #tpu.memory_space<vmem>>
        %swap3A_594 = arith.index_cast %mul3A_589 : i32 to index
        %swap3A_595 = tpu.vector_load %swap3A_593[%swap3A_594] {strides = array<i32>} : memref<128xf32, #tpu.memory_space<vmem>>, vector<16xf32>,
        tpu.vector_store %swap3A_593[%swap3A_594], %select_n3A_587 {strides = array<i32>} : memref<128xf32, #tpu.memory_space<vmem>>, vector<16xf32>,
        %slice3A_596 = vector.extract_strided_slice %get3A_58 {offsets = [12], sizes = [1], strides = [1]} : vector<16xi32> to vector<1xi32>
        %squeeze3A_597 = vector.extract %slice3A_596[0] : i32 from vector<1xi32>
        %slice3A_598 = vector.extract_strided_slice %get3A_70 {offsets = [12], sizes = [1], strides = [1]} : vector<16xi32> to vector<1xi32>
        %squeeze3A_599 = vector.extract %slice3A_598[0] : i32 from vector<1xi32>
        %eq3A_600 = vector.broadcast %squeeze3A_599 : i32 to vector<16xi32>
        %eq3A_601 = arith.cmpi eq, %iota3A, %eq3A_600 : vector<16xi32>
        %jit3A_602 = arith.constant 1.000000e+00 : f32
        %jit3A_603 = arith.constant 0.000000e+00 : f32
        %broadcast_in_dim3A_604 = vector.broadcast %jit3A_602 : f32 to vector<16xf32>
        %broadcast_in_dim3A_605 = vector.broadcast %jit3A_603 : f32 to vector<16xf32>
        %select_n3A_606 = arith.select %eq3A_601, %broadcast_in_dim3A_604, %broadcast_in_dim3A_605 : vector<16xi1>, vector<16xf32>
        %mul3A_607 = arith.constant 16 : i32
        %mul3A_608 = arith.muli %squeeze3A_597, %mul3A_607 : i32
        %swap3A_609 = arith.constant 28 : i32
        %swap3A_610 = arith.constant 0 : i32
        %swap3A_611 = tpu.memref_slice %arg11[%swap3A_609, %swap3A_610] : memref<32x128xf32, #tpu.memory_space<vmem>> -> memref<1x128xf32, #tpu.memory_space<vmem>>
        %swap3A_612 = tpu.memref_squeeze %swap3A_611 : memref<1x128xf32, #tpu.memory_space<vmem>> -> memref<128xf32, #tpu.memory_space<vmem>>
        %swap3A_613 = arith.index_cast %mul3A_608 : i32 to index
        %swap3A_614 = tpu.vector_load %swap3A_612[%swap3A_613] {strides = array<i32>} : memref<128xf32, #tpu.memory_space<vmem>>, vector<16xf32>,
        tpu.vector_store %swap3A_612[%swap3A_613], %select_n3A_606 {strides = array<i32>} : memref<128xf32, #tpu.memory_space<vmem>>, vector<16xf32>,
        %slice3A_615 = vector.extract_strided_slice %get3A_58 {offsets = [13], sizes = [1], strides = [1]} : vector<16xi32> to vector<1xi32>
        %squeeze3A_616 = vector.extract %slice3A_615[0] : i32 from vector<1xi32>
        %slice3A_617 = vector.extract_strided_slice %get3A_70 {offsets = [13], sizes = [1], strides = [1]} : vector<16xi32> to vector<1xi32>
        %squeeze3A_618 = vector.extract %slice3A_617[0] : i32 from vector<1xi32>
        %eq3A_619 = vector.broadcast %squeeze3A_618 : i32 to vector<16xi32>
        %eq3A_620 = arith.cmpi eq, %iota3A, %eq3A_619 : vector<16xi32>
        %jit3A_621 = arith.constant 1.000000e+00 : f32
        %jit3A_622 = arith.constant 0.000000e+00 : f32
        %broadcast_in_dim3A_623 = vector.broadcast %jit3A_621 : f32 to vector<16xf32>
        %broadcast_in_dim3A_624 = vector.broadcast %jit3A_622 : f32 to vector<16xf32>
        %select_n3A_625 = arith.select %eq3A_620, %broadcast_in_dim3A_623, %broadcast_in_dim3A_624 : vector<16xi1>, vector<16xf32>
        %mul3A_626 = arith.constant 16 : i32
        %mul3A_627 = arith.muli %squeeze3A_616, %mul3A_626 : i32
        %swap3A_628 = arith.constant 29 : i32
        %swap3A_629 = arith.constant 0 : i32
        %swap3A_630 = tpu.memref_slice %arg11[%swap3A_628, %swap3A_629] : memref<32x128xf32, #tpu.memory_space<vmem>> -> memref<1x128xf32, #tpu.memory_space<vmem>>
        %swap3A_631 = tpu.memref_squeeze %swap3A_630 : memref<1x128xf32, #tpu.memory_space<vmem>> -> memref<128xf32, #tpu.memory_space<vmem>>
        %swap3A_632 = arith.index_cast %mul3A_627 : i32 to index
        %swap3A_633 = tpu.vector_load %swap3A_631[%swap3A_632] {strides = array<i32>} : memref<128xf32, #tpu.memory_space<vmem>>, vector<16xf32>,
        tpu.vector_store %swap3A_631[%swap3A_632], %select_n3A_625 {strides = array<i32>} : memref<128xf32, #tpu.memory_space<vmem>>, vector<16xf32>,
        %slice3A_634 = vector.extract_strided_slice %get3A_58 {offsets = [14], sizes = [1], strides = [1]} : vector<16xi32> to vector<1xi32>
        %squeeze3A_635 = vector.extract %slice3A_634[0] : i32 from vector<1xi32>
        %slice3A_636 = vector.extract_strided_slice %get3A_70 {offsets = [14], sizes = [1], strides = [1]} : vector<16xi32> to vector<1xi32>
        %squeeze3A_637 = vector.extract %slice3A_636[0] : i32 from vector<1xi32>
        %eq3A_638 = vector.broadcast %squeeze3A_637 : i32 to vector<16xi32>
        %eq3A_639 = arith.cmpi eq, %iota3A, %eq3A_638 : vector<16xi32>
        %jit3A_640 = arith.constant 1.000000e+00 : f32
        %jit3A_641 = arith.constant 0.000000e+00 : f32
        %broadcast_in_dim3A_642 = vector.broadcast %jit3A_640 : f32 to vector<16xf32>
        %broadcast_in_dim3A_643 = vector.broadcast %jit3A_641 : f32 to vector<16xf32>
        %select_n3A_644 = arith.select %eq3A_639, %broadcast_in_dim3A_642, %broadcast_in_dim3A_643 : vector<16xi1>, vector<16xf32>
        %mul3A_645 = arith.constant 16 : i32
        %mul3A_646 = arith.muli %squeeze3A_635, %mul3A_645 : i32
        %swap3A_647 = arith.constant 30 : i32
        %swap3A_648 = arith.constant 0 : i32
        %swap3A_649 = tpu.memref_slice %arg11[%swap3A_647, %swap3A_648] : memref<32x128xf32, #tpu.memory_space<vmem>> -> memref<1x128xf32, #tpu.memory_space<vmem>>
        %swap3A_650 = tpu.memref_squeeze %swap3A_649 : memref<1x128xf32, #tpu.memory_space<vmem>> -> memref<128xf32, #tpu.memory_space<vmem>>
        %swap3A_651 = arith.index_cast %mul3A_646 : i32 to index
        %swap3A_652 = tpu.vector_load %swap3A_650[%swap3A_651] {strides = array<i32>} : memref<128xf32, #tpu.memory_space<vmem>>, vector<16xf32>,
        tpu.vector_store %swap3A_650[%swap3A_651], %select_n3A_644 {strides = array<i32>} : memref<128xf32, #tpu.memory_space<vmem>>, vector<16xf32>,
        %slice3A_653 = vector.extract_strided_slice %get3A_58 {offsets = [15], sizes = [1], strides = [1]} : vector<16xi32> to vector<1xi32>
        %squeeze3A_654 = vector.extract %slice3A_653[0] : i32 from vector<1xi32>
        %slice3A_655 = vector.extract_strided_slice %get3A_70 {offsets = [15], sizes = [1], strides = [1]} : vector<16xi32> to vector<1xi32>
        %squeeze3A_656 = vector.extract %slice3A_655[0] : i32 from vector<1xi32>
        %eq3A_657 = vector.broadcast %squeeze3A_656 : i32 to vector<16xi32>
        %eq3A_658 = arith.cmpi eq, %iota3A, %eq3A_657 : vector<16xi32>
        %jit3A_659 = arith.constant 1.000000e+00 : f32
        %jit3A_660 = arith.constant 0.000000e+00 : f32
        %broadcast_in_dim3A_661 = vector.broadcast %jit3A_659 : f32 to vector<16xf32>
        %broadcast_in_dim3A_662 = vector.broadcast %jit3A_660 : f32 to vector<16xf32>
        %select_n3A_663 = arith.select %eq3A_658, %broadcast_in_dim3A_661, %broadcast_in_dim3A_662 : vector<16xi1>, vector<16xf32>
        %mul3A_664 = arith.constant 16 : i32
        %mul3A_665 = arith.muli %squeeze3A_654, %mul3A_664 : i32
        %swap3A_666 = arith.constant 31 : i32
        %swap3A_667 = arith.constant 0 : i32
        %swap3A_668 = tpu.memref_slice %arg11[%swap3A_666, %swap3A_667] : memref<32x128xf32, #tpu.memory_space<vmem>> -> memref<1x128xf32, #tpu.memory_space<vmem>>
        %swap3A_669 = tpu.memref_squeeze %swap3A_668 : memref<1x128xf32, #tpu.memory_space<vmem>> -> memref<128xf32, #tpu.memory_space<vmem>>
        %swap3A_670 = arith.index_cast %mul3A_665 : i32 to index
        %swap3A_671 = tpu.vector_load %swap3A_669[%swap3A_670] {strides = array<i32>} : memref<128xf32, #tpu.memory_space<vmem>>, vector<16xf32>,
        tpu.vector_store %swap3A_669[%swap3A_670], %select_n3A_663 {strides = array<i32>} : memref<128xf32, #tpu.memory_space<vmem>>, vector<16xf32>,
        "tpu.region"() ({
          %run_scoped3A = tpu.sem_alloc : memref<!tpu.dma_semaphore, #tpu.memory_space<semaphore_mem>>
          %dma_start3A = arith.constant 0 : i32
          %dma_start3A_992 = tpu.memref_slice %arg8[%add3A_43, %dma_start3A] : memref<64x32xi32, #tpu.memory_space<vmem>> -> memref<1x32xi32, #tpu.memory_space<vmem>>
          %dma_start3A_993 = tpu.memref_squeeze %dma_start3A_992 : memref<1x32xi32, #tpu.memory_space<vmem>> -> memref<32xi32, #tpu.memory_space<vmem>>
          %dma_start3A_994 = arith.constant 0 : i32
          %dma_start3A_995 = arith.constant 0 : i32
          %dma_start3A_996 = tpu.memref_slice %arg5[%dma_start3A_994, %dma_start3A_995] : memref<640x128xf32, #tpu.memory_space<vmem_shared>> -> memref<640x128xf32, #tpu.memory_space<vmem_shared>>
          tpu.enqueue_indirect_dma source(%arg11 : memref<32x128xf32, #tpu.memory_space<vmem>>) target(%dma_start3A_996 : memref<640x128xf32, #tpu.memory_space<vmem_shared>>) offsets(%dma_start3A_993 : memref<32xi32, #tpu.memory_space<vmem>>) semaphore(%run_scoped3A : memref<!tpu.dma_semaphore, #tpu.memory_space<semaphore_mem>>) {add = true}
          %dma_wait3A = arith.constant 0 : i32
          %dma_wait3A_997 = tpu.memref_slice %arg8[%add3A_43, %dma_wait3A] : memref<64x32xi32, #tpu.memory_space<vmem>> -> memref<1x32xi32, #tpu.memory_space<vmem>>
          %dma_wait3A_998 = tpu.memref_squeeze %dma_wait3A_997 : memref<1x32xi32, #tpu.memory_space<vmem>> -> memref<32xi32, #tpu.memory_space<vmem>>
          %dma_wait3A_999 = arith.constant 0 : i32
          %dma_wait3A_1000 = arith.constant 0 : i32
          %dma_wait3A_1001 = tpu.memref_slice %arg5[%dma_wait3A_999, %dma_wait3A_1000] : memref<640x128xf32, #tpu.memory_space<vmem_shared>> -> memref<640x128xf32, #tpu.memory_space<vmem_shared>>
          tpu.wait_indirect_dma semaphore(%run_scoped3A : memref<!tpu.dma_semaphore, #tpu.memory_space<semaphore_mem>>) src(%arg11 : memref<32x128xf32, #tpu.memory_space<vmem>>) dst(%dma_wait3A_1001 : memref<640x128xf32, #tpu.memory_space<vmem_shared>>)
          tpu.yield
        }) : () -> ()
        %broadcast_in_dim3A_672 = arith.constant 0.000000e+00 : f32
        %broadcast_in_dim3A_673 = vector.broadcast %broadcast_in_dim3A_672 : f32 to vector<16xf32>
        %mul3A_674 = arith.constant 16 : i32
        %mul3A_675 = arith.muli %squeeze3A, %mul3A_674 : i32
        %swap3A_676 = arith.constant 0 : i32
        %swap3A_677 = arith.constant 0 : i32
        %swap3A_678 = tpu.memref_slice %arg11[%swap3A_676, %swap3A_677] : memref<32x128xf32, #tpu.memory_space<vmem>> -> memref<1x128xf32, #tpu.memory_space<vmem>>
        %swap3A_679 = tpu.memref_squeeze %swap3A_678 : memref<1x128xf32, #tpu.memory_space<vmem>> -> memref<128xf32, #tpu.memory_space<vmem>>
        %swap3A_680 = arith.index_cast %mul3A_675 : i32 to index
        %swap3A_681 = tpu.vector_load %swap3A_679[%swap3A_680] {strides = array<i32>} : memref<128xf32, #tpu.memory_space<vmem>>, vector<16xf32>,
        tpu.vector_store %swap3A_679[%swap3A_680], %broadcast_in_dim3A_673 {strides = array<i32>} : memref<128xf32, #tpu.memory_space<vmem>>, vector<16xf32>,
        %broadcast_in_dim3A_682 = arith.constant 0.000000e+00 : f32
        %broadcast_in_dim3A_683 = vector.broadcast %broadcast_in_dim3A_682 : f32 to vector<16xf32>
        %mul3A_684 = arith.constant 16 : i32
        %mul3A_685 = arith.muli %squeeze3A_84, %mul3A_684 : i32
        %swap3A_686 = arith.constant 1 : i32
        %swap3A_687 = arith.constant 0 : i32
        %swap3A_688 = tpu.memref_slice %arg11[%swap3A_686, %swap3A_687] : memref<32x128xf32, #tpu.memory_space<vmem>> -> memref<1x128xf32, #tpu.memory_space<vmem>>
        %swap3A_689 = tpu.memref_squeeze %swap3A_688 : memref<1x128xf32, #tpu.memory_space<vmem>> -> memref<128xf32, #tpu.memory_space<vmem>>
        %swap3A_690 = arith.index_cast %mul3A_685 : i32 to index
        %swap3A_691 = tpu.vector_load %swap3A_689[%swap3A_690] {strides = array<i32>} : memref<128xf32, #tpu.memory_space<vmem>>, vector<16xf32>,
        tpu.vector_store %swap3A_689[%swap3A_690], %broadcast_in_dim3A_683 {strides = array<i32>} : memref<128xf32, #tpu.memory_space<vmem>>, vector<16xf32>,
        %broadcast_in_dim3A_692 = arith.constant 0.000000e+00 : f32
        %broadcast_in_dim3A_693 = vector.broadcast %broadcast_in_dim3A_692 : f32 to vector<16xf32>
        %mul3A_694 = arith.constant 16 : i32
        %mul3A_695 = arith.muli %squeeze3A_103, %mul3A_694 : i32
        %swap3A_696 = arith.constant 2 : i32
        %swap3A_697 = arith.constant 0 : i32
        %swap3A_698 = tpu.memref_slice %arg11[%swap3A_696, %swap3A_697] : memref<32x128xf32, #tpu.memory_space<vmem>> -> memref<1x128xf32, #tpu.memory_space<vmem>>
        %swap3A_699 = tpu.memref_squeeze %swap3A_698 : memref<1x128xf32, #tpu.memory_space<vmem>> -> memref<128xf32, #tpu.memory_space<vmem>>
        %swap3A_700 = arith.index_cast %mul3A_695 : i32 to index
        %swap3A_701 = tpu.vector_load %swap3A_699[%swap3A_700] {strides = array<i32>} : memref<128xf32, #tpu.memory_space<vmem>>, vector<16xf32>,
        tpu.vector_store %swap3A_699[%swap3A_700], %broadcast_in_dim3A_693 {strides = array<i32>} : memref<128xf32, #tpu.memory_space<vmem>>, vector<16xf32>,
        %broadcast_in_dim3A_702 = arith.constant 0.000000e+00 : f32
        %broadcast_in_dim3A_703 = vector.broadcast %broadcast_in_dim3A_702 : f32 to vector<16xf32>
        %mul3A_704 = arith.constant 16 : i32
        %mul3A_705 = arith.muli %squeeze3A_122, %mul3A_704 : i32
        %swap3A_706 = arith.constant 3 : i32
        %swap3A_707 = arith.constant 0 : i32
        %swap3A_708 = tpu.memref_slice %arg11[%swap3A_706, %swap3A_707] : memref<32x128xf32, #tpu.memory_space<vmem>> -> memref<1x128xf32, #tpu.memory_space<vmem>>
        %swap3A_709 = tpu.memref_squeeze %swap3A_708 : memref<1x128xf32, #tpu.memory_space<vmem>> -> memref<128xf32, #tpu.memory_space<vmem>>
        %swap3A_710 = arith.index_cast %mul3A_705 : i32 to index
        %swap3A_711 = tpu.vector_load %swap3A_709[%swap3A_710] {strides = array<i32>} : memref<128xf32, #tpu.memory_space<vmem>>, vector<16xf32>,
        tpu.vector_store %swap3A_709[%swap3A_710], %broadcast_in_dim3A_703 {strides = array<i32>} : memref<128xf32, #tpu.memory_space<vmem>>, vector<16xf32>,
        %broadcast_in_dim3A_712 = arith.constant 0.000000e+00 : f32
        %broadcast_in_dim3A_713 = vector.broadcast %broadcast_in_dim3A_712 : f32 to vector<16xf32>
        %mul3A_714 = arith.constant 16 : i32
        %mul3A_715 = arith.muli %squeeze3A_141, %mul3A_714 : i32
        %swap3A_716 = arith.constant 4 : i32
        %swap3A_717 = arith.constant 0 : i32
        %swap3A_718 = tpu.memref_slice %arg11[%swap3A_716, %swap3A_717] : memref<32x128xf32, #tpu.memory_space<vmem>> -> memref<1x128xf32, #tpu.memory_space<vmem>>
        %swap3A_719 = tpu.memref_squeeze %swap3A_718 : memref<1x128xf32, #tpu.memory_space<vmem>> -> memref<128xf32, #tpu.memory_space<vmem>>
        %swap3A_720 = arith.index_cast %mul3A_715 : i32 to index
        %swap3A_721 = tpu.vector_load %swap3A_719[%swap3A_720] {strides = array<i32>} : memref<128xf32, #tpu.memory_space<vmem>>, vector<16xf32>,
        tpu.vector_store %swap3A_719[%swap3A_720], %broadcast_in_dim3A_713 {strides = array<i32>} : memref<128xf32, #tpu.memory_space<vmem>>, vector<16xf32>,
        %broadcast_in_dim3A_722 = arith.constant 0.000000e+00 : f32
        %broadcast_in_dim3A_723 = vector.broadcast %broadcast_in_dim3A_722 : f32 to vector<16xf32>
        %mul3A_724 = arith.constant 16 : i32
        %mul3A_725 = arith.muli %squeeze3A_160, %mul3A_724 : i32
        %swap3A_726 = arith.constant 5 : i32
        %swap3A_727 = arith.constant 0 : i32
        %swap3A_728 = tpu.memref_slice %arg11[%swap3A_726, %swap3A_727] : memref<32x128xf32, #tpu.memory_space<vmem>> -> memref<1x128xf32, #tpu.memory_space<vmem>>
        %swap3A_729 = tpu.memref_squeeze %swap3A_728 : memref<1x128xf32, #tpu.memory_space<vmem>> -> memref<128xf32, #tpu.memory_space<vmem>>
        %swap3A_730 = arith.index_cast %mul3A_725 : i32 to index
        %swap3A_731 = tpu.vector_load %swap3A_729[%swap3A_730] {strides = array<i32>} : memref<128xf32, #tpu.memory_space<vmem>>, vector<16xf32>,
        tpu.vector_store %swap3A_729[%swap3A_730], %broadcast_in_dim3A_723 {strides = array<i32>} : memref<128xf32, #tpu.memory_space<vmem>>, vector<16xf32>,
        %broadcast_in_dim3A_732 = arith.constant 0.000000e+00 : f32
        %broadcast_in_dim3A_733 = vector.broadcast %broadcast_in_dim3A_732 : f32 to vector<16xf32>
        %mul3A_734 = arith.constant 16 : i32
        %mul3A_735 = arith.muli %squeeze3A_179, %mul3A_734 : i32
        %swap3A_736 = arith.constant 6 : i32
        %swap3A_737 = arith.constant 0 : i32
        %swap3A_738 = tpu.memref_slice %arg11[%swap3A_736, %swap3A_737] : memref<32x128xf32, #tpu.memory_space<vmem>> -> memref<1x128xf32, #tpu.memory_space<vmem>>
        %swap3A_739 = tpu.memref_squeeze %swap3A_738 : memref<1x128xf32, #tpu.memory_space<vmem>> -> memref<128xf32, #tpu.memory_space<vmem>>
        %swap3A_740 = arith.index_cast %mul3A_735 : i32 to index
        %swap3A_741 = tpu.vector_load %swap3A_739[%swap3A_740] {strides = array<i32>} : memref<128xf32, #tpu.memory_space<vmem>>, vector<16xf32>,
        tpu.vector_store %swap3A_739[%swap3A_740], %broadcast_in_dim3A_733 {strides = array<i32>} : memref<128xf32, #tpu.memory_space<vmem>>, vector<16xf32>,
        %broadcast_in_dim3A_742 = arith.constant 0.000000e+00 : f32
        %broadcast_in_dim3A_743 = vector.broadcast %broadcast_in_dim3A_742 : f32 to vector<16xf32>
        %mul3A_744 = arith.constant 16 : i32
        %mul3A_745 = arith.muli %squeeze3A_198, %mul3A_744 : i32
        %swap3A_746 = arith.constant 7 : i32
        %swap3A_747 = arith.constant 0 : i32
        %swap3A_748 = tpu.memref_slice %arg11[%swap3A_746, %swap3A_747] : memref<32x128xf32, #tpu.memory_space<vmem>> -> memref<1x128xf32, #tpu.memory_space<vmem>>
        %swap3A_749 = tpu.memref_squeeze %swap3A_748 : memref<1x128xf32, #tpu.memory_space<vmem>> -> memref<128xf32, #tpu.memory_space<vmem>>
        %swap3A_750 = arith.index_cast %mul3A_745 : i32 to index
        %swap3A_751 = tpu.vector_load %swap3A_749[%swap3A_750] {strides = array<i32>} : memref<128xf32, #tpu.memory_space<vmem>>, vector<16xf32>,
        tpu.vector_store %swap3A_749[%swap3A_750], %broadcast_in_dim3A_743 {strides = array<i32>} : memref<128xf32, #tpu.memory_space<vmem>>, vector<16xf32>,
        %broadcast_in_dim3A_752 = arith.constant 0.000000e+00 : f32
        %broadcast_in_dim3A_753 = vector.broadcast %broadcast_in_dim3A_752 : f32 to vector<16xf32>
        %mul3A_754 = arith.constant 16 : i32
        %mul3A_755 = arith.muli %squeeze3A_217, %mul3A_754 : i32
        %swap3A_756 = arith.constant 8 : i32
        %swap3A_757 = arith.constant 0 : i32
        %swap3A_758 = tpu.memref_slice %arg11[%swap3A_756, %swap3A_757] : memref<32x128xf32, #tpu.memory_space<vmem>> -> memref<1x128xf32, #tpu.memory_space<vmem>>
        %swap3A_759 = tpu.memref_squeeze %swap3A_758 : memref<1x128xf32, #tpu.memory_space<vmem>> -> memref<128xf32, #tpu.memory_space<vmem>>
        %swap3A_760 = arith.index_cast %mul3A_755 : i32 to index
        %swap3A_761 = tpu.vector_load %swap3A_759[%swap3A_760] {strides = array<i32>} : memref<128xf32, #tpu.memory_space<vmem>>, vector<16xf32>,
        tpu.vector_store %swap3A_759[%swap3A_760], %broadcast_in_dim3A_753 {strides = array<i32>} : memref<128xf32, #tpu.memory_space<vmem>>, vector<16xf32>,
        %broadcast_in_dim3A_762 = arith.constant 0.000000e+00 : f32
        %broadcast_in_dim3A_763 = vector.broadcast %broadcast_in_dim3A_762 : f32 to vector<16xf32>
        %mul3A_764 = arith.constant 16 : i32
        %mul3A_765 = arith.muli %squeeze3A_236, %mul3A_764 : i32
        %swap3A_766 = arith.constant 9 : i32
        %swap3A_767 = arith.constant 0 : i32
        %swap3A_768 = tpu.memref_slice %arg11[%swap3A_766, %swap3A_767] : memref<32x128xf32, #tpu.memory_space<vmem>> -> memref<1x128xf32, #tpu.memory_space<vmem>>
        %swap3A_769 = tpu.memref_squeeze %swap3A_768 : memref<1x128xf32, #tpu.memory_space<vmem>> -> memref<128xf32, #tpu.memory_space<vmem>>
        %swap3A_770 = arith.index_cast %mul3A_765 : i32 to index
        %swap3A_771 = tpu.vector_load %swap3A_769[%swap3A_770] {strides = array<i32>} : memref<128xf32, #tpu.memory_space<vmem>>, vector<16xf32>,
        tpu.vector_store %swap3A_769[%swap3A_770], %broadcast_in_dim3A_763 {strides = array<i32>} : memref<128xf32, #tpu.memory_space<vmem>>, vector<16xf32>,
        %broadcast_in_dim3A_772 = arith.constant 0.000000e+00 : f32
        %broadcast_in_dim3A_773 = vector.broadcast %broadcast_in_dim3A_772 : f32 to vector<16xf32>
        %mul3A_774 = arith.constant 16 : i32
        %mul3A_775 = arith.muli %squeeze3A_255, %mul3A_774 : i32
        %swap3A_776 = arith.constant 10 : i32
        %swap3A_777 = arith.constant 0 : i32
        %swap3A_778 = tpu.memref_slice %arg11[%swap3A_776, %swap3A_777] : memref<32x128xf32, #tpu.memory_space<vmem>> -> memref<1x128xf32, #tpu.memory_space<vmem>>
        %swap3A_779 = tpu.memref_squeeze %swap3A_778 : memref<1x128xf32, #tpu.memory_space<vmem>> -> memref<128xf32, #tpu.memory_space<vmem>>
        %swap3A_780 = arith.index_cast %mul3A_775 : i32 to index
        %swap3A_781 = tpu.vector_load %swap3A_779[%swap3A_780] {strides = array<i32>} : memref<128xf32, #tpu.memory_space<vmem>>, vector<16xf32>,
        tpu.vector_store %swap3A_779[%swap3A_780], %broadcast_in_dim3A_773 {strides = array<i32>} : memref<128xf32, #tpu.memory_space<vmem>>, vector<16xf32>,
        %broadcast_in_dim3A_782 = arith.constant 0.000000e+00 : f32
        %broadcast_in_dim3A_783 = vector.broadcast %broadcast_in_dim3A_782 : f32 to vector<16xf32>
        %mul3A_784 = arith.constant 16 : i32
        %mul3A_785 = arith.muli %squeeze3A_274, %mul3A_784 : i32
        %swap3A_786 = arith.constant 11 : i32
        %swap3A_787 = arith.constant 0 : i32
        %swap3A_788 = tpu.memref_slice %arg11[%swap3A_786, %swap3A_787] : memref<32x128xf32, #tpu.memory_space<vmem>> -> memref<1x128xf32, #tpu.memory_space<vmem>>
        %swap3A_789 = tpu.memref_squeeze %swap3A_788 : memref<1x128xf32, #tpu.memory_space<vmem>> -> memref<128xf32, #tpu.memory_space<vmem>>
        %swap3A_790 = arith.index_cast %mul3A_785 : i32 to index
        %swap3A_791 = tpu.vector_load %swap3A_789[%swap3A_790] {strides = array<i32>} : memref<128xf32, #tpu.memory_space<vmem>>, vector<16xf32>,
        tpu.vector_store %swap3A_789[%swap3A_790], %broadcast_in_dim3A_783 {strides = array<i32>} : memref<128xf32, #tpu.memory_space<vmem>>, vector<16xf32>,
        %broadcast_in_dim3A_792 = arith.constant 0.000000e+00 : f32
        %broadcast_in_dim3A_793 = vector.broadcast %broadcast_in_dim3A_792 : f32 to vector<16xf32>
        %mul3A_794 = arith.constant 16 : i32
        %mul3A_795 = arith.muli %squeeze3A_293, %mul3A_794 : i32
        %swap3A_796 = arith.constant 12 : i32
        %swap3A_797 = arith.constant 0 : i32
        %swap3A_798 = tpu.memref_slice %arg11[%swap3A_796, %swap3A_797] : memref<32x128xf32, #tpu.memory_space<vmem>> -> memref<1x128xf32, #tpu.memory_space<vmem>>
        %swap3A_799 = tpu.memref_squeeze %swap3A_798 : memref<1x128xf32, #tpu.memory_space<vmem>> -> memref<128xf32, #tpu.memory_space<vmem>>
        %swap3A_800 = arith.index_cast %mul3A_795 : i32 to index
        %swap3A_801 = tpu.vector_load %swap3A_799[%swap3A_800] {strides = array<i32>} : memref<128xf32, #tpu.memory_space<vmem>>, vector<16xf32>,
        tpu.vector_store %swap3A_799[%swap3A_800], %broadcast_in_dim3A_793 {strides = array<i32>} : memref<128xf32, #tpu.memory_space<vmem>>, vector<16xf32>,
        %broadcast_in_dim3A_802 = arith.constant 0.000000e+00 : f32
        %broadcast_in_dim3A_803 = vector.broadcast %broadcast_in_dim3A_802 : f32 to vector<16xf32>
        %mul3A_804 = arith.constant 16 : i32
        %mul3A_805 = arith.muli %squeeze3A_312, %mul3A_804 : i32
        %swap3A_806 = arith.constant 13 : i32
        %swap3A_807 = arith.constant 0 : i32
        %swap3A_808 = tpu.memref_slice %arg11[%swap3A_806, %swap3A_807] : memref<32x128xf32, #tpu.memory_space<vmem>> -> memref<1x128xf32, #tpu.memory_space<vmem>>
        %swap3A_809 = tpu.memref_squeeze %swap3A_808 : memref<1x128xf32, #tpu.memory_space<vmem>> -> memref<128xf32, #tpu.memory_space<vmem>>
        %swap3A_810 = arith.index_cast %mul3A_805 : i32 to index
        %swap3A_811 = tpu.vector_load %swap3A_809[%swap3A_810] {strides = array<i32>} : memref<128xf32, #tpu.memory_space<vmem>>, vector<16xf32>,
        tpu.vector_store %swap3A_809[%swap3A_810], %broadcast_in_dim3A_803 {strides = array<i32>} : memref<128xf32, #tpu.memory_space<vmem>>, vector<16xf32>,
        %broadcast_in_dim3A_812 = arith.constant 0.000000e+00 : f32
        %broadcast_in_dim3A_813 = vector.broadcast %broadcast_in_dim3A_812 : f32 to vector<16xf32>
        %mul3A_814 = arith.constant 16 : i32
        %mul3A_815 = arith.muli %squeeze3A_331, %mul3A_814 : i32
        %swap3A_816 = arith.constant 14 : i32
        %swap3A_817 = arith.constant 0 : i32
        %swap3A_818 = tpu.memref_slice %arg11[%swap3A_816, %swap3A_817] : memref<32x128xf32, #tpu.memory_space<vmem>> -> memref<1x128xf32, #tpu.memory_space<vmem>>
        %swap3A_819 = tpu.memref_squeeze %swap3A_818 : memref<1x128xf32, #tpu.memory_space<vmem>> -> memref<128xf32, #tpu.memory_space<vmem>>
        %swap3A_820 = arith.index_cast %mul3A_815 : i32 to index
        %swap3A_821 = tpu.vector_load %swap3A_819[%swap3A_820] {strides = array<i32>} : memref<128xf32, #tpu.memory_space<vmem>>, vector<16xf32>,
        tpu.vector_store %swap3A_819[%swap3A_820], %broadcast_in_dim3A_813 {strides = array<i32>} : memref<128xf32, #tpu.memory_space<vmem>>, vector<16xf32>,
        %broadcast_in_dim3A_822 = arith.constant 0.000000e+00 : f32
        %broadcast_in_dim3A_823 = vector.broadcast %broadcast_in_dim3A_822 : f32 to vector<16xf32>
        %mul3A_824 = arith.constant 16 : i32
        %mul3A_825 = arith.muli %squeeze3A_350, %mul3A_824 : i32
        %swap3A_826 = arith.constant 15 : i32
        %swap3A_827 = arith.constant 0 : i32
        %swap3A_828 = tpu.memref_slice %arg11[%swap3A_826, %swap3A_827] : memref<32x128xf32, #tpu.memory_space<vmem>> -> memref<1x128xf32, #tpu.memory_space<vmem>>
        %swap3A_829 = tpu.memref_squeeze %swap3A_828 : memref<1x128xf32, #tpu.memory_space<vmem>> -> memref<128xf32, #tpu.memory_space<vmem>>
        %swap3A_830 = arith.index_cast %mul3A_825 : i32 to index
        %swap3A_831 = tpu.vector_load %swap3A_829[%swap3A_830] {strides = array<i32>} : memref<128xf32, #tpu.memory_space<vmem>>, vector<16xf32>,
        tpu.vector_store %swap3A_829[%swap3A_830], %broadcast_in_dim3A_823 {strides = array<i32>} : memref<128xf32, #tpu.memory_space<vmem>>, vector<16xf32>,
        %broadcast_in_dim3A_832 = arith.constant 0.000000e+00 : f32
        %broadcast_in_dim3A_833 = vector.broadcast %broadcast_in_dim3A_832 : f32 to vector<16xf32>
        %mul3A_834 = arith.constant 16 : i32
        %mul3A_835 = arith.muli %squeeze3A_369, %mul3A_834 : i32
        %swap3A_836 = arith.constant 16 : i32
        %swap3A_837 = arith.constant 0 : i32
        %swap3A_838 = tpu.memref_slice %arg11[%swap3A_836, %swap3A_837] : memref<32x128xf32, #tpu.memory_space<vmem>> -> memref<1x128xf32, #tpu.memory_space<vmem>>
        %swap3A_839 = tpu.memref_squeeze %swap3A_838 : memref<1x128xf32, #tpu.memory_space<vmem>> -> memref<128xf32, #tpu.memory_space<vmem>>
        %swap3A_840 = arith.index_cast %mul3A_835 : i32 to index
        %swap3A_841 = tpu.vector_load %swap3A_839[%swap3A_840] {strides = array<i32>} : memref<128xf32, #tpu.memory_space<vmem>>, vector<16xf32>,
        tpu.vector_store %swap3A_839[%swap3A_840], %broadcast_in_dim3A_833 {strides = array<i32>} : memref<128xf32, #tpu.memory_space<vmem>>, vector<16xf32>,
        %broadcast_in_dim3A_842 = arith.constant 0.000000e+00 : f32
        %broadcast_in_dim3A_843 = vector.broadcast %broadcast_in_dim3A_842 : f32 to vector<16xf32>
        %mul3A_844 = arith.constant 16 : i32
        %mul3A_845 = arith.muli %squeeze3A_388, %mul3A_844 : i32
        %swap3A_846 = arith.constant 17 : i32
        %swap3A_847 = arith.constant 0 : i32
        %swap3A_848 = tpu.memref_slice %arg11[%swap3A_846, %swap3A_847] : memref<32x128xf32, #tpu.memory_space<vmem>> -> memref<1x128xf32, #tpu.memory_space<vmem>>
        %swap3A_849 = tpu.memref_squeeze %swap3A_848 : memref<1x128xf32, #tpu.memory_space<vmem>> -> memref<128xf32, #tpu.memory_space<vmem>>
        %swap3A_850 = arith.index_cast %mul3A_845 : i32 to index
        %swap3A_851 = tpu.vector_load %swap3A_849[%swap3A_850] {strides = array<i32>} : memref<128xf32, #tpu.memory_space<vmem>>, vector<16xf32>,
        tpu.vector_store %swap3A_849[%swap3A_850], %broadcast_in_dim3A_843 {strides = array<i32>} : memref<128xf32, #tpu.memory_space<vmem>>, vector<16xf32>,
        %broadcast_in_dim3A_852 = arith.constant 0.000000e+00 : f32
        %broadcast_in_dim3A_853 = vector.broadcast %broadcast_in_dim3A_852 : f32 to vector<16xf32>
        %mul3A_854 = arith.constant 16 : i32
        %mul3A_855 = arith.muli %squeeze3A_407, %mul3A_854 : i32
        %swap3A_856 = arith.constant 18 : i32
        %swap3A_857 = arith.constant 0 : i32
        %swap3A_858 = tpu.memref_slice %arg11[%swap3A_856, %swap3A_857] : memref<32x128xf32, #tpu.memory_space<vmem>> -> memref<1x128xf32, #tpu.memory_space<vmem>>
        %swap3A_859 = tpu.memref_squeeze %swap3A_858 : memref<1x128xf32, #tpu.memory_space<vmem>> -> memref<128xf32, #tpu.memory_space<vmem>>
        %swap3A_860 = arith.index_cast %mul3A_855 : i32 to index
        %swap3A_861 = tpu.vector_load %swap3A_859[%swap3A_860] {strides = array<i32>} : memref<128xf32, #tpu.memory_space<vmem>>, vector<16xf32>,
        tpu.vector_store %swap3A_859[%swap3A_860], %broadcast_in_dim3A_853 {strides = array<i32>} : memref<128xf32, #tpu.memory_space<vmem>>, vector<16xf32>,
        %broadcast_in_dim3A_862 = arith.constant 0.000000e+00 : f32
        %broadcast_in_dim3A_863 = vector.broadcast %broadcast_in_dim3A_862 : f32 to vector<16xf32>
        %mul3A_864 = arith.constant 16 : i32
        %mul3A_865 = arith.muli %squeeze3A_426, %mul3A_864 : i32
        %swap3A_866 = arith.constant 19 : i32
        %swap3A_867 = arith.constant 0 : i32
        %swap3A_868 = tpu.memref_slice %arg11[%swap3A_866, %swap3A_867] : memref<32x128xf32, #tpu.memory_space<vmem>> -> memref<1x128xf32, #tpu.memory_space<vmem>>
        %swap3A_869 = tpu.memref_squeeze %swap3A_868 : memref<1x128xf32, #tpu.memory_space<vmem>> -> memref<128xf32, #tpu.memory_space<vmem>>
        %swap3A_870 = arith.index_cast %mul3A_865 : i32 to index
        %swap3A_871 = tpu.vector_load %swap3A_869[%swap3A_870] {strides = array<i32>} : memref<128xf32, #tpu.memory_space<vmem>>, vector<16xf32>,
        tpu.vector_store %swap3A_869[%swap3A_870], %broadcast_in_dim3A_863 {strides = array<i32>} : memref<128xf32, #tpu.memory_space<vmem>>, vector<16xf32>,
        %broadcast_in_dim3A_872 = arith.constant 0.000000e+00 : f32
        %broadcast_in_dim3A_873 = vector.broadcast %broadcast_in_dim3A_872 : f32 to vector<16xf32>
        %mul3A_874 = arith.constant 16 : i32
        %mul3A_875 = arith.muli %squeeze3A_445, %mul3A_874 : i32
        %swap3A_876 = arith.constant 20 : i32
        %swap3A_877 = arith.constant 0 : i32
        %swap3A_878 = tpu.memref_slice %arg11[%swap3A_876, %swap3A_877] : memref<32x128xf32, #tpu.memory_space<vmem>> -> memref<1x128xf32, #tpu.memory_space<vmem>>
        %swap3A_879 = tpu.memref_squeeze %swap3A_878 : memref<1x128xf32, #tpu.memory_space<vmem>> -> memref<128xf32, #tpu.memory_space<vmem>>
        %swap3A_880 = arith.index_cast %mul3A_875 : i32 to index
        %swap3A_881 = tpu.vector_load %swap3A_879[%swap3A_880] {strides = array<i32>} : memref<128xf32, #tpu.memory_space<vmem>>, vector<16xf32>,
        tpu.vector_store %swap3A_879[%swap3A_880], %broadcast_in_dim3A_873 {strides = array<i32>} : memref<128xf32, #tpu.memory_space<vmem>>, vector<16xf32>,
        %broadcast_in_dim3A_882 = arith.constant 0.000000e+00 : f32
        %broadcast_in_dim3A_883 = vector.broadcast %broadcast_in_dim3A_882 : f32 to vector<16xf32>
        %mul3A_884 = arith.constant 16 : i32
        %mul3A_885 = arith.muli %squeeze3A_464, %mul3A_884 : i32
        %swap3A_886 = arith.constant 21 : i32
        %swap3A_887 = arith.constant 0 : i32
        %swap3A_888 = tpu.memref_slice %arg11[%swap3A_886, %swap3A_887] : memref<32x128xf32, #tpu.memory_space<vmem>> -> memref<1x128xf32, #tpu.memory_space<vmem>>
        %swap3A_889 = tpu.memref_squeeze %swap3A_888 : memref<1x128xf32, #tpu.memory_space<vmem>> -> memref<128xf32, #tpu.memory_space<vmem>>
        %swap3A_890 = arith.index_cast %mul3A_885 : i32 to index
        %swap3A_891 = tpu.vector_load %swap3A_889[%swap3A_890] {strides = array<i32>} : memref<128xf32, #tpu.memory_space<vmem>>, vector<16xf32>,
        tpu.vector_store %swap3A_889[%swap3A_890], %broadcast_in_dim3A_883 {strides = array<i32>} : memref<128xf32, #tpu.memory_space<vmem>>, vector<16xf32>,
        %broadcast_in_dim3A_892 = arith.constant 0.000000e+00 : f32
        %broadcast_in_dim3A_893 = vector.broadcast %broadcast_in_dim3A_892 : f32 to vector<16xf32>
        %mul3A_894 = arith.constant 16 : i32
        %mul3A_895 = arith.muli %squeeze3A_483, %mul3A_894 : i32
        %swap3A_896 = arith.constant 22 : i32
        %swap3A_897 = arith.constant 0 : i32
        %swap3A_898 = tpu.memref_slice %arg11[%swap3A_896, %swap3A_897] : memref<32x128xf32, #tpu.memory_space<vmem>> -> memref<1x128xf32, #tpu.memory_space<vmem>>
        %swap3A_899 = tpu.memref_squeeze %swap3A_898 : memref<1x128xf32, #tpu.memory_space<vmem>> -> memref<128xf32, #tpu.memory_space<vmem>>
        %swap3A_900 = arith.index_cast %mul3A_895 : i32 to index
        %swap3A_901 = tpu.vector_load %swap3A_899[%swap3A_900] {strides = array<i32>} : memref<128xf32, #tpu.memory_space<vmem>>, vector<16xf32>,
        tpu.vector_store %swap3A_899[%swap3A_900], %broadcast_in_dim3A_893 {strides = array<i32>} : memref<128xf32, #tpu.memory_space<vmem>>, vector<16xf32>,
        %broadcast_in_dim3A_902 = arith.constant 0.000000e+00 : f32
        %broadcast_in_dim3A_903 = vector.broadcast %broadcast_in_dim3A_902 : f32 to vector<16xf32>
        %mul3A_904 = arith.constant 16 : i32
        %mul3A_905 = arith.muli %squeeze3A_502, %mul3A_904 : i32
        %swap3A_906 = arith.constant 23 : i32
        %swap3A_907 = arith.constant 0 : i32
        %swap3A_908 = tpu.memref_slice %arg11[%swap3A_906, %swap3A_907] : memref<32x128xf32, #tpu.memory_space<vmem>> -> memref<1x128xf32, #tpu.memory_space<vmem>>
        %swap3A_909 = tpu.memref_squeeze %swap3A_908 : memref<1x128xf32, #tpu.memory_space<vmem>> -> memref<128xf32, #tpu.memory_space<vmem>>
        %swap3A_910 = arith.index_cast %mul3A_905 : i32 to index
        %swap3A_911 = tpu.vector_load %swap3A_909[%swap3A_910] {strides = array<i32>} : memref<128xf32, #tpu.memory_space<vmem>>, vector<16xf32>,
        tpu.vector_store %swap3A_909[%swap3A_910], %broadcast_in_dim3A_903 {strides = array<i32>} : memref<128xf32, #tpu.memory_space<vmem>>, vector<16xf32>,
        %broadcast_in_dim3A_912 = arith.constant 0.000000e+00 : f32
        %broadcast_in_dim3A_913 = vector.broadcast %broadcast_in_dim3A_912 : f32 to vector<16xf32>
        %mul3A_914 = arith.constant 16 : i32
        %mul3A_915 = arith.muli %squeeze3A_521, %mul3A_914 : i32
        %swap3A_916 = arith.constant 24 : i32
        %swap3A_917 = arith.constant 0 : i32
        %swap3A_918 = tpu.memref_slice %arg11[%swap3A_916, %swap3A_917] : memref<32x128xf32, #tpu.memory_space<vmem>> -> memref<1x128xf32, #tpu.memory_space<vmem>>
        %swap3A_919 = tpu.memref_squeeze %swap3A_918 : memref<1x128xf32, #tpu.memory_space<vmem>> -> memref<128xf32, #tpu.memory_space<vmem>>
        %swap3A_920 = arith.index_cast %mul3A_915 : i32 to index
        %swap3A_921 = tpu.vector_load %swap3A_919[%swap3A_920] {strides = array<i32>} : memref<128xf32, #tpu.memory_space<vmem>>, vector<16xf32>,
        tpu.vector_store %swap3A_919[%swap3A_920], %broadcast_in_dim3A_913 {strides = array<i32>} : memref<128xf32, #tpu.memory_space<vmem>>, vector<16xf32>,
        %broadcast_in_dim3A_922 = arith.constant 0.000000e+00 : f32
        %broadcast_in_dim3A_923 = vector.broadcast %broadcast_in_dim3A_922 : f32 to vector<16xf32>
        %mul3A_924 = arith.constant 16 : i32
        %mul3A_925 = arith.muli %squeeze3A_540, %mul3A_924 : i32
        %swap3A_926 = arith.constant 25 : i32
        %swap3A_927 = arith.constant 0 : i32
        %swap3A_928 = tpu.memref_slice %arg11[%swap3A_926, %swap3A_927] : memref<32x128xf32, #tpu.memory_space<vmem>> -> memref<1x128xf32, #tpu.memory_space<vmem>>
        %swap3A_929 = tpu.memref_squeeze %swap3A_928 : memref<1x128xf32, #tpu.memory_space<vmem>> -> memref<128xf32, #tpu.memory_space<vmem>>
        %swap3A_930 = arith.index_cast %mul3A_925 : i32 to index
        %swap3A_931 = tpu.vector_load %swap3A_929[%swap3A_930] {strides = array<i32>} : memref<128xf32, #tpu.memory_space<vmem>>, vector<16xf32>,
        tpu.vector_store %swap3A_929[%swap3A_930], %broadcast_in_dim3A_923 {strides = array<i32>} : memref<128xf32, #tpu.memory_space<vmem>>, vector<16xf32>,
        %broadcast_in_dim3A_932 = arith.constant 0.000000e+00 : f32
        %broadcast_in_dim3A_933 = vector.broadcast %broadcast_in_dim3A_932 : f32 to vector<16xf32>
        %mul3A_934 = arith.constant 16 : i32
        %mul3A_935 = arith.muli %squeeze3A_559, %mul3A_934 : i32
        %swap3A_936 = arith.constant 26 : i32
        %swap3A_937 = arith.constant 0 : i32
        %swap3A_938 = tpu.memref_slice %arg11[%swap3A_936, %swap3A_937] : memref<32x128xf32, #tpu.memory_space<vmem>> -> memref<1x128xf32, #tpu.memory_space<vmem>>
        %swap3A_939 = tpu.memref_squeeze %swap3A_938 : memref<1x128xf32, #tpu.memory_space<vmem>> -> memref<128xf32, #tpu.memory_space<vmem>>
        %swap3A_940 = arith.index_cast %mul3A_935 : i32 to index
        %swap3A_941 = tpu.vector_load %swap3A_939[%swap3A_940] {strides = array<i32>} : memref<128xf32, #tpu.memory_space<vmem>>, vector<16xf32>,
        tpu.vector_store %swap3A_939[%swap3A_940], %broadcast_in_dim3A_933 {strides = array<i32>} : memref<128xf32, #tpu.memory_space<vmem>>, vector<16xf32>,
        %broadcast_in_dim3A_942 = arith.constant 0.000000e+00 : f32
        %broadcast_in_dim3A_943 = vector.broadcast %broadcast_in_dim3A_942 : f32 to vector<16xf32>
        %mul3A_944 = arith.constant 16 : i32
        %mul3A_945 = arith.muli %squeeze3A_578, %mul3A_944 : i32
        %swap3A_946 = arith.constant 27 : i32
        %swap3A_947 = arith.constant 0 : i32
        %swap3A_948 = tpu.memref_slice %arg11[%swap3A_946, %swap3A_947] : memref<32x128xf32, #tpu.memory_space<vmem>> -> memref<1x128xf32, #tpu.memory_space<vmem>>
        %swap3A_949 = tpu.memref_squeeze %swap3A_948 : memref<1x128xf32, #tpu.memory_space<vmem>> -> memref<128xf32, #tpu.memory_space<vmem>>
        %swap3A_950 = arith.index_cast %mul3A_945 : i32 to index
        %swap3A_951 = tpu.vector_load %swap3A_949[%swap3A_950] {strides = array<i32>} : memref<128xf32, #tpu.memory_space<vmem>>, vector<16xf32>,
        tpu.vector_store %swap3A_949[%swap3A_950], %broadcast_in_dim3A_943 {strides = array<i32>} : memref<128xf32, #tpu.memory_space<vmem>>, vector<16xf32>,
        %broadcast_in_dim3A_952 = arith.constant 0.000000e+00 : f32
        %broadcast_in_dim3A_953 = vector.broadcast %broadcast_in_dim3A_952 : f32 to vector<16xf32>
        %mul3A_954 = arith.constant 16 : i32
        %mul3A_955 = arith.muli %squeeze3A_597, %mul3A_954 : i32
        %swap3A_956 = arith.constant 28 : i32
        %swap3A_957 = arith.constant 0 : i32
        %swap3A_958 = tpu.memref_slice %arg11[%swap3A_956, %swap3A_957] : memref<32x128xf32, #tpu.memory_space<vmem>> -> memref<1x128xf32, #tpu.memory_space<vmem>>
        %swap3A_959 = tpu.memref_squeeze %swap3A_958 : memref<1x128xf32, #tpu.memory_space<vmem>> -> memref<128xf32, #tpu.memory_space<vmem>>
        %swap3A_960 = arith.index_cast %mul3A_955 : i32 to index
        %swap3A_961 = tpu.vector_load %swap3A_959[%swap3A_960] {strides = array<i32>} : memref<128xf32, #tpu.memory_space<vmem>>, vector<16xf32>,
        tpu.vector_store %swap3A_959[%swap3A_960], %broadcast_in_dim3A_953 {strides = array<i32>} : memref<128xf32, #tpu.memory_space<vmem>>, vector<16xf32>,
        %broadcast_in_dim3A_962 = arith.constant 0.000000e+00 : f32
        %broadcast_in_dim3A_963 = vector.broadcast %broadcast_in_dim3A_962 : f32 to vector<16xf32>
        %mul3A_964 = arith.constant 16 : i32
        %mul3A_965 = arith.muli %squeeze3A_616, %mul3A_964 : i32
        %swap3A_966 = arith.constant 29 : i32
        %swap3A_967 = arith.constant 0 : i32
        %swap3A_968 = tpu.memref_slice %arg11[%swap3A_966, %swap3A_967] : memref<32x128xf32, #tpu.memory_space<vmem>> -> memref<1x128xf32, #tpu.memory_space<vmem>>
        %swap3A_969 = tpu.memref_squeeze %swap3A_968 : memref<1x128xf32, #tpu.memory_space<vmem>> -> memref<128xf32, #tpu.memory_space<vmem>>
        %swap3A_970 = arith.index_cast %mul3A_965 : i32 to index
        %swap3A_971 = tpu.vector_load %swap3A_969[%swap3A_970] {strides = array<i32>} : memref<128xf32, #tpu.memory_space<vmem>>, vector<16xf32>,
        tpu.vector_store %swap3A_969[%swap3A_970], %broadcast_in_dim3A_963 {strides = array<i32>} : memref<128xf32, #tpu.memory_space<vmem>>, vector<16xf32>,
        %broadcast_in_dim3A_972 = arith.constant 0.000000e+00 : f32
        %broadcast_in_dim3A_973 = vector.broadcast %broadcast_in_dim3A_972 : f32 to vector<16xf32>
        %mul3A_974 = arith.constant 16 : i32
        %mul3A_975 = arith.muli %squeeze3A_635, %mul3A_974 : i32
        %swap3A_976 = arith.constant 30 : i32
        %swap3A_977 = arith.constant 0 : i32
        %swap3A_978 = tpu.memref_slice %arg11[%swap3A_976, %swap3A_977] : memref<32x128xf32, #tpu.memory_space<vmem>> -> memref<1x128xf32, #tpu.memory_space<vmem>>
        %swap3A_979 = tpu.memref_squeeze %swap3A_978 : memref<1x128xf32, #tpu.memory_space<vmem>> -> memref<128xf32, #tpu.memory_space<vmem>>
        %swap3A_980 = arith.index_cast %mul3A_975 : i32 to index
        %swap3A_981 = tpu.vector_load %swap3A_979[%swap3A_980] {strides = array<i32>} : memref<128xf32, #tpu.memory_space<vmem>>, vector<16xf32>,
        tpu.vector_store %swap3A_979[%swap3A_980], %broadcast_in_dim3A_973 {strides = array<i32>} : memref<128xf32, #tpu.memory_space<vmem>>, vector<16xf32>,
        %broadcast_in_dim3A_982 = arith.constant 0.000000e+00 : f32
        %broadcast_in_dim3A_983 = vector.broadcast %broadcast_in_dim3A_982 : f32 to vector<16xf32>
        %mul3A_984 = arith.constant 16 : i32
        %mul3A_985 = arith.muli %squeeze3A_654, %mul3A_984 : i32
        %swap3A_986 = arith.constant 31 : i32
        %swap3A_987 = arith.constant 0 : i32
        %swap3A_988 = tpu.memref_slice %arg11[%swap3A_986, %swap3A_987] : memref<32x128xf32, #tpu.memory_space<vmem>> -> memref<1x128xf32, #tpu.memory_space<vmem>>
        %swap3A_989 = tpu.memref_squeeze %swap3A_988 : memref<1x128xf32, #tpu.memory_space<vmem>> -> memref<128xf32, #tpu.memory_space<vmem>>
        %swap3A_990 = arith.index_cast %mul3A_985 : i32 to index
        %swap3A_991 = tpu.vector_load %swap3A_989[%swap3A_990] {strides = array<i32>} : memref<128xf32, #tpu.memory_space<vmem>>, vector<16xf32>,
        tpu.vector_store %swap3A_989[%swap3A_990], %broadcast_in_dim3A_983 {strides = array<i32>} : memref<128xf32, #tpu.memory_space<vmem>>, vector<16xf32>,
      }
      %scan3A_38 = arith.constant 64 : i32
    }
    %scan3A_13 = arith.constant 5 : i32
    %barrier3A_14 = arith.constant 0 : index
    tpu.barrier barrier_id(%barrier3A_14)
    %mul3A_15 = arith.constant 40 : i32
    %mul3A_16 = arith.muli %arg1, %mul3A_15 : i32
    %mul3A_17 = arith.constant 40 : i32
    %mul3A_18 = arith.muli %arg1, %mul3A_17 : i32
    "tpu.region"() ({
      %run_scoped3A = tpu.sem_alloc : memref<!tpu.dma_semaphore, #tpu.memory_space<semaphore_mem>>
      %dma_start3A = arith.constant 0 : i32
      %dma_start3A_19 = tpu.memref_slice %arg4[%arg0, %mul3A_18, %dma_start3A] : memref<2x640x128xf32, #tpu.memory_space<hbm>> -> memref<1x40x128xf32, #tpu.memory_space<hbm>>
      %dma_start3A_20 = tpu.memref_squeeze %dma_start3A_19 : memref<1x40x128xf32, #tpu.memory_space<hbm>> -> memref<40x128xf32, #tpu.memory_space<hbm>>
      %dma_start3A_21 = arith.constant 0 : i32
      %dma_start3A_22 = tpu.memref_slice %arg5[%mul3A_16, %dma_start3A_21] : memref<640x128xf32, #tpu.memory_space<vmem_shared>> -> memref<40x128xf32, #tpu.memory_space<vmem_shared>>
      tpu.enqueue_dma source(%dma_start3A_22 : memref<40x128xf32, #tpu.memory_space<vmem_shared>>) target(%dma_start3A_20 : memref<40x128xf32, #tpu.memory_space<hbm>>) target_semaphore(%run_scoped3A : memref<!tpu.dma_semaphore, #tpu.memory_space<semaphore_mem>>)
      %dma_wait3A = arith.constant 0 : i32
      %dma_wait3A_23 = tpu.memref_slice %arg4[%arg0, %mul3A_18, %dma_wait3A] : memref<2x640x128xf32, #tpu.memory_space<hbm>> -> memref<1x40x128xf32, #tpu.memory_space<hbm>>
      %dma_wait3A_24 = tpu.memref_squeeze %dma_wait3A_23 : memref<1x40x128xf32, #tpu.memory_space<hbm>> -> memref<40x128xf32, #tpu.memory_space<hbm>>
      %dma_wait3A_25 = arith.constant 0 : i32
      %dma_wait3A_26 = tpu.memref_slice %arg5[%mul3A_16, %dma_wait3A_25] : memref<640x128xf32, #tpu.memory_space<vmem_shared>> -> memref<40x128xf32, #tpu.memory_space<vmem_shared>>
      tpu.wait_dma2 semaphore(%run_scoped3A : memref<!tpu.dma_semaphore, #tpu.memory_space<semaphore_mem>>) src(%dma_wait3A_26 : memref<40x128xf32, #tpu.memory_space<vmem_shared>>) dst(%dma_wait3A_24 : memref<40x128xf32, #tpu.memory_space<hbm>>)
      tpu.yield
    }) : () -> ()
    return
  }
}

module attributes {stable_mosaic.version = 14 : i64} {
  func.func @_y_body(%arg0: i32, %arg1: i32, %arg2: memref<1000x128xf32, #tpu.memory_space<vmem>>, %arg3: memref<1x128x128xf32, #tpu.memory_space<vmem>>, %arg4: memref<1000x128xf32, #tpu.memory_space<vmem>>) attributes {dimension_semantics = [#tpu.dimension_semantics<arbitrary>, #tpu.dimension_semantics<arbitrary>], iteration_bounds = array<i64: 8, 10>, scalar_prefetch = 0 : i64, scratch_operands = 0 : i64, tpu.core_type = #tpu.core_type<tc>, window_params = [{transform_indices = @transform_0, window_bounds = array<i64: 1000, 128>}, {transform_indices = @transform_1, window_bounds = array<i64: 1, 128, 128>}, {transform_indices = @transform_2, window_bounds = array<i64: 1000, 128>}]} {
    %get3A = arith.constant 0 : index
    %get3A_0 = arith.constant 0 : index
    %get3A_1 = vector.load %arg2[%get3A, %get3A_0] : memref<1000x128xf32, #tpu.memory_space<vmem>>, vector<1000x128xf32>
    %get3A_2 = arith.constant 0 : index
    %get3A_3 = arith.constant 0 : index
    %get3A_4 = arith.constant 0 : index
    %get3A_5 = vector.load %arg3[%get3A_2, %get3A_3, %get3A_4] : memref<1x128x128xf32, #tpu.memory_space<vmem>>, vector<1x128x128xf32>
    %get3A_6 = vector.shape_cast %get3A_5 : vector<1x128x128xf32> to vector<128x128xf32>
    %dot_general3A = arith.constant dense<0.000000e+00> : vector<1000x128xf32>
    %dot_general3A_7 = tpu.matmul %get3A_1, %get3A_6, %dot_general3A {dimension_numbers = #tpu.dot_dimension_numbers<[1], [0], [0], [1], [0, 0, 1, 1], [], []>, transpose_lhs_hint = false} : vector<1000x128xf32>, vector<128x128xf32>, vector<1000x128xf32> -> vector<1000x128xf32>
    %swap3A = arith.constant 0 : index
    %swap3A_8 = arith.constant 0 : index
    %swap3A_9 = vector.load %arg4[%swap3A, %swap3A_8] : memref<1000x128xf32, #tpu.memory_space<vmem>>, vector<1000x128xf32>
    tpu.vector_store %arg4[%swap3A, %swap3A_8], %dot_general3A_7 {strides = array<i32>} : memref<1000x128xf32, #tpu.memory_space<vmem>>, vector<1000x128xf32>,
    return
  }
  func.func @transform_0(%arg0: i32, %arg1: i32) -> (i32, i32) {
    %c0_i32 = arith.constant 0 : i32
    %c0_i32_0 = arith.constant 0 : i32
    return %arg1, %c0_i32 : i32, i32
  }
  func.func @transform_1(%arg0: i32, %arg1: i32) -> (i32, i32, i32) {
    %c0_i32 = arith.constant 0 : i32
    %c0_i32_0 = arith.constant 0 : i32
    %c0_i32_1 = arith.constant 0 : i32
    return %arg0, %c0_i32, %c0_i32_0 : i32, i32, i32
  }
  func.func @transform_2(%arg0: i32, %arg1: i32) -> (i32, i32) {
    %mul3A = arith.constant 10 : i32
    %mul3A_0 = arith.muli %arg0, %mul3A : i32
    %add3A = arith.addi %mul3A_0, %arg1 : i32
    %c0_i32 = arith.constant 0 : i32
    %c0_i32_1 = arith.constant 0 : i32
    return %add3A, %c0_i32 : i32, i32
  }
}

module attributes {stable_mosaic.version = 14 : i64} {
  func.func @_scale_body(%arg0: i32, %arg1: memref<2x8x128xf32, #tpu.memory_space<vmem>>, %arg2: memref<8x128xf32, #tpu.memory_space<vmem>>) attributes {dimension_semantics = [#tpu.dimension_semantics<arbitrary>], iteration_bounds = array<i64: 80>, scalar_prefetch = 0 : i64, scratch_operands = 0 : i64, tpu.core_type = #tpu.core_type<tc>, window_params = [{transform_indices = @transform_0, window_bounds = array<i64: 2, 8, 128>}, {transform_indices = @transform_1, window_bounds = array<i64: 8, 128>}]} {
    %get3A = arith.constant 0 : index
    %get3A_0 = arith.constant 0 : index
    %get3A_1 = arith.constant 0 : index
    %get3A_2 = vector.load %arg1[%get3A, %get3A_0, %get3A_1] : memref<2x8x128xf32, #tpu.memory_space<vmem>>, vector<1x8x128xf32>
    %get3A_3 = vector.shape_cast %get3A_2 : vector<1x8x128xf32> to vector<8x128xf32>
    %get3A_4 = arith.constant 1 : index
    %get3A_5 = arith.constant 0 : index
    %get3A_6 = arith.constant 0 : index
    %get3A_7 = vector.load %arg1[%get3A_4, %get3A_5, %get3A_6] : memref<2x8x128xf32, #tpu.memory_space<vmem>>, vector<1x8x128xf32>
    %get3A_8 = vector.shape_cast %get3A_7 : vector<1x8x128xf32> to vector<8x128xf32>
    %add3A = arith.addf %get3A_3, %get3A_8 : vector<8x128xf32>
    %jit3A = arith.constant 1.000000e+00 : f32
    %max3A = vector.broadcast %jit3A : f32 to vector<8x128xf32>
    %max3A_9 = arith.maximumf %max3A, %add3A : vector<8x128xf32>
    %div3A = arith.constant 1.000000e+00 : f32
    %div3A_10 = vector.broadcast %div3A : f32 to vector<8x128xf32>
    %div3A_11 = arith.divf %div3A_10, %max3A_9 : vector<8x128xf32>
    %swap3A = arith.constant 0 : index
    %swap3A_12 = arith.constant 0 : index
    %swap3A_13 = vector.load %arg2[%swap3A, %swap3A_12] : memref<8x128xf32, #tpu.memory_space<vmem>>, vector<8x128xf32>
    tpu.vector_store %arg2[%swap3A, %swap3A_12], %div3A_11 {strides = array<i32>} : memref<8x128xf32, #tpu.memory_space<vmem>>, vector<8x128xf32>,
    return
  }
  func.func @transform_0(%arg0: i32) -> (i32, i32, i32) {
    %c0_i32 = arith.constant 0 : i32
    %c0_i32_0 = arith.constant 0 : i32
    %c0_i32_1 = arith.constant 0 : i32
    return %c0_i32, %arg0, %c0_i32_0 : i32, i32, i32
  }
  func.func @transform_1(%arg0: i32) -> (i32, i32) {
    %c0_i32 = arith.constant 0 : i32
    %c0_i32_0 = arith.constant 0 : i32
    return %arg0, %c0_i32 : i32, i32
  }
}

module attributes {stable_mosaic.version = 14 : i64} {
  func.func @_final_body(%arg0: i32, %arg1: memref<2x1000x128xf32, #tpu.memory_space<vmem>>, %arg2: memref<1000x128xf32, #tpu.memory_space<vmem>>, %arg3: memref<128x128xf32, #tpu.memory_space<vmem>>, %arg4: memref<1x128xf32, #tpu.memory_space<vmem>>, %arg5: memref<1000x128xf32, #tpu.memory_space<vmem>>) attributes {dimension_semantics = [#tpu.dimension_semantics<arbitrary>], iteration_bounds = array<i64: 10>, scalar_prefetch = 0 : i64, scratch_operands = 0 : i64, tpu.core_type = #tpu.core_type<tc>, window_params = [{transform_indices = @transform_0, window_bounds = array<i64: 2, 1000, 128>}, {transform_indices = @transform_1, window_bounds = array<i64: 1000, 128>}, {pipeline_mode = #tpu.pipeline_mode<synchronous>, transform_indices = @transform_2, window_bounds = array<i64: 128, 128>}, {pipeline_mode = #tpu.pipeline_mode<synchronous>, transform_indices = @transform_3, window_bounds = array<i64: 1, 128>}, {transform_indices = @transform_4, window_bounds = array<i64: 1000, 128>}]} {
    %get3A = arith.constant 0 : index
    %get3A_0 = arith.constant 0 : index
    %get3A_1 = arith.constant 0 : index
    %get3A_2 = vector.load %arg1[%get3A, %get3A_0, %get3A_1] : memref<2x1000x128xf32, #tpu.memory_space<vmem>>, vector<1x1000x128xf32>
    %get3A_3 = vector.shape_cast %get3A_2 : vector<1x1000x128xf32> to vector<1000x128xf32>
    %get3A_4 = arith.constant 1 : index
    %get3A_5 = arith.constant 0 : index
    %get3A_6 = arith.constant 0 : index
    %get3A_7 = vector.load %arg1[%get3A_4, %get3A_5, %get3A_6] : memref<2x1000x128xf32, #tpu.memory_space<vmem>>, vector<1x1000x128xf32>
    %get3A_8 = vector.shape_cast %get3A_7 : vector<1x1000x128xf32> to vector<1000x128xf32>
    %add3A = arith.addf %get3A_3, %get3A_8 : vector<1000x128xf32>
    %get3A_9 = arith.constant 0 : index
    %get3A_10 = arith.constant 0 : index
    %get3A_11 = vector.load %arg2[%get3A_9, %get3A_10] : memref<1000x128xf32, #tpu.memory_space<vmem>>, vector<1000x128xf32>
    %get3A_12 = arith.constant 0 : index
    %get3A_13 = arith.constant 0 : index
    %get3A_14 = vector.load %arg3[%get3A_12, %get3A_13] : memref<128x128xf32, #tpu.memory_space<vmem>>, vector<128x128xf32>
    %dot_general3A = arith.constant dense<0.000000e+00> : vector<1000x128xf32>
    %dot_general3A_15 = tpu.matmul %get3A_11, %get3A_14, %dot_general3A {dimension_numbers = #tpu.dot_dimension_numbers<[1], [0], [0], [1], [0, 0, 1, 1], [], []>, transpose_lhs_hint = false} : vector<1000x128xf32>, vector<128x128xf32>, vector<1000x128xf32> -> vector<1000x128xf32>
    %add3A_16 = arith.addf %add3A, %dot_general3A_15 : vector<1000x128xf32>
    %get3A_17 = arith.constant 0 : index
    %get3A_18 = arith.constant 0 : index
    %get3A_19 = vector.load %arg4[%get3A_17, %get3A_18] : memref<1x128xf32, #tpu.memory_space<vmem>>, vector<1x128xf32>
    %add3A_20 = vector.broadcast %get3A_19 : vector<1x128xf32> to vector<1000x128xf32>
    %add3A_21 = arith.addf %add3A_16, %add3A_20 : vector<1000x128xf32>
    %swap3A = arith.constant 0 : index
    %swap3A_22 = arith.constant 0 : index
    %swap3A_23 = vector.load %arg5[%swap3A, %swap3A_22] : memref<1000x128xf32, #tpu.memory_space<vmem>>, vector<1000x128xf32>
    tpu.vector_store %arg5[%swap3A, %swap3A_22], %add3A_21 {strides = array<i32>} : memref<1000x128xf32, #tpu.memory_space<vmem>>, vector<1000x128xf32>,
    return
  }
  func.func @transform_0(%arg0: i32) -> (i32, i32, i32) {
    %c0_i32 = arith.constant 0 : i32
    %c0_i32_0 = arith.constant 0 : i32
    %c0_i32_1 = arith.constant 0 : i32
    return %c0_i32, %arg0, %c0_i32_0 : i32, i32, i32
  }
  func.func @transform_1(%arg0: i32) -> (i32, i32) {
    %c0_i32 = arith.constant 0 : i32
    %c0_i32_0 = arith.constant 0 : i32
    return %arg0, %c0_i32 : i32, i32
  }
  func.func @transform_2(%arg0: i32) -> (i32, i32) {
    %c0_i32 = arith.constant 0 : i32
    %c0_i32_0 = arith.constant 0 : i32
    %c0_i32_1 = arith.constant 0 : i32
    return %c0_i32, %c0_i32_0 : i32, i32
  }
  func.func @transform_3(%arg0: i32) -> (i32, i32) {
    %c0_i32 = arith.constant 0 : i32
    %c0_i32_0 = arith.constant 0 : i32
    %c0_i32_1 = arith.constant 0 : i32
    return %c0_i32, %c0_i32_0 : i32, i32
  }
  func.func @transform_4(%arg0: i32) -> (i32, i32) {
    %c0_i32 = arith.constant 0 : i32
    %c0_i32_0 = arith.constant 0 : i32
    return %arg0, %c0_i32 : i32, i32
  }
}

</mosaic_0001>

<sc_bundles>
// kernel: kernel.10.cloned.1.call-start
scs
__scs_entry_jumppad:
0x0: {  	(pc) =	sbr.rel $0x88, $3  }
0x1: {  	(tag) =	ssettag $0x0;
	lr =	simm.s32 $0x1  }
0x2: {  	[smem:$0x3F9B] =	sst lr;
	_ =	strace $0xD0000000  }
0x3: {  	_ = 	snop  }
0x4: {  	_ = 	snop  }
0x5: {  	_ = 	snop  }
0x6: {  	_ = 	snop  }
0x7: {  	_ = 	snop  }
__scs_overlays_trampoline_lowered:
0x8: {  	[smem:$0x3FAA] =	sst s0  }
0x9: {  	[smem:$0x3FAB] =	sst s1  }
0xa: {  	[smem:$0x3FAC] =	sst s2  }
0xb: {  	[smem:$0x3FAD] =	sst s3  }
0xc: {  	[smem:$0x3FAE] =	sst s4  }
0xd: {  	[smem:$0x3FAF] =	sst s5  }
0xe: {  	[smem:$0x3FB0] =	sst s6  }
0xf: {  	[smem:$0x3FB1] =	sst s7  }
0x10: {  	[smem:$0x3FB2] =	sst s8  }
0x11: {  	[smem:$0x3FB3] =	sst s9;
	s0 =	simm.s32 @!p0 $0x0  }
0x12: {  	s1 =	sld [smem:$0x3F99];
	s0 =	simm.s32 @p0 $0x1  }
0x13: {  	[smem:$0x3FB4] =	sst s0;
	s0 =	simm.s32 @!p1 $0x0  }
0x14: {  	s2 =	sld [smem:$0x3F98];
	s0 =	simm.s32 @p1 $0x1  }
0x15: {  	[smem:$0x3FB5] =	sst s0;
	s0 =	simm.s32 @!p2 $0x0  }
0x16: {  	s3 =	sld [smem:$0x3FDB];
	s0 =	simm.s32 @p2 $0x1  }
0x17: {  	s4 =	simm.s32 $0x1BF5;
	[smem:$0x3FB7] =	sst s0  }
0x18: {  	s0 =	sld [smem:$0x3F9A];
	_ =	swait.ge [sflag:s4], $0x0  }
0x19: {  	s7 =	sld [smem:$0x3F9B]  }
0x1a: {  	s8 =	sadd.s32 $0xFFFFE003, lr  }
0x1b: {  	s9 =	sadd.s32 $0xFFFFFEF7, lr;
	s5 =	simm.s32 $0xFFFFFFFF;
	p2 =	slt.u32 s8, $0xFFFFF086  }
0x1c: {  	p1 =	slt.u32 s9, $0xF7A;
	s5 =	simm.s32 @!p2 $0x0  }
0x1d: {  	s5 =	simm.s32 @p1 $0x1;
	p0 =	seq.s32 s7, s2  }
0x1e: {  	s7 =	smul.u32 @!p0 $0xF7A, s2;
	p2 =	seq.s32 @!p0 s5, $0x0  }
0x1f: {  	s9 =	smul.u32 $0xF7A, s1;
	s8 =	simm.s32 @!p0 $0x1BF5;
	p2 =	por !p2, p0  }
0x20: {  	[sflag:s8] =	ssyncset.s32 @!p0 $0xFFFFF086;
	s6 =	sadd.s32 @!p0 s3, s7;
	s7 =	simm.s32 @!p0 $0x108  }
0x21: {  	s3 =	sadd.s32 s3, s9;
	s6 =	sadd.s32 @!p0 $0x88, s6;
	s7 =	simm.s32 @p2 $0x1082  }
0x22: {  	[simem:s7], [sflag:s8] =	dma.local @!p0 [hbm:s6], $0xF7A  }
0x23: {  	s9 =	sor.u32 $0xD0000000, s2;
	s6 =	simm.s32 $0x108;
	_ =	swait.ge @!p0 [sflag:s8], $0x0  }
0x24: {  	s3 =	sadd.s32 $0x88, s3;
	s6 =	simm.s32 @!p1 $0x1082;
	[sflag:s4] =	ssyncset.s32 $0xFFFFF086  }
0x25: {  	[simem:s6], [sflag:s4] =	dma.local [hbm:s3], $0xF7A  }
0x26: {  	[smem:$0x3F9B] =	sst s1;
	(tag) =	ssettag s2;
	_ =	strace s9  }
0x27: {  	s1 =	sld [smem:$0x3FAB]  }
0x28: {  	s2 =	sld [smem:$0x3FAC]  }
0x29: {  	s4 =	sld [smem:$0x3FAE]  }
0x2a: {  	p0 =	seq.s32 s5, $0x0;
	s5 =	sld [smem:$0x3FAF]  }
0x2b: {  	s6 =	sld [smem:$0x3FB0]  }
0x2c: {  	s7 =	sld [smem:$0x3FB1]  }
0x2d: {  	s3 =	simm.s32 $0x108;
	s8 =	sld [smem:$0x3FB2]  }
0x2e: {  	s3 =	simm.s32 @!p0 $0x1082;
	s9 =	sld [smem:$0x3FB3]  }
0x2f: {  	lr =	sadd.s32 s0, s3;
	s0 =	sld [smem:$0x3FAA]  }
0x30: {  	s3 =	sld [smem:$0x3FAD]  }
0x31: {  	[smem:$0x3FB6] =	sst s10  }
0x32: {  	s10 =	sld [smem:$0x3FB4];
	_ =	sdelay $0x3  }
0x33: {  	p0 =	seq.s32 s10, $0x1;
	s10 =	sld [smem:$0x3FB6];
	_ =	sdelay $0x3  }
0x34: {  	[smem:$0x3FB6] =	sst s10  }
0x35: {  	s10 =	sld [smem:$0x3FB5];
	_ =	sdelay $0x3  }
0x36: {  	p1 =	seq.s32 s10, $0x1;
	s10 =	sld [smem:$0x3FB6];
	_ =	sdelay $0x3  }
0x37: {  	[smem:$0x3FB6] =	sst s10  }
0x38: {  	s10 =	sld [smem:$0x3FB7]  }
0x39: {  	_ = 	snop;
	(pc) =	sbr.ind lr, $3  }
0x3a: {  	_ = 	snop  }
0x3b: {  	_ = 	snop  }
0x3c: {  	p2 =	seq.s32 s10, $0x1;
	s10 =	sld [smem:$0x3FB6]  }
0x3d: {  	_ =	shalt  }
0x3e: {  	_ =	shalt  }
0x3f: {  	_ =	shalt  }
0x40: {  	_ =	shalt  }
0x41: {  	_ =	shalt  }
0x42: {  	_ =	shalt  }
0x43: {  	_ =	shalt  }
0x44: {  	_ =	shalt  }
0x45: {  	_ =	shalt  }
0x46: {  	_ =	shalt  }
0x47: {  	_ =	shalt  }
0x48: {  	_ =	shalt  }
0x49: {  	_ =	shalt  }
0x4a: {  	_ =	shalt  }
0x4b: {  	_ =	shalt  }
0x4c: {  	_ =	shalt  }
0x4d: {  	_ =	shalt  }
0x4e: {  	_ =	shalt  }
0x4f: {  	_ =	shalt  }
0x50: {  	_ =	shalt  }
0x51: {  	_ =	shalt  }
0x52: {  	_ =	shalt  }
0x53: {  	_ =	shalt  }
0x54: {  	_ =	shalt  }
0x55: {  	_ =	shalt  }
0x56: {  	_ =	shalt  }
0x57: {  	_ =	shalt  }
0x58: {  	_ =	shalt  }
0x59: {  	_ =	shalt  }
0x5a: {  	_ =	shalt  }
0x5b: {  	_ =	shalt  }
0x5c: {  	_ =	shalt  }
0x5d: {  	_ =	shalt  }
0x5e: {  	_ =	shalt  }
0x5f: {  	_ =	shalt  }
0x60: {  	_ =	shalt  }
0x61: {  	_ =	shalt  }
0x62: {  	_ =	shalt  }
0x63: {  	_ =	shalt  }
0x64: {  	_ =	shalt  }
0x65: {  	_ =	shalt  }
0x66: {  	_ =	shalt  }
0x67: {  	_ =	shalt  }
0x68: {  	_ =	shalt  }
0x69: {  	_ =	shalt  }
0x6a: {  	_ =	shalt  }
0x6b: {  	_ =	shalt  }
0x6c: {  	_ =	shalt  }
0x6d: {  	_ =	shalt  }
0x6e: {  	_ =	shalt  }
0x6f: {  	_ =	shalt  }
0x70: {  	_ =	shalt  }
0x71: {  	_ =	shalt  }
0x72: {  	_ =	shalt  }
0x73: {  	_ =	shalt  }
0x74: {  	_ =	shalt  }
0x75: {  	_ =	shalt  }
0x76: {  	_ =	shalt  }
0x77: {  	_ =	shalt  }
0x78: {  	_ =	shalt  }
0x79: {  	_ =	shalt  }
0x7a: {  	_ =	shalt  }
0x7b: {  	_ =	shalt  }
0x7c: {  	_ =	shalt  }
0x7d: {  	_ =	shalt  }
0x7e: {  	_ =	shalt  }
0x7f: {  	_ =	shalt  }
0x80: {  	_ =	shalt  }
0x81: {  	_ =	shalt  }
0x82: {  	_ =	shalt  }
0x83: {  	_ =	shalt  }
0x84: {  	_ =	shalt  }
0x85: {  	_ =	shalt  }
0x86: {  	_ =	shalt  }
0x87: {  	_ =	shalt  }
.Lfunc_end0:
.L_simem_size_0:
called_computation.1_lowered:
.L_overlay_start_0:
0x88: {  	s2 =	sld [smem:$0x3FD9]  }
0x89: {  	s3 =	sld [smem:$0x3FFE];
	_ =	sdelay $0x1  }
0x8a: {  	s1 =	srdreg.scid  }
0x8b: {  	s0 =	sand.u32 $0x1, s1  }
0x8c: {  	s17 =	sshll.u32 s0, $0xA;
	s2 =	sadd.s32 s3, s2  }
0x8d: {  	s2 =	sadd.s32 s2, s17  }
0x8e: {  	[smem:$0x3FC2] =	sst s2  }
0x8f: {  	_ = 	snop  }
0x90: {  	s2 =	sld [smem:$0x3FD0];
	(tm) =	ssettm $0x1  }
0x91: {  	s18 =	sld [smem:$0x3FFB];
	_ =	sdelay $0x3  }
0x92: {  	_ =	strace s18  }
0x93: {  	s3 =	sld [smem:$0x3FFC];
	_ =	sdelay $0x3  }
0x94: {  	_ =	strace s3  }
0x95: {  	s3 =	sld [smem:$0x3FFD];
	_ =	sdelay $0x3  }
0x96: {  	_ =	strace s3  }
0x97: {  	_ =	strace $0x8FFFFFFF  }
0x98: {  	s19 =	sld [smem:$0x3FDB];
	_ =	sdelay $0x1  }
0x99: {  	s4 =	simm.s32 $_scs_section_size  }
0x9a: {  	s5 =	simm.s32 $_size__tile_overlayer_lowered;
	s6 =	simm.s32 $_tile_overlayer_lowered  }
0x9b: {  	s22 =	simm.s32 $0x1BFF;
	s21 =	sshll.u32 s6, $0x1;
	s3 =	sadd.s32 s4, s19  }
0x9c: {  	s7 =	simm.s32 $0x0;
	s20 =	sshll.u32 s5, $0x1;
	s5 =	sadd.s32 s21, s3  }
0x9d: {  	[timem:s7], [sflag:s22] =	dma.local [hbm:s5], s20  }
0x9e: {  	_ =	swait.ge [sflag:s22], s20  }
0x9f: {  	s4 =	ssub.s32 $0x0, s20;
	[sflag:s22] =	ssyncset.done $0x0  }
0xa0: {  	[sflag:s22] =	ssyncadd.s32 s4;
	_ =	sdelay $0x1  }
0xa1: {  	s23 =	simm.s32 $0x1B8B  }
0xa2: {  	_ =	swait.ge [sflag:s23], $0x1  }
0xa3: {  	[sflag:s23] =	ssyncset.done $0x0  }
0xa4: {  	s25 =	simm.s32 $0x1B8E;
	s24 =	sld [smem:$0x3FFE];
	[sflag:s23] =	ssyncadd.s32 $0xFFFFFFFF  }
0xa5: {  	s26 =	simm.s32 $execute0_lowered;
	[smem:$0x3FD2] =	sst s25  }
0xa6: {  	s5 =	sshll.u32 s26, $0x1;
	_ =	strace $0x80000049;
	[dreg:$0x1] =	wrdreg $0xFFFFFFFF  }
0xa7: {  	s28 =	simm.s32 $_size_execute0_lowered;
	s3 =	sadd.s32 s3, s5;
	[dreg:$0x0] =	wrdreg $0x0  }
0xa8: {  	s5 =	sshll.u32 s28, $0x1;
	[dreg:$0x2] =	wrdreg s3  }
0xa9: {  	[dreg:$0x3] =	wrdreg s5  }
0xaa: {  	[dreg:$0x4] =	wrdreg $0xC0  }
0xab: {  	_ =	task [dreg:s7], $0x5FFFF  }
0xac: {  	[dreg:$0x1] =	wrdreg $0xFFFFFFFF  }
0xad: {  	[dreg:$0x0] =	wrdreg $0x60  }
0xae: {  	[dreg:$0x2] =	wrdreg s24  }
0xaf: {  	[dreg:$0x3] =	wrdreg s2  }
0xb0: {  	[dreg:$0x4] =	wrdreg $0x0  }
0xb1: {  	[dreg:$0x5] =	wrdreg $0x13C000  }
0xb2: {  	[dreg:$0x6] =	wrdreg $0x9  }
0xb3: {  	_ =	task.clear_ibuf [dreg:s7], $0x7FFFF;
	_ =	strace $0x90000049  }
0xb4: {  	s29 =	simm.s32 $0x9;
	_ =	strace $0x8000004B  }
0xb5: {  	_ =	swait.ge [sflag:s29], $0x1  }
0xb6: {  	[sflag:s29] =	ssyncadd.s32 $0xFFFFFFFF  }
0xb7: {  	_ =	strace $0x9000004B  }
0xb8: {  	_ =	sfence  }
0xb9: {  	s30 =	sld [smem:$0x0];
	_ =	sdelay $0x2  }
0xba: {  	s31 =	sshll.u32 s1, $0xD;
	s1 =	sshrl.u32 s1, $0x2  }
0xbb: {  	s3 =	sand.u32 $0x4000, s31;
	s1 =	sadd.s32 s1, s30  }
0xbc: {  	s0 =	sor.u32 s3, s0;
	s1 =	sshll.u32 s1, $0x11  }
0xbd: {  	s0 =	sor.u32 s1, s0  }
0xbe: {  	s0 =	sadd.s32 $0x8F2B, s0  }
0xbf: {  	[sflag:s0] =	ssyncadd.remote.s32 $0x1  }
0xc0: {  	_ =	sfence.sel $0xFFFF  }
0xc1: {  	[dreg:$0x0] =	wrdreg $0xFFFFFFFF;
	(pc) =	sbr.abs _section_cstart, $3  }
0xc2: {  	[dreg:$0x1] =	wrdreg $0xFFFFFFFF  }
0xc3: {  	_ =	task.clear_ibuf [dreg:s7], $0x2FFFF;
	_ =	strace $0x9FFFFFFF  }
0xc4: {  	(tm) =	ssettm $0x7FFFFFFF  }
0xc5: {  	_ =	shalt  }
tec
execute0_lowered:
.L_overlay_start_1:
0x0: {  	(tag) =	ssettag $0x1  }
0x1: {  	s0 =	rddreg [dreg:$0x0]  }
0x2: {  	s1 =	rddreg [dreg:$0x1]  }
0x3: {  	s2 =	rddreg [dreg:$0x2]  }
0x4: {  	s3 =	rddreg [dreg:$0x3];
	s4 =	srdreg.scid  }
0x5: {  	s5 =	simm.s32 $0x0;
	s18 =	stileid.u32;
	s19 =	simm.s32 $0x1  }
0x6: {  	s22 =	simm.s32 $0x1D000;
	s23 =	simm.s32 $0x1D800;
	s24 =	simm.s32 $0x1E000  }
0x7: {  	s25 =	simm.s32 $0x80;
	s28 =	simm.s32 $0x0;
	s9 =	smul.u32 $0x13C00, s18  }
0x8: {  	s4 =	sand.u32 $0x1, s4;
	[smem:$0x7FF] =	sst s5;
	s10 =	smul.u32 $0x280, s18  }
0x9: {  	s6 =	sadd.s32 $0xB600, s0;
	s7 =	sadd.s32 $0x1600, s0;
	s11 =	smul.u32 $0x4F000, s18  }
0xa: {  	s13 =	smul.u32 $0x5000, s18;
	s29 =	sshll.u32 s18, $0x1;
	s31 =	sshll.u32 s18, $0x6  }
0xb: {  	s18 =	simm.s32 $0x15000;
	s8 =	smul.u32 $0x13C000, s4;
	_ =	strace $0x8000004A  }
0xc: {  	s26 =	ssub.s32 $0x2, s4;
	s4 =	sor.u32 s4, s29;
	s20 =	sor.u32 $0x1C01, s31  }
0xd: {  	s10 =	sadd.s32 s10, s0;
	s12 =	sshrl.u32 s26, $0x1;
	s11 =	sshrl.u32 s11, $0x2  }
0xe: {  	s30 =	sshrl.u32 s13, $0x2;
	s9 =	sadd.s32 s9, s8;
	s8 =	sadd.s32 $0x1A600, s0  }
0xf: {  	s14 =	ssub.s32 s26, s12;
	s10 =	sadd.s32 $0x15600, s10;
	s12 =	smul.u32 $0x2800, s4  }
0x10: {  	s26 =	simm.s32 $0x19000;
	s9 =	sshrl.u32 s9, $0x3;
	[dreg:$0x6] =	wrdreg s10  }
0x11: {  	s14 =	smax.u32 s14, $0x1;
	s0 =	sadd.s32 s9, s0;
	s9 =	sadd.s32 s11, s2  }
0x12: {  	s11 =	sadd.s32 $0x10000, s9;
	s0 =	sadd.s32 $0x152E00, s0;
	s15 =	sadd.s32 $0x4000, s9  }
0x13: {  	v1 =	vlaneseq.u32;
	s16 =	sadd.s32 $0x8000, s9;
	[dreg:$0x5] =	wrdreg s11;
	s11 =	sadd.s32 s30, s3  }
0x14: {  	v0 =	vimm.f32 $0.0e+00;
	v1 =	vmul.u32 $0x80, v1;
	s17 =	sadd.s32 $0xC000, s9;
	[dreg:$0x7] =	wrdreg s0;
	s21 =	sshrl.u32 s11, $0x3  }
.LBB2_1:
0x15: {  	s0 =	simm.s32 $0x0;
	s4 =	simm.s32 $0x200  }
.LBB2_2:
0x16: {  	p0 =	sne.s32 s4, $0xFE00;
	[tilespmem:s0+$0x15070] =	vst v0  }
0x17: {  	[tilespmem:s0+$0x15000] =	vst v0  }
0x18: {  	[tilespmem:s0+$0x15010] =	vst v0  }
.Ltmp0:
0x19: {  	[tilespmem:s0+$0x15020] =	vst v0;
	(pc) =	sbr.rel @p0 .LBB2_2-.Ltmp0, $4  }
0x1a: {  	[tilespmem:s0+$0x15030] =	vst v0  }
0x1b: {  	[tilespmem:s0+$0x15040] =	vst v0  }
0x1c: {  	[tilespmem:s0+$0x15050] =	vst v0  }
0x1d: {  	[tilespmem:s0+$0x15060] =	vst v0;
	s0 =	sshra.s32 s4, $0x2;
	s4 =	sadd.s32 $0x200, s4  }
0x1e: {  	[tilespmem:s0+$0x15070] =	vst v0  }
0x1f: {  	[tilespmem:s0+$0x15000] =	vst v0  }
0x20: {  	[tilespmem:s0+$0x15010] =	vst v0  }
0x21: {  	[tilespmem:s0+$0x15020] =	vst v0  }
0x22: {  	[tilespmem:s0+$0x15030] =	vst v0  }
0x23: {  	[tilespmem:s0+$0x15040] =	vst v0  }
0x24: {  	[tilespmem:s0+$0x15050] =	vst v0  }
0x25: {  	[tilespmem:s0+$0x15060] =	vst v0  }
0x26: {  	[spmem:s9] =	stream.linear.scatter [tilespmem:s18], [sflag:$0x1], $0x4000, $0x38;
	v63 =	vld [tilespmem:$0x0]  }
0x27: {  	_ =	swait.ge [sflag:s19], $0x4000  }
0x28: {  	[sflag:s19] =	ssyncset.done $0x0  }
0x29: {  	[sflag:s19] =	ssyncadd.s32 $0xFFFFC000  }
0x2a: {  	[spmem:s15] =	stream.linear.scatter [tilespmem:s18], [sflag:$0x1], $0x4000, $0x38;
	v63 =	vld [tilespmem:$0x0]  }
0x2b: {  	_ =	swait.ge [sflag:s19], $0x4000  }
0x2c: {  	[sflag:s19] =	ssyncset.done $0x0  }
0x2d: {  	[sflag:s19] =	ssyncadd.s32 $0xFFFFC000  }
0x2e: {  	[spmem:s16] =	stream.linear.scatter [tilespmem:s18], [sflag:$0x1], $0x4000, $0x38;
	v63 =	vld [tilespmem:$0x0]  }
0x2f: {  	_ =	swait.ge [sflag:s19], $0x4000  }
0x30: {  	[sflag:s19] =	ssyncset.done $0x0  }
0x31: {  	[sflag:s19] =	ssyncadd.s32 $0xFFFFC000  }
0x32: {  	[spmem:s17] =	stream.linear.scatter [tilespmem:s18], [sflag:$0x1], $0x4000, $0x38;
	v63 =	vld [tilespmem:$0x0]  }
0x33: {  	_ =	swait.ge [sflag:s19], $0x4000  }
0x34: {  	[sflag:s19] =	ssyncset.done $0x0  }
0x35: {  	s30 =	rddreg [dreg:$0x5];
	[sflag:s19] =	ssyncadd.s32 $0xFFFFC000  }
0x36: {  	[spmem:s30] =	stream.linear.scatter [tilespmem:s18], [sflag:$0x1], $0x3C00, $0x38;
	v63 =	vld [tilespmem:$0x0]  }
0x37: {  	_ =	swait.ge [sflag:s19], $0x3C00  }
0x38: {  	[sflag:s19] =	ssyncset.done $0x0  }
0x39: {  	s31 =	rddreg [dreg:$0x6];
	[sflag:s19] =	ssyncadd.s32 $0xFFFFC400  }
0x3a: {  	[spmem:s21], [sflag:s20] =	dma.local [hbm:s31], $0x280  }
0x3b: {  	_ =	swait.ge [sflag:s19], $0x280  }
0x3c: {  	[sflag:s19] =	ssyncset.done $0x0  }
0x3d: {  	[sflag:s19] =	ssyncadd.s32 $0xFFFFFD80  }
0x3e: {  	s29 =	simm.s32 $0x0;
	[bflag:$0x0] =	sbarrier.arrive $0xFFFF  }
.LBB2_4:
0x3f: {  	s0 =	sshll.u32 s29, $0xB  }
0x40: {  	s0 =	sadd.s32 s12, s0  }
0x41: {  	s0 =	sshrl.u32 s0, $0x3  }
0x42: {  	s4 =	sadd.s32 s6, s0  }
0x43: {  	[tilespmem:s22], [sflag:$0x1] =	stream.linear.gather [hbm4b:s4+s28], $0x800, $0x38;
	v63 =	vld [tilespmem:$0x0]  }
0x44: {  	_ =	swait.ge [sflag:s19], $0x800  }
0x45: {  	[sflag:s19] =	ssyncset.done $0x0  }
0x46: {  	s13 =	sadd.s32 s7, s0;
	[sflag:s19] =	ssyncadd.s32 $0xFFFFF800  }
0x47: {  	[tilespmem:s23], [sflag:$0x1] =	stream.linear.gather [hbm4b:s13+s28], $0x800, $0x38;
	v63 =	vld [tilespmem:$0x0]  }
0x48: {  	_ =	swait.ge [sflag:s19], $0x800  }
0x49: {  	[sflag:s19] =	ssyncset.done $0x0  }
0x4a: {  	s0 =	sadd.s32 s1, s0;
	[sflag:s19] =	ssyncadd.s32 $0xFFFFF800  }
0x4b: {  	[tilespmem:s24], [sflag:$0x1] =	stream.linear.gather [hbm4b:s0+s28], $0x800, $0x38;
	v63 =	vld [tilespmem:$0x0]  }
0x4c: {  	_ =	swait.ge [sflag:s19], $0x800  }
0x4d: {  	[sflag:s19] =	ssyncset.done $0x0  }
0x4e: {  	s30 =	simm.s32 $0x0;
	[sflag:s19] =	ssyncadd.s32 $0xFFFFF800  }
0x4f: {  	v2 =	vld [tilespmem:s30+$0x1E070]  }
0x50: {  	v3 =	vld [tilespmem:s30+$0x1D870]  }
0x51: {  	v5 =	vld [tilespmem:s30+$0x1E000]  }
0x52: {  	v4 =	vld [tilespmem:s30+$0x1D800]  }
0x53: {  	v7 =	vld [tilespmem:s30+$0x1E010]  }
0x54: {  	v6 =	vld [tilespmem:s30+$0x1D810]  }
0x55: {  	v9 =	vld [tilespmem:s30+$0x1D820];
	v2 =	vshll.u32 v2, $0x3  }
0x56: {  	v8 =	vld [tilespmem:s30+$0x1E020];
	v5 =	vshll.u32 v5, $0x3;
	v2 =	vadd.s32 v3, v2  }
0x57: {  	v11 =	vld [tilespmem:s30+$0x1D830];
	v5 =	vadd.s32 v4, v5;
	v10 =	vand.u32 $0x7F, v2;
	v2 =	vshrl.u32 v2, $0x7  }
0x58: {  	v13 =	vld [tilespmem:s30+$0x1D840];
	v12 =	vshrl.u32 v5, $0x7;
	[tilespmem:s30+$0x1F070] =	vst v2;
	v2 =	vand.u32 $0x7F, v5;
	v5 =	vshll.u32 v7, $0x3  }
0x59: {  	[tilespmem:s30+$0x1F870] =	vst v10;
	v10 =	vld [tilespmem:s30+$0x1E030];
	v5 =	vadd.s32 v6, v5  }
0x5a: {  	v14 =	vld [tilespmem:s30+$0x1D850];
	[tilespmem:s30+$0x1F800] =	vst v2;
	v2 =	vshrl.u32 v5, $0x7  }
0x5b: {  	v15 =	vld [tilespmem:s30+$0x1D860];
	[tilespmem:s30+$0x1F010] =	vst v2;
	v2 =	vand.u32 $0x7F, v5;
	v5 =	vshll.u32 v8, $0x3  }
0x5c: {  	v7 =	vld [tilespmem:s30+$0x1E040];
	v5 =	vadd.s32 v9, v5  }
0x5d: {  	v17 =	vld [tilespmem:s30+$0x1D010];
	[tilespmem:s30+$0x1F810] =	vst v2;
	v2 =	vshrl.u32 v5, $0x7  }
0x5e: {  	v8 =	vld [tilespmem:s30+$0x1E050];
	[tilespmem:s30+$0x1F020] =	vst v2;
	v2 =	vand.u32 $0x7F, v5;
	v5 =	vshll.u32 v10, $0x3  }
0x5f: {  	v10 =	vld [tilespmem:s30+$0x1D000];
	v5 =	vadd.s32 v11, v5  }
0x60: {  	v16 =	vld [tilespmem:s30+$0x1E060];
	[tilespmem:s30+$0x1F820] =	vst v2;
	v2 =	vshrl.u32 v5, $0x7  }
0x61: {  	v6 =	vmul.u32 $0x2710, v6;
	[tilespmem:s30+$0x1F030] =	vst v2;
	v2 =	vand.u32 $0x7F, v5;
	v5 =	vshll.u32 v7, $0x3  }
0x62: {  	v20 =	vmul.u32 $0x2710, v9;
	v4 =	vmul.u32 $0x2710, v4;
	[tilespmem:s30+$0x1F000] =	vst v12;
	v5 =	vadd.s32 v13, v5  }
0x63: {  	v18 =	vld [tilespmem:s30+$0x1D020];
	v6 =	vadd.s32 v17, v6;
	v9 =	vmul.u32 $0x2710, v15;
	[tilespmem:s30+$0x1F830] =	vst v2;
	v2 =	vshrl.u32 v5, $0x7  }
0x64: {  	v7 =	vld [tilespmem:s30+$0x1D030];
	v10 =	vadd.s32 v10, v4;
	[tilespmem:s30+$0x1F040] =	vst v2;
	v2 =	vand.u32 $0x7F, v5;
	v5 =	vshll.u32 v8, $0x3  }
0x65: {  	v4 =	vmul.u32 $0x2710, v13;
	v8 =	vld [tilespmem:s30+$0x1D040];
	[tilespmem:s30+$0x1E800] =	vst v10;
	v10 =	vshll.u32 v16, $0x3;
	v19 =	vadd.s32 v14, v5  }
0x66: {  	v12 =	vld [tilespmem:s30+$0x1D050];
	[tilespmem:s30+$0x1F840] =	vst v2;
	v2 =	vmul.u32 $0x2710, v3;
	v3 =	vmul.u32 $0x2710, v11;
	v5 =	vshrl.u32 v19, $0x7  }
0x67: {  	v13 =	vld [tilespmem:s30+$0x1D060];
	v11 =	vand.u32 $0x7F, v19;
	[tilespmem:s30+$0x1F050] =	vst v5;
	v5 =	vmul.u32 $0x2710, v14;
	v14 =	vadd.s32 v15, v10  }
0x68: {  	s31 =	simm.s32 $0x80;
	s0 =	simm.s32 $0x400;
	[tilespmem:s30+$0x1E810] =	vst v6;
	v15 =	vadd.s32 v18, v20;
	v10 =	vshrl.u32 v14, $0x7;
	v6 =	vand.u32 $0x7F, v14;
	v14 =	vld [tilespmem:s30+$0x1D070]  }
.LBB2_5:
0x69: {  	p0 =	sne.s32 s0, $0x1E00;
	v16 =	vld [tilespmem:s31+$0x1E070];
	[tilespmem:s30+$0x1E820] =	vst v15;
	v3 =	vadd.s32 v7, v3  }
0x6a: {  	v7 =	vld [tilespmem:s31+$0x1D870];
	[tilespmem:s30+$0x1E830] =	vst v3;
	v3 =	vadd.s32 v8, v4  }
0x6b: {  	v4 =	vld [tilespmem:s31+$0x1D800];
	[tilespmem:s30+$0x1E840] =	vst v3;
	v3 =	vadd.s32 v12, v5  }
0x6c: {  	v5 =	vld [tilespmem:s31+$0x1E000];
	[tilespmem:s30+$0x1E850] =	vst v3;
	v3 =	vadd.s32 v13, v9  }
0x6d: {  	v8 =	vld [tilespmem:s31+$0x1D810];
	[tilespmem:s30+$0x1F850] =	vst v11;
	v9 =	vadd.s32 v14, v2  }
0x6e: {  	v11 =	vld [tilespmem:s31+$0x1E010];
	v12 =	vshll.u32 v16, $0x3;
	[tilespmem:s30+$0x1E860] =	vst v3  }
0x6f: {  	v3 =	vld [tilespmem:s31+$0x1D820];
	v2 =	vmul.u32 $0x2710, v7;
	v7 =	vadd.s32 v7, v12;
	[tilespmem:s30+$0x1F060] =	vst v10  }
0x70: {  	v10 =	vmul.u32 $0x2710, v4;
	v12 =	vld [tilespmem:s31+$0x1E020];
	v13 =	vshrl.u32 v7, $0x7;
	v7 =	vand.u32 $0x7F, v7;
	[tilespmem:s30+$0x1F860] =	vst v6  }
0x71: {  	v5 =	vshll.u32 v5, $0x3;
	v6 =	vld [tilespmem:s31+$0x1D830];
	[tilespmem:s31+$0x1F870] =	vst v7  }
0x72: {  	v4 =	vadd.s32 v4, v5;
	v14 =	vmul.u32 $0x2710, v8;
	v5 =	vld [tilespmem:s31+$0x1E030];
	[tilespmem:s30+$0x1E870] =	vst v9;
	s30 =	smov.u32 s31  }
0x73: {  	v7 =	vshrl.u32 v4, $0x7;
	v4 =	vand.u32 $0x7F, v4;
	v9 =	vshll.u32 v11, $0x3;
	v11 =	vld [tilespmem:s30+$0x1D840];
	[tilespmem:s30+$0x1F070] =	vst v13  }
0x74: {  	[tilespmem:s30+$0x1F000] =	vst v7;
	v7 =	vadd.s32 v8, v9;
	v15 =	vmul.u32 $0x2710, v3;
	v8 =	vld [tilespmem:s30+$0x1E040]  }
0x75: {  	[tilespmem:s30+$0x1F800] =	vst v4;
	v4 =	vshrl.u32 v7, $0x7;
	v7 =	vand.u32 $0x7F, v7;
	v9 =	vshll.u32 v12, $0x3;
	v12 =	vld [tilespmem:s30+$0x1D850]  }
0x76: {  	[tilespmem:s30+$0x1F010] =	vst v4;
	v4 =	vadd.s32 v3, v9;
	v3 =	vmul.u32 $0x2710, v6;
	v9 =	vld [tilespmem:s30+$0x1E050]  }
0x77: {  	[tilespmem:s30+$0x1F810] =	vst v7;
	v7 =	vshrl.u32 v4, $0x7;
	v13 =	vand.u32 $0x7F, v4;
	v4 =	vshll.u32 v5, $0x3;
	v16 =	vld [tilespmem:s30+$0x1D860]  }
0x78: {  	[tilespmem:s30+$0x1F020] =	vst v7;
	v5 =	vadd.s32 v6, v4;
	v4 =	vmul.u32 $0x2710, v11;
	v6 =	vld [tilespmem:s30+$0x1E060]  }
0x79: {  	v17 =	vld [tilespmem:s30+$0x1D000];
	[tilespmem:s30+$0x1F820] =	vst v13;
	v7 =	vshrl.u32 v5, $0x7;
	v13 =	vand.u32 $0x7F, v5;
	v5 =	vshll.u32 v8, $0x3  }
0x7a: {  	v18 =	vld [tilespmem:s30+$0x1D010];
	[tilespmem:s30+$0x1F030] =	vst v7;
	v7 =	vadd.s32 v11, v5;
	v5 =	vmul.u32 $0x2710, v12  }
0x7b: {  	v19 =	vld [tilespmem:s30+$0x1D020];
	[tilespmem:s30+$0x1F830] =	vst v13;
	v8 =	vshrl.u32 v7, $0x7;
	v11 =	vand.u32 $0x7F, v7;
	v9 =	vshll.u32 v9, $0x3  }
.Ltmp1:
0x7c: {  	v7 =	vld [tilespmem:s30+$0x1D030];
	[tilespmem:s30+$0x1F040] =	vst v8;
	v12 =	vadd.s32 v12, v9;
	v9 =	vmul.u32 $0x2710, v16;
	(pc) =	sbr.rel @p0 .LBB2_5-.Ltmp1, $4  }
0x7d: {  	v8 =	vld [tilespmem:s30+$0x1D040];
	[tilespmem:s30+$0x1F840] =	vst v11;
	v13 =	vshrl.u32 v12, $0x7;
	v11 =	vand.u32 $0x7F, v12;
	v6 =	vshll.u32 v6, $0x3  }
0x7e: {  	v10 =	vadd.s32 v17, v10;
	v12 =	vld [tilespmem:s30+$0x1D050];
	[tilespmem:s30+$0x1F050] =	vst v13;
	v6 =	vadd.s32 v16, v6  }
0x7f: {  	[tilespmem:s30+$0x1E800] =	vst v10;
	v14 =	vadd.s32 v18, v14;
	v13 =	vld [tilespmem:s30+$0x1D060];
	v10 =	vshrl.u32 v6, $0x7;
	v6 =	vand.u32 $0x7F, v6  }
0x80: {  	s31 =	sshra.s32 s0, $0x2;
	s0 =	sadd.s32 $0x200, s0;
	[tilespmem:s30+$0x1E810] =	vst v14;
	v15 =	vadd.s32 v19, v15;
	v14 =	vld [tilespmem:s30+$0x1D070]  }
0x81: {  	v16 =	vld [tilespmem:s31+$0x1E070];
	[tilespmem:s30+$0x1E820] =	vst v15;
	v3 =	vadd.s32 v7, v3  }
0x82: {  	v27 =	vld [tilespmem:s31+$0x1D870];
	[tilespmem:s30+$0x1E830] =	vst v3;
	v3 =	vadd.s32 v8, v4  }
0x83: {  	v28 =	vld [tilespmem:s31+$0x1D800];
	[tilespmem:s30+$0x1E840] =	vst v3;
	v3 =	vadd.s32 v12, v5  }
0x84: {  	v29 =	vld [tilespmem:s31+$0x1E000];
	[tilespmem:s30+$0x1E850] =	vst v3  }
0x85: {  	v30 =	vadd.s32 v13, v9;
	v3 =	vld [tilespmem:s31+$0x1D810];
	[tilespmem:s30+$0x1F850] =	vst v11  }
0x86: {  	v31 =	vld [tilespmem:s31+$0x1E010];
	[tilespmem:s30+$0x1E860] =	vst v30;
	v32 =	vshll.u32 v16, $0x3  }
0x87: {  	v8 =	vld [tilespmem:s31+$0x1D820];
	[tilespmem:s30+$0x1F060] =	vst v10;
	v10 =	vadd.s32 v27, v32  }
0x88: {  	v11 =	vld [tilespmem:s31+$0x1E020];
	[tilespmem:s30+$0x1F860] =	vst v6;
	v33 =	vand.u32 $0x7F, v10  }
0x89: {  	v2 =	vadd.s32 v14, v2;
	v34 =	vld [tilespmem:s31+$0x1D830];
	[tilespmem:s31+$0x1F870] =	vst v33;
	v5 =	vshll.u32 v29, $0x3  }
0x8a: {  	v35 =	vld [tilespmem:s31+$0x1E030];
	[tilespmem:s30+$0x1E870] =	vst v2;
	v2 =	vshrl.u32 v10, $0x7;
	v5 =	vadd.s32 v28, v5  }
0x8b: {  	v37 =	vshrl.u32 v5, $0x7;
	[tilespmem:s31+$0x1F070] =	vst v2;
	v38 =	vshll.u32 v31, $0x3  }
0x8c: {  	v36 =	vld [tilespmem:s31+$0x1D840];
	v2 =	vand.u32 $0x7F, v5;
	[tilespmem:s31+$0x1F000] =	vst v37;
	v5 =	vadd.s32 v3, v38  }
0x8d: {  	v39 =	vld [tilespmem:s31+$0x1E040];
	[tilespmem:s31+$0x1F800] =	vst v2;
	v2 =	vshrl.u32 v5, $0x7;
	v41 =	vshll.u32 v11, $0x3  }
0x8e: {  	v15 =	vld [tilespmem:s31+$0x1D000];
	[tilespmem:s31+$0x1F010] =	vst v2;
	v2 =	vand.u32 $0x7F, v5;
	v5 =	vadd.s32 v8, v41  }
0x8f: {  	v45 =	vld [tilespmem:s31+$0x1D010];
	v6 =	vshll.u32 v35, $0x3;
	[tilespmem:s31+$0x1F810] =	vst v2;
	v2 =	vshrl.u32 v5, $0x7  }
0x90: {  	v17 =	vld [tilespmem:s31+$0x1D030];
	v5 =	vand.u32 $0x7F, v5;
	v6 =	vadd.s32 v34, v6;
	[tilespmem:s31+$0x1F020] =	vst v2  }
0x91: {  	v4 =	vmul.u32 $0x2710, v28;
	v48 =	vld [tilespmem:s31+$0x1D020];
	[tilespmem:s31+$0x1F820] =	vst v5;
	v44 =	vshrl.u32 v6, $0x7  }
0x92: {  	v42 =	vld [tilespmem:s31+$0x1E050];
	v3 =	vmul.u32 $0x2710, v3;
	v46 =	vand.u32 $0x7F, v6;
	[tilespmem:s31+$0x1F030] =	vst v44  }
0x93: {  	v40 =	vld [tilespmem:s31+$0x1D850];
	v56 =	vmul.u32 $0x2710, v34;
	v4 =	vadd.s32 v15, v4;
	[tilespmem:s31+$0x1F830] =	vst v46  }
0x94: {  	v43 =	vld [tilespmem:s31+$0x1D860];
	v54 =	vmul.u32 $0x2710, v8;
	v3 =	vadd.s32 v45, v3;
	[tilespmem:s31+$0x1E800] =	vst v4  }
0x95: {  	v52 =	vld [tilespmem:s31+$0x1D040];
	v47 =	vshll.u32 v39, $0x3;
	v59 =	vadd.s32 v17, v56;
	[tilespmem:s31+$0x1E810] =	vst v3  }
0x96: {  	v18 =	vld [tilespmem:s31+$0x1D050];
	v6 =	vadd.s32 v36, v47;
	v4 =	vadd.s32 v48, v54;
	[tilespmem:s31+$0x1E830] =	vst v59  }
0x97: {  	v55 =	vld [tilespmem:s31+$0x1D060];
	v51 =	vshll.u32 v42, $0x3;
	v49 =	vshrl.u32 v6, $0x7;
	[tilespmem:s31+$0x1E820] =	vst v4  }
0x98: {  	v2 =	vld [tilespmem:s31+$0x1E060];
	v3 =	vmul.u32 $0x2710, v36;
	v50 =	vand.u32 $0x7F, v6;
	v6 =	vadd.s32 v40, v51;
	[tilespmem:s31+$0x1F040] =	vst v49  }
0x99: {  	v57 =	vld [tilespmem:s31+$0x1D070];
	[tilespmem:s31+$0x1F840] =	vst v50;
	v53 =	vshrl.u32 v6, $0x7  }
0x9a: {  	v58 =	vmul.u32 $0x2710, v40;
	v3 =	vadd.s32 v52, v3;
	[tilespmem:s31+$0x1F050] =	vst v53  }
0x9b: {  	v60 =	vmul.u32 $0x2710, v43;
	v6 =	vand.u32 $0x7F, v6;
	[tilespmem:s31+$0x1E840] =	vst v3  }
0x9c: {  	v61 =	vmul.u32 $0x2710, v27;
	v3 =	vadd.s32 v18, v58;
	[tilespmem:s31+$0x1F850] =	vst v6  }
0x9d: {  	v2 =	vshll.u32 v2, $0x3;
	[tilespmem:s31+$0x1E850] =	vst v3;
	v3 =	vadd.s32 v55, v60  }
0x9e: {  	v2 =	vadd.s32 v43, v2;
	[tilespmem:s31+$0x1E860] =	vst v3;
	v3 =	vadd.s32 v57, v61  }
0x9f: {  	v62 =	vshrl.u32 v2, $0x7;
	[tilespmem:s31+$0x1E870] =	vst v3  }
0xa0: {  	v2 =	vand.u32 $0x7F, v2;
	[tilespmem:s31+$0x1F060] =	vst v62  }
0xa1: {  	s0 =	simm.s32 $0x0;
	[tilespmem:s31+$0x1F860] =	vst v2  }
.LBB2_7:
0xa2: {  	s30 =	sshll.u32 s0, $0x7  }
0xa3: {  	s4 =	sadd.s32 $0x1E800, s30  }
0xa4: {  	[tilespmem:s18], [sflag:$0x1] =	stream.indirect.gather [hbm4b:s8+s25], $0x80, s4, s25, $0xb8;
	v63 =	vld [tilespmem:$0x0]  }
0xa5: {  	_ =	swait.ge [sflag:s19], $0x4000  }
0xa6: {  	[sflag:s19] =	ssyncset.done $0x0  }
0xa7: {  	s13 =	sadd.s32 $0x1F000, s30;
	[sflag:s19] =	ssyncadd.s32 $0xFFFFC000  }
0xa8: {  	[tilespmem:s26], [sflag:$0x1] =	stream.indirect.gather [spmem:s3], $0x80, s13, s25, $0xb8;
	v63 =	vld [tilespmem:$0x0]  }
0xa9: {  	_ =	swait.ge [sflag:s19], $0x4000  }
0xaa: {  	s31 =	sadd.s32 $0x1F800, s30;
	[sflag:s19] =	ssyncset.done $0x0  }
0xab: {  	v2 =	vmov s31;
	s4 =	simm.s32 $0x0;
	s13 =	simm.s32 $0x15040;
	[sflag:s19] =	ssyncadd.s32 $0xFFFFC000  }
.LBB2_8:
0xac: {  	_ =	sdelay $0x2  }
0xad: {  	s10 =	sshll.u32 s4, $0x4  }
0xae: {  	v3 =	vld.idx.msk [tilespmem:v2+s10+$0x0 ss:$0x1], $0xffff;
	_ =	sdelay $0x2  }
0xaf: {  	v4 =	vmov s10  }
0xb0: {  	v4 =	vshll.u32 v4, $0x7  }
0xb1: {  	v4 =	vor.u32 v1, v4;
	v5 =	vand.u32 $0xFFFFFF80, v3  }
0xb2: {  	v3 =	vand.u32 $0x7F, v3;
	v4 =	vadd.s32 v4, v5  }
0xb3: {  	v3 =	vor.u32 v3, v4;
	_ =	sdelay $0x4  }
0xb4: {  	v3 =	vld.idx.msk [tilespmem:v3+s26+$0x0], $0xffff;
	_ =	sdelay $0x1  }
0xb5: {  	v8 =	vld [tilespmem:s13+$0xFFFFFFC0]  }
0xb6: {  	v10 =	vld [tilespmem:s13+$0xFFFFFFD0];
	s11 =	simm.s32 $0x0  }
0xb7: {  	v9 =	vld [tilespmem:s13+$0xFFFFFFE0];
	v4 =	vmov s11  }
0xb8: {  	v6 =	vld [tilespmem:s13+$0x0];
	v4 =	vperm.xlane v3, v4  }
0xb9: {  	v7 =	vld [tilespmem:s13+$0x10]  }
0xba: {  	v5 =	vld [tilespmem:s13+$0x20];
	v11 =	vmul.f32 v8, v4  }
0xbb: {  	s31 =	smov.u32 s13;
	s10 =	smov.u32 s13;
	s11 =	simm.s32 $0x1;
	v10 =	vmul.f32 v10, v4;
	v8 =	vld [tilespmem:s13+$0x30]  }
.LBB2_9:
0xbc: {  	p0 =	sne.s32 s11, $0xF;
	[tilespmem:s31+$0xFFFFFFC0] =	vst v11;
	v9 =	vmul.f32 v9, v4;
	v11 =	vld [tilespmem:s31+$0xFFFFFFF0];
	s10 =	sadd.s32 $0x80, s10  }
0xbd: {  	v12 =	vld [tilespmem:s10+$0xFFFFFFC0];
	[tilespmem:s31+$0xFFFFFFD0] =	vst v10;
	v6 =	vmul.f32 v6, v4  }
0xbe: {  	v10 =	vld [tilespmem:s10+$0xFFFFFFD0];
	[tilespmem:s31+$0xFFFFFFE0] =	vst v9;
	v7 =	vmul.f32 v7, v4  }
.Ltmp2:
0xbf: {  	v13 =	vmov s11;
	v9 =	vld [tilespmem:s10+$0xFFFFFFE0];
	[tilespmem:s31+$0x0] =	vst v6;
	v5 =	vmul.f32 v5, v4;
	(pc) =	sbr.rel @p0 .LBB2_9-.Ltmp2, $4  }
0xc0: {  	v13 =	vperm.xlane v3, v13;
	v6 =	vld [tilespmem:s10+$0x0];
	[tilespmem:s31+$0x10] =	vst v7;
	v8 =	vmul.f32 v8, v4  }
0xc1: {  	v7 =	vld [tilespmem:s10+$0x10];
	v14 =	vmul.f32 v11, v4;
	[tilespmem:s31+$0x20] =	vst v5  }
0xc2: {  	v4 =	vmov v13;
	v11 =	vmul.f32 v12, v13;
	v5 =	vld [tilespmem:s10+$0x20];
	[tilespmem:s31+$0x30] =	vst v8  }
0xc3: {  	s11 =	sadd.s32 $0x1, s11;
	v10 =	vmul.f32 v10, v4;
	v8 =	vld [tilespmem:s10+$0x30];
	[tilespmem:s31+$0xFFFFFFF0] =	vst v14;
	s31 =	smov.u32 s10  }
0xc4: {  	[tilespmem:s31+$0xFFFFFFC0] =	vst v11;
	v3 =	vmul.f32 v9, v4;
	v61 =	vld [tilespmem:s31+$0xFFFFFFF0]  }
0xc5: {  	s4 =	sadd.s32 $0x1, s4;
	[tilespmem:s31+$0xFFFFFFD0] =	vst v10;
	v6 =	vmul.f32 v6, v4  }
0xc6: {  	p0 =	sne.s32 s4, $0x8;
	[tilespmem:s31+$0xFFFFFFE0] =	vst v3;
	v3 =	vmul.f32 v7, v4  }
.Ltmp3:
0xc7: {  	[tilespmem:s31+$0x0] =	vst v6;
	v5 =	vmul.f32 v5, v4;
	(pc) =	sbr.rel @p0 .LBB2_8-.Ltmp3, $4  }
0xc8: {  	[tilespmem:s31+$0x10] =	vst v3;
	v3 =	vmul.f32 v8, v4  }
0xc9: {  	v62 =	vmul.f32 v61, v4;
	[tilespmem:s31+$0x20] =	vst v5  }
0xca: {  	[tilespmem:s31+$0x30] =	vst v3  }
0xcb: {  	s13 =	sadd.s32 $0x800, s13;
	[tilespmem:s31+$0xFFFFFFF0] =	vst v62  }
0xcc: {  	s0 =	sadd.s32 $0x1, s0  }
0xcd: {  	p0 =	sne.s32 s0, $0x10  }
.Ltmp4:
0xce: {  	s4 =	sadd.s32 $0x1E000, s30;
	(pc) =	sbr.rel @p0 .LBB2_7-.Ltmp4, $4  }
0xcf: {  	[spmem:s2] =	stream.indirect.scatter.add.f32 [tilespmem:s18], [sflag:$0x1], $0x80, s4, s25, $0xb8;
	v63 =	vld [tilespmem:$0x0]  }
0xd0: {  	_ =	swait.ge [sflag:s19], $0x4000  }
0xd1: {  	[sflag:s19] =	ssyncset.done $0x0  }
0xd2: {  	[sflag:s19] =	ssyncadd.s32 $0xFFFFC000  }
0xd3: {  	s29 =	sadd.s32 $0x1, s29  }
0xd4: {  	p0 =	sne.s32 s29, $0x5  }
.Ltmp5:
0xd5: {  	_ = 	snop;
	(pc) =	sbr.rel @p0 .LBB2_4-.Ltmp5, $1  }
0xd6: {  	_ =	sdelay $0x3  }
0xd7: {  	s5 =	sadd.s32 $0x1, s5  }
0xd8: {  	[bflag:$0x0] =	sbarrier.arrive $0xFFFF;
	p0 =	sne.s32 s5, s14  }
.Ltmp6:
0xd9: {  	s0 =	sshrl.u32 s9, $0x3;
	s4 =	rddreg [dreg:$0x7];
	(pc) =	sbr.rel @p0 .LBB2_1-.Ltmp6, $4  }
0xda: {  	[hbm:s4], [sflag:s20] =	dma.local [spmem:s0], $0x2780  }
0xdb: {  	_ =	swait.ge [sflag:s19], $0x2780  }
0xdc: {  	[sflag:s19] =	ssyncset.done $0x0  }
0xdd: {  	[sflag:s19] =	ssyncadd.s32 $0xFFFFD880  }
0xde: {  	_ =	sfence.sel $0x180000  }
0xdf: {  	[bflag:$0x0] =	sbarrier.arrive $0xFFFF  }
0xe0: {  	_ =	strace $0x9000004A  }
0xe1: {  	s0 =	stileid.u32;
	[bflag:$0x2] =	sbarrier.arrive $0xFFFF  }
0xe2: {  	p0 =	sne.s32 s0, $0x0;
	s0 =	rddreg [dreg:$0x4]  }
0xe3: {  	s0 =	sadd.s32 @!p0 $0x100000, s0  }
0xe4: {  	[sflag:s0] =	ssyncadd.tile.s32 @!p0 $0x1;
	_ =	shalt  }
.Lfunc_end2:
_tile_overlayer_lowered:
.L_overlay_start_2:
0xe5: {  	(tag) =	ssettag $0x2  }
0xe6: {  	s0 =	rddreg [dreg:$0x0];
	s2 =	stileid.u32  }
0xe7: {  	s1 =	rddreg [dreg:$0x1];
	p0 =	sne.s32 s2, $0x0  }
0xe8: {  	s3 =	rddreg [dreg:$0x2];
	[bflag:$0x3] =	sbarrier.arrive $0xFFFF;
	s2 =	simm.s32 @!p0 $0x1C01  }
0xe9: {  	[timem:s3], [sflag:s2] =	dma.local @!p0 [hbm:s0], s1  }
0xea: {  	s0 =	simm.s32 @!p0 $0x1  }
0xeb: {  	_ =	swait.ge @!p0 [sflag:s0], s1  }
0xec: {  	s1 =	ssub.s32 @!p0 $0x0, s1;
	[sflag:s0] =	ssyncset.done @!p0 $0x0  }
0xed: {  	[sflag:s0] =	ssyncadd.s32 @!p0 s1  }
0xee: {  	[bflag:$0x3] =	sbarrier.arrive $0xFFFF  }
0xef: {  	_ =	shalt  }

// kernel: kernel.7.cloned.1.call-start
scs
__scs_entry_jumppad:
0x0: {  	(pc) =	sbr.rel $0x88, $3  }
0x1: {  	(tag) =	ssettag $0x0;
	lr =	simm.s32 $0x1  }
0x2: {  	[smem:$0x3F9B] =	sst lr;
	_ =	strace $0xD0000000  }
0x3: {  	_ = 	snop  }
0x4: {  	_ = 	snop  }
0x5: {  	_ = 	snop  }
0x6: {  	_ = 	snop  }
0x7: {  	_ = 	snop  }
__scs_overlays_trampoline_lowered:
0x8: {  	[smem:$0x3FAA] =	sst s0  }
0x9: {  	[smem:$0x3FAB] =	sst s1  }
0xa: {  	[smem:$0x3FAC] =	sst s2  }
0xb: {  	[smem:$0x3FAD] =	sst s3  }
0xc: {  	[smem:$0x3FAE] =	sst s4  }
0xd: {  	[smem:$0x3FAF] =	sst s5  }
0xe: {  	[smem:$0x3FB0] =	sst s6  }
0xf: {  	[smem:$0x3FB1] =	sst s7  }
0x10: {  	[smem:$0x3FB2] =	sst s8  }
0x11: {  	[smem:$0x3FB3] =	sst s9;
	s0 =	simm.s32 @!p0 $0x0  }
0x12: {  	s1 =	sld [smem:$0x3F99];
	s0 =	simm.s32 @p0 $0x1  }
0x13: {  	[smem:$0x3FB4] =	sst s0;
	s0 =	simm.s32 @!p1 $0x0  }
0x14: {  	s2 =	sld [smem:$0x3F98];
	s0 =	simm.s32 @p1 $0x1  }
0x15: {  	[smem:$0x3FB5] =	sst s0;
	s0 =	simm.s32 @!p2 $0x0  }
0x16: {  	s3 =	sld [smem:$0x3FDB];
	s0 =	simm.s32 @p2 $0x1  }
0x17: {  	s4 =	simm.s32 $0x1BF5;
	[smem:$0x3FB7] =	sst s0  }
0x18: {  	s0 =	sld [smem:$0x3F9A];
	_ =	swait.ge [sflag:s4], $0x0  }
0x19: {  	s7 =	sld [smem:$0x3F9B]  }
0x1a: {  	s8 =	sadd.s32 $0xFFFFE003, lr  }
0x1b: {  	s9 =	sadd.s32 $0xFFFFFEF7, lr;
	s5 =	simm.s32 $0xFFFFFFFF;
	p2 =	slt.u32 s8, $0xFFFFF086  }
0x1c: {  	p1 =	slt.u32 s9, $0xF7A;
	s5 =	simm.s32 @!p2 $0x0  }
0x1d: {  	s5 =	simm.s32 @p1 $0x1;
	p0 =	seq.s32 s7, s2  }
0x1e: {  	s7 =	smul.u32 @!p0 $0xF7A, s2;
	p2 =	seq.s32 @!p0 s5, $0x0  }
0x1f: {  	s9 =	smul.u32 $0xF7A, s1;
	s8 =	simm.s32 @!p0 $0x1BF5;
	p2 =	por !p2, p0  }
0x20: {  	[sflag:s8] =	ssyncset.s32 @!p0 $0xFFFFF086;
	s6 =	sadd.s32 @!p0 s3, s7;
	s7 =	simm.s32 @!p0 $0x108  }
0x21: {  	s3 =	sadd.s32 s3, s9;
	s6 =	sadd.s32 @!p0 $0x88, s6;
	s7 =	simm.s32 @p2 $0x1082  }
0x22: {  	[simem:s7], [sflag:s8] =	dma.local @!p0 [hbm:s6], $0xF7A  }
0x23: {  	s9 =	sor.u32 $0xD0000000, s2;
	s6 =	simm.s32 $0x108;
	_ =	swait.ge @!p0 [sflag:s8], $0x0  }
0x24: {  	s3 =	sadd.s32 $0x88, s3;
	s6 =	simm.s32 @!p1 $0x1082;
	[sflag:s4] =	ssyncset.s32 $0xFFFFF086  }
0x25: {  	[simem:s6], [sflag:s4] =	dma.local [hbm:s3], $0xF7A  }
0x26: {  	[smem:$0x3F9B] =	sst s1;
	(tag) =	ssettag s2;
	_ =	strace s9  }
0x27: {  	s1 =	sld [smem:$0x3FAB]  }
0x28: {  	s2 =	sld [smem:$0x3FAC]  }
0x29: {  	s4 =	sld [smem:$0x3FAE]  }
0x2a: {  	p0 =	seq.s32 s5, $0x0;
	s5 =	sld [smem:$0x3FAF]  }
0x2b: {  	s6 =	sld [smem:$0x3FB0]  }
0x2c: {  	s7 =	sld [smem:$0x3FB1]  }
0x2d: {  	s3 =	simm.s32 $0x108;
	s8 =	sld [smem:$0x3FB2]  }
0x2e: {  	s3 =	simm.s32 @!p0 $0x1082;
	s9 =	sld [smem:$0x3FB3]  }
0x2f: {  	lr =	sadd.s32 s0, s3;
	s0 =	sld [smem:$0x3FAA]  }
0x30: {  	s3 =	sld [smem:$0x3FAD]  }
0x31: {  	[smem:$0x3FB6] =	sst s10  }
0x32: {  	s10 =	sld [smem:$0x3FB4];
	_ =	sdelay $0x3  }
0x33: {  	p0 =	seq.s32 s10, $0x1;
	s10 =	sld [smem:$0x3FB6];
	_ =	sdelay $0x3  }
0x34: {  	[smem:$0x3FB6] =	sst s10  }
0x35: {  	s10 =	sld [smem:$0x3FB5];
	_ =	sdelay $0x3  }
0x36: {  	p1 =	seq.s32 s10, $0x1;
	s10 =	sld [smem:$0x3FB6];
	_ =	sdelay $0x3  }
0x37: {  	[smem:$0x3FB6] =	sst s10  }
0x38: {  	s10 =	sld [smem:$0x3FB7]  }
0x39: {  	_ = 	snop;
	(pc) =	sbr.ind lr, $3  }
0x3a: {  	_ = 	snop  }
0x3b: {  	_ = 	snop  }
0x3c: {  	p2 =	seq.s32 s10, $0x1;
	s10 =	sld [smem:$0x3FB6]  }
0x3d: {  	_ =	shalt  }
0x3e: {  	_ =	shalt  }
0x3f: {  	_ =	shalt  }
0x40: {  	_ =	shalt  }
0x41: {  	_ =	shalt  }
0x42: {  	_ =	shalt  }
0x43: {  	_ =	shalt  }
0x44: {  	_ =	shalt  }
0x45: {  	_ =	shalt  }
0x46: {  	_ =	shalt  }
0x47: {  	_ =	shalt  }
0x48: {  	_ =	shalt  }
0x49: {  	_ =	shalt  }
0x4a: {  	_ =	shalt  }
0x4b: {  	_ =	shalt  }
0x4c: {  	_ =	shalt  }
0x4d: {  	_ =	shalt  }
0x4e: {  	_ =	shalt  }
0x4f: {  	_ =	shalt  }
0x50: {  	_ =	shalt  }
0x51: {  	_ =	shalt  }
0x52: {  	_ =	shalt  }
0x53: {  	_ =	shalt  }
0x54: {  	_ =	shalt  }
0x55: {  	_ =	shalt  }
0x56: {  	_ =	shalt  }
0x57: {  	_ =	shalt  }
0x58: {  	_ =	shalt  }
0x59: {  	_ =	shalt  }
0x5a: {  	_ =	shalt  }
0x5b: {  	_ =	shalt  }
0x5c: {  	_ =	shalt  }
0x5d: {  	_ =	shalt  }
0x5e: {  	_ =	shalt  }
0x5f: {  	_ =	shalt  }
0x60: {  	_ =	shalt  }
0x61: {  	_ =	shalt  }
0x62: {  	_ =	shalt  }
0x63: {  	_ =	shalt  }
0x64: {  	_ =	shalt  }
0x65: {  	_ =	shalt  }
0x66: {  	_ =	shalt  }
0x67: {  	_ =	shalt  }
0x68: {  	_ =	shalt  }
0x69: {  	_ =	shalt  }
0x6a: {  	_ =	shalt  }
0x6b: {  	_ =	shalt  }
0x6c: {  	_ =	shalt  }
0x6d: {  	_ =	shalt  }
0x6e: {  	_ =	shalt  }
0x6f: {  	_ =	shalt  }
0x70: {  	_ =	shalt  }
0x71: {  	_ =	shalt  }
0x72: {  	_ =	shalt  }
0x73: {  	_ =	shalt  }
0x74: {  	_ =	shalt  }
0x75: {  	_ =	shalt  }
0x76: {  	_ =	shalt  }
0x77: {  	_ =	shalt  }
0x78: {  	_ =	shalt  }
0x79: {  	_ =	shalt  }
0x7a: {  	_ =	shalt  }
0x7b: {  	_ =	shalt  }
0x7c: {  	_ =	shalt  }
0x7d: {  	_ =	shalt  }
0x7e: {  	_ =	shalt  }
0x7f: {  	_ =	shalt  }
0x80: {  	_ =	shalt  }
0x81: {  	_ =	shalt  }
0x82: {  	_ =	shalt  }
0x83: {  	_ =	shalt  }
0x84: {  	_ =	shalt  }
0x85: {  	_ =	shalt  }
0x86: {  	_ =	shalt  }
0x87: {  	_ =	shalt  }
.Lfunc_end0:
.L_simem_size_0:
called_computation_lowered:
.L_overlay_start_0:
0x88: {  	s2 =	sld [smem:$0x3FD9]  }
0x89: {  	s3 =	sld [smem:$0x3FFE];
	_ =	sdelay $0x1  }
0x8a: {  	s1 =	srdreg.scid  }
0x8b: {  	s0 =	sand.u32 $0x1, s1  }
0x8c: {  	s17 =	sshll.u32 s0, $0xA;
	s2 =	sadd.s32 s3, s2  }
0x8d: {  	s2 =	sadd.s32 s2, s17  }
0x8e: {  	[smem:$0x3FC2] =	sst s2  }
0x8f: {  	_ = 	snop  }
0x90: {  	s2 =	sld [smem:$0x3FD0];
	(tm) =	ssettm $0x1  }
0x91: {  	s18 =	sld [smem:$0x3FFB];
	_ =	sdelay $0x3  }
0x92: {  	_ =	strace s18  }
0x93: {  	s3 =	sld [smem:$0x3FFC];
	_ =	sdelay $0x3  }
0x94: {  	_ =	strace s3  }
0x95: {  	s3 =	sld [smem:$0x3FFD];
	_ =	sdelay $0x3  }
0x96: {  	_ =	strace s3  }
0x97: {  	_ =	strace $0x8FFFFFFF  }
0x98: {  	s19 =	sld [smem:$0x3FDB];
	_ =	sdelay $0x1  }
0x99: {  	s4 =	simm.s32 $_scs_section_size  }
0x9a: {  	s5 =	simm.s32 $_size__tile_overlayer_lowered;
	s6 =	simm.s32 $_tile_overlayer_lowered  }
0x9b: {  	s22 =	simm.s32 $0x1BFF;
	s21 =	sshll.u32 s6, $0x1;
	s3 =	sadd.s32 s4, s19  }
0x9c: {  	s7 =	simm.s32 $0x0;
	s20 =	sshll.u32 s5, $0x1;
	s5 =	sadd.s32 s21, s3  }
0x9d: {  	[timem:s7], [sflag:s22] =	dma.local [hbm:s5], s20  }
0x9e: {  	_ =	swait.ge [sflag:s22], s20  }
0x9f: {  	s4 =	ssub.s32 $0x0, s20;
	[sflag:s22] =	ssyncset.done $0x0  }
0xa0: {  	[sflag:s22] =	ssyncadd.s32 s4;
	_ =	sdelay $0x1  }
0xa1: {  	s23 =	simm.s32 $0x1B8B  }
0xa2: {  	_ =	swait.ge [sflag:s23], $0x1  }
0xa3: {  	[sflag:s23] =	ssyncset.done $0x0  }
0xa4: {  	s25 =	simm.s32 $0x1B8E;
	s24 =	sld [smem:$0x3FFE];
	[sflag:s23] =	ssyncadd.s32 $0xFFFFFFFF  }
0xa5: {  	s26 =	simm.s32 $execute0_lowered;
	[smem:$0x3FD2] =	sst s25  }
0xa6: {  	s5 =	sshll.u32 s26, $0x1;
	_ =	strace $0x80000046;
	[dreg:$0x1] =	wrdreg $0xFFFFFFFF  }
0xa7: {  	s28 =	simm.s32 $_size_execute0_lowered;
	s3 =	sadd.s32 s3, s5;
	[dreg:$0x0] =	wrdreg $0x0  }
0xa8: {  	s5 =	sshll.u32 s28, $0x1;
	[dreg:$0x2] =	wrdreg s3  }
0xa9: {  	[dreg:$0x3] =	wrdreg s5  }
0xaa: {  	[dreg:$0x4] =	wrdreg $0xC0  }
0xab: {  	_ =	task [dreg:s7], $0x5FFFF  }
0xac: {  	[dreg:$0x1] =	wrdreg $0xFFFFFFFF  }
0xad: {  	[dreg:$0x0] =	wrdreg $0x60  }
0xae: {  	[dreg:$0x2] =	wrdreg s2  }
0xaf: {  	[dreg:$0x3] =	wrdreg s24  }
0xb0: {  	[dreg:$0x4] =	wrdreg $0x0  }
0xb1: {  	[dreg:$0x5] =	wrdreg $0x9  }
0xb2: {  	_ =	task.clear_ibuf [dreg:s7], $0x6FFFF;
	_ =	strace $0x90000046  }
0xb3: {  	s29 =	simm.s32 $0x9;
	_ =	strace $0x80000048  }
0xb4: {  	_ =	swait.ge [sflag:s29], $0x1  }
0xb5: {  	[sflag:s29] =	ssyncadd.s32 $0xFFFFFFFF  }
0xb6: {  	_ =	strace $0x90000048  }
0xb7: {  	_ =	sfence  }
0xb8: {  	s30 =	sld [smem:$0x0];
	_ =	sdelay $0x2  }
0xb9: {  	s31 =	sshll.u32 s1, $0xD;
	s1 =	sshrl.u32 s1, $0x2  }
0xba: {  	s3 =	sand.u32 $0x4000, s31;
	s1 =	sadd.s32 s1, s30  }
0xbb: {  	s0 =	sor.u32 s3, s0;
	s1 =	sshll.u32 s1, $0x11  }
0xbc: {  	s0 =	sor.u32 s1, s0  }
0xbd: {  	s0 =	sadd.s32 $0x8F2B, s0  }
0xbe: {  	[sflag:s0] =	ssyncadd.remote.s32 $0x1  }
0xbf: {  	_ =	sfence.sel $0xFFFF  }
0xc0: {  	[dreg:$0x0] =	wrdreg $0xFFFFFFFF;
	(pc) =	sbr.abs _section_cstart, $3  }
0xc1: {  	[dreg:$0x1] =	wrdreg $0xFFFFFFFF  }
0xc2: {  	_ =	task.clear_ibuf [dreg:s7], $0x2FFFF;
	_ =	strace $0x9FFFFFFF  }
0xc3: {  	(tm) =	ssettm $0x7FFFFFFF  }
tec
execute0_lowered:
.L_overlay_start_1:
0x0: {  	(tag) =	ssettag $0x1  }
0x1: {  	s0 =	srdreg.scid;
	s1 =	rddreg [dreg:$0x1]  }
0x2: {  	s5 =	stileid.u32;
	s6 =	rddreg [dreg:$0x2];
	s7 =	simm.s32 $0x0  }
0x3: {  	s31 =	simm.s32 $0x20;
	s0 =	sand.u32 $0x1, s0;
	s3 =	smul.u32 $0x1400, s5  }
0x4: {  	[smem:$0x7FF] =	sst s7;
	s24 =	smul.u32 $0x5000, s5;
	s4 =	sadd.s32 $0x1600, s1  }
0x5: {  	s5 =	sshll.u32 s5, $0x1;
	s2 =	smul.u32 $0x14000, s0;
	_ =	strace $0x80000047  }
0x6: {  	[dreg:$0xf] =	wrdreg s4;
	s25 =	ssub.s32 $0x2, s0;
	s0 =	sor.u32 s0, s5  }
0x7: {  	[dreg:$0x4] =	wrdreg s31;
	s0 =	smul.u32 $0x2800, s0  }
0x8: {  	s26 =	sshrl.u32 s25, $0x1;
	s2 =	sadd.s32 s3, s2;
	s3 =	sshrl.u32 s24, $0x2  }
0x9: {  	s2 =	sshrl.u32 s2, $0x3;
	s3 =	sadd.s32 s3, s6;
	[dreg:$0x12] =	wrdreg s0  }
0xa: {  	s1 =	sadd.s32 s2, s1;
	s28 =	sadd.s32 $0x1000, s3;
	[dreg:$0x10] =	wrdreg s3  }
0xb: {  	s2 =	ssub.s32 s25, s26;
	[dreg:$0x11] =	wrdreg s28;
	s29 =	sadd.s32 $0x15600, s1  }
0xc: {  	s30 =	smax.u32 s2, $0x1;
	[dreg:$0x13] =	wrdreg s29  }
0xd: {  	v0 =	vimm.f32 $0.0e+00;
	v1 =	vlaneseq.u32;
	s4 =	simm.s32 $0x5400;
	s5 =	simm.s32 $0x1;
	[dreg:$0x14] =	wrdreg s30  }
.LBB2_1:
0xe: {  	[dreg:$0xe] =	wrdreg s7;
	s0 =	simm.s32 $0x0;
	s1 =	simm.s32 $0x200  }
.LBB2_2:
0xf: {  	p0 =	sne.s32 s1, $0x3E00;
	[tilespmem:s0+$0x5470] =	vst v0  }
0x10: {  	[tilespmem:s0+$0x5400] =	vst v0  }
0x11: {  	[tilespmem:s0+$0x5410] =	vst v0  }
.Ltmp0:
0x12: {  	[tilespmem:s0+$0x5420] =	vst v0;
	(pc) =	sbr.rel @p0 .LBB2_2-.Ltmp0, $4  }
0x13: {  	[tilespmem:s0+$0x5430] =	vst v0  }
0x14: {  	[tilespmem:s0+$0x5440] =	vst v0  }
0x15: {  	[tilespmem:s0+$0x5450] =	vst v0  }
0x16: {  	[tilespmem:s0+$0x5460] =	vst v0;
	s0 =	sshra.s32 s1, $0x2;
	s1 =	sadd.s32 $0x200, s1  }
0x17: {  	[tilespmem:s0+$0x5470] =	vst v0  }
0x18: {  	[tilespmem:s0+$0x5400] =	vst v0  }
0x19: {  	[tilespmem:s0+$0x5410] =	vst v0  }
0x1a: {  	[tilespmem:s0+$0x5420] =	vst v0  }
0x1b: {  	[tilespmem:s0+$0x5430] =	vst v0  }
0x1c: {  	[tilespmem:s0+$0x5440] =	vst v0  }
0x1d: {  	[tilespmem:s0+$0x5450] =	vst v0  }
0x1e: {  	[tilespmem:s0+$0x5460] =	vst v0  }
0x1f: {  	[spmem:s3] =	stream.linear.scatter [tilespmem:s4], [sflag:$0x1], $0x1000, $0x38;
	[tilespmem:$0x6400] =	vst v63  }
0x20: {  	_ =	swait.ge [sflag:s5], $0x1000  }
0x21: {  	[sflag:s5] =	ssyncset.done $0x0  }
0x22: {  	s31 =	rddreg [dreg:$0x11];
	[sflag:s5] =	ssyncadd.s32 $0xFFFFF000  }
0x23: {  	[spmem:s31] =	stream.linear.scatter [tilespmem:s4], [sflag:$0x1], $0x400, $0x38;
	[tilespmem:$0x6400] =	vst v63  }
0x24: {  	_ =	swait.ge [sflag:s5], $0x400  }
0x25: {  	[sflag:s5] =	ssyncset.done $0x0  }
0x26: {  	[sflag:s5] =	ssyncadd.s32 $0xFFFFFC00  }
0x27: {  	s2 =	simm.s32 $0x0;
	[bflag:$0x0] =	sbarrier.arrive $0xFFFF  }
.LBB2_4:
0x28: {  	s0 =	sshll.u32 s2, $0xB;
	s1 =	rddreg [dreg:$0x12]  }
0x29: {  	[dreg:$0x15] =	wrdreg s2;
	s0 =	sadd.s32 s1, s0  }
0x2a: {  	s28 =	rddreg [dreg:$0x0];
	s0 =	sshrl.u32 s0, $0x3  }
0x2b: {  	s29 =	simm.s32 $0x1400;
	s3 =	simm.s32 $0x0;
	s1 =	sadd.s32 s28, s0  }
0x2c: {  	[tilespmem:s29], [sflag:$0x1] =	stream.linear.gather [hbm4b:s1+s3], $0x800, $0x38;
	[tilespmem:$0x6400] =	vst v63  }
0x2d: {  	_ =	swait.ge [sflag:s5], $0x800  }
0x2e: {  	[sflag:s5] =	ssyncset.done $0x0;
	s30 =	rddreg [dreg:$0xf]  }
0x2f: {  	s31 =	simm.s32 $0x1C00;
	[sflag:s5] =	ssyncadd.s32 $0xFFFFF800;
	s0 =	sadd.s32 s30, s0  }
0x30: {  	[tilespmem:s31], [sflag:$0x1] =	stream.linear.gather [hbm4b:s0+s3], $0x800, $0x38;
	[tilespmem:$0x6400] =	vst v63  }
0x31: {  	_ =	swait.ge [sflag:s5], $0x800  }
0x32: {  	[sflag:s5] =	ssyncset.done $0x0  }
0x33: {  	s17 =	simm.s32 $0x0;
	[sflag:s5] =	ssyncadd.s32 $0xFFFFF800  }
0x34: {  	v2 =	vld [tilespmem:s17+$0x1400]  }
0x35: {  	v3 =	vld [tilespmem:s17+$0x1C00];
	_ =	sdelay $0x3  }
0x36: {  	v2 =	vshll.u32 v2, $0x3  }
0x37: {  	v2 =	vadd.s32 v3, v2  }
0x38: {  	s18 =	simm.s32 $0x2500;
	v3 =	vshrl.u32 v2, $0x7  }
0x39: {  	[tilespmem:s18+$0xFFFFFF00] =	vst v3  }
0x3a: {  	v3 =	vld [tilespmem:s17+$0x1410]  }
0x3b: {  	v4 =	vld [tilespmem:s17+$0x1C10];
	_ =	sdelay $0x3  }
0x3c: {  	v5 =	vshrl.u32 v2, $0x4;
	v2 =	vand.u32 $0xF, v2;
	v3 =	vshll.u32 v3, $0x3  }
0x3d: {  	v5 =	vand.u32 $0x7, v5;
	[tilespmem:s17+$0x4C00] =	vst v2;
	v2 =	vadd.s32 v4, v3  }
0x3e: {  	[tilespmem:s17+$0x4400] =	vst v5;
	v3 =	vshrl.u32 v2, $0x7  }
0x3f: {  	[tilespmem:s18+$0xFFFFFF10] =	vst v3  }
0x40: {  	v3 =	vld [tilespmem:s17+$0x1420]  }
0x41: {  	v4 =	vld [tilespmem:s17+$0x1C20];
	_ =	sdelay $0x3  }
0x42: {  	v5 =	vshrl.u32 v2, $0x4;
	v2 =	vand.u32 $0xF, v2;
	v3 =	vshll.u32 v3, $0x3  }
0x43: {  	v5 =	vand.u32 $0x7, v5;
	[tilespmem:s17+$0x4C10] =	vst v2;
	v2 =	vadd.s32 v4, v3  }
0x44: {  	[tilespmem:s17+$0x4410] =	vst v5;
	v3 =	vshrl.u32 v2, $0x7  }
0x45: {  	[tilespmem:s18+$0xFFFFFF80] =	vst v3  }
0x46: {  	v3 =	vld [tilespmem:s17+$0x1430]  }
0x47: {  	v4 =	vld [tilespmem:s17+$0x1C30];
	_ =	sdelay $0x3  }
0x48: {  	v5 =	vshrl.u32 v2, $0x4;
	v2 =	vand.u32 $0xF, v2;
	v3 =	vshll.u32 v3, $0x3  }
0x49: {  	v5 =	vand.u32 $0x7, v5;
	[tilespmem:s17+$0x4C20] =	vst v2;
	v2 =	vadd.s32 v4, v3  }
0x4a: {  	[tilespmem:s17+$0x4420] =	vst v5;
	v3 =	vshrl.u32 v2, $0x7;
	v4 =	vshrl.u32 v2, $0x4  }
0x4b: {  	[tilespmem:s18+$0xFFFFFF90] =	vst v3;
	v3 =	vand.u32 $0x7, v4  }
0x4c: {  	v2 =	vand.u32 $0xF, v2;
	[tilespmem:s17+$0x4430] =	vst v3;
	v3 =	vld [tilespmem:s17+$0x1440]  }
0x4d: {  	[tilespmem:s17+$0x4C30] =	vst v2;
	v2 =	vld [tilespmem:s17+$0x1C40];
	_ =	sdelay $0x3  }
0x4e: {  	v3 =	vshll.u32 v3, $0x3  }
0x4f: {  	v2 =	vadd.s32 v2, v3  }
0x50: {  	v3 =	vshrl.u32 v2, $0x7;
	v4 =	vshrl.u32 v2, $0x4  }
0x51: {  	[tilespmem:s18+$0x0] =	vst v3;
	v3 =	vand.u32 $0x7, v4  }
0x52: {  	v2 =	vand.u32 $0xF, v2;
	[tilespmem:s17+$0x4440] =	vst v3;
	v3 =	vld [tilespmem:s17+$0x1450]  }
0x53: {  	[tilespmem:s17+$0x4C40] =	vst v2;
	v2 =	vld [tilespmem:s17+$0x1C50];
	_ =	sdelay $0x3  }
0x54: {  	v3 =	vshll.u32 v3, $0x3  }
0x55: {  	v2 =	vadd.s32 v2, v3  }
0x56: {  	v3 =	vshrl.u32 v2, $0x7;
	v4 =	vshrl.u32 v2, $0x4  }
0x57: {  	[tilespmem:s18+$0x10] =	vst v3;
	v3 =	vand.u32 $0x7, v4  }
0x58: {  	v2 =	vand.u32 $0xF, v2;
	[tilespmem:s17+$0x4450] =	vst v3;
	v3 =	vld [tilespmem:s17+$0x1460]  }
0x59: {  	[tilespmem:s17+$0x4C50] =	vst v2;
	v2 =	vld [tilespmem:s17+$0x1C60];
	_ =	sdelay $0x3  }
0x5a: {  	v3 =	vshll.u32 v3, $0x3  }
0x5b: {  	v2 =	vadd.s32 v2, v3  }
0x5c: {  	v3 =	vshrl.u32 v2, $0x7;
	v4 =	vshrl.u32 v2, $0x4  }
0x5d: {  	[tilespmem:s18+$0x80] =	vst v3;
	v3 =	vand.u32 $0x7, v4  }
0x5e: {  	v2 =	vand.u32 $0xF, v2;
	[tilespmem:s17+$0x4460] =	vst v3;
	v3 =	vld [tilespmem:s17+$0x1470]  }
0x5f: {  	[tilespmem:s17+$0x4C60] =	vst v2;
	v2 =	vld [tilespmem:s17+$0x1C70];
	_ =	sdelay $0x3  }
0x60: {  	v3 =	vshll.u32 v3, $0x3  }
0x61: {  	v2 =	vadd.s32 v2, v3  }
0x62: {  	v3 =	vshrl.u32 v2, $0x7;
	v4 =	vshrl.u32 v2, $0x4  }
0x63: {  	s2 =	simm.s32 $0x80;
	s0 =	simm.s32 $0x400;
	v2 =	vand.u32 $0xF, v2;
	[tilespmem:s18+$0x90] =	vst v3;
	v3 =	vand.u32 $0x7, v4  }
.LBB2_5:
0x64: {  	p0 =	sne.s32 s0, $0x1E00  }
0x65: {  	v4 =	vld [tilespmem:s2+$0x1400];
	[tilespmem:s17+$0x4470] =	vst v3;
	s18 =	sadd.s32 $0x200, s18;
	s1 =	smov.u32 s0;
	s0 =	sadd.s32 $0x200, s0  }
0x66: {  	v3 =	vld [tilespmem:s2+$0x1C00];
	[tilespmem:s17+$0x4C70] =	vst v2;
	s17 =	smov.u32 s2;
	_ =	sdelay $0x3  }
0x67: {  	v2 =	vshll.u32 v4, $0x3  }
0x68: {  	v2 =	vadd.s32 v3, v2  }
0x69: {  	v3 =	vshrl.u32 v2, $0x7;
	v4 =	vshrl.u32 v2, $0x4  }
0x6a: {  	[tilespmem:s18+$0xFFFFFF00] =	vst v3;
	v3 =	vand.u32 $0x7, v4  }
0x6b: {  	v4 =	vld [tilespmem:s17+$0x1410]  }
0x6c: {  	v5 =	vld [tilespmem:s17+$0x1C10];
	_ =	sdelay $0x3  }
0x6d: {  	v2 =	vand.u32 $0xF, v2;
	v4 =	vshll.u32 v4, $0x3  }
0x6e: {  	[tilespmem:s17+$0x4C00] =	vst v2;
	v2 =	vadd.s32 v5, v4  }
0x6f: {  	[tilespmem:s17+$0x4400] =	vst v3;
	v3 =	vshrl.u32 v2, $0x7;
	v4 =	vshrl.u32 v2, $0x4  }
0x70: {  	[tilespmem:s18+$0xFFFFFF10] =	vst v3;
	v3 =	vand.u32 $0x7, v4  }
0x71: {  	v4 =	vld [tilespmem:s17+$0x1420]  }
0x72: {  	v5 =	vld [tilespmem:s17+$0x1C20];
	_ =	sdelay $0x3  }
0x73: {  	v2 =	vand.u32 $0xF, v2;
	v4 =	vshll.u32 v4, $0x3  }
0x74: {  	[tilespmem:s17+$0x4C10] =	vst v2;
	v2 =	vadd.s32 v5, v4  }
0x75: {  	[tilespmem:s17+$0x4410] =	vst v3;
	v3 =	vshrl.u32 v2, $0x7;
	v4 =	vshrl.u32 v2, $0x4  }
0x76: {  	[tilespmem:s18+$0xFFFFFF80] =	vst v3;
	v3 =	vand.u32 $0x7, v4  }
0x77: {  	v4 =	vld [tilespmem:s17+$0x1430]  }
0x78: {  	v5 =	vld [tilespmem:s17+$0x1C30];
	_ =	sdelay $0x3  }
0x79: {  	v2 =	vand.u32 $0xF, v2;
	v4 =	vshll.u32 v4, $0x3  }
0x7a: {  	[tilespmem:s17+$0x4C20] =	vst v2;
	v2 =	vadd.s32 v5, v4  }
0x7b: {  	[tilespmem:s17+$0x4420] =	vst v3;
	v3 =	vshrl.u32 v2, $0x7;
	v4 =	vshrl.u32 v2, $0x4  }
0x7c: {  	[tilespmem:s18+$0xFFFFFF90] =	vst v3;
	v3 =	vand.u32 $0x7, v4  }
0x7d: {  	v2 =	vand.u32 $0xF, v2;
	[tilespmem:s17+$0x4430] =	vst v3;
	v3 =	vld [tilespmem:s17+$0x1440]  }
0x7e: {  	[tilespmem:s17+$0x4C30] =	vst v2;
	v2 =	vld [tilespmem:s17+$0x1C40];
	_ =	sdelay $0x3  }
0x7f: {  	v3 =	vshll.u32 v3, $0x3  }
0x80: {  	v2 =	vadd.s32 v2, v3  }
0x81: {  	v3 =	vshrl.u32 v2, $0x7;
	v4 =	vshrl.u32 v2, $0x4  }
0x82: {  	[tilespmem:s18+$0x0] =	vst v3;
	v3 =	vand.u32 $0x7, v4  }
0x83: {  	v2 =	vand.u32 $0xF, v2;
	[tilespmem:s17+$0x4440] =	vst v3;
	v3 =	vld [tilespmem:s17+$0x1450]  }
0x84: {  	[tilespmem:s17+$0x4C40] =	vst v2;
	v2 =	vld [tilespmem:s17+$0x1C50];
	_ =	sdelay $0x3  }
0x85: {  	v3 =	vshll.u32 v3, $0x3  }
0x86: {  	v2 =	vadd.s32 v2, v3  }
0x87: {  	v3 =	vshrl.u32 v2, $0x7;
	v4 =	vshrl.u32 v2, $0x4  }
0x88: {  	[tilespmem:s18+$0x10] =	vst v3;
	v3 =	vand.u32 $0x7, v4  }
0x89: {  	v2 =	vand.u32 $0xF, v2;
	[tilespmem:s17+$0x4450] =	vst v3;
	v3 =	vld [tilespmem:s17+$0x1460]  }
0x8a: {  	[tilespmem:s17+$0x4C50] =	vst v2;
	v2 =	vld [tilespmem:s17+$0x1C60];
	_ =	sdelay $0x3  }
0x8b: {  	v3 =	vshll.u32 v3, $0x3  }
0x8c: {  	v2 =	vadd.s32 v2, v3  }
0x8d: {  	v3 =	vshrl.u32 v2, $0x7;
	v4 =	vshrl.u32 v2, $0x4  }
0x8e: {  	[tilespmem:s18+$0x80] =	vst v3;
	v3 =	vand.u32 $0x7, v4  }
0x8f: {  	v2 =	vand.u32 $0xF, v2;
	[tilespmem:s17+$0x4460] =	vst v3;
	v3 =	vld [tilespmem:s17+$0x1470]  }
0x90: {  	[tilespmem:s17+$0x4C60] =	vst v2;
	v2 =	vld [tilespmem:s17+$0x1C70];
	_ =	sdelay $0x2  }
.Ltmp1:
0x91: {  	(pc) =	sbr.rel @p0 .LBB2_5-.Ltmp1, $4  }
0x92: {  	v3 =	vshll.u32 v3, $0x3  }
0x93: {  	v2 =	vadd.s32 v2, v3  }
0x94: {  	v3 =	vshrl.u32 v2, $0x7;
	v4 =	vshrl.u32 v2, $0x4  }
0x95: {  	s2 =	sshra.s32 s1, $0x2;
	v2 =	vand.u32 $0xF, v2;
	[tilespmem:s18+$0x90] =	vst v3;
	v3 =	vand.u32 $0x7, v4  }
0x96: {  	v4 =	vld [tilespmem:s2+$0x1400];
	[tilespmem:s17+$0x4470] =	vst v3  }
0x97: {  	v3 =	vld [tilespmem:s2+$0x1C00];
	_ =	sdelay $0x3  }
0x98: {  	v4 =	vshll.u32 v4, $0x3  }
0x99: {  	v3 =	vadd.s32 v3, v4  }
0x9a: {  	s0 =	sadd.s32 $0x200, s18;
	[tilespmem:s17+$0x4C70] =	vst v2;
	v2 =	vshrl.u32 v3, $0x7  }
0x9b: {  	[tilespmem:s0+$0xFFFFFF00] =	vst v2  }
0x9c: {  	v2 =	vld [tilespmem:s2+$0x1410]  }
0x9d: {  	v14 =	vld [tilespmem:s2+$0x1C10];
	_ =	sdelay $0x3  }
0x9e: {  	v5 =	vshrl.u32 v3, $0x4;
	v3 =	vand.u32 $0xF, v3;
	v2 =	vshll.u32 v2, $0x3  }
0x9f: {  	v5 =	vand.u32 $0x7, v5;
	[tilespmem:s2+$0x4C00] =	vst v3;
	v2 =	vadd.s32 v14, v2  }
0xa0: {  	[tilespmem:s2+$0x4400] =	vst v5;
	v3 =	vshrl.u32 v2, $0x7  }
0xa1: {  	[tilespmem:s0+$0xFFFFFF10] =	vst v3  }
0xa2: {  	v3 =	vld [tilespmem:s2+$0x1420]  }
0xa3: {  	v15 =	vld [tilespmem:s2+$0x1C20];
	_ =	sdelay $0x3  }
0xa4: {  	v16 =	vshrl.u32 v2, $0x4;
	v2 =	vand.u32 $0xF, v2;
	v3 =	vshll.u32 v3, $0x3  }
0xa5: {  	v5 =	vand.u32 $0x7, v16;
	[tilespmem:s2+$0x4C10] =	vst v2;
	v2 =	vadd.s32 v15, v3  }
0xa6: {  	[tilespmem:s2+$0x4410] =	vst v5;
	v3 =	vshrl.u32 v2, $0x7  }
0xa7: {  	[tilespmem:s0+$0xFFFFFF80] =	vst v3  }
0xa8: {  	v3 =	vld [tilespmem:s2+$0x1430]  }
0xa9: {  	v17 =	vld [tilespmem:s2+$0x1C30];
	_ =	sdelay $0x3  }
0xaa: {  	v18 =	vshrl.u32 v2, $0x4;
	v2 =	vand.u32 $0xF, v2;
	v3 =	vshll.u32 v3, $0x3  }
0xab: {  	v5 =	vand.u32 $0x7, v18;
	[tilespmem:s2+$0x4C20] =	vst v2;
	v2 =	vadd.s32 v17, v3  }
0xac: {  	[tilespmem:s2+$0x4420] =	vst v5;
	v3 =	vshrl.u32 v2, $0x7;
	v4 =	vshrl.u32 v2, $0x4  }
0xad: {  	[tilespmem:s0+$0xFFFFFF90] =	vst v3;
	v3 =	vand.u32 $0x7, v4  }
0xae: {  	v2 =	vand.u32 $0xF, v2;
	[tilespmem:s2+$0x4430] =	vst v3;
	v3 =	vld [tilespmem:s2+$0x1440]  }
0xaf: {  	[tilespmem:s2+$0x4C30] =	vst v2;
	v2 =	vld [tilespmem:s2+$0x1C40];
	_ =	sdelay $0x3  }
0xb0: {  	v3 =	vshll.u32 v3, $0x3  }
0xb1: {  	v2 =	vadd.s32 v2, v3  }
0xb2: {  	v3 =	vshrl.u32 v2, $0x7;
	v19 =	vshrl.u32 v2, $0x4  }
0xb3: {  	[tilespmem:s0+$0x0] =	vst v3;
	v3 =	vand.u32 $0x7, v19  }
0xb4: {  	v2 =	vand.u32 $0xF, v2;
	[tilespmem:s2+$0x4440] =	vst v3;
	v3 =	vld [tilespmem:s2+$0x1450]  }
0xb5: {  	[tilespmem:s2+$0x4C40] =	vst v2;
	v2 =	vld [tilespmem:s2+$0x1C50];
	_ =	sdelay $0x3  }
0xb6: {  	v3 =	vshll.u32 v3, $0x3  }
0xb7: {  	v2 =	vadd.s32 v2, v3  }
0xb8: {  	v3 =	vshrl.u32 v2, $0x7;
	v20 =	vshrl.u32 v2, $0x4  }
0xb9: {  	[tilespmem:s0+$0x10] =	vst v3;
	v3 =	vand.u32 $0x7, v20  }
0xba: {  	v2 =	vand.u32 $0xF, v2;
	[tilespmem:s2+$0x4450] =	vst v3;
	v3 =	vld [tilespmem:s2+$0x1460]  }
0xbb: {  	[tilespmem:s2+$0x4C50] =	vst v2;
	v2 =	vld [tilespmem:s2+$0x1C60];
	_ =	sdelay $0x3  }
0xbc: {  	v3 =	vshll.u32 v3, $0x3  }
0xbd: {  	v2 =	vadd.s32 v2, v3  }
0xbe: {  	v3 =	vshrl.u32 v2, $0x7;
	v21 =	vshrl.u32 v2, $0x4  }
0xbf: {  	[tilespmem:s0+$0x80] =	vst v3;
	v3 =	vand.u32 $0x7, v21  }
0xc0: {  	v2 =	vand.u32 $0xF, v2;
	[tilespmem:s2+$0x4460] =	vst v3;
	v3 =	vld [tilespmem:s2+$0x1470]  }
0xc1: {  	[tilespmem:s2+$0x4C60] =	vst v2;
	v2 =	vld [tilespmem:s2+$0x1C70];
	_ =	sdelay $0x3  }
0xc2: {  	v3 =	vshll.u32 v3, $0x3  }
0xc3: {  	v2 =	vadd.s32 v2, v3  }
0xc4: {  	s1 =	simm.s32 $0x0;
	v3 =	vshrl.u32 v2, $0x7;
	v22 =	vshrl.u32 v2, $0x4  }
0xc5: {  	s20 =	sand.u32 $0x780, s1;
	[tilespmem:s0+$0x90] =	vst v3;
	v3 =	vand.u32 $0x7, v22  }
0xc6: {  	s1 =	sand.u32 $0x60, s1;
	s3 =	sadd.s32 $0x4400, s20;
	v2 =	vand.u32 $0xF, v2;
	[tilespmem:s2+$0x4470] =	vst v3  }
0xc7: {  	s21 =	sor.u32 s1, s3;
	[tilespmem:s2+$0x4C70] =	vst v2  }
0xc8: {  	v2 =	vld [tilespmem:s21+$0x0];
	_ =	sdelay $0x2  }
0xc9: {  	s0 =	sadd.s32 $0x4C00, s20  }
0xca: {  	s22 =	sor.u32 s1, s0  }
0xcb: {  	v3 =	vld [tilespmem:s22+$0x0];
	v2 =	vshll.u32 v2, $0x6  }
0xcc: {  	v23 =	vshra.s32 v2, $0x2  }
0xcd: {  	(v2sf) =	vpush v23, $0x0  }
0xce: {  	(v2sf) =	vpush v23, $0x1  }
0xcf: {  	(v2sf) =	vpush v23, $0x2  }
0xd0: {  	v24 =	vbroadcast v3, $0x1;
	(v2sf) =	vpush v23, $0x3  }
0xd1: {  	s1 =	sor.u32 $0x10, s1;
	v6 =	vbroadcast v3, $0x2;
	v7 =	vbroadcast v3, $0x3;
	(v2sf) =	vpush v23, $0x4  }
0xd2: {  	s23 =	sor.u32 s1, s3;
	v25 =	vbroadcast v3, $0x4;
	v26 =	vbroadcast v3, $0x5;
	(v2sf) =	vpush v23, $0x5  }
0xd3: {  	v28 =	vld [tilespmem:s23+$0x0];
	v27 =	vbroadcast v3, $0x6;
	v8 =	vbroadcast v3, $0x7;
	(v2sf) =	vpush v23, $0x6  }
0xd4: {  	v29 =	vbroadcast v3, $0x8;
	v30 =	vbroadcast v3, $0x9;
	(v2sf) =	vpush v23, $0x7  }
0xd5: {  	v31 =	vbroadcast v3, $0xA;
	v35 =	vbroadcast v3, $0xB;
	(v2sf) =	vpush v23, $0x8  }
0xd6: {  	v39 =	vbroadcast v3, $0xC;
	v44 =	vbroadcast v3, $0xD;
	(v2sf) =	vpush v23, $0x9  }
0xd7: {  	v48 =	vbroadcast v3, $0xE;
	v2 =	vbroadcast v3, $0x0;
	(v2sf) =	vpush v23, $0xA  }
0xd8: {  	v5 =	vshll.u32 v28, $0x6;
	v3 =	vbroadcast v3, $0xF;
	(v2sf) =	vpush v23, $0xB  }
0xd9: {  	vm0 =	veq.s32 v24, v1;
	vm7 =	veq.s32 v6, v1;
	(v2sf) =	vpush v23, $0xC  }
0xda: {  	vm6 =	veq.s32 v7, v1;
	vm9 =	veq.s32 v25, v1;
	(v2sf) =	vpush v23, $0xD  }
0xdb: {  	vm8 =	veq.s32 v26, v1;
	vm3 =	veq.s32 v2, v1;
	(v2sf) =	vpush v23, $0xE  }
0xdc: {  	s0 =	sor.u32 s1, s0;
	v5 =	vshra.s32 v5, $0x2;
	v32 =	vsel vm3, $0x3F800000, v0;
	s24 =	spop (v2sf);
	(v2sf) =	vpush v23, $0xF  }
0xdd: {  	vm5 =	veq.s32 v27, v1;
	v2 =	vld [tilespmem:s0+$0x0];
	v33 =	vsel vm0, $0x3F800000, v0;
	[tilespmem:s24+$0x5400] =	vst v32;
	s25 =	spop (v2sf);
	(v2sf) =	vpush v5, $0x0  }
0xde: {  	vm2 =	veq.s32 v8, v1;
	v34 =	vsel vm7, $0x3F800000, v0;
	[tilespmem:s25+$0x5480] =	vst v33;
	s26 =	spop (v2sf);
	(v2sf) =	vpush v5, $0x1  }
0xdf: {  	vm4 =	veq.s32 v29, v1;
	v36 =	vsel vm6, $0x3F800000, v0;
	[tilespmem:s26+$0x5500] =	vst v34;
	s30 =	spop (v2sf);
	(v2sf) =	vpush v5, $0x2  }
0xe0: {  	vm1 =	veq.s32 v30, v1;
	v38 =	vsel vm9, $0x3F800000, v0;
	[tilespmem:s30+$0x5580] =	vst v36;
	s31 =	spop (v2sf);
	(v2sf) =	vpush v5, $0x3  }
0xe1: {  	vm14 =	veq.s32 v31, v1;
	v40 =	vsel vm8, $0x3F800000, v0;
	[tilespmem:s31+$0x5600] =	vst v38;
	s8 =	spop (v2sf);
	(v2sf) =	vpush v5, $0x4  }
0xe2: {  	vm10 =	veq.s32 v44, v1;
	v42 =	vsel vm5, $0x3F800000, v0;
	[tilespmem:s8+$0x5680] =	vst v40;
	s21 =	spop (v2sf);
	(v2sf) =	vpush v5, $0x5  }
0xe3: {  	vm11 =	veq.s32 v48, v1;
	v43 =	vsel vm2, $0x3F800000, v0;
	[tilespmem:s21+$0x5700] =	vst v42;
	s12 =	spop (v2sf);
	(v2sf) =	vpush v5, $0x6  }
0xe4: {  	vm8 =	veq.s32 v35, v1;
	v45 =	vsel vm4, $0x3F800000, v0;
	[tilespmem:s12+$0x5780] =	vst v43;
	s14 =	spop (v2sf);
	(v2sf) =	vpush v5, $0x7  }
0xe5: {  	vm9 =	veq.s32 v39, v1;
	v46 =	vsel vm1, $0x3F800000, v0;
	[tilespmem:s14+$0x5800] =	vst v45;
	s15 =	spop (v2sf);
	(v2sf) =	vpush v5, $0x8  }
0xe6: {  	v47 =	vsel vm14, $0x3F800000, v0;
	v51 =	vsel vm10, $0x3F800000, v0;
	[tilespmem:s15+$0x5880] =	vst v46;
	s17 =	spop (v2sf);
	(v2sf) =	vpush v5, $0x9  }
0xe7: {  	vm12 =	veq.s32 v3, v1;
	v49 =	vsel vm8, $0x3F800000, v0;
	[tilespmem:s17+$0x5900] =	vst v47;
	s18 =	spop (v2sf);
	(v2sf) =	vpush v5, $0xA  }
0xe8: {  	v3 =	vsel vm11, $0x3F800000, v0;
	v50 =	vsel vm9, $0x3F800000, v0;
	[dreg:$0x1c] =	wrdreg s30;
	[tilespmem:s18+$0x5980] =	vst v49;
	s30 =	spop (v2sf);
	(v2sf) =	vpush v5, $0xB  }
0xe9: {  	v9 =	vbroadcast v2, $0x0;
	v37 =	vbroadcast v2, $0x1;
	[dreg:$0x1e] =	wrdreg s31;
	[tilespmem:s30+$0x5A00] =	vst v50;
	s31 =	spop (v2sf);
	(v2sf) =	vpush v5, $0xC  }
0xea: {  	v41 =	vbroadcast v2, $0x2;
	v52 =	vbroadcast v2, $0x3;
	[tilespmem:s31+$0x5A80] =	vst v51;
	s4 =	spop (v2sf);
	(v2sf) =	vpush v5, $0xD  }
0xeb: {  	vm15 =	veq.s32 v9, v1;
	[tilespmem:s4+$0x5B00] =	vst v3;
	v3 =	vsel vm12, $0x3F800000, v0;
	s10 =	spop (v2sf);
	(v2sf) =	vpush v5, $0xE  }
0xec: {  	vm13 =	veq.s32 v37, v1;
	[tilespmem:s10+$0x5B80] =	vst v3;
	v3 =	vsel vm15, $0x3F800000, v0;
	s22 =	spop (v2sf);
	(v2sf) =	vpush v5, $0xF  }
0xed: {  	v53 =	vbroadcast v2, $0x4;
	vm14 =	veq.s32 v41, v1;
	[tilespmem:s22+$0x5C00] =	vst v3;
	v3 =	vsel vm13, $0x3F800000, v0;
	s23 =	spop (v2sf)  }
0xee: {  	v54 =	vbroadcast v2, $0x5;
	[dreg:$0x16] =	wrdreg s24;
	vm15 =	veq.s32 v52, v1;
	[tilespmem:s23+$0x5C80] =	vst v3;
	v3 =	vsel vm14, $0x3F800000, v0;
	s24 =	spop (v2sf)  }
0xef: {  	v55 =	vbroadcast v2, $0x6;
	vm4 =	veq.s32 v53, v1;
	[dreg:$0x18] =	wrdreg s25;
	[tilespmem:s24+$0x5D00] =	vst v3;
	v3 =	vsel vm15, $0x3F800000, v0;
	s25 =	spop (v2sf)  }
0xf0: {  	v56 =	vbroadcast v2, $0x7;
	vm5 =	veq.s32 v54, v1;
	[dreg:$0x1a] =	wrdreg s26;
	[tilespmem:s25+$0x5D80] =	vst v3;
	v3 =	vsel vm4, $0x3F800000, v0;
	s26 =	spop (v2sf)  }
0xf1: {  	v57 =	vbroadcast v2, $0x8;
	vm6 =	veq.s32 v55, v1;
	[tilespmem:s26+$0x5E00] =	vst v3;
	v3 =	vsel vm5, $0x3F800000, v0;
	s28 =	spop (v2sf)  }
0xf2: {  	v58 =	vbroadcast v2, $0x9;
	vm7 =	veq.s32 v56, v1;
	[tilespmem:s28+$0x5E80] =	vst v3;
	v3 =	vsel vm6, $0x3F800000, v0;
	s29 =	spop (v2sf)  }
0xf3: {  	v59 =	vbroadcast v2, $0xA;
	vm8 =	veq.s32 v57, v1;
	[tilespmem:s29+$0x5F00] =	vst v3;
	v3 =	vsel vm7, $0x3F800000, v0;
	s2 =	spop (v2sf)  }
0xf4: {  	v60 =	vbroadcast v2, $0xB;
	vm9 =	veq.s32 v58, v1;
	[tilespmem:s2+$0x5F80] =	vst v3;
	v3 =	vsel vm8, $0x3F800000, v0;
	s9 =	spop (v2sf)  }
0xf5: {  	v61 =	vbroadcast v2, $0xC;
	vm10 =	veq.s32 v59, v1;
	[tilespmem:s9+$0x6000] =	vst v3;
	v3 =	vsel vm9, $0x3F800000, v0;
	s6 =	spop (v2sf)  }
0xf6: {  	v62 =	vbroadcast v2, $0xD;
	vm11 =	veq.s32 v60, v1;
	[tilespmem:s6+$0x6080] =	vst v3;
	v3 =	vsel vm10, $0x3F800000, v0;
	s13 =	spop (v2sf)  }
0xf7: {  	v63 =	vbroadcast v2, $0xE;
	vm12 =	veq.s32 v61, v1;
	[tilespmem:s13+$0x6100] =	vst v3;
	v3 =	vsel vm11, $0x3F800000, v0;
	s5 =	spop (v2sf)  }
0xf8: {  	v2 =	vbroadcast v2, $0xF;
	vm13 =	veq.s32 v62, v1;
	[tilespmem:s5+$0x6180] =	vst v3;
	v3 =	vsel vm12, $0x3F800000, v0;
	s16 =	spop (v2sf)  }
0xf9: {  	vm14 =	veq.s32 v63, v1;
	[tilespmem:s16+$0x6200] =	vst v3;
	v3 =	vsel vm13, $0x3F800000, v0;
	s11 =	spop (v2sf)  }
0xfa: {  	vm15 =	veq.s32 v2, v1;
	v2 =	vsel vm14, $0x3F800000, v0;
	[tilespmem:s11+$0x6280] =	vst v3;
	s20 =	spop (v2sf)  }
0xfb: {  	s7 =	rddreg [dreg:$0x2];
	[tilespmem:s20+$0x6300] =	vst v2;
	v2 =	vsel vm15, $0x3F800000, v0;
	s19 =	spop (v2sf)  }
0xfc: {  	s1 =	simm.s32 $0x2400;
	s3 =	simm.s32 $0x5400;
	s0 =	rddreg [dreg:$0x4];
	[tilespmem:s19+$0x6380] =	vst v2  }
0xfd: {  	[spmem:s7] =	stream.indirect.scatter.add.f32 [tilespmem:s3], [sflag:$0x1], $0x80, s1, s0, $0xb8;
	[tilespmem:$0x6400] =	vst v63  }
0xfe: {  	s1 =	simm.s32 $0x1  }
0xff: {  	_ =	swait.ge [sflag:s1], $0x1000  }
0x100: {  	[sflag:s1] =	ssyncset.done $0x0  }
0x101: {  	s3 =	rddreg [dreg:$0x16];
	[sflag:s1] =	ssyncadd.s32 $0xFFFFF000  }
0x102: {  	s7 =	rddreg [dreg:$0x18];
	[tilespmem:s3+$0x5400] =	vst v0  }
0x103: {  	s1 =	rddreg [dreg:$0x1a];
	[tilespmem:s7+$0x5480] =	vst v0  }
0x104: {  	s3 =	rddreg [dreg:$0x1c];
	[tilespmem:s1+$0x5500] =	vst v0  }
0x105: {  	s7 =	rddreg [dreg:$0x1e];
	[tilespmem:s3+$0x5580] =	vst v0  }
0x106: {  	[tilespmem:s7+$0x5600] =	vst v0  }
0x107: {  	[tilespmem:s8+$0x5680] =	vst v0  }
0x108: {  	[tilespmem:s21+$0x5700] =	vst v0  }
0x109: {  	[tilespmem:s12+$0x5780] =	vst v0  }
0x10a: {  	[tilespmem:s14+$0x5800] =	vst v0  }
0x10b: {  	[tilespmem:s15+$0x5880] =	vst v0  }
0x10c: {  	[tilespmem:s17+$0x5900] =	vst v0  }
0x10d: {  	[tilespmem:s18+$0x5980] =	vst v0  }
0x10e: {  	[tilespmem:s30+$0x5A00] =	vst v0  }
0x10f: {  	s3 =	simm.s32 $0x40;
	s21 =	simm.s32 $0x20;
	[tilespmem:s31+$0x5A80] =	vst v0;
	s31 =	simm.s32 $0x2480  }
0x110: {  	s7 =	sand.u32 $0x60, s21;
	s1 =	sand.u32 $0x780, s21;
	[tilespmem:s4+$0x5B00] =	vst v0;
	[dreg:$0x5] =	wrdreg s31  }
.LBB2_7:
0x111: {  	[tilespmem:s10+$0x5B80] =	vst v0  }
0x112: {  	[tilespmem:s22+$0x5C00] =	vst v0  }
0x113: {  	[tilespmem:s23+$0x5C80] =	vst v0  }
0x114: {  	[tilespmem:s24+$0x5D00] =	vst v0  }
0x115: {  	[tilespmem:s25+$0x5D80] =	vst v0  }
0x116: {  	[tilespmem:s26+$0x5E00] =	vst v0  }
0x117: {  	[tilespmem:s28+$0x5E80] =	vst v0  }
0x118: {  	[tilespmem:s29+$0x5F00] =	vst v0  }
0x119: {  	[tilespmem:s2+$0x5F80] =	vst v0  }
0x11a: {  	[tilespmem:s9+$0x6000] =	vst v0  }
0x11b: {  	[tilespmem:s6+$0x6080] =	vst v0  }
0x11c: {  	[tilespmem:s13+$0x6100] =	vst v0  }
0x11d: {  	[tilespmem:s5+$0x6180] =	vst v0  }
0x11e: {  	[tilespmem:s16+$0x6200] =	vst v0  }
0x11f: {  	[tilespmem:s11+$0x6280] =	vst v0  }
0x120: {  	s0 =	sadd.s32 $0x4400, s1;
	[tilespmem:s20+$0x6300] =	vst v0  }
0x121: {  	s15 =	sor.u32 s7, s0;
	[tilespmem:s19+$0x6380] =	vst v0  }
0x122: {  	s18 =	sadd.s32 $0x4C00, s1;
	v2 =	vld [tilespmem:s15+$0x0]  }
0x123: {  	s21 =	sor.u32 s7, s18  }
0x124: {  	v3 =	vld [tilespmem:s21+$0x0];
	_ =	sdelay $0x2  }
0x125: {  	v6 =	vshll.u32 v2, $0x6  }
0x126: {  	v26 =	vshra.s32 v6, $0x2  }
0x127: {  	v4 =	vbroadcast v3, $0x0;
	(v2sf) =	vpush v26, $0x0  }
0x128: {  	v5 =	vbroadcast v3, $0x1;
	v7 =	vbroadcast v3, $0x2;
	(v2sf) =	vpush v26, $0x1  }
0x129: {  	v8 =	vbroadcast v3, $0x3;
	v27 =	vbroadcast v3, $0x4;
	(v2sf) =	vpush v26, $0x2  }
0x12a: {  	v28 =	vbroadcast v3, $0x5;
	v29 =	vbroadcast v3, $0x6;
	(v2sf) =	vpush v26, $0x3  }
0x12b: {  	v30 =	vbroadcast v3, $0x7;
	v31 =	vbroadcast v3, $0x8;
	(v2sf) =	vpush v26, $0x4  }
0x12c: {  	v32 =	vbroadcast v3, $0x9;
	v33 =	vbroadcast v3, $0xA;
	(v2sf) =	vpush v26, $0x5  }
0x12d: {  	v36 =	vbroadcast v3, $0xB;
	v38 =	vbroadcast v3, $0xC;
	(v2sf) =	vpush v26, $0x6  }
0x12e: {  	s17 =	sor.u32 $0x10, s7;
	v39 =	vbroadcast v3, $0xD;
	v47 =	vbroadcast v3, $0xE;
	(v2sf) =	vpush v26, $0x7  }
0x12f: {  	s0 =	sor.u32 s17, s0;
	v3 =	vbroadcast v3, $0xF;
	vm15 =	veq.s32 v4, v1;
	(v2sf) =	vpush v26, $0x8  }
0x130: {  	v35 =	vld [tilespmem:s0+$0x0];
	vm3 =	veq.s32 v5, v1;
	vm13 =	veq.s32 v7, v1;
	(v2sf) =	vpush v26, $0x9  }
0x131: {  	vm4 =	veq.s32 v8, v1;
	vm14 =	veq.s32 v27, v1;
	(v2sf) =	vpush v26, $0xA  }
0x132: {  	vm12 =	veq.s32 v28, v1;
	vm9 =	veq.s32 v29, v1;
	(v2sf) =	vpush v26, $0xB  }
0x133: {  	vm6 =	veq.s32 v30, v1;
	vm10 =	veq.s32 v31, v1;
	(v2sf) =	vpush v26, $0xC  }
0x134: {  	vm7 =	veq.s32 v32, v1;
	vm5 =	veq.s32 v33, v1;
	(v2sf) =	vpush v26, $0xD  }
0x135: {  	vm11 =	veq.s32 v36, v1;
	v5 =	vshll.u32 v35, $0x6;
	(v2sf) =	vpush v26, $0xE  }
0x136: {  	s1 =	sor.u32 s17, s18;
	v42 =	vsel vm15, $0x3F800000, v0;
	v5 =	vshra.s32 v5, $0x2;
	s23 =	spop (v2sf);
	(v2sf) =	vpush v26, $0xF  }
0x137: {  	v2 =	vld [tilespmem:s1+$0x0];
	vm8 =	veq.s32 v38, v1;
	v43 =	vsel vm3, $0x3F800000, v0;
	[tilespmem:s23+$0x5400] =	vst v42;
	s24 =	spop (v2sf);
	(v2sf) =	vpush v5, $0x0  }
0x138: {  	v44 =	vsel vm13, $0x3F800000, v0;
	vm13 =	veq.s32 v39, v1;
	[tilespmem:s24+$0x5480] =	vst v43;
	s25 =	spop (v2sf);
	(v2sf) =	vpush v5, $0x1  }
0x139: {  	v45 =	vsel vm4, $0x3F800000, v0;
	v46 =	vsel vm14, $0x3F800000, v0;
	[tilespmem:s25+$0x5500] =	vst v44;
	s26 =	spop (v2sf);
	(v2sf) =	vpush v5, $0x2  }
0x13a: {  	s4 =	sand.u32 $0x60, s3;
	v48 =	vsel vm12, $0x3F800000, v0;
	v50 =	vsel vm9, $0x3F800000, v0;
	[tilespmem:s26+$0x5580] =	vst v45;
	s30 =	spop (v2sf);
	(v2sf) =	vpush v5, $0x3  }
0x13b: {  	s22 =	smov.u32 s4;
	vm15 =	veq.s32 v47, v1;
	v51 =	vsel vm6, $0x3F800000, v0;
	[tilespmem:s30+$0x5600] =	vst v46;
	s4 =	spop (v2sf);
	(v2sf) =	vpush v5, $0x4  }
0x13c: {  	s14 =	sadd.s32 $0x20, s3;
	v52 =	vsel vm10, $0x3F800000, v0;
	v53 =	vsel vm7, $0x3F800000, v0;
	[tilespmem:s4+$0x5680] =	vst v48;
	s1 =	spop (v2sf);
	(v2sf) =	vpush v5, $0x5  }
0x13d: {  	s8 =	smov.u32 s3;
	[dreg:$0x6] =	wrdreg s14;
	v55 =	vsel vm5, $0x3F800000, v0;
	vm12 =	veq.s32 v3, v1;
	[tilespmem:s1+$0x5700] =	vst v50;
	s14 =	spop (v2sf);
	(v2sf) =	vpush v5, $0x6  }
0x13e: {  	[dreg:$0x7] =	wrdreg s8;
	v3 =	vsel vm11, $0x3F800000, v0;
	v34 =	vbroadcast v2, $0x0;
	[tilespmem:s14+$0x5780] =	vst v51;
	s8 =	spop (v2sf);
	(v2sf) =	vpush v5, $0x7  }
0x13f: {  	v37 =	vbroadcast v2, $0x1;
	v9 =	vbroadcast v2, $0x2;
	[tilespmem:s8+$0x5800] =	vst v52;
	s15 =	spop (v2sf);
	(v2sf) =	vpush v5, $0x8  }
0x140: {  	p0 =	sne.s32 s3, $0x7E0;
	v40 =	vbroadcast v2, $0x3;
	v41 =	vbroadcast v2, $0x4;
	[tilespmem:s15+$0x5880] =	vst v53;
	s3 =	spop (v2sf);
	(v2sf) =	vpush v5, $0x9  }
0x141: {  	v49 =	vbroadcast v2, $0x5;
	v54 =	vbroadcast v2, $0x6;
	[tilespmem:s3+$0x5900] =	vst v55;
	s12 =	spop (v2sf);
	(v2sf) =	vpush v5, $0xA  }
0x142: {  	v56 =	vbroadcast v2, $0x7;
	[tilespmem:s12+$0x5980] =	vst v3;
	v3 =	vsel vm8, $0x3F800000, v0;
	s17 =	spop (v2sf);
	(v2sf) =	vpush v5, $0xB  }
0x143: {  	v57 =	vbroadcast v2, $0x8;
	[tilespmem:s17+$0x5A00] =	vst v3;
	v3 =	vsel vm13, $0x3F800000, v0;
	s18 =	spop (v2sf);
	(v2sf) =	vpush v5, $0xC  }
0x144: {  	v58 =	vbroadcast v2, $0x9;
	[dreg:$0xd] =	wrdreg s30;
	[tilespmem:s18+$0x5A80] =	vst v3;
	v3 =	vsel vm15, $0x3F800000, v0;
	s30 =	spop (v2sf);
	(v2sf) =	vpush v5, $0xD  }
0x145: {  	vm0 =	veq.s32 v34, v1;
	[tilespmem:s30+$0x5B00] =	vst v3;
	v3 =	vsel vm12, $0x3F800000, v0;
	s10 =	spop (v2sf);
	(v2sf) =	vpush v5, $0xE  }
0x146: {  	[dreg:$0x8] =	wrdreg s22;
	vm2 =	veq.s32 v37, v1;
	[tilespmem:s10+$0x5B80] =	vst v3;
	v3 =	vsel vm0, $0x3F800000, v0;
	s22 =	spop (v2sf);
	(v2sf) =	vpush v5, $0xF  }
0x147: {  	v59 =	vbroadcast v2, $0xA;
	vm1 =	veq.s32 v9, v1;
	[dreg:$0x9] =	wrdreg s23;
	[tilespmem:s22+$0x5C00] =	vst v3;
	v3 =	vsel vm2, $0x3F800000, v0;
	s23 =	spop (v2sf)  }
0x148: {  	v60 =	vbroadcast v2, $0xB;
	vm3 =	veq.s32 v40, v1;
	[dreg:$0xa] =	wrdreg s24;
	[tilespmem:s23+$0x5C80] =	vst v3;
	v3 =	vsel vm1, $0x3F800000, v0;
	s24 =	spop (v2sf)  }
0x149: {  	v61 =	vbroadcast v2, $0xC;
	vm4 =	veq.s32 v41, v1;
	[dreg:$0xb] =	wrdreg s25;
	[tilespmem:s24+$0x5D00] =	vst v3;
	v3 =	vsel vm3, $0x3F800000, v0;
	s25 =	spop (v2sf)  }
0x14a: {  	v62 =	vbroadcast v2, $0xD;
	vm6 =	veq.s32 v49, v1;
	[dreg:$0xc] =	wrdreg s26;
	[tilespmem:s25+$0x5D80] =	vst v3;
	v3 =	vsel vm4, $0x3F800000, v0;
	s26 =	spop (v2sf)  }
0x14b: {  	v63 =	vbroadcast v2, $0xE;
	vm14 =	veq.s32 v54, v1;
	[tilespmem:s26+$0x5E00] =	vst v3;
	v3 =	vsel vm6, $0x3F800000, v0;
	s28 =	spop (v2sf)  }
0x14c: {  	v2 =	vbroadcast v2, $0xF;
	vm15 =	veq.s32 v56, v1;
	[tilespmem:s28+$0x5E80] =	vst v3;
	v3 =	vsel vm14, $0x3F800000, v0;
	s29 =	spop (v2sf)  }
0x14d: {  	vm8 =	veq.s32 v57, v1;
	[tilespmem:s29+$0x5F00] =	vst v3;
	v3 =	vsel vm15, $0x3F800000, v0;
	s2 =	spop (v2sf)  }
0x14e: {  	vm9 =	veq.s32 v58, v1;
	vm15 =	veq.s32 v2, v1;
	v2 =	vsel vm8, $0x3F800000, v0;
	[tilespmem:s2+$0x5F80] =	vst v3;
	s9 =	spop (v2sf)  }
0x14f: {  	vm10 =	veq.s32 v59, v1;
	[tilespmem:s9+$0x6000] =	vst v2;
	v2 =	vsel vm9, $0x3F800000, v0;
	s6 =	spop (v2sf)  }
0x150: {  	vm11 =	veq.s32 v60, v1;
	[tilespmem:s6+$0x6080] =	vst v2;
	v2 =	vsel vm10, $0x3F800000, v0;
	s13 =	spop (v2sf)  }
0x151: {  	vm12 =	veq.s32 v61, v1;
	[tilespmem:s13+$0x6100] =	vst v2;
	v2 =	vsel vm11, $0x3F800000, v0;
	s5 =	spop (v2sf)  }
0x152: {  	vm13 =	veq.s32 v62, v1;
	[tilespmem:s5+$0x6180] =	vst v2;
	v2 =	vsel vm12, $0x3F800000, v0;
	s16 =	spop (v2sf)  }
0x153: {  	vm14 =	veq.s32 v63, v1;
	[tilespmem:s16+$0x6200] =	vst v2;
	v2 =	vsel vm13, $0x3F800000, v0;
	s11 =	spop (v2sf)  }
0x154: {  	s31 =	rddreg [dreg:$0x2];
	[tilespmem:s11+$0x6280] =	vst v2;
	v2 =	vsel vm14, $0x3F800000, v0;
	s20 =	spop (v2sf)  }
0x155: {  	s0 =	rddreg [dreg:$0x4];
	[tilespmem:s20+$0x6300] =	vst v2;
	v2 =	vsel vm15, $0x3F800000, v0;
	s19 =	spop (v2sf)  }
0x156: {  	s7 =	simm.s32 $0x5400;
	s21 =	rddreg [dreg:$0x5];
	[tilespmem:s19+$0x6380] =	vst v2  }
0x157: {  	[spmem:s31] =	stream.indirect.scatter.add.f32 [tilespmem:s7], [sflag:$0x1], $0x80, s21, s0, $0xb8;
	[tilespmem:$0x6400] =	vst v63  }
0x158: {  	s31 =	simm.s32 $0x1  }
0x159: {  	s7 =	rddreg [dreg:$0x8];
	_ =	swait.ge [sflag:s31], $0x1000  }
0x15a: {  	[sflag:s31] =	ssyncset.done $0x0  }
0x15b: {  	[sflag:s31] =	ssyncadd.s32 $0xFFFFF000;
	s31 =	rddreg [dreg:$0x9]  }
0x15c: {  	[tilespmem:s31+$0x5400] =	vst v0;
	s31 =	rddreg [dreg:$0xa]  }
0x15d: {  	[tilespmem:s31+$0x5480] =	vst v0;
	s31 =	rddreg [dreg:$0xb]  }
0x15e: {  	[tilespmem:s31+$0x5500] =	vst v0;
	s31 =	rddreg [dreg:$0xc]  }
0x15f: {  	[tilespmem:s31+$0x5580] =	vst v0;
	s31 =	rddreg [dreg:$0xd]  }
0x160: {  	[tilespmem:s31+$0x5600] =	vst v0  }
0x161: {  	[tilespmem:s4+$0x5680] =	vst v0  }
0x162: {  	[tilespmem:s1+$0x5700] =	vst v0  }
0x163: {  	[tilespmem:s14+$0x5780] =	vst v0  }
0x164: {  	[tilespmem:s8+$0x5800] =	vst v0  }
0x165: {  	[tilespmem:s15+$0x5880] =	vst v0  }
.Ltmp2:
0x166: {  	[tilespmem:s3+$0x5900] =	vst v0;
	(pc) =	sbr.rel @p0 .LBB2_7-.Ltmp2, $4  }
0x167: {  	s21 =	sadd.s32 $0x80, s21;
	[tilespmem:s12+$0x5980] =	vst v0  }
0x168: {  	[dreg:$0x5] =	wrdreg s21;
	[tilespmem:s17+$0x5A00] =	vst v0  }
0x169: {  	s31 =	rddreg [dreg:$0x7];
	[tilespmem:s18+$0x5A80] =	vst v0  }
0x16a: {  	s1 =	sand.u32 $0x780, s31;
	s3 =	rddreg [dreg:$0x6];
	[tilespmem:s30+$0x5B00] =	vst v0  }
0x16b: {  	[tilespmem:s10+$0x5B80] =	vst v0  }
0x16c: {  	[tilespmem:s22+$0x5C00] =	vst v0  }
0x16d: {  	[tilespmem:s23+$0x5C80] =	vst v0  }
0x16e: {  	[tilespmem:s24+$0x5D00] =	vst v0  }
0x16f: {  	[tilespmem:s25+$0x5D80] =	vst v0  }
0x170: {  	[tilespmem:s26+$0x5E00] =	vst v0  }
0x171: {  	[tilespmem:s28+$0x5E80] =	vst v0  }
0x172: {  	[tilespmem:s29+$0x5F00] =	vst v0  }
0x173: {  	[tilespmem:s2+$0x5F80] =	vst v0  }
0x174: {  	[tilespmem:s9+$0x6000] =	vst v0  }
0x175: {  	[tilespmem:s6+$0x6080] =	vst v0  }
0x176: {  	[tilespmem:s13+$0x6100] =	vst v0  }
0x177: {  	[tilespmem:s5+$0x6180] =	vst v0  }
0x178: {  	[tilespmem:s16+$0x6200] =	vst v0  }
0x179: {  	[tilespmem:s11+$0x6280] =	vst v0  }
0x17a: {  	s0 =	sadd.s32 $0x4400, s1;
	[tilespmem:s20+$0x6300] =	vst v0  }
0x17b: {  	s21 =	sor.u32 s7, s0;
	[tilespmem:s19+$0x6380] =	vst v0  }
0x17c: {  	v2 =	vld [tilespmem:s21+$0x0];
	_ =	sdelay $0x2  }
0x17d: {  	s22 =	sadd.s32 $0x4C00, s1  }
0x17e: {  	s23 =	sor.u32 s7, s22  }
0x17f: {  	v3 =	vld [tilespmem:s23+$0x0];
	v2 =	vshll.u32 v2, $0x6  }
0x180: {  	v4 =	vshra.s32 v2, $0x2  }
0x181: {  	(v2sf) =	vpush v4, $0x0  }
0x182: {  	(v2sf) =	vpush v4, $0x1  }
0x183: {  	(v2sf) =	vpush v4, $0x2  }
0x184: {  	v5 =	vbroadcast v3, $0x1;
	(v2sf) =	vpush v4, $0x3  }
0x185: {  	v6 =	vbroadcast v3, $0x2;
	v7 =	vbroadcast v3, $0x3;
	(v2sf) =	vpush v4, $0x4  }
0x186: {  	v25 =	vbroadcast v3, $0x4;
	v26 =	vbroadcast v3, $0x5;
	(v2sf) =	vpush v4, $0x5  }
0x187: {  	v27 =	vbroadcast v3, $0x6;
	v8 =	vbroadcast v3, $0x7;
	(v2sf) =	vpush v4, $0x6  }
0x188: {  	s24 =	sor.u32 $0x10, s7;
	v29 =	vbroadcast v3, $0x8;
	v30 =	vbroadcast v3, $0x9;
	(v2sf) =	vpush v4, $0x7  }
0x189: {  	s0 =	sor.u32 s24, s0;
	v31 =	vbroadcast v3, $0xA;
	v35 =	vbroadcast v3, $0xB;
	(v2sf) =	vpush v4, $0x8  }
0x18a: {  	v28 =	vld [tilespmem:s0+$0x0];
	v39 =	vbroadcast v3, $0xC;
	v44 =	vbroadcast v3, $0xD;
	(v2sf) =	vpush v4, $0x9  }
0x18b: {  	v48 =	vbroadcast v3, $0xE;
	v2 =	vbroadcast v3, $0x0;
	(v2sf) =	vpush v4, $0xA  }
0x18c: {  	v3 =	vbroadcast v3, $0xF;
	vm0 =	veq.s32 v5, v1;
	(v2sf) =	vpush v4, $0xB  }
0x18d: {  	vm7 =	veq.s32 v6, v1;
	vm6 =	veq.s32 v7, v1;
	(v2sf) =	vpush v4, $0xC  }
0x18e: {  	vm9 =	veq.s32 v25, v1;
	vm8 =	veq.s32 v26, v1;
	(v2sf) =	vpush v4, $0xD  }
0x18f: {  	v5 =	vshll.u32 v28, $0x6;
	vm3 =	veq.s32 v2, v1;
	(v2sf) =	vpush v4, $0xE  }
0x190: {  	s1 =	sor.u32 s24, s22;
	v5 =	vshra.s32 v5, $0x2;
	v32 =	vsel vm3, $0x3F800000, v0;
	s25 =	spop (v2sf);
	(v2sf) =	vpush v4, $0xF  }
0x191: {  	vm5 =	veq.s32 v27, v1;
	v2 =	vld [tilespmem:s1+$0x0];
	v33 =	vsel vm0, $0x3F800000, v0;
	[tilespmem:s25+$0x5400] =	vst v32;
	s26 =	spop (v2sf);
	(v2sf) =	vpush v5, $0x0  }
0x192: {  	vm2 =	veq.s32 v8, v1;
	v34 =	vsel vm7, $0x3F800000, v0;
	[tilespmem:s26+$0x5480] =	vst v33;
	s28 =	spop (v2sf);
	(v2sf) =	vpush v5, $0x1  }
0x193: {  	vm4 =	veq.s32 v29, v1;
	v36 =	vsel vm6, $0x3F800000, v0;
	[tilespmem:s28+$0x5500] =	vst v34;
	s29 =	spop (v2sf);
	(v2sf) =	vpush v5, $0x2  }
0x194: {  	vm1 =	veq.s32 v30, v1;
	v38 =	vsel vm9, $0x3F800000, v0;
	[tilespmem:s29+$0x5580] =	vst v36;
	s30 =	spop (v2sf);
	(v2sf) =	vpush v5, $0x3  }
0x195: {  	vm14 =	veq.s32 v31, v1;
	v40 =	vsel vm8, $0x3F800000, v0;
	[tilespmem:s30+$0x5600] =	vst v38;
	s5 =	spop (v2sf);
	(v2sf) =	vpush v5, $0x4  }
0x196: {  	vm10 =	veq.s32 v44, v1;
	v42 =	vsel vm5, $0x3F800000, v0;
	[tilespmem:s5+$0x5680] =	vst v40;
	s6 =	spop (v2sf);
	(v2sf) =	vpush v5, $0x5  }
0x197: {  	vm11 =	veq.s32 v48, v1;
	v43 =	vsel vm2, $0x3F800000, v0;
	[tilespmem:s6+$0x5700] =	vst v42;
	s7 =	spop (v2sf);
	(v2sf) =	vpush v5, $0x6  }
0x198: {  	vm8 =	veq.s32 v35, v1;
	v45 =	vsel vm4, $0x3F800000, v0;
	[tilespmem:s7+$0x5780] =	vst v43;
	s8 =	spop (v2sf);
	(v2sf) =	vpush v5, $0x7  }
0x199: {  	vm9 =	veq.s32 v39, v1;
	v46 =	vsel vm1, $0x3F800000, v0;
	[tilespmem:s8+$0x5800] =	vst v45;
	s9 =	spop (v2sf);
	(v2sf) =	vpush v5, $0x8  }
0x19a: {  	v47 =	vsel vm14, $0x3F800000, v0;
	v51 =	vsel vm10, $0x3F800000, v0;
	[tilespmem:s9+$0x5880] =	vst v46;
	s10 =	spop (v2sf);
	(v2sf) =	vpush v5, $0x9  }
0x19b: {  	vm12 =	veq.s32 v3, v1;
	v49 =	vsel vm8, $0x3F800000, v0;
	[tilespmem:s10+$0x5900] =	vst v47;
	s11 =	spop (v2sf);
	(v2sf) =	vpush v5, $0xA  }
0x19c: {  	v3 =	vsel vm11, $0x3F800000, v0;
	v50 =	vsel vm9, $0x3F800000, v0;
	[tilespmem:s11+$0x5980] =	vst v49;
	s12 =	spop (v2sf);
	(v2sf) =	vpush v5, $0xB  }
0x19d: {  	v9 =	vbroadcast v2, $0x0;
	v37 =	vbroadcast v2, $0x1;
	[tilespmem:s12+$0x5A00] =	vst v50;
	s13 =	spop (v2sf);
	(v2sf) =	vpush v5, $0xC  }
0x19e: {  	v41 =	vbroadcast v2, $0x2;
	v52 =	vbroadcast v2, $0x3;
	[tilespmem:s13+$0x5A80] =	vst v51;
	s14 =	spop (v2sf);
	(v2sf) =	vpush v5, $0xD  }
0x19f: {  	vm15 =	veq.s32 v9, v1;
	[tilespmem:s14+$0x5B00] =	vst v3;
	v3 =	vsel vm12, $0x3F800000, v0;
	s15 =	spop (v2sf);
	(v2sf) =	vpush v5, $0xE  }
0x1a0: {  	vm13 =	veq.s32 v37, v1;
	[tilespmem:s15+$0x5B80] =	vst v3;
	v3 =	vsel vm15, $0x3F800000, v0;
	s16 =	spop (v2sf);
	(v2sf) =	vpush v5, $0xF  }
0x1a1: {  	v53 =	vbroadcast v2, $0x4;
	vm14 =	veq.s32 v41, v1;
	[tilespmem:s16+$0x5C00] =	vst v3;
	v3 =	vsel vm13, $0x3F800000, v0;
	s17 =	spop (v2sf)  }
0x1a2: {  	v54 =	vbroadcast v2, $0x5;
	vm15 =	veq.s32 v52, v1;
	[tilespmem:s17+$0x5C80] =	vst v3;
	v3 =	vsel vm14, $0x3F800000, v0;
	s18 =	spop (v2sf)  }
0x1a3: {  	v55 =	vbroadcast v2, $0x6;
	vm4 =	veq.s32 v53, v1;
	[tilespmem:s18+$0x5D00] =	vst v3;
	v3 =	vsel vm15, $0x3F800000, v0;
	s19 =	spop (v2sf)  }
0x1a4: {  	v56 =	vbroadcast v2, $0x7;
	vm5 =	veq.s32 v54, v1;
	[tilespmem:s19+$0x5D80] =	vst v3;
	v3 =	vsel vm4, $0x3F800000, v0;
	s20 =	spop (v2sf)  }
0x1a5: {  	v57 =	vbroadcast v2, $0x8;
	vm6 =	veq.s32 v55, v1;
	[tilespmem:s20+$0x5E00] =	vst v3;
	v3 =	vsel vm5, $0x3F800000, v0;
	s21 =	spop (v2sf)  }
0x1a6: {  	v58 =	vbroadcast v2, $0x9;
	vm7 =	veq.s32 v56, v1;
	[tilespmem:s21+$0x5E80] =	vst v3;
	v3 =	vsel vm6, $0x3F800000, v0;
	s22 =	spop (v2sf)  }
0x1a7: {  	v59 =	vbroadcast v2, $0xA;
	vm8 =	veq.s32 v57, v1;
	[tilespmem:s22+$0x5F00] =	vst v3;
	v3 =	vsel vm7, $0x3F800000, v0;
	s23 =	spop (v2sf)  }
0x1a8: {  	v60 =	vbroadcast v2, $0xB;
	vm9 =	veq.s32 v58, v1;
	[tilespmem:s23+$0x5F80] =	vst v3;
	v3 =	vsel vm8, $0x3F800000, v0;
	s24 =	spop (v2sf)  }
0x1a9: {  	v61 =	vbroadcast v2, $0xC;
	vm10 =	veq.s32 v59, v1;
	[dreg:$0x17] =	wrdreg s25;
	[tilespmem:s24+$0x6000] =	vst v3;
	v3 =	vsel vm9, $0x3F800000, v0;
	s25 =	spop (v2sf)  }
0x1aa: {  	v62 =	vbroadcast v2, $0xD;
	vm11 =	veq.s32 v60, v1;
	[dreg:$0x19] =	wrdreg s26;
	[tilespmem:s25+$0x6080] =	vst v3;
	v3 =	vsel vm10, $0x3F800000, v0;
	s26 =	spop (v2sf)  }
0x1ab: {  	v63 =	vbroadcast v2, $0xE;
	[dreg:$0x1b] =	wrdreg s28;
	vm12 =	veq.s32 v61, v1;
	[tilespmem:s26+$0x6100] =	vst v3;
	v3 =	vsel vm11, $0x3F800000, v0;
	s28 =	spop (v2sf)  }
0x1ac: {  	v2 =	vbroadcast v2, $0xF;
	[dreg:$0x1d] =	wrdreg s29;
	vm13 =	veq.s32 v62, v1;
	[tilespmem:s28+$0x6180] =	vst v3;
	v3 =	vsel vm12, $0x3F800000, v0;
	s29 =	spop (v2sf)  }
0x1ad: {  	[dreg:$0x1f] =	wrdreg s30;
	vm14 =	veq.s32 v63, v1;
	[tilespmem:s29+$0x6200] =	vst v3;
	v3 =	vsel vm13, $0x3F800000, v0;
	s30 =	spop (v2sf)  }
0x1ae: {  	s31 =	rddreg [dreg:$0x4];
	vm15 =	veq.s32 v2, v1;
	v2 =	vsel vm14, $0x3F800000, v0;
	[tilespmem:s30+$0x6280] =	vst v3;
	s1 =	spop (v2sf)  }
0x1af: {  	s3 =	rddreg [dreg:$0x5];
	[tilespmem:s1+$0x6300] =	vst v2;
	v2 =	vsel vm15, $0x3F800000, v0;
	s0 =	spop (v2sf)  }
0x1b0: {  	s4 =	simm.s32 $0x5400;
	s2 =	rddreg [dreg:$0x2];
	[tilespmem:s0+$0x6380] =	vst v2  }
0x1b1: {  	[spmem:s2] =	stream.indirect.scatter.add.f32 [tilespmem:s4], [sflag:$0x1], $0x80, s3, s31, $0xb8;
	[tilespmem:$0x6400] =	vst v63  }
0x1b2: {  	s31 =	simm.s32 $0x1  }
0x1b3: {  	_ =	swait.ge [sflag:s31], $0x1000  }
0x1b4: {  	[sflag:s31] =	ssyncset.done $0x0  }
0x1b5: {  	s3 =	rddreg [dreg:$0x17];
	[sflag:s31] =	ssyncadd.s32 $0xFFFFF000  }
0x1b6: {  	s4 =	rddreg [dreg:$0x19];
	[tilespmem:s3+$0x5400] =	vst v0  }
0x1b7: {  	s31 =	rddreg [dreg:$0x1b];
	[tilespmem:s4+$0x5480] =	vst v0  }
0x1b8: {  	s3 =	rddreg [dreg:$0x1d];
	[tilespmem:s31+$0x5500] =	vst v0  }
0x1b9: {  	s4 =	rddreg [dreg:$0x1f];
	[tilespmem:s3+$0x5580] =	vst v0  }
0x1ba: {  	[tilespmem:s4+$0x5600] =	vst v0  }
0x1bb: {  	[tilespmem:s5+$0x5680] =	vst v0  }
0x1bc: {  	[tilespmem:s6+$0x5700] =	vst v0  }
0x1bd: {  	[tilespmem:s7+$0x5780] =	vst v0  }
0x1be: {  	[tilespmem:s8+$0x5800] =	vst v0  }
0x1bf: {  	[tilespmem:s9+$0x5880] =	vst v0  }
0x1c0: {  	[tilespmem:s10+$0x5900] =	vst v0  }
0x1c1: {  	[tilespmem:s11+$0x5980] =	vst v0  }
0x1c2: {  	[tilespmem:s12+$0x5A00] =	vst v0  }
0x1c3: {  	[tilespmem:s13+$0x5A80] =	vst v0  }
0x1c4: {  	[tilespmem:s14+$0x5B00] =	vst v0  }
0x1c5: {  	[tilespmem:s15+$0x5B80] =	vst v0  }
0x1c6: {  	[tilespmem:s16+$0x5C00] =	vst v0  }
0x1c7: {  	[tilespmem:s17+$0x5C80] =	vst v0  }
0x1c8: {  	[tilespmem:s18+$0x5D00] =	vst v0  }
0x1c9: {  	[tilespmem:s19+$0x5D80] =	vst v0  }
0x1ca: {  	[tilespmem:s20+$0x5E00] =	vst v0  }
0x1cb: {  	[tilespmem:s21+$0x5E80] =	vst v0  }
0x1cc: {  	[tilespmem:s22+$0x5F00] =	vst v0  }
0x1cd: {  	[tilespmem:s23+$0x5F80] =	vst v0  }
0x1ce: {  	s31 =	rddreg [dreg:$0x15];
	[tilespmem:s24+$0x6000] =	vst v0  }
0x1cf: {  	s2 =	sadd.s32 $0x1, s31;
	[tilespmem:s25+$0x6080] =	vst v0  }
0x1d0: {  	p0 =	sne.s32 s2, $0x5;
	[tilespmem:s26+$0x6100] =	vst v0  }
.Ltmp3:
0x1d1: {  	[tilespmem:s28+$0x6180] =	vst v0;
	(pc) =	sbr.rel @p0 .LBB2_4-.Ltmp3, $4  }
0x1d2: {  	[tilespmem:s29+$0x6200] =	vst v0  }
0x1d3: {  	[tilespmem:s30+$0x6280] =	vst v0  }
0x1d4: {  	[tilespmem:s1+$0x6300] =	vst v0  }
0x1d5: {  	s4 =	simm.s32 $0x5400;
	s5 =	simm.s32 $0x1;
	[tilespmem:s0+$0x6380] =	vst v0  }
0x1d6: {  	s0 =	stileid.u32;
	[bflag:$0x0] =	sbarrier.arrive $0xFFFF  }
0x1d7: {  	s0 =	sshll.u32 s0, $0x6;
	s3 =	rddreg [dreg:$0x10]  }
0x1d8: {  	s2 =	rddreg [dreg:$0x13];
	s0 =	sor.u32 $0x1C01, s0;
	s1 =	sshrl.u32 s3, $0x3  }
0x1d9: {  	[hbm:s2], [sflag:s0] =	dma.local [spmem:s1], $0x280  }
0x1da: {  	_ =	swait.ge [sflag:s5], $0x280  }
0x1db: {  	s7 =	rddreg [dreg:$0xe]  }
0x1dc: {  	s31 =	rddreg [dreg:$0x14];
	s7 =	sadd.s32 $0x1, s7  }
0x1dd: {  	p0 =	sne.s32 s7, s31  }
.Ltmp4:
0x1de: {  	_ = 	snop;
	(pc) =	sbr.rel @p0 .LBB2_1-.Ltmp4, $3  }
0x1df: {  	_ =	sdelay $0x1  }
0x1e0: {  	[sflag:s5] =	ssyncset.done $0x0  }
0x1e1: {  	[sflag:s5] =	ssyncadd.s32 $0xFFFFFD80  }
0x1e2: {  	_ =	sfence.sel $0x180000  }
0x1e3: {  	[bflag:$0x0] =	sbarrier.arrive $0xFFFF  }
0x1e4: {  	_ =	strace $0x90000047  }
0x1e5: {  	s0 =	stileid.u32;
	[bflag:$0x2] =	sbarrier.arrive $0xFFFF  }
0x1e6: {  	p0 =	sne.s32 s0, $0x0;
	s0 =	rddreg [dreg:$0x3]  }
0x1e7: {  	s0 =	sadd.s32 @!p0 $0x100000, s0  }
0x1e8: {  	[sflag:s0] =	ssyncadd.tile.s32 @!p0 $0x1;
	_ =	shalt  }
.Lfunc_end2:
_tile_overlayer_lowered:
.L_overlay_start_2:
0x1e9: {  	(tag) =	ssettag $0x2  }
0x1ea: {  	s0 =	rddreg [dreg:$0x0];
	s2 =	stileid.u32  }
0x1eb: {  	s1 =	rddreg [dreg:$0x1];
	p0 =	sne.s32 s2, $0x0  }
0x1ec: {  	s3 =	rddreg [dreg:$0x2];
	[bflag:$0x3] =	sbarrier.arrive $0xFFFF;
	s2 =	simm.s32 @!p0 $0x1C01  }
0x1ed: {  	[timem:s3], [sflag:s2] =	dma.local @!p0 [hbm:s0], s1  }
0x1ee: {  	s0 =	simm.s32 @!p0 $0x1  }
0x1ef: {  	_ =	swait.ge @!p0 [sflag:s0], s1  }
0x1f0: {  	s1 =	ssub.s32 @!p0 $0x0, s1;
	[sflag:s0] =	ssyncset.done @!p0 $0x0  }
0x1f1: {  	[sflag:s0] =	ssyncadd.s32 @!p0 s1  }
0x1f2: {  	[bflag:$0x3] =	sbarrier.arrive $0xFFFF  }
0x1f3: {  	_ =	shalt  }

</sc_bundles>
